<compile_context>
chip_gen: v7x
topology: tpu7x:2x2x1
jax: 0.10.2.dev20260603
libtpu: 0.0.44.dev20260713+nightly
codegen_flags: <defaults>
</compile_context>

<pallas_src>
import dataclasses
import functools

import jax
import jax.numpy as jnp
from jax import lax
from jax.experimental import pallas as pl
from jax.experimental.pallas import tpu as pltpu
from jax.experimental.pallas import tpu_sc as plsc

N_NODES = 10000
N_EDGES = 160000
N_DIMS = 256
LANES = 16
DK = N_DIMS // LANES
NW = 32
GPT = 5
GN = 64
NG = NW * GPT
N_PAD = NG * GN
CHUNK = 128
NBND = 176


def _compiler_params():
    cp = pltpu.CompilerParams()
    if "needs_layout_passes" in pltpu.CompilerParams.__dataclass_fields__:
        cp = dataclasses.replace(cp, needs_layout_passes=False)
    return cp


def _sc_attention(h2d, vi_ext, vj_ext, bounds, wvec):
    mesh = plsc.VectorSubcoreMesh(core_axis_name="c", subcore_axis_name="s")

    @functools.partial(
        pl.kernel,
        out_type=jax.ShapeDtypeStruct((N_PAD * N_DIMS,), jnp.float32),
        mesh=mesh,
        compiler_params=_compiler_params(),
        scratch_types=[
            pltpu.VMEM(((GN + 1) * N_DIMS,), jnp.float32),
            pltpu.VMEM((GN, N_DIMS), jnp.float32),
            pltpu.VMEM(((GN + 1) * LANES,), jnp.float32),
            pltpu.VMEM((CHUNK + LANES,), jnp.int32),
            pltpu.VMEM((CHUNK + LANES,), jnp.int32),
            pltpu.VMEM((CHUNK,), jnp.int32),
            pltpu.VMEM((CHUNK,), jnp.int32),
            pltpu.VMEM((CHUNK, N_DIMS), jnp.float32),
            pltpu.VMEM((CHUNK, N_DIMS), jnp.float32),
            pltpu.VMEM((N_DIMS,), jnp.float32),
            pltpu.VMEM((NBND,), jnp.int32),
            pltpu.SemaphoreType.DMA,
            pltpu.SemaphoreType.DMA,
            pltpu.SemaphoreType.DMA,
        ],
    )
    def k(h_hbm, vi_hbm, vj_hbm, bounds_hbm, w_hbm, out_hbm,
          acc, hw, s_acc, viv0, viv1, vjv0, vjv1, hvj0, hvj1, wv, bndv,
          sem0, sem1, semh):
        wid = lax.axis_index("c") * 16 + lax.axis_index("s")
        pltpu.sync_copy(bounds_hbm, bndv)
        pltpu.sync_copy(w_hbm, wv)
        vivs = (viv0, viv1)
        vjvs = (vjv0, vjv1)
        hvjs = (hvj0, hvj1)
        sems = (sem0, sem1)
        zrow = jnp.zeros((LANES,), jnp.float32)

        @pl.loop(0, GPT)
        def _group(g):
            gid = wid * GPT + g
            n0g = gid * GN
            start = jnp.minimum(n0g, N_NODES - GN)
            off = n0g - start
            e_lo = bndv[pl.ds(gid, LANES)][0]
            e_hi = bndv[pl.ds(gid + 1, LANES)][0]

            pltpu.async_copy(h_hbm.at[pl.ds(start, GN)], hw, semh).wait()

            @pl.loop(0, GN)
            def _prep(r):
                for kk in range(DK):
                    sl = pl.ds(kk * LANES, LANES)
                    hw[r, sl] = hw[r, sl] * wv[sl]
                    acc[pl.ds(r * N_DIMS + kk * LANES, LANES)] = zrow
                s_acc[pl.ds(r * LANES, LANES)] = zrow

            e_loa = (e_lo // 16) * 16
            nc = (e_hi - e_loa + CHUNK - 1) // CHUNK

            def issue_chunk(c, b):
                eb = e_loa + c * CHUNK
                pltpu.sync_copy(vi_hbm.at[pl.ds(eb, CHUNK)],
                                vivs[b].at[pl.ds(0, CHUNK)])
                pltpu.sync_copy(vj_hbm.at[pl.ds(eb, CHUNK)], vjvs[b])
                pltpu.make_async_copy(h_hbm.at[vjvs[b]], hvjs[b], sems[b]).start()

            def compute_chunk(c, b):
                pltpu.make_async_copy(h_hbm.at[vjvs[b]], hvjs[b], sems[b]).wait()
                eb = e_loa + c * CHUNK
                viv = vivs[b]
                hvj = hvjs[b]

                @plsc.parallel_loop(0, CHUNK, unroll=2)
                def edge_body(el):
                    eg = eb + el
                    vi_e = viv[pl.ds(el, LANES)][0]
                    valid = jnp.logical_and(eg >= e_lo, eg < e_hi)
                    hwrow = jnp.where(valid, vi_e - start, 0)
                    row = jnp.where(valid, vi_e - n0g, GN)
                    zero = jnp.zeros((LANES,), jnp.float32)
                    ds_ = [zero, zero, zero, zero]
                    hjs = []
                    for kk in range(DK):
                        sl = pl.ds(kk * LANES, LANES)
                        a = hw[hwrow, sl]
                        b_ = hvj[el, sl]
                        ds_[kk % 4] = ds_[kk % 4] + a * b_
                        hjs.append(b_)
                    d = (ds_[0] + ds_[1]) + (ds_[2] + ds_[3])
                    cs = plsc.cumsum(d)
                    last = jnp.full((LANES,), LANES - 1, jnp.int32)
                    p = jnp.exp(cs.at[last].get(mode="promise_in_bounds"))
                    rowbase = row * N_DIMS
                    for kk in range(DK):
                        plsc.addupdate(
                            acc.at[pl.ds(rowbase + kk * LANES, LANES)],
                            p * hjs[kk])
                    plsc.addupdate(s_acc.at[pl.ds(row * LANES, LANES)], p)

            @pl.when(nc > 0)
            def _():
                issue_chunk(0, 0)

            npairs = (nc + 1) // 2

            @pl.loop(0, npairs)
            def _pair(pi):
                for b in range(2):
                    c = 2 * pi + b

                    @pl.when(c < nc)
                    def _():
                        @pl.when(c + 1 < nc)
                        def _():
                            issue_chunk(c + 1, 1 - b)

                        compute_chunk(c, b)

            @pl.loop(0, GN)
            def _norm(r):
                s = s_acc[pl.ds(r * LANES, LANES)]
                inv = 1.0 / jnp.where(s > 0.0, s, 1.0)
                rb = r * N_DIMS
                for kk in range(DK):
                    sl = pl.ds(rb + kk * LANES, LANES)
                    acc[sl] = acc[sl] * inv

            pltpu.sync_copy(acc.at[pl.ds(0, GN * N_DIMS)],
                            out_hbm.at[pl.ds(n0g * N_DIMS, GN * N_DIMS)])

    return k(h2d, vi_ext, vj_ext, bounds, wvec)


def kernel(hidden, selected_edges, score_weight, bias):
    h2d = hidden[0]
    vi = selected_edges[:, 1]
    vj = selected_edges[:, 2]
    pad = jnp.zeros((CHUNK,), jnp.int32)
    vi_ext = jnp.concatenate([vi, pad])
    vj_ext = jnp.concatenate([vj, pad])
    targets = jnp.arange(NG + 1, dtype=jnp.int32) * GN
    bounds = jnp.searchsorted(vi, targets, side="left").astype(jnp.int32)
    bounds = jnp.concatenate([bounds, jnp.zeros((NBND - NG - 1,), jnp.int32)])
    out = _sc_attention(h2d, vi_ext, vj_ext, bounds, score_weight)
    return out.reshape(N_PAD, N_DIMS)[:N_NODES][None]

# --- scband reference (transcript-rebuilt; emitter-appended) ---
"""Pipeline reference for scband-attention-flow-25323127177413 (READ-ONLY COPY).

The authoritative reference and input builder live on the scoring server;
editing this copy changes nothing except your own understanding.
"""

import jax, jax.numpy as jnp
import numpy as np

N_NODES = 10000
N_EDGES = 160000
N_DIMS = 256


def setup_inputs(seed: int = 0) -> dict:
    key = jax.random.key(seed)
    k1, k2, k3, k4, k5 = jax.random.split(key, 5)
    # selected_edges[i] = (idx, vi, vj, rel, idx_vi, idx_vj, new_idx_e2vi, new_idx_e2vj), sorted by (idx, vi)
    vi = jnp.sort(jax.random.randint(k1, (N_EDGES,), 0, N_NODES))
    vj = jax.random.randint(k2, (N_EDGES,), 0, N_NODES)
    rel = jax.random.randint(k3, (N_EDGES,), 0, 16)
    idx = jnp.zeros((N_EDGES,), dtype=jnp.int32)
    selected_edges = jnp.stack(
        [idx, vi.astype(jnp.int32), vj.astype(jnp.int32), rel.astype(jnp.int32),
         vi.astype(jnp.int32), vj.astype(jnp.int32), vi.astype(jnp.int32), vj.astype(jnp.int32)],
        axis=1,
    )
    hidden = jax.random.normal(k4, (1, N_NODES, N_DIMS), dtype=jnp.float32)
    score_weight = jax.random.normal(k5, (N_DIMS,), dtype=jnp.float32) * 0.1
    bias = jnp.zeros((), dtype=jnp.float32)
    return {"hidden": hidden, "selected_edges": selected_edges, "score_weight": score_weight, "bias": bias}


def reference(hidden, selected_edges, score_weight, bias):
    # node2edge_op: gather endpoint hidden states onto edges (batch_size == 1 so idx col is 0)
    vi = selected_edges[:, 1]
    vj = selected_edges[:, 2]
    idx_vi = selected_edges[:, 4]
    h = hidden[0]                       # [N, d]
    hidden_vi = jnp.take(h, vi, axis=0)  # [E, d]
    hidden_vj = jnp.take(h, vj, axis=0)  # [E, d]
    # scorer: weighted bilinear interaction logit per edge
    logits = jnp.sum(hidden_vi * hidden_vj * score_weight, axis=-1) + bias  # [E]
    # neighbor_softmax_op at 'vi' (sparse_softmax_op with sorted segment ids)
    logits_max = jax.ops.segment_max(logits, idx_vi, num_segments=N_NODES)
    logits_diff = logits - jnp.take(logits_max, idx_vi)
    logits_exp = jnp.exp(logits_diff)
    logits_expsum = jax.ops.segment_sum(logits_exp, idx_vi, num_segments=N_NODES)
    attn = logits_exp / jnp.take(logits_expsum, idx_vi)  # [E]
    # attention-weighted message then aggregate_op (scatter-add back to nodes)
    edge_vec = attn[:, None] * hidden_vj  # [E, d]
    node_vec = jax.ops.segment_sum(edge_vec, idx_vi, num_segments=N_NODES)  # [N, d]
    # scatter_nd into output_shape (1, N, d); with batch idx == 0 this is a reshape
    out = node_vec[None, :, :]
    return out

if __name__ == "__main__":
    import jax
    _d = setup_inputs()
    print(jax.jit(kernel)(*tuple(_d.values())))

</pallas_src>

<mosaic_0001>
#map = affine_map<(d0, d1) -> (0, 0)>
#map1 = affine_map<(d0, d1) -> (0)>
module attributes {stable_mosaic.version = 14 : i64} {
  func.func @k(%arg0: i32, %arg1: i32, %arg2: memref<10000x256xf32, #tpu.memory_space<hbm>>, %arg3: memref<160128xi32, #tpu.memory_space<hbm>>, %arg4: memref<160128xi32, #tpu.memory_space<hbm>>, %arg5: memref<176xi32, #tpu.memory_space<hbm>>, %arg6: memref<256xf32, #tpu.memory_space<hbm>>, %arg7: memref<2621440xf32, #tpu.memory_space<hbm>>, %arg8: memref<16640xf32, #tpu.memory_space<vmem>>, %arg9: memref<64x256xf32, #tpu.memory_space<vmem>>, %arg10: memref<1040xf32, #tpu.memory_space<vmem>>, %arg11: memref<144xi32, #tpu.memory_space<vmem>>, %arg12: memref<144xi32, #tpu.memory_space<vmem>>, %arg13: memref<128xi32, #tpu.memory_space<vmem>>, %arg14: memref<128xi32, #tpu.memory_space<vmem>>, %arg15: memref<128x256xf32, #tpu.memory_space<vmem>>, %arg16: memref<128x256xf32, #tpu.memory_space<vmem>>, %arg17: memref<256xf32, #tpu.memory_space<vmem>>, %arg18: memref<176xi32, #tpu.memory_space<vmem>>, %arg19: memref<!tpu.dma_semaphore, #tpu.memory_space<semaphore_mem>>, %arg20: memref<!tpu.dma_semaphore, #tpu.memory_space<semaphore_mem>>, %arg21: memref<!tpu.dma_semaphore, #tpu.memory_space<semaphore_mem>>) attributes {dimension_semantics = [#tpu.dimension_semantics<core_parallel>, #tpu.dimension_semantics<subcore_parallel>], iteration_bounds = array<i64: 2, 16>, scalar_prefetch = 0 : i64, scratch_operands = 14 : i64, tpu.core_type = #tpu.core_type<sc_vector_subcore>, window_params = [{transform_indices = #map}, {transform_indices = #map1}, {transform_indices = #map1}, {transform_indices = #map1}, {transform_indices = #map1}, {transform_indices = #map1}]} {
    %mul3A = arith.constant 16 : i32
    %mul3A_0 = arith.muli %arg0, %mul3A : i32
    %add3A = arith.addi %mul3A_0, %arg1 : i32
    "tpu.region"() ({
      %run_scoped3A = tpu.sem_alloc : memref<!tpu.dma_semaphore, #tpu.memory_space<semaphore_mem>>
      tpu.enqueue_dma source(%arg5 : memref<176xi32, #tpu.memory_space<hbm>>) target(%arg18 : memref<176xi32, #tpu.memory_space<vmem>>) target_semaphore(%run_scoped3A : memref<!tpu.dma_semaphore, #tpu.memory_space<semaphore_mem>>)
      tpu.wait_dma2 semaphore(%run_scoped3A : memref<!tpu.dma_semaphore, #tpu.memory_space<semaphore_mem>>) src(%arg5 : memref<176xi32, #tpu.memory_space<hbm>>) dst(%arg18 : memref<176xi32, #tpu.memory_space<vmem>>)
      tpu.yield
    }) : () -> ()
    "tpu.region"() ({
      %run_scoped3A = tpu.sem_alloc : memref<!tpu.dma_semaphore, #tpu.memory_space<semaphore_mem>>
      tpu.enqueue_dma source(%arg6 : memref<256xf32, #tpu.memory_space<hbm>>) target(%arg17 : memref<256xf32, #tpu.memory_space<vmem>>) target_semaphore(%run_scoped3A : memref<!tpu.dma_semaphore, #tpu.memory_space<semaphore_mem>>)
      tpu.wait_dma2 semaphore(%run_scoped3A : memref<!tpu.dma_semaphore, #tpu.memory_space<semaphore_mem>>) src(%arg6 : memref<256xf32, #tpu.memory_space<hbm>>) dst(%arg17 : memref<256xf32, #tpu.memory_space<vmem>>)
      tpu.yield
    }) : () -> ()
    %broadcast_in_dim3A = arith.constant 0.000000e+00 : f32
    %broadcast_in_dim3A_1 = vector.broadcast %broadcast_in_dim3A : f32 to vector<16xf32>
    %scan3A = arith.constant 0 : i32
    %scan3A_2 = arith.constant 5 : i32
    %scan3A_3 = arith.addi %scan3A, %scan3A_2 : i32
    %scan3A_4 = arith.constant 1 : i32
    scf.for %scan3A_6 = %scan3A to %scan3A_3 step %scan3A_4  : i32 {
      %mul3A_7 = arith.constant 1 : i32
      %mul3A_8 = arith.muli %scan3A_6, %mul3A_7 : i32
      %add3A_9 = arith.constant 0 : i32
      %add3A_10 = arith.addi %add3A_9, %mul3A_8 : i32
      %mul3A_11 = arith.constant 5 : i32
      %mul3A_12 = arith.muli %add3A, %mul3A_11 : i32
      %add3A_13 = arith.addi %mul3A_12, %add3A_10 : i32
      %mul3A_14 = arith.constant 64 : i32
      %mul3A_15 = arith.muli %add3A_13, %mul3A_14 : i32
      %min3A = arith.constant 9936 : i32
      %min3A_16 = arith.minsi %mul3A_15, %min3A : i32
      %sub3A = arith.subi %mul3A_15, %min3A_16 : i32
      %get3A = arith.index_cast %add3A_13 : i32 to index
      %get3A_17 = tpu.vector_load %arg18[%get3A] {strides = array<i32>} : memref<176xi32, #tpu.memory_space<vmem>>, vector<16xi32>,
      %slice3A = vector.extract_strided_slice %get3A_17 {offsets = [0], sizes = [1], strides = [1]} : vector<16xi32> to vector<1xi32>
      %squeeze3A = vector.extract %slice3A[0] : i32 from vector<1xi32>
      %add3A_18 = arith.constant 1 : i32
      %add3A_19 = arith.addi %add3A_13, %add3A_18 : i32
      %get3A_20 = arith.index_cast %add3A_19 : i32 to index
      %get3A_21 = tpu.vector_load %arg18[%get3A_20] {strides = array<i32>} : memref<176xi32, #tpu.memory_space<vmem>>, vector<16xi32>,
      %slice3A_22 = vector.extract_strided_slice %get3A_21 {offsets = [0], sizes = [1], strides = [1]} : vector<16xi32> to vector<1xi32>
      %squeeze3A_23 = vector.extract %slice3A_22[0] : i32 from vector<1xi32>
      %dma_start3A = arith.constant 0 : i32
      %dma_start3A_24 = tpu.memref_slice %arg2[%min3A_16, %dma_start3A] : memref<10000x256xf32, #tpu.memory_space<hbm>> -> memref<64x256xf32, #tpu.memory_space<hbm>>
      %dma_start3A_25 = arith.constant 0 : i32
      %dma_start3A_26 = tpu.memref_slice %arg2[%min3A_16, %dma_start3A_25] : memref<10000x256xf32, #tpu.memory_space<hbm>> -> memref<64x256xf32, #tpu.memory_space<hbm>>
      tpu.enqueue_dma source(%dma_start3A_26 : memref<64x256xf32, #tpu.memory_space<hbm>>) target(%arg9 : memref<64x256xf32, #tpu.memory_space<vmem>>) target_semaphore(%arg21 : memref<!tpu.dma_semaphore, #tpu.memory_space<semaphore_mem>>)
      %dma_wait3A = arith.constant 0 : i32
      %dma_wait3A_27 = tpu.memref_slice %arg2[%min3A_16, %dma_wait3A] : memref<10000x256xf32, #tpu.memory_space<hbm>> -> memref<64x256xf32, #tpu.memory_space<hbm>>
      %dma_wait3A_28 = arith.constant 0 : i32
      %dma_wait3A_29 = tpu.memref_slice %arg2[%min3A_16, %dma_wait3A_28] : memref<10000x256xf32, #tpu.memory_space<hbm>> -> memref<64x256xf32, #tpu.memory_space<hbm>>
      tpu.wait_dma2 semaphore(%arg21 : memref<!tpu.dma_semaphore, #tpu.memory_space<semaphore_mem>>) src(%dma_wait3A_29 : memref<64x256xf32, #tpu.memory_space<hbm>>) dst(%arg9 : memref<64x256xf32, #tpu.memory_space<vmem>>)
      %scan3A_30 = arith.constant 0 : i32
      %scan3A_31 = arith.constant 64 : i32
      %scan3A_32 = arith.addi %scan3A_30, %scan3A_31 : i32
      %scan3A_33 = arith.constant 1 : i32
      scf.for %scan3A_136 = %scan3A_30 to %scan3A_32 step %scan3A_33  : i32 {
        %mul3A_137 = arith.constant 1 : i32
        %mul3A_138 = arith.muli %scan3A_136, %mul3A_137 : i32
        %add3A_139 = arith.constant 0 : i32
        %add3A_140 = arith.addi %add3A_139, %mul3A_138 : i32
        %get3A_141 = arith.index_cast %add3A_140 : i32 to index
        %get3A_142 = arith.constant 0 : index
        %get3A_143 = tpu.vector_load %arg9[%get3A_141, %get3A_142] {strides = array<i32>} : memref<64x256xf32, #tpu.memory_space<vmem>>, vector<16xf32>,
        %get3A_144 = arith.constant 0 : index
        %get3A_145 = tpu.vector_load %arg17[%get3A_144] {strides = array<i32>} : memref<256xf32, #tpu.memory_space<vmem>>, vector<16xf32>,
        %mul3A_146 = arith.mulf %get3A_143, %get3A_145 : vector<16xf32>
        %swap3A = arith.index_cast %add3A_140 : i32 to index
        %swap3A_147 = arith.constant 0 : index
        %swap3A_148 = tpu.vector_load %arg9[%swap3A, %swap3A_147] {strides = array<i32>} : memref<64x256xf32, #tpu.memory_space<vmem>>, vector<16xf32>,
        tpu.vector_store %arg9[%swap3A, %swap3A_147], %mul3A_146 {strides = array<i32>} : memref<64x256xf32, #tpu.memory_space<vmem>>, vector<16xf32>,
        %mul3A_149 = arith.constant 256 : i32
        %mul3A_150 = arith.muli %add3A_140, %mul3A_149 : i32
        %add3A_151 = arith.constant 0 : i32
        %add3A_152 = arith.addi %mul3A_150, %add3A_151 : i32
        %swap3A_153 = arith.index_cast %add3A_152 : i32 to index
        %swap3A_154 = tpu.vector_load %arg8[%swap3A_153] {strides = array<i32>} : memref<16640xf32, #tpu.memory_space<vmem>>, vector<16xf32>,
        tpu.vector_store %arg8[%swap3A_153], %broadcast_in_dim3A_1 {strides = array<i32>} : memref<16640xf32, #tpu.memory_space<vmem>>, vector<16xf32>,
        %get3A_155 = arith.index_cast %add3A_140 : i32 to index
        %get3A_156 = arith.constant 16 : index
        %get3A_157 = tpu.vector_load %arg9[%get3A_155, %get3A_156] {strides = array<i32>} : memref<64x256xf32, #tpu.memory_space<vmem>>, vector<16xf32>,
        %get3A_158 = arith.constant 16 : index
        %get3A_159 = tpu.vector_load %arg17[%get3A_158] {strides = array<i32>} : memref<256xf32, #tpu.memory_space<vmem>>, vector<16xf32>,
        %mul3A_160 = arith.mulf %get3A_157, %get3A_159 : vector<16xf32>
        %swap3A_161 = arith.index_cast %add3A_140 : i32 to index
        %swap3A_162 = arith.constant 16 : index
        %swap3A_163 = tpu.vector_load %arg9[%swap3A_161, %swap3A_162] {strides = array<i32>} : memref<64x256xf32, #tpu.memory_space<vmem>>, vector<16xf32>,
        tpu.vector_store %arg9[%swap3A_161, %swap3A_162], %mul3A_160 {strides = array<i32>} : memref<64x256xf32, #tpu.memory_space<vmem>>, vector<16xf32>,
        %mul3A_164 = arith.constant 256 : i32
        %mul3A_165 = arith.muli %add3A_140, %mul3A_164 : i32
        %add3A_166 = arith.constant 16 : i32
        %add3A_167 = arith.addi %mul3A_165, %add3A_166 : i32
        %swap3A_168 = arith.index_cast %add3A_167 : i32 to index
        %swap3A_169 = tpu.vector_load %arg8[%swap3A_168] {strides = array<i32>} : memref<16640xf32, #tpu.memory_space<vmem>>, vector<16xf32>,
        tpu.vector_store %arg8[%swap3A_168], %broadcast_in_dim3A_1 {strides = array<i32>} : memref<16640xf32, #tpu.memory_space<vmem>>, vector<16xf32>,
        %get3A_170 = arith.index_cast %add3A_140 : i32 to index
        %get3A_171 = arith.constant 32 : index
        %get3A_172 = tpu.vector_load %arg9[%get3A_170, %get3A_171] {strides = array<i32>} : memref<64x256xf32, #tpu.memory_space<vmem>>, vector<16xf32>,
        %get3A_173 = arith.constant 32 : index
        %get3A_174 = tpu.vector_load %arg17[%get3A_173] {strides = array<i32>} : memref<256xf32, #tpu.memory_space<vmem>>, vector<16xf32>,
        %mul3A_175 = arith.mulf %get3A_172, %get3A_174 : vector<16xf32>
        %swap3A_176 = arith.index_cast %add3A_140 : i32 to index
        %swap3A_177 = arith.constant 32 : index
        %swap3A_178 = tpu.vector_load %arg9[%swap3A_176, %swap3A_177] {strides = array<i32>} : memref<64x256xf32, #tpu.memory_space<vmem>>, vector<16xf32>,
        tpu.vector_store %arg9[%swap3A_176, %swap3A_177], %mul3A_175 {strides = array<i32>} : memref<64x256xf32, #tpu.memory_space<vmem>>, vector<16xf32>,
        %mul3A_179 = arith.constant 256 : i32
        %mul3A_180 = arith.muli %add3A_140, %mul3A_179 : i32
        %add3A_181 = arith.constant 32 : i32
        %add3A_182 = arith.addi %mul3A_180, %add3A_181 : i32
        %swap3A_183 = arith.index_cast %add3A_182 : i32 to index
        %swap3A_184 = tpu.vector_load %arg8[%swap3A_183] {strides = array<i32>} : memref<16640xf32, #tpu.memory_space<vmem>>, vector<16xf32>,
        tpu.vector_store %arg8[%swap3A_183], %broadcast_in_dim3A_1 {strides = array<i32>} : memref<16640xf32, #tpu.memory_space<vmem>>, vector<16xf32>,
        %get3A_185 = arith.index_cast %add3A_140 : i32 to index
        %get3A_186 = arith.constant 48 : index
        %get3A_187 = tpu.vector_load %arg9[%get3A_185, %get3A_186] {strides = array<i32>} : memref<64x256xf32, #tpu.memory_space<vmem>>, vector<16xf32>,
        %get3A_188 = arith.constant 48 : index
        %get3A_189 = tpu.vector_load %arg17[%get3A_188] {strides = array<i32>} : memref<256xf32, #tpu.memory_space<vmem>>, vector<16xf32>,
        %mul3A_190 = arith.mulf %get3A_187, %get3A_189 : vector<16xf32>
        %swap3A_191 = arith.index_cast %add3A_140 : i32 to index
        %swap3A_192 = arith.constant 48 : index
        %swap3A_193 = tpu.vector_load %arg9[%swap3A_191, %swap3A_192] {strides = array<i32>} : memref<64x256xf32, #tpu.memory_space<vmem>>, vector<16xf32>,
        tpu.vector_store %arg9[%swap3A_191, %swap3A_192], %mul3A_190 {strides = array<i32>} : memref<64x256xf32, #tpu.memory_space<vmem>>, vector<16xf32>,
        %mul3A_194 = arith.constant 256 : i32
        %mul3A_195 = arith.muli %add3A_140, %mul3A_194 : i32
        %add3A_196 = arith.constant 48 : i32
        %add3A_197 = arith.addi %mul3A_195, %add3A_196 : i32
        %swap3A_198 = arith.index_cast %add3A_197 : i32 to index
        %swap3A_199 = tpu.vector_load %arg8[%swap3A_198] {strides = array<i32>} : memref<16640xf32, #tpu.memory_space<vmem>>, vector<16xf32>,
        tpu.vector_store %arg8[%swap3A_198], %broadcast_in_dim3A_1 {strides = array<i32>} : memref<16640xf32, #tpu.memory_space<vmem>>, vector<16xf32>,
        %get3A_200 = arith.index_cast %add3A_140 : i32 to index
        %get3A_201 = arith.constant 64 : index
        %get3A_202 = tpu.vector_load %arg9[%get3A_200, %get3A_201] {strides = array<i32>} : memref<64x256xf32, #tpu.memory_space<vmem>>, vector<16xf32>,
        %get3A_203 = arith.constant 64 : index
        %get3A_204 = tpu.vector_load %arg17[%get3A_203] {strides = array<i32>} : memref<256xf32, #tpu.memory_space<vmem>>, vector<16xf32>,
        %mul3A_205 = arith.mulf %get3A_202, %get3A_204 : vector<16xf32>
        %swap3A_206 = arith.index_cast %add3A_140 : i32 to index
        %swap3A_207 = arith.constant 64 : index
        %swap3A_208 = tpu.vector_load %arg9[%swap3A_206, %swap3A_207] {strides = array<i32>} : memref<64x256xf32, #tpu.memory_space<vmem>>, vector<16xf32>,
        tpu.vector_store %arg9[%swap3A_206, %swap3A_207], %mul3A_205 {strides = array<i32>} : memref<64x256xf32, #tpu.memory_space<vmem>>, vector<16xf32>,
        %mul3A_209 = arith.constant 256 : i32
        %mul3A_210 = arith.muli %add3A_140, %mul3A_209 : i32
        %add3A_211 = arith.constant 64 : i32
        %add3A_212 = arith.addi %mul3A_210, %add3A_211 : i32
        %swap3A_213 = arith.index_cast %add3A_212 : i32 to index
        %swap3A_214 = tpu.vector_load %arg8[%swap3A_213] {strides = array<i32>} : memref<16640xf32, #tpu.memory_space<vmem>>, vector<16xf32>,
        tpu.vector_store %arg8[%swap3A_213], %broadcast_in_dim3A_1 {strides = array<i32>} : memref<16640xf32, #tpu.memory_space<vmem>>, vector<16xf32>,
        %get3A_215 = arith.index_cast %add3A_140 : i32 to index
        %get3A_216 = arith.constant 80 : index
        %get3A_217 = tpu.vector_load %arg9[%get3A_215, %get3A_216] {strides = array<i32>} : memref<64x256xf32, #tpu.memory_space<vmem>>, vector<16xf32>,
        %get3A_218 = arith.constant 80 : index
        %get3A_219 = tpu.vector_load %arg17[%get3A_218] {strides = array<i32>} : memref<256xf32, #tpu.memory_space<vmem>>, vector<16xf32>,
        %mul3A_220 = arith.mulf %get3A_217, %get3A_219 : vector<16xf32>
        %swap3A_221 = arith.index_cast %add3A_140 : i32 to index
        %swap3A_222 = arith.constant 80 : index
        %swap3A_223 = tpu.vector_load %arg9[%swap3A_221, %swap3A_222] {strides = array<i32>} : memref<64x256xf32, #tpu.memory_space<vmem>>, vector<16xf32>,
        tpu.vector_store %arg9[%swap3A_221, %swap3A_222], %mul3A_220 {strides = array<i32>} : memref<64x256xf32, #tpu.memory_space<vmem>>, vector<16xf32>,
        %mul3A_224 = arith.constant 256 : i32
        %mul3A_225 = arith.muli %add3A_140, %mul3A_224 : i32
        %add3A_226 = arith.constant 80 : i32
        %add3A_227 = arith.addi %mul3A_225, %add3A_226 : i32
        %swap3A_228 = arith.index_cast %add3A_227 : i32 to index
        %swap3A_229 = tpu.vector_load %arg8[%swap3A_228] {strides = array<i32>} : memref<16640xf32, #tpu.memory_space<vmem>>, vector<16xf32>,
        tpu.vector_store %arg8[%swap3A_228], %broadcast_in_dim3A_1 {strides = array<i32>} : memref<16640xf32, #tpu.memory_space<vmem>>, vector<16xf32>,
        %get3A_230 = arith.index_cast %add3A_140 : i32 to index
        %get3A_231 = arith.constant 96 : index
        %get3A_232 = tpu.vector_load %arg9[%get3A_230, %get3A_231] {strides = array<i32>} : memref<64x256xf32, #tpu.memory_space<vmem>>, vector<16xf32>,
        %get3A_233 = arith.constant 96 : index
        %get3A_234 = tpu.vector_load %arg17[%get3A_233] {strides = array<i32>} : memref<256xf32, #tpu.memory_space<vmem>>, vector<16xf32>,
        %mul3A_235 = arith.mulf %get3A_232, %get3A_234 : vector<16xf32>
        %swap3A_236 = arith.index_cast %add3A_140 : i32 to index
        %swap3A_237 = arith.constant 96 : index
        %swap3A_238 = tpu.vector_load %arg9[%swap3A_236, %swap3A_237] {strides = array<i32>} : memref<64x256xf32, #tpu.memory_space<vmem>>, vector<16xf32>,
        tpu.vector_store %arg9[%swap3A_236, %swap3A_237], %mul3A_235 {strides = array<i32>} : memref<64x256xf32, #tpu.memory_space<vmem>>, vector<16xf32>,
        %mul3A_239 = arith.constant 256 : i32
        %mul3A_240 = arith.muli %add3A_140, %mul3A_239 : i32
        %add3A_241 = arith.constant 96 : i32
        %add3A_242 = arith.addi %mul3A_240, %add3A_241 : i32
        %swap3A_243 = arith.index_cast %add3A_242 : i32 to index
        %swap3A_244 = tpu.vector_load %arg8[%swap3A_243] {strides = array<i32>} : memref<16640xf32, #tpu.memory_space<vmem>>, vector<16xf32>,
        tpu.vector_store %arg8[%swap3A_243], %broadcast_in_dim3A_1 {strides = array<i32>} : memref<16640xf32, #tpu.memory_space<vmem>>, vector<16xf32>,
        %get3A_245 = arith.index_cast %add3A_140 : i32 to index
        %get3A_246 = arith.constant 112 : index
        %get3A_247 = tpu.vector_load %arg9[%get3A_245, %get3A_246] {strides = array<i32>} : memref<64x256xf32, #tpu.memory_space<vmem>>, vector<16xf32>,
        %get3A_248 = arith.constant 112 : index
        %get3A_249 = tpu.vector_load %arg17[%get3A_248] {strides = array<i32>} : memref<256xf32, #tpu.memory_space<vmem>>, vector<16xf32>,
        %mul3A_250 = arith.mulf %get3A_247, %get3A_249 : vector<16xf32>
        %swap3A_251 = arith.index_cast %add3A_140 : i32 to index
        %swap3A_252 = arith.constant 112 : index
        %swap3A_253 = tpu.vector_load %arg9[%swap3A_251, %swap3A_252] {strides = array<i32>} : memref<64x256xf32, #tpu.memory_space<vmem>>, vector<16xf32>,
        tpu.vector_store %arg9[%swap3A_251, %swap3A_252], %mul3A_250 {strides = array<i32>} : memref<64x256xf32, #tpu.memory_space<vmem>>, vector<16xf32>,
        %mul3A_254 = arith.constant 256 : i32
        %mul3A_255 = arith.muli %add3A_140, %mul3A_254 : i32
        %add3A_256 = arith.constant 112 : i32
        %add3A_257 = arith.addi %mul3A_255, %add3A_256 : i32
        %swap3A_258 = arith.index_cast %add3A_257 : i32 to index
        %swap3A_259 = tpu.vector_load %arg8[%swap3A_258] {strides = array<i32>} : memref<16640xf32, #tpu.memory_space<vmem>>, vector<16xf32>,
        tpu.vector_store %arg8[%swap3A_258], %broadcast_in_dim3A_1 {strides = array<i32>} : memref<16640xf32, #tpu.memory_space<vmem>>, vector<16xf32>,
        %get3A_260 = arith.index_cast %add3A_140 : i32 to index
        %get3A_261 = arith.constant 128 : index
        %get3A_262 = tpu.vector_load %arg9[%get3A_260, %get3A_261] {strides = array<i32>} : memref<64x256xf32, #tpu.memory_space<vmem>>, vector<16xf32>,
        %get3A_263 = arith.constant 128 : index
        %get3A_264 = tpu.vector_load %arg17[%get3A_263] {strides = array<i32>} : memref<256xf32, #tpu.memory_space<vmem>>, vector<16xf32>,
        %mul3A_265 = arith.mulf %get3A_262, %get3A_264 : vector<16xf32>
        %swap3A_266 = arith.index_cast %add3A_140 : i32 to index
        %swap3A_267 = arith.constant 128 : index
        %swap3A_268 = tpu.vector_load %arg9[%swap3A_266, %swap3A_267] {strides = array<i32>} : memref<64x256xf32, #tpu.memory_space<vmem>>, vector<16xf32>,
        tpu.vector_store %arg9[%swap3A_266, %swap3A_267], %mul3A_265 {strides = array<i32>} : memref<64x256xf32, #tpu.memory_space<vmem>>, vector<16xf32>,
        %mul3A_269 = arith.constant 256 : i32
        %mul3A_270 = arith.muli %add3A_140, %mul3A_269 : i32
        %add3A_271 = arith.constant 128 : i32
        %add3A_272 = arith.addi %mul3A_270, %add3A_271 : i32
        %swap3A_273 = arith.index_cast %add3A_272 : i32 to index
        %swap3A_274 = tpu.vector_load %arg8[%swap3A_273] {strides = array<i32>} : memref<16640xf32, #tpu.memory_space<vmem>>, vector<16xf32>,
        tpu.vector_store %arg8[%swap3A_273], %broadcast_in_dim3A_1 {strides = array<i32>} : memref<16640xf32, #tpu.memory_space<vmem>>, vector<16xf32>,
        %get3A_275 = arith.index_cast %add3A_140 : i32 to index
        %get3A_276 = arith.constant 144 : index
        %get3A_277 = tpu.vector_load %arg9[%get3A_275, %get3A_276] {strides = array<i32>} : memref<64x256xf32, #tpu.memory_space<vmem>>, vector<16xf32>,
        %get3A_278 = arith.constant 144 : index
        %get3A_279 = tpu.vector_load %arg17[%get3A_278] {strides = array<i32>} : memref<256xf32, #tpu.memory_space<vmem>>, vector<16xf32>,
        %mul3A_280 = arith.mulf %get3A_277, %get3A_279 : vector<16xf32>
        %swap3A_281 = arith.index_cast %add3A_140 : i32 to index
        %swap3A_282 = arith.constant 144 : index
        %swap3A_283 = tpu.vector_load %arg9[%swap3A_281, %swap3A_282] {strides = array<i32>} : memref<64x256xf32, #tpu.memory_space<vmem>>, vector<16xf32>,
        tpu.vector_store %arg9[%swap3A_281, %swap3A_282], %mul3A_280 {strides = array<i32>} : memref<64x256xf32, #tpu.memory_space<vmem>>, vector<16xf32>,
        %mul3A_284 = arith.constant 256 : i32
        %mul3A_285 = arith.muli %add3A_140, %mul3A_284 : i32
        %add3A_286 = arith.constant 144 : i32
        %add3A_287 = arith.addi %mul3A_285, %add3A_286 : i32
        %swap3A_288 = arith.index_cast %add3A_287 : i32 to index
        %swap3A_289 = tpu.vector_load %arg8[%swap3A_288] {strides = array<i32>} : memref<16640xf32, #tpu.memory_space<vmem>>, vector<16xf32>,
        tpu.vector_store %arg8[%swap3A_288], %broadcast_in_dim3A_1 {strides = array<i32>} : memref<16640xf32, #tpu.memory_space<vmem>>, vector<16xf32>,
        %get3A_290 = arith.index_cast %add3A_140 : i32 to index
        %get3A_291 = arith.constant 160 : index
        %get3A_292 = tpu.vector_load %arg9[%get3A_290, %get3A_291] {strides = array<i32>} : memref<64x256xf32, #tpu.memory_space<vmem>>, vector<16xf32>,
        %get3A_293 = arith.constant 160 : index
        %get3A_294 = tpu.vector_load %arg17[%get3A_293] {strides = array<i32>} : memref<256xf32, #tpu.memory_space<vmem>>, vector<16xf32>,
        %mul3A_295 = arith.mulf %get3A_292, %get3A_294 : vector<16xf32>
        %swap3A_296 = arith.index_cast %add3A_140 : i32 to index
        %swap3A_297 = arith.constant 160 : index
        %swap3A_298 = tpu.vector_load %arg9[%swap3A_296, %swap3A_297] {strides = array<i32>} : memref<64x256xf32, #tpu.memory_space<vmem>>, vector<16xf32>,
        tpu.vector_store %arg9[%swap3A_296, %swap3A_297], %mul3A_295 {strides = array<i32>} : memref<64x256xf32, #tpu.memory_space<vmem>>, vector<16xf32>,
        %mul3A_299 = arith.constant 256 : i32
        %mul3A_300 = arith.muli %add3A_140, %mul3A_299 : i32
        %add3A_301 = arith.constant 160 : i32
        %add3A_302 = arith.addi %mul3A_300, %add3A_301 : i32
        %swap3A_303 = arith.index_cast %add3A_302 : i32 to index
        %swap3A_304 = tpu.vector_load %arg8[%swap3A_303] {strides = array<i32>} : memref<16640xf32, #tpu.memory_space<vmem>>, vector<16xf32>,
        tpu.vector_store %arg8[%swap3A_303], %broadcast_in_dim3A_1 {strides = array<i32>} : memref<16640xf32, #tpu.memory_space<vmem>>, vector<16xf32>,
        %get3A_305 = arith.index_cast %add3A_140 : i32 to index
        %get3A_306 = arith.constant 176 : index
        %get3A_307 = tpu.vector_load %arg9[%get3A_305, %get3A_306] {strides = array<i32>} : memref<64x256xf32, #tpu.memory_space<vmem>>, vector<16xf32>,
        %get3A_308 = arith.constant 176 : index
        %get3A_309 = tpu.vector_load %arg17[%get3A_308] {strides = array<i32>} : memref<256xf32, #tpu.memory_space<vmem>>, vector<16xf32>,
        %mul3A_310 = arith.mulf %get3A_307, %get3A_309 : vector<16xf32>
        %swap3A_311 = arith.index_cast %add3A_140 : i32 to index
        %swap3A_312 = arith.constant 176 : index
        %swap3A_313 = tpu.vector_load %arg9[%swap3A_311, %swap3A_312] {strides = array<i32>} : memref<64x256xf32, #tpu.memory_space<vmem>>, vector<16xf32>,
        tpu.vector_store %arg9[%swap3A_311, %swap3A_312], %mul3A_310 {strides = array<i32>} : memref<64x256xf32, #tpu.memory_space<vmem>>, vector<16xf32>,
        %mul3A_314 = arith.constant 256 : i32
        %mul3A_315 = arith.muli %add3A_140, %mul3A_314 : i32
        %add3A_316 = arith.constant 176 : i32
        %add3A_317 = arith.addi %mul3A_315, %add3A_316 : i32
        %swap3A_318 = arith.index_cast %add3A_317 : i32 to index
        %swap3A_319 = tpu.vector_load %arg8[%swap3A_318] {strides = array<i32>} : memref<16640xf32, #tpu.memory_space<vmem>>, vector<16xf32>,
        tpu.vector_store %arg8[%swap3A_318], %broadcast_in_dim3A_1 {strides = array<i32>} : memref<16640xf32, #tpu.memory_space<vmem>>, vector<16xf32>,
        %get3A_320 = arith.index_cast %add3A_140 : i32 to index
        %get3A_321 = arith.constant 192 : index
        %get3A_322 = tpu.vector_load %arg9[%get3A_320, %get3A_321] {strides = array<i32>} : memref<64x256xf32, #tpu.memory_space<vmem>>, vector<16xf32>,
        %get3A_323 = arith.constant 192 : index
        %get3A_324 = tpu.vector_load %arg17[%get3A_323] {strides = array<i32>} : memref<256xf32, #tpu.memory_space<vmem>>, vector<16xf32>,
        %mul3A_325 = arith.mulf %get3A_322, %get3A_324 : vector<16xf32>
        %swap3A_326 = arith.index_cast %add3A_140 : i32 to index
        %swap3A_327 = arith.constant 192 : index
        %swap3A_328 = tpu.vector_load %arg9[%swap3A_326, %swap3A_327] {strides = array<i32>} : memref<64x256xf32, #tpu.memory_space<vmem>>, vector<16xf32>,
        tpu.vector_store %arg9[%swap3A_326, %swap3A_327], %mul3A_325 {strides = array<i32>} : memref<64x256xf32, #tpu.memory_space<vmem>>, vector<16xf32>,
        %mul3A_329 = arith.constant 256 : i32
        %mul3A_330 = arith.muli %add3A_140, %mul3A_329 : i32
        %add3A_331 = arith.constant 192 : i32
        %add3A_332 = arith.addi %mul3A_330, %add3A_331 : i32
        %swap3A_333 = arith.index_cast %add3A_332 : i32 to index
        %swap3A_334 = tpu.vector_load %arg8[%swap3A_333] {strides = array<i32>} : memref<16640xf32, #tpu.memory_space<vmem>>, vector<16xf32>,
        tpu.vector_store %arg8[%swap3A_333], %broadcast_in_dim3A_1 {strides = array<i32>} : memref<16640xf32, #tpu.memory_space<vmem>>, vector<16xf32>,
        %get3A_335 = arith.index_cast %add3A_140 : i32 to index
        %get3A_336 = arith.constant 208 : index
        %get3A_337 = tpu.vector_load %arg9[%get3A_335, %get3A_336] {strides = array<i32>} : memref<64x256xf32, #tpu.memory_space<vmem>>, vector<16xf32>,
        %get3A_338 = arith.constant 208 : index
        %get3A_339 = tpu.vector_load %arg17[%get3A_338] {strides = array<i32>} : memref<256xf32, #tpu.memory_space<vmem>>, vector<16xf32>,
        %mul3A_340 = arith.mulf %get3A_337, %get3A_339 : vector<16xf32>
        %swap3A_341 = arith.index_cast %add3A_140 : i32 to index
        %swap3A_342 = arith.constant 208 : index
        %swap3A_343 = tpu.vector_load %arg9[%swap3A_341, %swap3A_342] {strides = array<i32>} : memref<64x256xf32, #tpu.memory_space<vmem>>, vector<16xf32>,
        tpu.vector_store %arg9[%swap3A_341, %swap3A_342], %mul3A_340 {strides = array<i32>} : memref<64x256xf32, #tpu.memory_space<vmem>>, vector<16xf32>,
        %mul3A_344 = arith.constant 256 : i32
        %mul3A_345 = arith.muli %add3A_140, %mul3A_344 : i32
        %add3A_346 = arith.constant 208 : i32
        %add3A_347 = arith.addi %mul3A_345, %add3A_346 : i32
        %swap3A_348 = arith.index_cast %add3A_347 : i32 to index
        %swap3A_349 = tpu.vector_load %arg8[%swap3A_348] {strides = array<i32>} : memref<16640xf32, #tpu.memory_space<vmem>>, vector<16xf32>,
        tpu.vector_store %arg8[%swap3A_348], %broadcast_in_dim3A_1 {strides = array<i32>} : memref<16640xf32, #tpu.memory_space<vmem>>, vector<16xf32>,
        %get3A_350 = arith.index_cast %add3A_140 : i32 to index
        %get3A_351 = arith.constant 224 : index
        %get3A_352 = tpu.vector_load %arg9[%get3A_350, %get3A_351] {strides = array<i32>} : memref<64x256xf32, #tpu.memory_space<vmem>>, vector<16xf32>,
        %get3A_353 = arith.constant 224 : index
        %get3A_354 = tpu.vector_load %arg17[%get3A_353] {strides = array<i32>} : memref<256xf32, #tpu.memory_space<vmem>>, vector<16xf32>,
        %mul3A_355 = arith.mulf %get3A_352, %get3A_354 : vector<16xf32>
        %swap3A_356 = arith.index_cast %add3A_140 : i32 to index
        %swap3A_357 = arith.constant 224 : index
        %swap3A_358 = tpu.vector_load %arg9[%swap3A_356, %swap3A_357] {strides = array<i32>} : memref<64x256xf32, #tpu.memory_space<vmem>>, vector<16xf32>,
        tpu.vector_store %arg9[%swap3A_356, %swap3A_357], %mul3A_355 {strides = array<i32>} : memref<64x256xf32, #tpu.memory_space<vmem>>, vector<16xf32>,
        %mul3A_359 = arith.constant 256 : i32
        %mul3A_360 = arith.muli %add3A_140, %mul3A_359 : i32
        %add3A_361 = arith.constant 224 : i32
        %add3A_362 = arith.addi %mul3A_360, %add3A_361 : i32
        %swap3A_363 = arith.index_cast %add3A_362 : i32 to index
        %swap3A_364 = tpu.vector_load %arg8[%swap3A_363] {strides = array<i32>} : memref<16640xf32, #tpu.memory_space<vmem>>, vector<16xf32>,
        tpu.vector_store %arg8[%swap3A_363], %broadcast_in_dim3A_1 {strides = array<i32>} : memref<16640xf32, #tpu.memory_space<vmem>>, vector<16xf32>,
        %get3A_365 = arith.index_cast %add3A_140 : i32 to index
        %get3A_366 = arith.constant 240 : index
        %get3A_367 = tpu.vector_load %arg9[%get3A_365, %get3A_366] {strides = array<i32>} : memref<64x256xf32, #tpu.memory_space<vmem>>, vector<16xf32>,
        %get3A_368 = arith.constant 240 : index
        %get3A_369 = tpu.vector_load %arg17[%get3A_368] {strides = array<i32>} : memref<256xf32, #tpu.memory_space<vmem>>, vector<16xf32>,
        %mul3A_370 = arith.mulf %get3A_367, %get3A_369 : vector<16xf32>
        %swap3A_371 = arith.index_cast %add3A_140 : i32 to index
        %swap3A_372 = arith.constant 240 : index
        %swap3A_373 = tpu.vector_load %arg9[%swap3A_371, %swap3A_372] {strides = array<i32>} : memref<64x256xf32, #tpu.memory_space<vmem>>, vector<16xf32>,
        tpu.vector_store %arg9[%swap3A_371, %swap3A_372], %mul3A_370 {strides = array<i32>} : memref<64x256xf32, #tpu.memory_space<vmem>>, vector<16xf32>,
        %mul3A_374 = arith.constant 256 : i32
        %mul3A_375 = arith.muli %add3A_140, %mul3A_374 : i32
        %add3A_376 = arith.constant 240 : i32
        %add3A_377 = arith.addi %mul3A_375, %add3A_376 : i32
        %swap3A_378 = arith.index_cast %add3A_377 : i32 to index
        %swap3A_379 = tpu.vector_load %arg8[%swap3A_378] {strides = array<i32>} : memref<16640xf32, #tpu.memory_space<vmem>>, vector<16xf32>,
        tpu.vector_store %arg8[%swap3A_378], %broadcast_in_dim3A_1 {strides = array<i32>} : memref<16640xf32, #tpu.memory_space<vmem>>, vector<16xf32>,
        %mul3A_380 = arith.constant 16 : i32
        %mul3A_381 = arith.muli %add3A_140, %mul3A_380 : i32
        %swap3A_382 = arith.index_cast %mul3A_381 : i32 to index
        %swap3A_383 = tpu.vector_load %arg10[%swap3A_382] {strides = array<i32>} : memref<1040xf32, #tpu.memory_space<vmem>>, vector<16xf32>,
        tpu.vector_store %arg10[%swap3A_382], %broadcast_in_dim3A_1 {strides = array<i32>} : memref<1040xf32, #tpu.memory_space<vmem>>, vector<16xf32>,
      }
      %scan3A_34 = arith.constant 64 : i32
      %jit3A = arith.constant 16 : i32
      %div3A = arith.divsi %squeeze3A, %jit3A : i32
      %sign3A = arith.constant 0 : i32
      %sign3A_35 = arith.cmpi sgt, %squeeze3A, %sign3A : i32
      %sign3A_36 = arith.extui %sign3A_35 : i1 to i32
      %sign3A_37 = arith.constant 0 : i32
      %sign3A_38 = arith.cmpi slt, %squeeze3A, %sign3A_37 : i32
      %sign3A_39 = arith.extui %sign3A_38 : i1 to i32
      %sign3A_40 = arith.subi %sign3A_36, %sign3A_39 : i32
      %sign3A_41 = arith.constant 0 : i32
      %sign3A_42 = arith.cmpi sgt, %jit3A, %sign3A_41 : i32
      %sign3A_43 = arith.extui %sign3A_42 : i1 to i32
      %sign3A_44 = arith.constant 0 : i32
      %sign3A_45 = arith.cmpi slt, %jit3A, %sign3A_44 : i32
      %sign3A_46 = arith.extui %sign3A_45 : i1 to i32
      %sign3A_47 = arith.subi %sign3A_43, %sign3A_46 : i32
      %ne3A = arith.cmpi ne, %sign3A_40, %sign3A_47 : i32
      %rem3A = arith.remsi %squeeze3A, %jit3A : i32
      %ne3A_48 = arith.constant 0 : i32
      %ne3A_49 = arith.cmpi ne, %rem3A, %ne3A_48 : i32
      %and3A = arith.andi %ne3A, %ne3A_49 : i1
      %sub3A_50 = arith.constant 1 : i32
      %sub3A_51 = arith.subi %div3A, %sub3A_50 : i32
      %select_n3A = arith.select %and3A, %sub3A_51, %div3A : i32
      %mul3A_52 = arith.constant 16 : i32
      %mul3A_53 = arith.muli %select_n3A, %mul3A_52 : i32
      %sub3A_54 = arith.subi %squeeze3A_23, %mul3A_53 : i32
      %add3A_55 = arith.constant 128 : i32
      %add3A_56 = arith.addi %sub3A_54, %add3A_55 : i32
      %sub3A_57 = arith.constant 1 : i32
      %sub3A_58 = arith.subi %add3A_56, %sub3A_57 : i32
      %jit3A_59 = arith.constant 128 : i32
      %div3A_60 = arith.divsi %sub3A_58, %jit3A_59 : i32
      %sign3A_61 = arith.constant 0 : i32
      %sign3A_62 = arith.cmpi sgt, %sub3A_58, %sign3A_61 : i32
      %sign3A_63 = arith.extui %sign3A_62 : i1 to i32
      %sign3A_64 = arith.constant 0 : i32
      %sign3A_65 = arith.cmpi slt, %sub3A_58, %sign3A_64 : i32
      %sign3A_66 = arith.extui %sign3A_65 : i1 to i32
      %sign3A_67 = arith.subi %sign3A_63, %sign3A_66 : i32
      %sign3A_68 = arith.constant 0 : i32
      %sign3A_69 = arith.cmpi sgt, %jit3A_59, %sign3A_68 : i32
      %sign3A_70 = arith.extui %sign3A_69 : i1 to i32
      %sign3A_71 = arith.constant 0 : i32
      %sign3A_72 = arith.cmpi slt, %jit3A_59, %sign3A_71 : i32
      %sign3A_73 = arith.extui %sign3A_72 : i1 to i32
      %sign3A_74 = arith.subi %sign3A_70, %sign3A_73 : i32
      %ne3A_75 = arith.cmpi ne, %sign3A_67, %sign3A_74 : i32
      %rem3A_76 = arith.remsi %sub3A_58, %jit3A_59 : i32
      %ne3A_77 = arith.constant 0 : i32
      %ne3A_78 = arith.cmpi ne, %rem3A_76, %ne3A_77 : i32
      %and3A_79 = arith.andi %ne3A_75, %ne3A_78 : i1
      %sub3A_80 = arith.constant 1 : i32
      %sub3A_81 = arith.subi %div3A_60, %sub3A_80 : i32
      %select_n3A_82 = arith.select %and3A_79, %sub3A_81, %div3A_60 : i32
      %gt3A = arith.constant 0 : i32
      %gt3A_83 = arith.cmpi sgt, %select_n3A_82, %gt3A : i32
      %convert_element_type3A = arith.extui %gt3A_83 : i1 to i32
      %cond3A = arith.constant 0 : i32
      %cond3A_84 = arith.cmpi ne, %convert_element_type3A, %cond3A : i32
      scf.if %cond3A_84 {
        %add3A_136 = arith.constant 0 : i32
        %add3A_137 = arith.addi %mul3A_53, %add3A_136 : i32
        "tpu.region"() ({
          %run_scoped3A = tpu.sem_alloc : memref<!tpu.dma_semaphore, #tpu.memory_space<semaphore_mem>>
          %dma_start3A_141 = arith.constant 0 : i32
          %dma_start3A_142 = tpu.memref_slice %arg11[%dma_start3A_141] : memref<144xi32, #tpu.memory_space<vmem>> -> memref<128xi32, #tpu.memory_space<vmem>>
          %dma_start3A_143 = tpu.memref_slice %arg3[%add3A_137] : memref<160128xi32, #tpu.memory_space<hbm>> -> memref<128xi32, #tpu.memory_space<hbm>>
          %dma_start3A_144 = arith.constant 0 : i32
          %dma_start3A_145 = tpu.memref_slice %arg11[%dma_start3A_144] : memref<144xi32, #tpu.memory_space<vmem>> -> memref<128xi32, #tpu.memory_space<vmem>>
          %dma_start3A_146 = tpu.memref_slice %arg3[%add3A_137] : memref<160128xi32, #tpu.memory_space<hbm>> -> memref<128xi32, #tpu.memory_space<hbm>>
          tpu.enqueue_dma source(%dma_start3A_146 : memref<128xi32, #tpu.memory_space<hbm>>) target(%dma_start3A_145 : memref<128xi32, #tpu.memory_space<vmem>>) target_semaphore(%run_scoped3A : memref<!tpu.dma_semaphore, #tpu.memory_space<semaphore_mem>>)
          %dma_wait3A_147 = arith.constant 0 : i32
          %dma_wait3A_148 = tpu.memref_slice %arg11[%dma_wait3A_147] : memref<144xi32, #tpu.memory_space<vmem>> -> memref<128xi32, #tpu.memory_space<vmem>>
          %dma_wait3A_149 = tpu.memref_slice %arg3[%add3A_137] : memref<160128xi32, #tpu.memory_space<hbm>> -> memref<128xi32, #tpu.memory_space<hbm>>
          %dma_wait3A_150 = arith.constant 0 : i32
          %dma_wait3A_151 = tpu.memref_slice %arg11[%dma_wait3A_150] : memref<144xi32, #tpu.memory_space<vmem>> -> memref<128xi32, #tpu.memory_space<vmem>>
          %dma_wait3A_152 = tpu.memref_slice %arg3[%add3A_137] : memref<160128xi32, #tpu.memory_space<hbm>> -> memref<128xi32, #tpu.memory_space<hbm>>
          tpu.wait_dma2 semaphore(%run_scoped3A : memref<!tpu.dma_semaphore, #tpu.memory_space<semaphore_mem>>) src(%dma_wait3A_152 : memref<128xi32, #tpu.memory_space<hbm>>) dst(%dma_wait3A_151 : memref<128xi32, #tpu.memory_space<vmem>>)
          tpu.yield
        }) : () -> ()
        "tpu.region"() ({
          %run_scoped3A = tpu.sem_alloc : memref<!tpu.dma_semaphore, #tpu.memory_space<semaphore_mem>>
          %dma_start3A_141 = tpu.memref_slice %arg4[%add3A_137] : memref<160128xi32, #tpu.memory_space<hbm>> -> memref<128xi32, #tpu.memory_space<hbm>>
          %dma_start3A_142 = tpu.memref_slice %arg4[%add3A_137] : memref<160128xi32, #tpu.memory_space<hbm>> -> memref<128xi32, #tpu.memory_space<hbm>>
          tpu.enqueue_dma source(%dma_start3A_142 : memref<128xi32, #tpu.memory_space<hbm>>) target(%arg13 : memref<128xi32, #tpu.memory_space<vmem>>) target_semaphore(%run_scoped3A : memref<!tpu.dma_semaphore, #tpu.memory_space<semaphore_mem>>)
          %dma_wait3A_143 = tpu.memref_slice %arg4[%add3A_137] : memref<160128xi32, #tpu.memory_space<hbm>> -> memref<128xi32, #tpu.memory_space<hbm>>
          %dma_wait3A_144 = tpu.memref_slice %arg4[%add3A_137] : memref<160128xi32, #tpu.memory_space<hbm>> -> memref<128xi32, #tpu.memory_space<hbm>>
          tpu.wait_dma2 semaphore(%run_scoped3A : memref<!tpu.dma_semaphore, #tpu.memory_space<semaphore_mem>>) src(%dma_wait3A_144 : memref<128xi32, #tpu.memory_space<hbm>>) dst(%arg13 : memref<128xi32, #tpu.memory_space<vmem>>)
          tpu.yield
        }) : () -> ()
        %dma_start3A_138 = arith.constant 0 : i32
        %dma_start3A_139 = arith.constant 0 : i32
        %dma_start3A_140 = tpu.memref_slice %arg2[%dma_start3A_138, %dma_start3A_139] : memref<10000x256xf32, #tpu.memory_space<hbm>> -> memref<10000x256xf32, #tpu.memory_space<hbm>>
        tpu.enqueue_indirect_dma source(%dma_start3A_140 : memref<10000x256xf32, #tpu.memory_space<hbm>>) target(%arg15 : memref<128x256xf32, #tpu.memory_space<vmem>>) offsets(%arg13 : memref<128xi32, #tpu.memory_space<vmem>>) semaphore(%arg19 : memref<!tpu.dma_semaphore, #tpu.memory_space<semaphore_mem>>)
      } else {
      }
      %add3A_85 = arith.constant 1 : i32
      %add3A_86 = arith.addi %select_n3A_82, %add3A_85 : i32
      %jit3A_87 = arith.constant 2 : i32
      %div3A_88 = arith.divsi %add3A_86, %jit3A_87 : i32
      %sign3A_89 = arith.constant 0 : i32
      %sign3A_90 = arith.cmpi sgt, %add3A_86, %sign3A_89 : i32
      %sign3A_91 = arith.extui %sign3A_90 : i1 to i32
      %sign3A_92 = arith.constant 0 : i32
      %sign3A_93 = arith.cmpi slt, %add3A_86, %sign3A_92 : i32
      %sign3A_94 = arith.extui %sign3A_93 : i1 to i32
      %sign3A_95 = arith.subi %sign3A_91, %sign3A_94 : i32
      %sign3A_96 = arith.constant 0 : i32
      %sign3A_97 = arith.cmpi sgt, %jit3A_87, %sign3A_96 : i32
      %sign3A_98 = arith.extui %sign3A_97 : i1 to i32
      %sign3A_99 = arith.constant 0 : i32
      %sign3A_100 = arith.cmpi slt, %jit3A_87, %sign3A_99 : i32
      %sign3A_101 = arith.extui %sign3A_100 : i1 to i32
      %sign3A_102 = arith.subi %sign3A_98, %sign3A_101 : i32
      %ne3A_103 = arith.cmpi ne, %sign3A_95, %sign3A_102 : i32
      %rem3A_104 = arith.remsi %add3A_86, %jit3A_87 : i32
      %ne3A_105 = arith.constant 0 : i32
      %ne3A_106 = arith.cmpi ne, %rem3A_104, %ne3A_105 : i32
      %and3A_107 = arith.andi %ne3A_103, %ne3A_106 : i1
      %sub3A_108 = arith.constant 1 : i32
      %sub3A_109 = arith.subi %div3A_88, %sub3A_108 : i32
      %select_n3A_110 = arith.select %and3A_107, %sub3A_109, %div3A_88 : i32
      %sub3A_111 = arith.constant 0 : i32
      %sub3A_112 = arith.subi %select_n3A_110, %sub3A_111 : i32
      %sub3A_113 = arith.constant 1 : i32
      %sub3A_114 = arith.constant 1 : i32
      %sub3A_115 = arith.subi %sub3A_113, %sub3A_114 : i32
      %add3A_116 = arith.addi %sub3A_112, %sub3A_115 : i32
      %div3A_117 = arith.constant 1 : i32
      %div3A_118 = arith.divsi %add3A_116, %div3A_117 : i32
      %while3A = arith.constant 1 : i32
      %while3A_119 = arith.constant 0 : i32
      %while3A_120 = arith.constant 0 : i32
      %while3A_121 = arith.subi %div3A_118, %while3A_120 : i32
      %while3A_122 = arith.addi %while3A_120, %while3A_121 : i32
      %while3A_123 = arith.constant 1 : i32
      %while3A_124 = arith.divsi %while3A_121, %while3A_123 : i32
      %while3A_125 = arith.muli %while3A_124, %while3A_123 : i32
      %while3A_126 = arith.addi %while3A_120, %while3A_125 : i32
      %while3A_127 = arith.constant 1 : i32
      scf.for %while3A_136 = %while3A_120 to %while3A_126 step %while3A_127  : i32 {
        %mul3A_137 = arith.muli %while3A_136, %while3A : i32
        %add3A_138 = arith.addi %while3A_119, %mul3A_137 : i32
        %mul3A_139 = arith.constant 2 : i32
        %mul3A_140 = arith.muli %mul3A_139, %add3A_138 : i32
        %add3A_141 = arith.constant 0 : i32
        %add3A_142 = arith.addi %mul3A_140, %add3A_141 : i32
        %lt3A = arith.cmpi slt, %add3A_142, %select_n3A_82 : i32
        %convert_element_type3A_143 = arith.extui %lt3A : i1 to i32
        %cond3A_144 = arith.constant 0 : i32
        %cond3A_145 = arith.cmpi ne, %convert_element_type3A_143, %cond3A_144 : i32
        scf.if %cond3A_145 {
          %add3A_154 = arith.constant 1 : i32
          %add3A_155 = arith.addi %add3A_142, %add3A_154 : i32
          %lt3A_156 = arith.cmpi slt, %add3A_155, %select_n3A_82 : i32
          %convert_element_type3A_157 = arith.extui %lt3A_156 : i1 to i32
          %cond3A_158 = arith.constant 0 : i32
          %cond3A_159 = arith.cmpi ne, %convert_element_type3A_157, %cond3A_158 : i32
          scf.if %cond3A_159 {
            %add3A_168 = arith.constant 1 : i32
            %add3A_169 = arith.addi %add3A_142, %add3A_168 : i32
            %mul3A_170 = arith.constant 128 : i32
            %mul3A_171 = arith.muli %add3A_169, %mul3A_170 : i32
            %add3A_172 = arith.addi %mul3A_53, %mul3A_171 : i32
            "tpu.region"() ({
              %run_scoped3A = tpu.sem_alloc : memref<!tpu.dma_semaphore, #tpu.memory_space<semaphore_mem>>
              %dma_start3A_176 = arith.constant 0 : i32
              %dma_start3A_177 = tpu.memref_slice %arg12[%dma_start3A_176] : memref<144xi32, #tpu.memory_space<vmem>> -> memref<128xi32, #tpu.memory_space<vmem>>
              %dma_start3A_178 = tpu.memref_slice %arg3[%add3A_172] : memref<160128xi32, #tpu.memory_space<hbm>> -> memref<128xi32, #tpu.memory_space<hbm>>
              %dma_start3A_179 = arith.constant 0 : i32
              %dma_start3A_180 = tpu.memref_slice %arg12[%dma_start3A_179] : memref<144xi32, #tpu.memory_space<vmem>> -> memref<128xi32, #tpu.memory_space<vmem>>
              %dma_start3A_181 = tpu.memref_slice %arg3[%add3A_172] : memref<160128xi32, #tpu.memory_space<hbm>> -> memref<128xi32, #tpu.memory_space<hbm>>
              tpu.enqueue_dma source(%dma_start3A_181 : memref<128xi32, #tpu.memory_space<hbm>>) target(%dma_start3A_180 : memref<128xi32, #tpu.memory_space<vmem>>) target_semaphore(%run_scoped3A : memref<!tpu.dma_semaphore, #tpu.memory_space<semaphore_mem>>)
              %dma_wait3A_182 = arith.constant 0 : i32
              %dma_wait3A_183 = tpu.memref_slice %arg12[%dma_wait3A_182] : memref<144xi32, #tpu.memory_space<vmem>> -> memref<128xi32, #tpu.memory_space<vmem>>
              %dma_wait3A_184 = tpu.memref_slice %arg3[%add3A_172] : memref<160128xi32, #tpu.memory_space<hbm>> -> memref<128xi32, #tpu.memory_space<hbm>>
              %dma_wait3A_185 = arith.constant 0 : i32
              %dma_wait3A_186 = tpu.memref_slice %arg12[%dma_wait3A_185] : memref<144xi32, #tpu.memory_space<vmem>> -> memref<128xi32, #tpu.memory_space<vmem>>
              %dma_wait3A_187 = tpu.memref_slice %arg3[%add3A_172] : memref<160128xi32, #tpu.memory_space<hbm>> -> memref<128xi32, #tpu.memory_space<hbm>>
              tpu.wait_dma2 semaphore(%run_scoped3A : memref<!tpu.dma_semaphore, #tpu.memory_space<semaphore_mem>>) src(%dma_wait3A_187 : memref<128xi32, #tpu.memory_space<hbm>>) dst(%dma_wait3A_186 : memref<128xi32, #tpu.memory_space<vmem>>)
              tpu.yield
            }) : () -> ()
            "tpu.region"() ({
              %run_scoped3A = tpu.sem_alloc : memref<!tpu.dma_semaphore, #tpu.memory_space<semaphore_mem>>
              %dma_start3A_176 = tpu.memref_slice %arg4[%add3A_172] : memref<160128xi32, #tpu.memory_space<hbm>> -> memref<128xi32, #tpu.memory_space<hbm>>
              %dma_start3A_177 = tpu.memref_slice %arg4[%add3A_172] : memref<160128xi32, #tpu.memory_space<hbm>> -> memref<128xi32, #tpu.memory_space<hbm>>
              tpu.enqueue_dma source(%dma_start3A_177 : memref<128xi32, #tpu.memory_space<hbm>>) target(%arg14 : memref<128xi32, #tpu.memory_space<vmem>>) target_semaphore(%run_scoped3A : memref<!tpu.dma_semaphore, #tpu.memory_space<semaphore_mem>>)
              %dma_wait3A_178 = tpu.memref_slice %arg4[%add3A_172] : memref<160128xi32, #tpu.memory_space<hbm>> -> memref<128xi32, #tpu.memory_space<hbm>>
              %dma_wait3A_179 = tpu.memref_slice %arg4[%add3A_172] : memref<160128xi32, #tpu.memory_space<hbm>> -> memref<128xi32, #tpu.memory_space<hbm>>
              tpu.wait_dma2 semaphore(%run_scoped3A : memref<!tpu.dma_semaphore, #tpu.memory_space<semaphore_mem>>) src(%dma_wait3A_179 : memref<128xi32, #tpu.memory_space<hbm>>) dst(%arg14 : memref<128xi32, #tpu.memory_space<vmem>>)
              tpu.yield
            }) : () -> ()
            %dma_start3A_173 = arith.constant 0 : i32
            %dma_start3A_174 = arith.constant 0 : i32
            %dma_start3A_175 = tpu.memref_slice %arg2[%dma_start3A_173, %dma_start3A_174] : memref<10000x256xf32, #tpu.memory_space<hbm>> -> memref<10000x256xf32, #tpu.memory_space<hbm>>
            tpu.enqueue_indirect_dma source(%dma_start3A_175 : memref<10000x256xf32, #tpu.memory_space<hbm>>) target(%arg16 : memref<128x256xf32, #tpu.memory_space<vmem>>) offsets(%arg14 : memref<128xi32, #tpu.memory_space<vmem>>) semaphore(%arg20 : memref<!tpu.dma_semaphore, #tpu.memory_space<semaphore_mem>>)
          } else {
          }
          %dma_wait3A_160 = arith.constant 0 : i32
          %dma_wait3A_161 = arith.constant 0 : i32
          %dma_wait3A_162 = tpu.memref_slice %arg2[%dma_wait3A_160, %dma_wait3A_161] : memref<10000x256xf32, #tpu.memory_space<hbm>> -> memref<10000x256xf32, #tpu.memory_space<hbm>>
          tpu.wait_indirect_dma semaphore(%arg19 : memref<!tpu.dma_semaphore, #tpu.memory_space<semaphore_mem>>) src(%dma_wait3A_162 : memref<10000x256xf32, #tpu.memory_space<hbm>>) dst(%arg15 : memref<128x256xf32, #tpu.memory_space<vmem>>)
          %mul3A_163 = arith.constant 128 : i32
          %mul3A_164 = arith.muli %add3A_142, %mul3A_163 : i32
          %add3A_165 = arith.addi %mul3A_53, %mul3A_164 : i32
          %parallel_loop3A = arith.constant 0 : i32
          %parallel_loop3A_166 = arith.constant 128 : i32
          %parallel_loop3A_167 = arith.constant 1 : i32
          scf.for %parallel_loop3A_168 = %parallel_loop3A to %parallel_loop3A_166 step %parallel_loop3A_167  : i32 {
            %parallel_loop3A_169 = arith.addi %add3A_165, %parallel_loop3A_168 : i32
            %parallel_loop3A_170 = arith.index_cast %parallel_loop3A_168 : i32 to index
            %parallel_loop3A_171 = tpu.vector_load %arg11[%parallel_loop3A_170] {strides = array<i32>} : memref<144xi32, #tpu.memory_space<vmem>>, vector<16xi32>,
            %parallel_loop3A_172 = vector.extract_strided_slice %parallel_loop3A_171 {offsets = [0], sizes = [1], strides = [1]} : vector<16xi32> to vector<1xi32>
            %parallel_loop3A_173 = vector.extract %parallel_loop3A_172[0] : i32 from vector<1xi32>
            %parallel_loop3A_174 = arith.cmpi sge, %parallel_loop3A_169, %squeeze3A : i32
            %parallel_loop3A_175 = arith.cmpi slt, %parallel_loop3A_169, %squeeze3A_23 : i32
            %parallel_loop3A_176 = arith.andi %parallel_loop3A_174, %parallel_loop3A_175 : i1
            %parallel_loop3A_177 = arith.subi %parallel_loop3A_173, %min3A_16 : i32
            %parallel_loop3A_178 = arith.constant 0 : i32
            %parallel_loop3A_179 = arith.select %parallel_loop3A_176, %parallel_loop3A_177, %parallel_loop3A_178 : i32
            %parallel_loop3A_180 = arith.subi %parallel_loop3A_173, %mul3A_15 : i32
            %parallel_loop3A_181 = arith.constant 64 : i32
            %parallel_loop3A_182 = arith.select %parallel_loop3A_176, %parallel_loop3A_180, %parallel_loop3A_181 : i32
            %parallel_loop3A_183 = arith.constant 0.000000e+00 : f32
            %parallel_loop3A_184 = vector.broadcast %parallel_loop3A_183 : f32 to vector<16xf32>
            %parallel_loop3A_185 = arith.index_cast %parallel_loop3A_179 : i32 to index
            %parallel_loop3A_186 = arith.constant 0 : index
            %parallel_loop3A_187 = tpu.vector_load %arg9[%parallel_loop3A_185, %parallel_loop3A_186] {strides = array<i32>} : memref<64x256xf32, #tpu.memory_space<vmem>>, vector<16xf32>,
            %parallel_loop3A_188 = arith.index_cast %parallel_loop3A_168 : i32 to index
            %parallel_loop3A_189 = arith.constant 0 : index
            %parallel_loop3A_190 = tpu.vector_load %arg15[%parallel_loop3A_188, %parallel_loop3A_189] {strides = array<i32>} : memref<128x256xf32, #tpu.memory_space<vmem>>, vector<16xf32>,
            %parallel_loop3A_191 = arith.mulf %parallel_loop3A_187, %parallel_loop3A_190 : vector<16xf32>
            %parallel_loop3A_192 = arith.addf %parallel_loop3A_184, %parallel_loop3A_191 : vector<16xf32>
            %parallel_loop3A_193 = arith.index_cast %parallel_loop3A_179 : i32 to index
            %parallel_loop3A_194 = arith.constant 16 : index
            %parallel_loop3A_195 = tpu.vector_load %arg9[%parallel_loop3A_193, %parallel_loop3A_194] {strides = array<i32>} : memref<64x256xf32, #tpu.memory_space<vmem>>, vector<16xf32>,
            %parallel_loop3A_196 = arith.index_cast %parallel_loop3A_168 : i32 to index
            %parallel_loop3A_197 = arith.constant 16 : index
            %parallel_loop3A_198 = tpu.vector_load %arg15[%parallel_loop3A_196, %parallel_loop3A_197] {strides = array<i32>} : memref<128x256xf32, #tpu.memory_space<vmem>>, vector<16xf32>,
            %parallel_loop3A_199 = arith.mulf %parallel_loop3A_195, %parallel_loop3A_198 : vector<16xf32>
            %parallel_loop3A_200 = arith.addf %parallel_loop3A_184, %parallel_loop3A_199 : vector<16xf32>
            %parallel_loop3A_201 = arith.index_cast %parallel_loop3A_179 : i32 to index
            %parallel_loop3A_202 = arith.constant 32 : index
            %parallel_loop3A_203 = tpu.vector_load %arg9[%parallel_loop3A_201, %parallel_loop3A_202] {strides = array<i32>} : memref<64x256xf32, #tpu.memory_space<vmem>>, vector<16xf32>,
            %parallel_loop3A_204 = arith.index_cast %parallel_loop3A_168 : i32 to index
            %parallel_loop3A_205 = arith.constant 32 : index
            %parallel_loop3A_206 = tpu.vector_load %arg15[%parallel_loop3A_204, %parallel_loop3A_205] {strides = array<i32>} : memref<128x256xf32, #tpu.memory_space<vmem>>, vector<16xf32>,
            %parallel_loop3A_207 = arith.mulf %parallel_loop3A_203, %parallel_loop3A_206 : vector<16xf32>
            %parallel_loop3A_208 = arith.addf %parallel_loop3A_184, %parallel_loop3A_207 : vector<16xf32>
            %parallel_loop3A_209 = arith.index_cast %parallel_loop3A_179 : i32 to index
            %parallel_loop3A_210 = arith.constant 48 : index
            %parallel_loop3A_211 = tpu.vector_load %arg9[%parallel_loop3A_209, %parallel_loop3A_210] {strides = array<i32>} : memref<64x256xf32, #tpu.memory_space<vmem>>, vector<16xf32>,
            %parallel_loop3A_212 = arith.index_cast %parallel_loop3A_168 : i32 to index
            %parallel_loop3A_213 = arith.constant 48 : index
            %parallel_loop3A_214 = tpu.vector_load %arg15[%parallel_loop3A_212, %parallel_loop3A_213] {strides = array<i32>} : memref<128x256xf32, #tpu.memory_space<vmem>>, vector<16xf32>,
            %parallel_loop3A_215 = arith.mulf %parallel_loop3A_211, %parallel_loop3A_214 : vector<16xf32>
            %parallel_loop3A_216 = arith.addf %parallel_loop3A_184, %parallel_loop3A_215 : vector<16xf32>
            %parallel_loop3A_217 = arith.index_cast %parallel_loop3A_179 : i32 to index
            %parallel_loop3A_218 = arith.constant 64 : index
            %parallel_loop3A_219 = tpu.vector_load %arg9[%parallel_loop3A_217, %parallel_loop3A_218] {strides = array<i32>} : memref<64x256xf32, #tpu.memory_space<vmem>>, vector<16xf32>,
            %parallel_loop3A_220 = arith.index_cast %parallel_loop3A_168 : i32 to index
            %parallel_loop3A_221 = arith.constant 64 : index
            %parallel_loop3A_222 = tpu.vector_load %arg15[%parallel_loop3A_220, %parallel_loop3A_221] {strides = array<i32>} : memref<128x256xf32, #tpu.memory_space<vmem>>, vector<16xf32>,
            %parallel_loop3A_223 = arith.mulf %parallel_loop3A_219, %parallel_loop3A_222 : vector<16xf32>
            %parallel_loop3A_224 = arith.addf %parallel_loop3A_192, %parallel_loop3A_223 : vector<16xf32>
            %parallel_loop3A_225 = arith.index_cast %parallel_loop3A_179 : i32 to index
            %parallel_loop3A_226 = arith.constant 80 : index
            %parallel_loop3A_227 = tpu.vector_load %arg9[%parallel_loop3A_225, %parallel_loop3A_226] {strides = array<i32>} : memref<64x256xf32, #tpu.memory_space<vmem>>, vector<16xf32>,
            %parallel_loop3A_228 = arith.index_cast %parallel_loop3A_168 : i32 to index
            %parallel_loop3A_229 = arith.constant 80 : index
            %parallel_loop3A_230 = tpu.vector_load %arg15[%parallel_loop3A_228, %parallel_loop3A_229] {strides = array<i32>} : memref<128x256xf32, #tpu.memory_space<vmem>>, vector<16xf32>,
            %parallel_loop3A_231 = arith.mulf %parallel_loop3A_227, %parallel_loop3A_230 : vector<16xf32>
            %parallel_loop3A_232 = arith.addf %parallel_loop3A_200, %parallel_loop3A_231 : vector<16xf32>
            %parallel_loop3A_233 = arith.index_cast %parallel_loop3A_179 : i32 to index
            %parallel_loop3A_234 = arith.constant 96 : index
            %parallel_loop3A_235 = tpu.vector_load %arg9[%parallel_loop3A_233, %parallel_loop3A_234] {strides = array<i32>} : memref<64x256xf32, #tpu.memory_space<vmem>>, vector<16xf32>,
            %parallel_loop3A_236 = arith.index_cast %parallel_loop3A_168 : i32 to index
            %parallel_loop3A_237 = arith.constant 96 : index
            %parallel_loop3A_238 = tpu.vector_load %arg15[%parallel_loop3A_236, %parallel_loop3A_237] {strides = array<i32>} : memref<128x256xf32, #tpu.memory_space<vmem>>, vector<16xf32>,
            %parallel_loop3A_239 = arith.mulf %parallel_loop3A_235, %parallel_loop3A_238 : vector<16xf32>
            %parallel_loop3A_240 = arith.addf %parallel_loop3A_208, %parallel_loop3A_239 : vector<16xf32>
            %parallel_loop3A_241 = arith.index_cast %parallel_loop3A_179 : i32 to index
            %parallel_loop3A_242 = arith.constant 112 : index
            %parallel_loop3A_243 = tpu.vector_load %arg9[%parallel_loop3A_241, %parallel_loop3A_242] {strides = array<i32>} : memref<64x256xf32, #tpu.memory_space<vmem>>, vector<16xf32>,
            %parallel_loop3A_244 = arith.index_cast %parallel_loop3A_168 : i32 to index
            %parallel_loop3A_245 = arith.constant 112 : index
            %parallel_loop3A_246 = tpu.vector_load %arg15[%parallel_loop3A_244, %parallel_loop3A_245] {strides = array<i32>} : memref<128x256xf32, #tpu.memory_space<vmem>>, vector<16xf32>,
            %parallel_loop3A_247 = arith.mulf %parallel_loop3A_243, %parallel_loop3A_246 : vector<16xf32>
            %parallel_loop3A_248 = arith.addf %parallel_loop3A_216, %parallel_loop3A_247 : vector<16xf32>
            %parallel_loop3A_249 = arith.index_cast %parallel_loop3A_179 : i32 to index
            %parallel_loop3A_250 = arith.constant 128 : index
            %parallel_loop3A_251 = tpu.vector_load %arg9[%parallel_loop3A_249, %parallel_loop3A_250] {strides = array<i32>} : memref<64x256xf32, #tpu.memory_space<vmem>>, vector<16xf32>,
            %parallel_loop3A_252 = arith.index_cast %parallel_loop3A_168 : i32 to index
            %parallel_loop3A_253 = arith.constant 128 : index
            %parallel_loop3A_254 = tpu.vector_load %arg15[%parallel_loop3A_252, %parallel_loop3A_253] {strides = array<i32>} : memref<128x256xf32, #tpu.memory_space<vmem>>, vector<16xf32>,
            %parallel_loop3A_255 = arith.mulf %parallel_loop3A_251, %parallel_loop3A_254 : vector<16xf32>
            %parallel_loop3A_256 = arith.addf %parallel_loop3A_224, %parallel_loop3A_255 : vector<16xf32>
            %parallel_loop3A_257 = arith.index_cast %parallel_loop3A_179 : i32 to index
            %parallel_loop3A_258 = arith.constant 144 : index
            %parallel_loop3A_259 = tpu.vector_load %arg9[%parallel_loop3A_257, %parallel_loop3A_258] {strides = array<i32>} : memref<64x256xf32, #tpu.memory_space<vmem>>, vector<16xf32>,
            %parallel_loop3A_260 = arith.index_cast %parallel_loop3A_168 : i32 to index
            %parallel_loop3A_261 = arith.constant 144 : index
            %parallel_loop3A_262 = tpu.vector_load %arg15[%parallel_loop3A_260, %parallel_loop3A_261] {strides = array<i32>} : memref<128x256xf32, #tpu.memory_space<vmem>>, vector<16xf32>,
            %parallel_loop3A_263 = arith.mulf %parallel_loop3A_259, %parallel_loop3A_262 : vector<16xf32>
            %parallel_loop3A_264 = arith.addf %parallel_loop3A_232, %parallel_loop3A_263 : vector<16xf32>
            %parallel_loop3A_265 = arith.index_cast %parallel_loop3A_179 : i32 to index
            %parallel_loop3A_266 = arith.constant 160 : index
            %parallel_loop3A_267 = tpu.vector_load %arg9[%parallel_loop3A_265, %parallel_loop3A_266] {strides = array<i32>} : memref<64x256xf32, #tpu.memory_space<vmem>>, vector<16xf32>,
            %parallel_loop3A_268 = arith.index_cast %parallel_loop3A_168 : i32 to index
            %parallel_loop3A_269 = arith.constant 160 : index
            %parallel_loop3A_270 = tpu.vector_load %arg15[%parallel_loop3A_268, %parallel_loop3A_269] {strides = array<i32>} : memref<128x256xf32, #tpu.memory_space<vmem>>, vector<16xf32>,
            %parallel_loop3A_271 = arith.mulf %parallel_loop3A_267, %parallel_loop3A_270 : vector<16xf32>
            %parallel_loop3A_272 = arith.addf %parallel_loop3A_240, %parallel_loop3A_271 : vector<16xf32>
            %parallel_loop3A_273 = arith.index_cast %parallel_loop3A_179 : i32 to index
            %parallel_loop3A_274 = arith.constant 176 : index
            %parallel_loop3A_275 = tpu.vector_load %arg9[%parallel_loop3A_273, %parallel_loop3A_274] {strides = array<i32>} : memref<64x256xf32, #tpu.memory_space<vmem>>, vector<16xf32>,
            %parallel_loop3A_276 = arith.index_cast %parallel_loop3A_168 : i32 to index
            %parallel_loop3A_277 = arith.constant 176 : index
            %parallel_loop3A_278 = tpu.vector_load %arg15[%parallel_loop3A_276, %parallel_loop3A_277] {strides = array<i32>} : memref<128x256xf32, #tpu.memory_space<vmem>>, vector<16xf32>,
            %parallel_loop3A_279 = arith.mulf %parallel_loop3A_275, %parallel_loop3A_278 : vector<16xf32>
            %parallel_loop3A_280 = arith.addf %parallel_loop3A_248, %parallel_loop3A_279 : vector<16xf32>
            %parallel_loop3A_281 = arith.index_cast %parallel_loop3A_179 : i32 to index
            %parallel_loop3A_282 = arith.constant 192 : index
            %parallel_loop3A_283 = tpu.vector_load %arg9[%parallel_loop3A_281, %parallel_loop3A_282] {strides = array<i32>} : memref<64x256xf32, #tpu.memory_space<vmem>>, vector<16xf32>,
            %parallel_loop3A_284 = arith.index_cast %parallel_loop3A_168 : i32 to index
            %parallel_loop3A_285 = arith.constant 192 : index
            %parallel_loop3A_286 = tpu.vector_load %arg15[%parallel_loop3A_284, %parallel_loop3A_285] {strides = array<i32>} : memref<128x256xf32, #tpu.memory_space<vmem>>, vector<16xf32>,
            %parallel_loop3A_287 = arith.mulf %parallel_loop3A_283, %parallel_loop3A_286 : vector<16xf32>
            %parallel_loop3A_288 = arith.addf %parallel_loop3A_256, %parallel_loop3A_287 : vector<16xf32>
            %parallel_loop3A_289 = arith.index_cast %parallel_loop3A_179 : i32 to index
            %parallel_loop3A_290 = arith.constant 208 : index
            %parallel_loop3A_291 = tpu.vector_load %arg9[%parallel_loop3A_289, %parallel_loop3A_290] {strides = array<i32>} : memref<64x256xf32, #tpu.memory_space<vmem>>, vector<16xf32>,
            %parallel_loop3A_292 = arith.index_cast %parallel_loop3A_168 : i32 to index
            %parallel_loop3A_293 = arith.constant 208 : index
            %parallel_loop3A_294 = tpu.vector_load %arg15[%parallel_loop3A_292, %parallel_loop3A_293] {strides = array<i32>} : memref<128x256xf32, #tpu.memory_space<vmem>>, vector<16xf32>,
            %parallel_loop3A_295 = arith.mulf %parallel_loop3A_291, %parallel_loop3A_294 : vector<16xf32>
            %parallel_loop3A_296 = arith.addf %parallel_loop3A_264, %parallel_loop3A_295 : vector<16xf32>
            %parallel_loop3A_297 = arith.index_cast %parallel_loop3A_179 : i32 to index
            %parallel_loop3A_298 = arith.constant 224 : index
            %parallel_loop3A_299 = tpu.vector_load %arg9[%parallel_loop3A_297, %parallel_loop3A_298] {strides = array<i32>} : memref<64x256xf32, #tpu.memory_space<vmem>>, vector<16xf32>,
            %parallel_loop3A_300 = arith.index_cast %parallel_loop3A_168 : i32 to index
            %parallel_loop3A_301 = arith.constant 224 : index
            %parallel_loop3A_302 = tpu.vector_load %arg15[%parallel_loop3A_300, %parallel_loop3A_301] {strides = array<i32>} : memref<128x256xf32, #tpu.memory_space<vmem>>, vector<16xf32>,
            %parallel_loop3A_303 = arith.mulf %parallel_loop3A_299, %parallel_loop3A_302 : vector<16xf32>
            %parallel_loop3A_304 = arith.addf %parallel_loop3A_272, %parallel_loop3A_303 : vector<16xf32>
            %parallel_loop3A_305 = arith.index_cast %parallel_loop3A_179 : i32 to index
            %parallel_loop3A_306 = arith.constant 240 : index
            %parallel_loop3A_307 = tpu.vector_load %arg9[%parallel_loop3A_305, %parallel_loop3A_306] {strides = array<i32>} : memref<64x256xf32, #tpu.memory_space<vmem>>, vector<16xf32>,
            %parallel_loop3A_308 = arith.index_cast %parallel_loop3A_168 : i32 to index
            %parallel_loop3A_309 = arith.constant 240 : index
            %parallel_loop3A_310 = tpu.vector_load %arg15[%parallel_loop3A_308, %parallel_loop3A_309] {strides = array<i32>} : memref<128x256xf32, #tpu.memory_space<vmem>>, vector<16xf32>,
            %parallel_loop3A_311 = arith.mulf %parallel_loop3A_307, %parallel_loop3A_310 : vector<16xf32>
            %parallel_loop3A_312 = arith.addf %parallel_loop3A_280, %parallel_loop3A_311 : vector<16xf32>
            %parallel_loop3A_313 = arith.addf %parallel_loop3A_288, %parallel_loop3A_296 : vector<16xf32>
            %parallel_loop3A_314 = arith.addf %parallel_loop3A_304, %parallel_loop3A_312 : vector<16xf32>
            %parallel_loop3A_315 = arith.addf %parallel_loop3A_313, %parallel_loop3A_314 : vector<16xf32>
            %parallel_loop3A_316 = arith.constant true
            %parallel_loop3A_317 = vector.broadcast %parallel_loop3A_316 : i1 to vector<16xi1>
            %parallel_loop3A_318 = tpu.scan <sum>, %parallel_loop3A_315 masked %parallel_loop3A_317 : vector<16xf32>, vector<16xi1> -> vector<16xf32>
            %parallel_loop3A_319 = arith.constant 15 : i32
            %parallel_loop3A_320 = vector.broadcast %parallel_loop3A_319 : i32 to vector<16xi32>
            %parallel_loop3A_321 = arith.constant 0 : i32
            %parallel_loop3A_322 = vector.broadcast %parallel_loop3A_321 : i32 to vector<16xi32>
            %parallel_loop3A_323 = arith.cmpi slt, %parallel_loop3A_320, %parallel_loop3A_322 : vector<16xi32>
            %parallel_loop3A_324 = arith.constant 16 : i32
            %parallel_loop3A_325 = vector.broadcast %parallel_loop3A_324 : i32 to vector<16xi32>
            %parallel_loop3A_326 = arith.addi %parallel_loop3A_320, %parallel_loop3A_325 : vector<16xi32>
            %parallel_loop3A_327 = arith.select %parallel_loop3A_323, %parallel_loop3A_326, %parallel_loop3A_320 : vector<16xi1>, vector<16xi32>
            %parallel_loop3A_328 = vector.shape_cast %parallel_loop3A_327 : vector<16xi32> to vector<16x1xi32>
            %parallel_loop3A_329 = vector.shape_cast %parallel_loop3A_328 : vector<16x1xi32> to vector<16xi32>
            %parallel_loop3A_330 = tpu.dynamic_gather %parallel_loop3A_318[%parallel_loop3A_329] in [0] : vector<16xf32>, vector<16xi32> -> vector<16xf32>
            %parallel_loop3A_331 = math.exp %parallel_loop3A_330 : vector<16xf32>
            %parallel_loop3A_332 = arith.constant 256 : i32
            %parallel_loop3A_333 = arith.muli %parallel_loop3A_182, %parallel_loop3A_332 : i32
            %parallel_loop3A_334 = arith.constant 0 : i32
            %parallel_loop3A_335 = arith.addi %parallel_loop3A_333, %parallel_loop3A_334 : i32
            %parallel_loop3A_336 = arith.mulf %parallel_loop3A_331, %parallel_loop3A_190 : vector<16xf32>
            %parallel_loop3A_337 = arith.index_cast %parallel_loop3A_335 : i32 to index
            %parallel_loop3A_338 = tpu.vector_load %arg8[%parallel_loop3A_337] {strides = array<i32>} : memref<16640xf32, #tpu.memory_space<vmem>>, vector<16xf32>,
            tpu.vector_store %arg8[%parallel_loop3A_337], %parallel_loop3A_336 {add = true, strides = array<i32>} : memref<16640xf32, #tpu.memory_space<vmem>>, vector<16xf32>,
            %parallel_loop3A_339 = arith.constant 16 : i32
            %parallel_loop3A_340 = arith.addi %parallel_loop3A_333, %parallel_loop3A_339 : i32
            %parallel_loop3A_341 = arith.mulf %parallel_loop3A_331, %parallel_loop3A_198 : vector<16xf32>
            %parallel_loop3A_342 = arith.index_cast %parallel_loop3A_340 : i32 to index
            %parallel_loop3A_343 = tpu.vector_load %arg8[%parallel_loop3A_342] {strides = array<i32>} : memref<16640xf32, #tpu.memory_space<vmem>>, vector<16xf32>,
            tpu.vector_store %arg8[%parallel_loop3A_342], %parallel_loop3A_341 {add = true, strides = array<i32>} : memref<16640xf32, #tpu.memory_space<vmem>>, vector<16xf32>,
            %parallel_loop3A_344 = arith.constant 32 : i32
            %parallel_loop3A_345 = arith.addi %parallel_loop3A_333, %parallel_loop3A_344 : i32
            %parallel_loop3A_346 = arith.mulf %parallel_loop3A_331, %parallel_loop3A_206 : vector<16xf32>
            %parallel_loop3A_347 = arith.index_cast %parallel_loop3A_345 : i32 to index
            %parallel_loop3A_348 = tpu.vector_load %arg8[%parallel_loop3A_347] {strides = array<i32>} : memref<16640xf32, #tpu.memory_space<vmem>>, vector<16xf32>,
            tpu.vector_store %arg8[%parallel_loop3A_347], %parallel_loop3A_346 {add = true, strides = array<i32>} : memref<16640xf32, #tpu.memory_space<vmem>>, vector<16xf32>,
            %parallel_loop3A_349 = arith.constant 48 : i32
            %parallel_loop3A_350 = arith.addi %parallel_loop3A_333, %parallel_loop3A_349 : i32
            %parallel_loop3A_351 = arith.mulf %parallel_loop3A_331, %parallel_loop3A_214 : vector<16xf32>
            %parallel_loop3A_352 = arith.index_cast %parallel_loop3A_350 : i32 to index
            %parallel_loop3A_353 = tpu.vector_load %arg8[%parallel_loop3A_352] {strides = array<i32>} : memref<16640xf32, #tpu.memory_space<vmem>>, vector<16xf32>,
            tpu.vector_store %arg8[%parallel_loop3A_352], %parallel_loop3A_351 {add = true, strides = array<i32>} : memref<16640xf32, #tpu.memory_space<vmem>>, vector<16xf32>,
            %parallel_loop3A_354 = arith.constant 64 : i32
            %parallel_loop3A_355 = arith.addi %parallel_loop3A_333, %parallel_loop3A_354 : i32
            %parallel_loop3A_356 = arith.mulf %parallel_loop3A_331, %parallel_loop3A_222 : vector<16xf32>
            %parallel_loop3A_357 = arith.index_cast %parallel_loop3A_355 : i32 to index
            %parallel_loop3A_358 = tpu.vector_load %arg8[%parallel_loop3A_357] {strides = array<i32>} : memref<16640xf32, #tpu.memory_space<vmem>>, vector<16xf32>,
            tpu.vector_store %arg8[%parallel_loop3A_357], %parallel_loop3A_356 {add = true, strides = array<i32>} : memref<16640xf32, #tpu.memory_space<vmem>>, vector<16xf32>,
            %parallel_loop3A_359 = arith.constant 80 : i32
            %parallel_loop3A_360 = arith.addi %parallel_loop3A_333, %parallel_loop3A_359 : i32
            %parallel_loop3A_361 = arith.mulf %parallel_loop3A_331, %parallel_loop3A_230 : vector<16xf32>
            %parallel_loop3A_362 = arith.index_cast %parallel_loop3A_360 : i32 to index
            %parallel_loop3A_363 = tpu.vector_load %arg8[%parallel_loop3A_362] {strides = array<i32>} : memref<16640xf32, #tpu.memory_space<vmem>>, vector<16xf32>,
            tpu.vector_store %arg8[%parallel_loop3A_362], %parallel_loop3A_361 {add = true, strides = array<i32>} : memref<16640xf32, #tpu.memory_space<vmem>>, vector<16xf32>,
            %parallel_loop3A_364 = arith.constant 96 : i32
            %parallel_loop3A_365 = arith.addi %parallel_loop3A_333, %parallel_loop3A_364 : i32
            %parallel_loop3A_366 = arith.mulf %parallel_loop3A_331, %parallel_loop3A_238 : vector<16xf32>
            %parallel_loop3A_367 = arith.index_cast %parallel_loop3A_365 : i32 to index
            %parallel_loop3A_368 = tpu.vector_load %arg8[%parallel_loop3A_367] {strides = array<i32>} : memref<16640xf32, #tpu.memory_space<vmem>>, vector<16xf32>,
            tpu.vector_store %arg8[%parallel_loop3A_367], %parallel_loop3A_366 {add = true, strides = array<i32>} : memref<16640xf32, #tpu.memory_space<vmem>>, vector<16xf32>,
            %parallel_loop3A_369 = arith.constant 112 : i32
            %parallel_loop3A_370 = arith.addi %parallel_loop3A_333, %parallel_loop3A_369 : i32
            %parallel_loop3A_371 = arith.mulf %parallel_loop3A_331, %parallel_loop3A_246 : vector<16xf32>
            %parallel_loop3A_372 = arith.index_cast %parallel_loop3A_370 : i32 to index
            %parallel_loop3A_373 = tpu.vector_load %arg8[%parallel_loop3A_372] {strides = array<i32>} : memref<16640xf32, #tpu.memory_space<vmem>>, vector<16xf32>,
            tpu.vector_store %arg8[%parallel_loop3A_372], %parallel_loop3A_371 {add = true, strides = array<i32>} : memref<16640xf32, #tpu.memory_space<vmem>>, vector<16xf32>,
            %parallel_loop3A_374 = arith.constant 128 : i32
            %parallel_loop3A_375 = arith.addi %parallel_loop3A_333, %parallel_loop3A_374 : i32
            %parallel_loop3A_376 = arith.mulf %parallel_loop3A_331, %parallel_loop3A_254 : vector<16xf32>
            %parallel_loop3A_377 = arith.index_cast %parallel_loop3A_375 : i32 to index
            %parallel_loop3A_378 = tpu.vector_load %arg8[%parallel_loop3A_377] {strides = array<i32>} : memref<16640xf32, #tpu.memory_space<vmem>>, vector<16xf32>,
            tpu.vector_store %arg8[%parallel_loop3A_377], %parallel_loop3A_376 {add = true, strides = array<i32>} : memref<16640xf32, #tpu.memory_space<vmem>>, vector<16xf32>,
            %parallel_loop3A_379 = arith.constant 144 : i32
            %parallel_loop3A_380 = arith.addi %parallel_loop3A_333, %parallel_loop3A_379 : i32
            %parallel_loop3A_381 = arith.mulf %parallel_loop3A_331, %parallel_loop3A_262 : vector<16xf32>
            %parallel_loop3A_382 = arith.index_cast %parallel_loop3A_380 : i32 to index
            %parallel_loop3A_383 = tpu.vector_load %arg8[%parallel_loop3A_382] {strides = array<i32>} : memref<16640xf32, #tpu.memory_space<vmem>>, vector<16xf32>,
            tpu.vector_store %arg8[%parallel_loop3A_382], %parallel_loop3A_381 {add = true, strides = array<i32>} : memref<16640xf32, #tpu.memory_space<vmem>>, vector<16xf32>,
            %parallel_loop3A_384 = arith.constant 160 : i32
            %parallel_loop3A_385 = arith.addi %parallel_loop3A_333, %parallel_loop3A_384 : i32
            %parallel_loop3A_386 = arith.mulf %parallel_loop3A_331, %parallel_loop3A_270 : vector<16xf32>
            %parallel_loop3A_387 = arith.index_cast %parallel_loop3A_385 : i32 to index
            %parallel_loop3A_388 = tpu.vector_load %arg8[%parallel_loop3A_387] {strides = array<i32>} : memref<16640xf32, #tpu.memory_space<vmem>>, vector<16xf32>,
            tpu.vector_store %arg8[%parallel_loop3A_387], %parallel_loop3A_386 {add = true, strides = array<i32>} : memref<16640xf32, #tpu.memory_space<vmem>>, vector<16xf32>,
            %parallel_loop3A_389 = arith.constant 176 : i32
            %parallel_loop3A_390 = arith.addi %parallel_loop3A_333, %parallel_loop3A_389 : i32
            %parallel_loop3A_391 = arith.mulf %parallel_loop3A_331, %parallel_loop3A_278 : vector<16xf32>
            %parallel_loop3A_392 = arith.index_cast %parallel_loop3A_390 : i32 to index
            %parallel_loop3A_393 = tpu.vector_load %arg8[%parallel_loop3A_392] {strides = array<i32>} : memref<16640xf32, #tpu.memory_space<vmem>>, vector<16xf32>,
            tpu.vector_store %arg8[%parallel_loop3A_392], %parallel_loop3A_391 {add = true, strides = array<i32>} : memref<16640xf32, #tpu.memory_space<vmem>>, vector<16xf32>,
            %parallel_loop3A_394 = arith.constant 192 : i32
            %parallel_loop3A_395 = arith.addi %parallel_loop3A_333, %parallel_loop3A_394 : i32
            %parallel_loop3A_396 = arith.mulf %parallel_loop3A_331, %parallel_loop3A_286 : vector<16xf32>
            %parallel_loop3A_397 = arith.index_cast %parallel_loop3A_395 : i32 to index
            %parallel_loop3A_398 = tpu.vector_load %arg8[%parallel_loop3A_397] {strides = array<i32>} : memref<16640xf32, #tpu.memory_space<vmem>>, vector<16xf32>,
            tpu.vector_store %arg8[%parallel_loop3A_397], %parallel_loop3A_396 {add = true, strides = array<i32>} : memref<16640xf32, #tpu.memory_space<vmem>>, vector<16xf32>,
            %parallel_loop3A_399 = arith.constant 208 : i32
            %parallel_loop3A_400 = arith.addi %parallel_loop3A_333, %parallel_loop3A_399 : i32
            %parallel_loop3A_401 = arith.mulf %parallel_loop3A_331, %parallel_loop3A_294 : vector<16xf32>
            %parallel_loop3A_402 = arith.index_cast %parallel_loop3A_400 : i32 to index
            %parallel_loop3A_403 = tpu.vector_load %arg8[%parallel_loop3A_402] {strides = array<i32>} : memref<16640xf32, #tpu.memory_space<vmem>>, vector<16xf32>,
            tpu.vector_store %arg8[%parallel_loop3A_402], %parallel_loop3A_401 {add = true, strides = array<i32>} : memref<16640xf32, #tpu.memory_space<vmem>>, vector<16xf32>,
            %parallel_loop3A_404 = arith.constant 224 : i32
            %parallel_loop3A_405 = arith.addi %parallel_loop3A_333, %parallel_loop3A_404 : i32
            %parallel_loop3A_406 = arith.mulf %parallel_loop3A_331, %parallel_loop3A_302 : vector<16xf32>
            %parallel_loop3A_407 = arith.index_cast %parallel_loop3A_405 : i32 to index
            %parallel_loop3A_408 = tpu.vector_load %arg8[%parallel_loop3A_407] {strides = array<i32>} : memref<16640xf32, #tpu.memory_space<vmem>>, vector<16xf32>,
            tpu.vector_store %arg8[%parallel_loop3A_407], %parallel_loop3A_406 {add = true, strides = array<i32>} : memref<16640xf32, #tpu.memory_space<vmem>>, vector<16xf32>,
            %parallel_loop3A_409 = arith.constant 240 : i32
            %parallel_loop3A_410 = arith.addi %parallel_loop3A_333, %parallel_loop3A_409 : i32
            %parallel_loop3A_411 = arith.mulf %parallel_loop3A_331, %parallel_loop3A_310 : vector<16xf32>
            %parallel_loop3A_412 = arith.index_cast %parallel_loop3A_410 : i32 to index
            %parallel_loop3A_413 = tpu.vector_load %arg8[%parallel_loop3A_412] {strides = array<i32>} : memref<16640xf32, #tpu.memory_space<vmem>>, vector<16xf32>,
            tpu.vector_store %arg8[%parallel_loop3A_412], %parallel_loop3A_411 {add = true, strides = array<i32>} : memref<16640xf32, #tpu.memory_space<vmem>>, vector<16xf32>,
            %parallel_loop3A_414 = arith.constant 16 : i32
            %parallel_loop3A_415 = arith.muli %parallel_loop3A_182, %parallel_loop3A_414 : i32
            %parallel_loop3A_416 = arith.index_cast %parallel_loop3A_415 : i32 to index
            %parallel_loop3A_417 = tpu.vector_load %arg10[%parallel_loop3A_416] {strides = array<i32>} : memref<1040xf32, #tpu.memory_space<vmem>>, vector<16xf32>,
            tpu.vector_store %arg10[%parallel_loop3A_416], %parallel_loop3A_331 {add = true, strides = array<i32>} : memref<1040xf32, #tpu.memory_space<vmem>>, vector<16xf32>,
          } {sc.loop_unroll_factor = 2 : i64, sc.parallel_access}
        } else {
        }
        %mul3A_146 = arith.constant 2 : i32
        %mul3A_147 = arith.muli %mul3A_146, %add3A_138 : i32
        %add3A_148 = arith.constant 1 : i32
        %add3A_149 = arith.addi %mul3A_147, %add3A_148 : i32
        %lt3A_150 = arith.cmpi slt, %add3A_149, %select_n3A_82 : i32
        %convert_element_type3A_151 = arith.extui %lt3A_150 : i1 to i32
        %cond3A_152 = arith.constant 0 : i32
        %cond3A_153 = arith.cmpi ne, %convert_element_type3A_151, %cond3A_152 : i32
        scf.if %cond3A_153 {
          %add3A_154 = arith.constant 1 : i32
          %add3A_155 = arith.addi %add3A_149, %add3A_154 : i32
          %lt3A_156 = arith.cmpi slt, %add3A_155, %select_n3A_82 : i32
          %convert_element_type3A_157 = arith.extui %lt3A_156 : i1 to i32
          %cond3A_158 = arith.constant 0 : i32
          %cond3A_159 = arith.cmpi ne, %convert_element_type3A_157, %cond3A_158 : i32
          scf.if %cond3A_159 {
            %add3A_168 = arith.constant 1 : i32
            %add3A_169 = arith.addi %add3A_149, %add3A_168 : i32
            %mul3A_170 = arith.constant 128 : i32
            %mul3A_171 = arith.muli %add3A_169, %mul3A_170 : i32
            %add3A_172 = arith.addi %mul3A_53, %mul3A_171 : i32
            "tpu.region"() ({
              %run_scoped3A = tpu.sem_alloc : memref<!tpu.dma_semaphore, #tpu.memory_space<semaphore_mem>>
              %dma_start3A_176 = arith.constant 0 : i32
              %dma_start3A_177 = tpu.memref_slice %arg11[%dma_start3A_176] : memref<144xi32, #tpu.memory_space<vmem>> -> memref<128xi32, #tpu.memory_space<vmem>>
              %dma_start3A_178 = tpu.memref_slice %arg3[%add3A_172] : memref<160128xi32, #tpu.memory_space<hbm>> -> memref<128xi32, #tpu.memory_space<hbm>>
              %dma_start3A_179 = arith.constant 0 : i32
              %dma_start3A_180 = tpu.memref_slice %arg11[%dma_start3A_179] : memref<144xi32, #tpu.memory_space<vmem>> -> memref<128xi32, #tpu.memory_space<vmem>>
              %dma_start3A_181 = tpu.memref_slice %arg3[%add3A_172] : memref<160128xi32, #tpu.memory_space<hbm>> -> memref<128xi32, #tpu.memory_space<hbm>>
              tpu.enqueue_dma source(%dma_start3A_181 : memref<128xi32, #tpu.memory_space<hbm>>) target(%dma_start3A_180 : memref<128xi32, #tpu.memory_space<vmem>>) target_semaphore(%run_scoped3A : memref<!tpu.dma_semaphore, #tpu.memory_space<semaphore_mem>>)
              %dma_wait3A_182 = arith.constant 0 : i32
              %dma_wait3A_183 = tpu.memref_slice %arg11[%dma_wait3A_182] : memref<144xi32, #tpu.memory_space<vmem>> -> memref<128xi32, #tpu.memory_space<vmem>>
              %dma_wait3A_184 = tpu.memref_slice %arg3[%add3A_172] : memref<160128xi32, #tpu.memory_space<hbm>> -> memref<128xi32, #tpu.memory_space<hbm>>
              %dma_wait3A_185 = arith.constant 0 : i32
              %dma_wait3A_186 = tpu.memref_slice %arg11[%dma_wait3A_185] : memref<144xi32, #tpu.memory_space<vmem>> -> memref<128xi32, #tpu.memory_space<vmem>>
              %dma_wait3A_187 = tpu.memref_slice %arg3[%add3A_172] : memref<160128xi32, #tpu.memory_space<hbm>> -> memref<128xi32, #tpu.memory_space<hbm>>
              tpu.wait_dma2 semaphore(%run_scoped3A : memref<!tpu.dma_semaphore, #tpu.memory_space<semaphore_mem>>) src(%dma_wait3A_187 : memref<128xi32, #tpu.memory_space<hbm>>) dst(%dma_wait3A_186 : memref<128xi32, #tpu.memory_space<vmem>>)
              tpu.yield
            }) : () -> ()
            "tpu.region"() ({
              %run_scoped3A = tpu.sem_alloc : memref<!tpu.dma_semaphore, #tpu.memory_space<semaphore_mem>>
              %dma_start3A_176 = tpu.memref_slice %arg4[%add3A_172] : memref<160128xi32, #tpu.memory_space<hbm>> -> memref<128xi32, #tpu.memory_space<hbm>>
              %dma_start3A_177 = tpu.memref_slice %arg4[%add3A_172] : memref<160128xi32, #tpu.memory_space<hbm>> -> memref<128xi32, #tpu.memory_space<hbm>>
              tpu.enqueue_dma source(%dma_start3A_177 : memref<128xi32, #tpu.memory_space<hbm>>) target(%arg13 : memref<128xi32, #tpu.memory_space<vmem>>) target_semaphore(%run_scoped3A : memref<!tpu.dma_semaphore, #tpu.memory_space<semaphore_mem>>)
              %dma_wait3A_178 = tpu.memref_slice %arg4[%add3A_172] : memref<160128xi32, #tpu.memory_space<hbm>> -> memref<128xi32, #tpu.memory_space<hbm>>
              %dma_wait3A_179 = tpu.memref_slice %arg4[%add3A_172] : memref<160128xi32, #tpu.memory_space<hbm>> -> memref<128xi32, #tpu.memory_space<hbm>>
              tpu.wait_dma2 semaphore(%run_scoped3A : memref<!tpu.dma_semaphore, #tpu.memory_space<semaphore_mem>>) src(%dma_wait3A_179 : memref<128xi32, #tpu.memory_space<hbm>>) dst(%arg13 : memref<128xi32, #tpu.memory_space<vmem>>)
              tpu.yield
            }) : () -> ()
            %dma_start3A_173 = arith.constant 0 : i32
            %dma_start3A_174 = arith.constant 0 : i32
            %dma_start3A_175 = tpu.memref_slice %arg2[%dma_start3A_173, %dma_start3A_174] : memref<10000x256xf32, #tpu.memory_space<hbm>> -> memref<10000x256xf32, #tpu.memory_space<hbm>>
            tpu.enqueue_indirect_dma source(%dma_start3A_175 : memref<10000x256xf32, #tpu.memory_space<hbm>>) target(%arg15 : memref<128x256xf32, #tpu.memory_space<vmem>>) offsets(%arg13 : memref<128xi32, #tpu.memory_space<vmem>>) semaphore(%arg19 : memref<!tpu.dma_semaphore, #tpu.memory_space<semaphore_mem>>)
          } else {
          }
          %dma_wait3A_160 = arith.constant 0 : i32
          %dma_wait3A_161 = arith.constant 0 : i32
          %dma_wait3A_162 = tpu.memref_slice %arg2[%dma_wait3A_160, %dma_wait3A_161] : memref<10000x256xf32, #tpu.memory_space<hbm>> -> memref<10000x256xf32, #tpu.memory_space<hbm>>
          tpu.wait_indirect_dma semaphore(%arg20 : memref<!tpu.dma_semaphore, #tpu.memory_space<semaphore_mem>>) src(%dma_wait3A_162 : memref<10000x256xf32, #tpu.memory_space<hbm>>) dst(%arg16 : memref<128x256xf32, #tpu.memory_space<vmem>>)
          %mul3A_163 = arith.constant 128 : i32
          %mul3A_164 = arith.muli %add3A_149, %mul3A_163 : i32
          %add3A_165 = arith.addi %mul3A_53, %mul3A_164 : i32
          %parallel_loop3A = arith.constant 0 : i32
          %parallel_loop3A_166 = arith.constant 128 : i32
          %parallel_loop3A_167 = arith.constant 1 : i32
          scf.for %parallel_loop3A_168 = %parallel_loop3A to %parallel_loop3A_166 step %parallel_loop3A_167  : i32 {
            %parallel_loop3A_169 = arith.addi %add3A_165, %parallel_loop3A_168 : i32
            %parallel_loop3A_170 = arith.index_cast %parallel_loop3A_168 : i32 to index
            %parallel_loop3A_171 = tpu.vector_load %arg12[%parallel_loop3A_170] {strides = array<i32>} : memref<144xi32, #tpu.memory_space<vmem>>, vector<16xi32>,
            %parallel_loop3A_172 = vector.extract_strided_slice %parallel_loop3A_171 {offsets = [0], sizes = [1], strides = [1]} : vector<16xi32> to vector<1xi32>
            %parallel_loop3A_173 = vector.extract %parallel_loop3A_172[0] : i32 from vector<1xi32>
            %parallel_loop3A_174 = arith.cmpi sge, %parallel_loop3A_169, %squeeze3A : i32
            %parallel_loop3A_175 = arith.cmpi slt, %parallel_loop3A_169, %squeeze3A_23 : i32
            %parallel_loop3A_176 = arith.andi %parallel_loop3A_174, %parallel_loop3A_175 : i1
            %parallel_loop3A_177 = arith.subi %parallel_loop3A_173, %min3A_16 : i32
            %parallel_loop3A_178 = arith.constant 0 : i32
            %parallel_loop3A_179 = arith.select %parallel_loop3A_176, %parallel_loop3A_177, %parallel_loop3A_178 : i32
            %parallel_loop3A_180 = arith.subi %parallel_loop3A_173, %mul3A_15 : i32
            %parallel_loop3A_181 = arith.constant 64 : i32
            %parallel_loop3A_182 = arith.select %parallel_loop3A_176, %parallel_loop3A_180, %parallel_loop3A_181 : i32
            %parallel_loop3A_183 = arith.constant 0.000000e+00 : f32
            %parallel_loop3A_184 = vector.broadcast %parallel_loop3A_183 : f32 to vector<16xf32>
            %parallel_loop3A_185 = arith.index_cast %parallel_loop3A_179 : i32 to index
            %parallel_loop3A_186 = arith.constant 0 : index
            %parallel_loop3A_187 = tpu.vector_load %arg9[%parallel_loop3A_185, %parallel_loop3A_186] {strides = array<i32>} : memref<64x256xf32, #tpu.memory_space<vmem>>, vector<16xf32>,
            %parallel_loop3A_188 = arith.index_cast %parallel_loop3A_168 : i32 to index
            %parallel_loop3A_189 = arith.constant 0 : index
            %parallel_loop3A_190 = tpu.vector_load %arg16[%parallel_loop3A_188, %parallel_loop3A_189] {strides = array<i32>} : memref<128x256xf32, #tpu.memory_space<vmem>>, vector<16xf32>,
            %parallel_loop3A_191 = arith.mulf %parallel_loop3A_187, %parallel_loop3A_190 : vector<16xf32>
            %parallel_loop3A_192 = arith.addf %parallel_loop3A_184, %parallel_loop3A_191 : vector<16xf32>
            %parallel_loop3A_193 = arith.index_cast %parallel_loop3A_179 : i32 to index
            %parallel_loop3A_194 = arith.constant 16 : index
            %parallel_loop3A_195 = tpu.vector_load %arg9[%parallel_loop3A_193, %parallel_loop3A_194] {strides = array<i32>} : memref<64x256xf32, #tpu.memory_space<vmem>>, vector<16xf32>,
            %parallel_loop3A_196 = arith.index_cast %parallel_loop3A_168 : i32 to index
            %parallel_loop3A_197 = arith.constant 16 : index
            %parallel_loop3A_198 = tpu.vector_load %arg16[%parallel_loop3A_196, %parallel_loop3A_197] {strides = array<i32>} : memref<128x256xf32, #tpu.memory_space<vmem>>, vector<16xf32>,
            %parallel_loop3A_199 = arith.mulf %parallel_loop3A_195, %parallel_loop3A_198 : vector<16xf32>
            %parallel_loop3A_200 = arith.addf %parallel_loop3A_184, %parallel_loop3A_199 : vector<16xf32>
            %parallel_loop3A_201 = arith.index_cast %parallel_loop3A_179 : i32 to index
            %parallel_loop3A_202 = arith.constant 32 : index
            %parallel_loop3A_203 = tpu.vector_load %arg9[%parallel_loop3A_201, %parallel_loop3A_202] {strides = array<i32>} : memref<64x256xf32, #tpu.memory_space<vmem>>, vector<16xf32>,
            %parallel_loop3A_204 = arith.index_cast %parallel_loop3A_168 : i32 to index
            %parallel_loop3A_205 = arith.constant 32 : index
            %parallel_loop3A_206 = tpu.vector_load %arg16[%parallel_loop3A_204, %parallel_loop3A_205] {strides = array<i32>} : memref<128x256xf32, #tpu.memory_space<vmem>>, vector<16xf32>,
            %parallel_loop3A_207 = arith.mulf %parallel_loop3A_203, %parallel_loop3A_206 : vector<16xf32>
            %parallel_loop3A_208 = arith.addf %parallel_loop3A_184, %parallel_loop3A_207 : vector<16xf32>
            %parallel_loop3A_209 = arith.index_cast %parallel_loop3A_179 : i32 to index
            %parallel_loop3A_210 = arith.constant 48 : index
            %parallel_loop3A_211 = tpu.vector_load %arg9[%parallel_loop3A_209, %parallel_loop3A_210] {strides = array<i32>} : memref<64x256xf32, #tpu.memory_space<vmem>>, vector<16xf32>,
            %parallel_loop3A_212 = arith.index_cast %parallel_loop3A_168 : i32 to index
            %parallel_loop3A_213 = arith.constant 48 : index
            %parallel_loop3A_214 = tpu.vector_load %arg16[%parallel_loop3A_212, %parallel_loop3A_213] {strides = array<i32>} : memref<128x256xf32, #tpu.memory_space<vmem>>, vector<16xf32>,
            %parallel_loop3A_215 = arith.mulf %parallel_loop3A_211, %parallel_loop3A_214 : vector<16xf32>
            %parallel_loop3A_216 = arith.addf %parallel_loop3A_184, %parallel_loop3A_215 : vector<16xf32>
            %parallel_loop3A_217 = arith.index_cast %parallel_loop3A_179 : i32 to index
            %parallel_loop3A_218 = arith.constant 64 : index
            %parallel_loop3A_219 = tpu.vector_load %arg9[%parallel_loop3A_217, %parallel_loop3A_218] {strides = array<i32>} : memref<64x256xf32, #tpu.memory_space<vmem>>, vector<16xf32>,
            %parallel_loop3A_220 = arith.index_cast %parallel_loop3A_168 : i32 to index
            %parallel_loop3A_221 = arith.constant 64 : index
            %parallel_loop3A_222 = tpu.vector_load %arg16[%parallel_loop3A_220, %parallel_loop3A_221] {strides = array<i32>} : memref<128x256xf32, #tpu.memory_space<vmem>>, vector<16xf32>,
            %parallel_loop3A_223 = arith.mulf %parallel_loop3A_219, %parallel_loop3A_222 : vector<16xf32>
            %parallel_loop3A_224 = arith.addf %parallel_loop3A_192, %parallel_loop3A_223 : vector<16xf32>
            %parallel_loop3A_225 = arith.index_cast %parallel_loop3A_179 : i32 to index
            %parallel_loop3A_226 = arith.constant 80 : index
            %parallel_loop3A_227 = tpu.vector_load %arg9[%parallel_loop3A_225, %parallel_loop3A_226] {strides = array<i32>} : memref<64x256xf32, #tpu.memory_space<vmem>>, vector<16xf32>,
            %parallel_loop3A_228 = arith.index_cast %parallel_loop3A_168 : i32 to index
            %parallel_loop3A_229 = arith.constant 80 : index
            %parallel_loop3A_230 = tpu.vector_load %arg16[%parallel_loop3A_228, %parallel_loop3A_229] {strides = array<i32>} : memref<128x256xf32, #tpu.memory_space<vmem>>, vector<16xf32>,
            %parallel_loop3A_231 = arith.mulf %parallel_loop3A_227, %parallel_loop3A_230 : vector<16xf32>
            %parallel_loop3A_232 = arith.addf %parallel_loop3A_200, %parallel_loop3A_231 : vector<16xf32>
            %parallel_loop3A_233 = arith.index_cast %parallel_loop3A_179 : i32 to index
            %parallel_loop3A_234 = arith.constant 96 : index
            %parallel_loop3A_235 = tpu.vector_load %arg9[%parallel_loop3A_233, %parallel_loop3A_234] {strides = array<i32>} : memref<64x256xf32, #tpu.memory_space<vmem>>, vector<16xf32>,
            %parallel_loop3A_236 = arith.index_cast %parallel_loop3A_168 : i32 to index
            %parallel_loop3A_237 = arith.constant 96 : index
            %parallel_loop3A_238 = tpu.vector_load %arg16[%parallel_loop3A_236, %parallel_loop3A_237] {strides = array<i32>} : memref<128x256xf32, #tpu.memory_space<vmem>>, vector<16xf32>,
            %parallel_loop3A_239 = arith.mulf %parallel_loop3A_235, %parallel_loop3A_238 : vector<16xf32>
            %parallel_loop3A_240 = arith.addf %parallel_loop3A_208, %parallel_loop3A_239 : vector<16xf32>
            %parallel_loop3A_241 = arith.index_cast %parallel_loop3A_179 : i32 to index
            %parallel_loop3A_242 = arith.constant 112 : index
            %parallel_loop3A_243 = tpu.vector_load %arg9[%parallel_loop3A_241, %parallel_loop3A_242] {strides = array<i32>} : memref<64x256xf32, #tpu.memory_space<vmem>>, vector<16xf32>,
            %parallel_loop3A_244 = arith.index_cast %parallel_loop3A_168 : i32 to index
            %parallel_loop3A_245 = arith.constant 112 : index
            %parallel_loop3A_246 = tpu.vector_load %arg16[%parallel_loop3A_244, %parallel_loop3A_245] {strides = array<i32>} : memref<128x256xf32, #tpu.memory_space<vmem>>, vector<16xf32>,
            %parallel_loop3A_247 = arith.mulf %parallel_loop3A_243, %parallel_loop3A_246 : vector<16xf32>
            %parallel_loop3A_248 = arith.addf %parallel_loop3A_216, %parallel_loop3A_247 : vector<16xf32>
            %parallel_loop3A_249 = arith.index_cast %parallel_loop3A_179 : i32 to index
            %parallel_loop3A_250 = arith.constant 128 : index
            %parallel_loop3A_251 = tpu.vector_load %arg9[%parallel_loop3A_249, %parallel_loop3A_250] {strides = array<i32>} : memref<64x256xf32, #tpu.memory_space<vmem>>, vector<16xf32>,
            %parallel_loop3A_252 = arith.index_cast %parallel_loop3A_168 : i32 to index
            %parallel_loop3A_253 = arith.constant 128 : index
            %parallel_loop3A_254 = tpu.vector_load %arg16[%parallel_loop3A_252, %parallel_loop3A_253] {strides = array<i32>} : memref<128x256xf32, #tpu.memory_space<vmem>>, vector<16xf32>,
            %parallel_loop3A_255 = arith.mulf %parallel_loop3A_251, %parallel_loop3A_254 : vector<16xf32>
            %parallel_loop3A_256 = arith.addf %parallel_loop3A_224, %parallel_loop3A_255 : vector<16xf32>
            %parallel_loop3A_257 = arith.index_cast %parallel_loop3A_179 : i32 to index
            %parallel_loop3A_258 = arith.constant 144 : index
            %parallel_loop3A_259 = tpu.vector_load %arg9[%parallel_loop3A_257, %parallel_loop3A_258] {strides = array<i32>} : memref<64x256xf32, #tpu.memory_space<vmem>>, vector<16xf32>,
            %parallel_loop3A_260 = arith.index_cast %parallel_loop3A_168 : i32 to index
            %parallel_loop3A_261 = arith.constant 144 : index
            %parallel_loop3A_262 = tpu.vector_load %arg16[%parallel_loop3A_260, %parallel_loop3A_261] {strides = array<i32>} : memref<128x256xf32, #tpu.memory_space<vmem>>, vector<16xf32>,
            %parallel_loop3A_263 = arith.mulf %parallel_loop3A_259, %parallel_loop3A_262 : vector<16xf32>
            %parallel_loop3A_264 = arith.addf %parallel_loop3A_232, %parallel_loop3A_263 : vector<16xf32>
            %parallel_loop3A_265 = arith.index_cast %parallel_loop3A_179 : i32 to index
            %parallel_loop3A_266 = arith.constant 160 : index
            %parallel_loop3A_267 = tpu.vector_load %arg9[%parallel_loop3A_265, %parallel_loop3A_266] {strides = array<i32>} : memref<64x256xf32, #tpu.memory_space<vmem>>, vector<16xf32>,
            %parallel_loop3A_268 = arith.index_cast %parallel_loop3A_168 : i32 to index
            %parallel_loop3A_269 = arith.constant 160 : index
            %parallel_loop3A_270 = tpu.vector_load %arg16[%parallel_loop3A_268, %parallel_loop3A_269] {strides = array<i32>} : memref<128x256xf32, #tpu.memory_space<vmem>>, vector<16xf32>,
            %parallel_loop3A_271 = arith.mulf %parallel_loop3A_267, %parallel_loop3A_270 : vector<16xf32>
            %parallel_loop3A_272 = arith.addf %parallel_loop3A_240, %parallel_loop3A_271 : vector<16xf32>
            %parallel_loop3A_273 = arith.index_cast %parallel_loop3A_179 : i32 to index
            %parallel_loop3A_274 = arith.constant 176 : index
            %parallel_loop3A_275 = tpu.vector_load %arg9[%parallel_loop3A_273, %parallel_loop3A_274] {strides = array<i32>} : memref<64x256xf32, #tpu.memory_space<vmem>>, vector<16xf32>,
            %parallel_loop3A_276 = arith.index_cast %parallel_loop3A_168 : i32 to index
            %parallel_loop3A_277 = arith.constant 176 : index
            %parallel_loop3A_278 = tpu.vector_load %arg16[%parallel_loop3A_276, %parallel_loop3A_277] {strides = array<i32>} : memref<128x256xf32, #tpu.memory_space<vmem>>, vector<16xf32>,
            %parallel_loop3A_279 = arith.mulf %parallel_loop3A_275, %parallel_loop3A_278 : vector<16xf32>
            %parallel_loop3A_280 = arith.addf %parallel_loop3A_248, %parallel_loop3A_279 : vector<16xf32>
            %parallel_loop3A_281 = arith.index_cast %parallel_loop3A_179 : i32 to index
            %parallel_loop3A_282 = arith.constant 192 : index
            %parallel_loop3A_283 = tpu.vector_load %arg9[%parallel_loop3A_281, %parallel_loop3A_282] {strides = array<i32>} : memref<64x256xf32, #tpu.memory_space<vmem>>, vector<16xf32>,
            %parallel_loop3A_284 = arith.index_cast %parallel_loop3A_168 : i32 to index
            %parallel_loop3A_285 = arith.constant 192 : index
            %parallel_loop3A_286 = tpu.vector_load %arg16[%parallel_loop3A_284, %parallel_loop3A_285] {strides = array<i32>} : memref<128x256xf32, #tpu.memory_space<vmem>>, vector<16xf32>,
            %parallel_loop3A_287 = arith.mulf %parallel_loop3A_283, %parallel_loop3A_286 : vector<16xf32>
            %parallel_loop3A_288 = arith.addf %parallel_loop3A_256, %parallel_loop3A_287 : vector<16xf32>
            %parallel_loop3A_289 = arith.index_cast %parallel_loop3A_179 : i32 to index
            %parallel_loop3A_290 = arith.constant 208 : index
            %parallel_loop3A_291 = tpu.vector_load %arg9[%parallel_loop3A_289, %parallel_loop3A_290] {strides = array<i32>} : memref<64x256xf32, #tpu.memory_space<vmem>>, vector<16xf32>,
            %parallel_loop3A_292 = arith.index_cast %parallel_loop3A_168 : i32 to index
            %parallel_loop3A_293 = arith.constant 208 : index
            %parallel_loop3A_294 = tpu.vector_load %arg16[%parallel_loop3A_292, %parallel_loop3A_293] {strides = array<i32>} : memref<128x256xf32, #tpu.memory_space<vmem>>, vector<16xf32>,
            %parallel_loop3A_295 = arith.mulf %parallel_loop3A_291, %parallel_loop3A_294 : vector<16xf32>
            %parallel_loop3A_296 = arith.addf %parallel_loop3A_264, %parallel_loop3A_295 : vector<16xf32>
            %parallel_loop3A_297 = arith.index_cast %parallel_loop3A_179 : i32 to index
            %parallel_loop3A_298 = arith.constant 224 : index
            %parallel_loop3A_299 = tpu.vector_load %arg9[%parallel_loop3A_297, %parallel_loop3A_298] {strides = array<i32>} : memref<64x256xf32, #tpu.memory_space<vmem>>, vector<16xf32>,
            %parallel_loop3A_300 = arith.index_cast %parallel_loop3A_168 : i32 to index
            %parallel_loop3A_301 = arith.constant 224 : index
            %parallel_loop3A_302 = tpu.vector_load %arg16[%parallel_loop3A_300, %parallel_loop3A_301] {strides = array<i32>} : memref<128x256xf32, #tpu.memory_space<vmem>>, vector<16xf32>,
            %parallel_loop3A_303 = arith.mulf %parallel_loop3A_299, %parallel_loop3A_302 : vector<16xf32>
            %parallel_loop3A_304 = arith.addf %parallel_loop3A_272, %parallel_loop3A_303 : vector<16xf32>
            %parallel_loop3A_305 = arith.index_cast %parallel_loop3A_179 : i32 to index
            %parallel_loop3A_306 = arith.constant 240 : index
            %parallel_loop3A_307 = tpu.vector_load %arg9[%parallel_loop3A_305, %parallel_loop3A_306] {strides = array<i32>} : memref<64x256xf32, #tpu.memory_space<vmem>>, vector<16xf32>,
            %parallel_loop3A_308 = arith.index_cast %parallel_loop3A_168 : i32 to index
            %parallel_loop3A_309 = arith.constant 240 : index
            %parallel_loop3A_310 = tpu.vector_load %arg16[%parallel_loop3A_308, %parallel_loop3A_309] {strides = array<i32>} : memref<128x256xf32, #tpu.memory_space<vmem>>, vector<16xf32>,
            %parallel_loop3A_311 = arith.mulf %parallel_loop3A_307, %parallel_loop3A_310 : vector<16xf32>
            %parallel_loop3A_312 = arith.addf %parallel_loop3A_280, %parallel_loop3A_311 : vector<16xf32>
            %parallel_loop3A_313 = arith.addf %parallel_loop3A_288, %parallel_loop3A_296 : vector<16xf32>
            %parallel_loop3A_314 = arith.addf %parallel_loop3A_304, %parallel_loop3A_312 : vector<16xf32>
            %parallel_loop3A_315 = arith.addf %parallel_loop3A_313, %parallel_loop3A_314 : vector<16xf32>
            %parallel_loop3A_316 = arith.constant true
            %parallel_loop3A_317 = vector.broadcast %parallel_loop3A_316 : i1 to vector<16xi1>
            %parallel_loop3A_318 = tpu.scan <sum>, %parallel_loop3A_315 masked %parallel_loop3A_317 : vector<16xf32>, vector<16xi1> -> vector<16xf32>
            %parallel_loop3A_319 = arith.constant 15 : i32
            %parallel_loop3A_320 = vector.broadcast %parallel_loop3A_319 : i32 to vector<16xi32>
            %parallel_loop3A_321 = arith.constant 0 : i32
            %parallel_loop3A_322 = vector.broadcast %parallel_loop3A_321 : i32 to vector<16xi32>
            %parallel_loop3A_323 = arith.cmpi slt, %parallel_loop3A_320, %parallel_loop3A_322 : vector<16xi32>
            %parallel_loop3A_324 = arith.constant 16 : i32
            %parallel_loop3A_325 = vector.broadcast %parallel_loop3A_324 : i32 to vector<16xi32>
            %parallel_loop3A_326 = arith.addi %parallel_loop3A_320, %parallel_loop3A_325 : vector<16xi32>
            %parallel_loop3A_327 = arith.select %parallel_loop3A_323, %parallel_loop3A_326, %parallel_loop3A_320 : vector<16xi1>, vector<16xi32>
            %parallel_loop3A_328 = vector.shape_cast %parallel_loop3A_327 : vector<16xi32> to vector<16x1xi32>
            %parallel_loop3A_329 = vector.shape_cast %parallel_loop3A_328 : vector<16x1xi32> to vector<16xi32>
            %parallel_loop3A_330 = tpu.dynamic_gather %parallel_loop3A_318[%parallel_loop3A_329] in [0] : vector<16xf32>, vector<16xi32> -> vector<16xf32>
            %parallel_loop3A_331 = math.exp %parallel_loop3A_330 : vector<16xf32>
            %parallel_loop3A_332 = arith.constant 256 : i32
            %parallel_loop3A_333 = arith.muli %parallel_loop3A_182, %parallel_loop3A_332 : i32
            %parallel_loop3A_334 = arith.constant 0 : i32
            %parallel_loop3A_335 = arith.addi %parallel_loop3A_333, %parallel_loop3A_334 : i32
            %parallel_loop3A_336 = arith.mulf %parallel_loop3A_331, %parallel_loop3A_190 : vector<16xf32>
            %parallel_loop3A_337 = arith.index_cast %parallel_loop3A_335 : i32 to index
            %parallel_loop3A_338 = tpu.vector_load %arg8[%parallel_loop3A_337] {strides = array<i32>} : memref<16640xf32, #tpu.memory_space<vmem>>, vector<16xf32>,
            tpu.vector_store %arg8[%parallel_loop3A_337], %parallel_loop3A_336 {add = true, strides = array<i32>} : memref<16640xf32, #tpu.memory_space<vmem>>, vector<16xf32>,
            %parallel_loop3A_339 = arith.constant 16 : i32
            %parallel_loop3A_340 = arith.addi %parallel_loop3A_333, %parallel_loop3A_339 : i32
            %parallel_loop3A_341 = arith.mulf %parallel_loop3A_331, %parallel_loop3A_198 : vector<16xf32>
            %parallel_loop3A_342 = arith.index_cast %parallel_loop3A_340 : i32 to index
            %parallel_loop3A_343 = tpu.vector_load %arg8[%parallel_loop3A_342] {strides = array<i32>} : memref<16640xf32, #tpu.memory_space<vmem>>, vector<16xf32>,
            tpu.vector_store %arg8[%parallel_loop3A_342], %parallel_loop3A_341 {add = true, strides = array<i32>} : memref<16640xf32, #tpu.memory_space<vmem>>, vector<16xf32>,
            %parallel_loop3A_344 = arith.constant 32 : i32
            %parallel_loop3A_345 = arith.addi %parallel_loop3A_333, %parallel_loop3A_344 : i32
            %parallel_loop3A_346 = arith.mulf %parallel_loop3A_331, %parallel_loop3A_206 : vector<16xf32>
            %parallel_loop3A_347 = arith.index_cast %parallel_loop3A_345 : i32 to index
            %parallel_loop3A_348 = tpu.vector_load %arg8[%parallel_loop3A_347] {strides = array<i32>} : memref<16640xf32, #tpu.memory_space<vmem>>, vector<16xf32>,
            tpu.vector_store %arg8[%parallel_loop3A_347], %parallel_loop3A_346 {add = true, strides = array<i32>} : memref<16640xf32, #tpu.memory_space<vmem>>, vector<16xf32>,
            %parallel_loop3A_349 = arith.constant 48 : i32
            %parallel_loop3A_350 = arith.addi %parallel_loop3A_333, %parallel_loop3A_349 : i32
            %parallel_loop3A_351 = arith.mulf %parallel_loop3A_331, %parallel_loop3A_214 : vector<16xf32>
            %parallel_loop3A_352 = arith.index_cast %parallel_loop3A_350 : i32 to index
            %parallel_loop3A_353 = tpu.vector_load %arg8[%parallel_loop3A_352] {strides = array<i32>} : memref<16640xf32, #tpu.memory_space<vmem>>, vector<16xf32>,
            tpu.vector_store %arg8[%parallel_loop3A_352], %parallel_loop3A_351 {add = true, strides = array<i32>} : memref<16640xf32, #tpu.memory_space<vmem>>, vector<16xf32>,
            %parallel_loop3A_354 = arith.constant 64 : i32
            %parallel_loop3A_355 = arith.addi %parallel_loop3A_333, %parallel_loop3A_354 : i32
            %parallel_loop3A_356 = arith.mulf %parallel_loop3A_331, %parallel_loop3A_222 : vector<16xf32>
            %parallel_loop3A_357 = arith.index_cast %parallel_loop3A_355 : i32 to index
            %parallel_loop3A_358 = tpu.vector_load %arg8[%parallel_loop3A_357] {strides = array<i32>} : memref<16640xf32, #tpu.memory_space<vmem>>, vector<16xf32>,
            tpu.vector_store %arg8[%parallel_loop3A_357], %parallel_loop3A_356 {add = true, strides = array<i32>} : memref<16640xf32, #tpu.memory_space<vmem>>, vector<16xf32>,
            %parallel_loop3A_359 = arith.constant 80 : i32
            %parallel_loop3A_360 = arith.addi %parallel_loop3A_333, %parallel_loop3A_359 : i32
            %parallel_loop3A_361 = arith.mulf %parallel_loop3A_331, %parallel_loop3A_230 : vector<16xf32>
            %parallel_loop3A_362 = arith.index_cast %parallel_loop3A_360 : i32 to index
            %parallel_loop3A_363 = tpu.vector_load %arg8[%parallel_loop3A_362] {strides = array<i32>} : memref<16640xf32, #tpu.memory_space<vmem>>, vector<16xf32>,
            tpu.vector_store %arg8[%parallel_loop3A_362], %parallel_loop3A_361 {add = true, strides = array<i32>} : memref<16640xf32, #tpu.memory_space<vmem>>, vector<16xf32>,
            %parallel_loop3A_364 = arith.constant 96 : i32
            %parallel_loop3A_365 = arith.addi %parallel_loop3A_333, %parallel_loop3A_364 : i32
            %parallel_loop3A_366 = arith.mulf %parallel_loop3A_331, %parallel_loop3A_238 : vector<16xf32>
            %parallel_loop3A_367 = arith.index_cast %parallel_loop3A_365 : i32 to index
            %parallel_loop3A_368 = tpu.vector_load %arg8[%parallel_loop3A_367] {strides = array<i32>} : memref<16640xf32, #tpu.memory_space<vmem>>, vector<16xf32>,
            tpu.vector_store %arg8[%parallel_loop3A_367], %parallel_loop3A_366 {add = true, strides = array<i32>} : memref<16640xf32, #tpu.memory_space<vmem>>, vector<16xf32>,
            %parallel_loop3A_369 = arith.constant 112 : i32
            %parallel_loop3A_370 = arith.addi %parallel_loop3A_333, %parallel_loop3A_369 : i32
            %parallel_loop3A_371 = arith.mulf %parallel_loop3A_331, %parallel_loop3A_246 : vector<16xf32>
            %parallel_loop3A_372 = arith.index_cast %parallel_loop3A_370 : i32 to index
            %parallel_loop3A_373 = tpu.vector_load %arg8[%parallel_loop3A_372] {strides = array<i32>} : memref<16640xf32, #tpu.memory_space<vmem>>, vector<16xf32>,
            tpu.vector_store %arg8[%parallel_loop3A_372], %parallel_loop3A_371 {add = true, strides = array<i32>} : memref<16640xf32, #tpu.memory_space<vmem>>, vector<16xf32>,
            %parallel_loop3A_374 = arith.constant 128 : i32
            %parallel_loop3A_375 = arith.addi %parallel_loop3A_333, %parallel_loop3A_374 : i32
            %parallel_loop3A_376 = arith.mulf %parallel_loop3A_331, %parallel_loop3A_254 : vector<16xf32>
            %parallel_loop3A_377 = arith.index_cast %parallel_loop3A_375 : i32 to index
            %parallel_loop3A_378 = tpu.vector_load %arg8[%parallel_loop3A_377] {strides = array<i32>} : memref<16640xf32, #tpu.memory_space<vmem>>, vector<16xf32>,
            tpu.vector_store %arg8[%parallel_loop3A_377], %parallel_loop3A_376 {add = true, strides = array<i32>} : memref<16640xf32, #tpu.memory_space<vmem>>, vector<16xf32>,
            %parallel_loop3A_379 = arith.constant 144 : i32
            %parallel_loop3A_380 = arith.addi %parallel_loop3A_333, %parallel_loop3A_379 : i32
            %parallel_loop3A_381 = arith.mulf %parallel_loop3A_331, %parallel_loop3A_262 : vector<16xf32>
            %parallel_loop3A_382 = arith.index_cast %parallel_loop3A_380 : i32 to index
            %parallel_loop3A_383 = tpu.vector_load %arg8[%parallel_loop3A_382] {strides = array<i32>} : memref<16640xf32, #tpu.memory_space<vmem>>, vector<16xf32>,
            tpu.vector_store %arg8[%parallel_loop3A_382], %parallel_loop3A_381 {add = true, strides = array<i32>} : memref<16640xf32, #tpu.memory_space<vmem>>, vector<16xf32>,
            %parallel_loop3A_384 = arith.constant 160 : i32
            %parallel_loop3A_385 = arith.addi %parallel_loop3A_333, %parallel_loop3A_384 : i32
            %parallel_loop3A_386 = arith.mulf %parallel_loop3A_331, %parallel_loop3A_270 : vector<16xf32>
            %parallel_loop3A_387 = arith.index_cast %parallel_loop3A_385 : i32 to index
            %parallel_loop3A_388 = tpu.vector_load %arg8[%parallel_loop3A_387] {strides = array<i32>} : memref<16640xf32, #tpu.memory_space<vmem>>, vector<16xf32>,
            tpu.vector_store %arg8[%parallel_loop3A_387], %parallel_loop3A_386 {add = true, strides = array<i32>} : memref<16640xf32, #tpu.memory_space<vmem>>, vector<16xf32>,
            %parallel_loop3A_389 = arith.constant 176 : i32
            %parallel_loop3A_390 = arith.addi %parallel_loop3A_333, %parallel_loop3A_389 : i32
            %parallel_loop3A_391 = arith.mulf %parallel_loop3A_331, %parallel_loop3A_278 : vector<16xf32>
            %parallel_loop3A_392 = arith.index_cast %parallel_loop3A_390 : i32 to index
            %parallel_loop3A_393 = tpu.vector_load %arg8[%parallel_loop3A_392] {strides = array<i32>} : memref<16640xf32, #tpu.memory_space<vmem>>, vector<16xf32>,
            tpu.vector_store %arg8[%parallel_loop3A_392], %parallel_loop3A_391 {add = true, strides = array<i32>} : memref<16640xf32, #tpu.memory_space<vmem>>, vector<16xf32>,
            %parallel_loop3A_394 = arith.constant 192 : i32
            %parallel_loop3A_395 = arith.addi %parallel_loop3A_333, %parallel_loop3A_394 : i32
            %parallel_loop3A_396 = arith.mulf %parallel_loop3A_331, %parallel_loop3A_286 : vector<16xf32>
            %parallel_loop3A_397 = arith.index_cast %parallel_loop3A_395 : i32 to index
            %parallel_loop3A_398 = tpu.vector_load %arg8[%parallel_loop3A_397] {strides = array<i32>} : memref<16640xf32, #tpu.memory_space<vmem>>, vector<16xf32>,
            tpu.vector_store %arg8[%parallel_loop3A_397], %parallel_loop3A_396 {add = true, strides = array<i32>} : memref<16640xf32, #tpu.memory_space<vmem>>, vector<16xf32>,
            %parallel_loop3A_399 = arith.constant 208 : i32
            %parallel_loop3A_400 = arith.addi %parallel_loop3A_333, %parallel_loop3A_399 : i32
            %parallel_loop3A_401 = arith.mulf %parallel_loop3A_331, %parallel_loop3A_294 : vector<16xf32>
            %parallel_loop3A_402 = arith.index_cast %parallel_loop3A_400 : i32 to index
            %parallel_loop3A_403 = tpu.vector_load %arg8[%parallel_loop3A_402] {strides = array<i32>} : memref<16640xf32, #tpu.memory_space<vmem>>, vector<16xf32>,
            tpu.vector_store %arg8[%parallel_loop3A_402], %parallel_loop3A_401 {add = true, strides = array<i32>} : memref<16640xf32, #tpu.memory_space<vmem>>, vector<16xf32>,
            %parallel_loop3A_404 = arith.constant 224 : i32
            %parallel_loop3A_405 = arith.addi %parallel_loop3A_333, %parallel_loop3A_404 : i32
            %parallel_loop3A_406 = arith.mulf %parallel_loop3A_331, %parallel_loop3A_302 : vector<16xf32>
            %parallel_loop3A_407 = arith.index_cast %parallel_loop3A_405 : i32 to index
            %parallel_loop3A_408 = tpu.vector_load %arg8[%parallel_loop3A_407] {strides = array<i32>} : memref<16640xf32, #tpu.memory_space<vmem>>, vector<16xf32>,
            tpu.vector_store %arg8[%parallel_loop3A_407], %parallel_loop3A_406 {add = true, strides = array<i32>} : memref<16640xf32, #tpu.memory_space<vmem>>, vector<16xf32>,
            %parallel_loop3A_409 = arith.constant 240 : i32
            %parallel_loop3A_410 = arith.addi %parallel_loop3A_333, %parallel_loop3A_409 : i32
            %parallel_loop3A_411 = arith.mulf %parallel_loop3A_331, %parallel_loop3A_310 : vector<16xf32>
            %parallel_loop3A_412 = arith.index_cast %parallel_loop3A_410 : i32 to index
            %parallel_loop3A_413 = tpu.vector_load %arg8[%parallel_loop3A_412] {strides = array<i32>} : memref<16640xf32, #tpu.memory_space<vmem>>, vector<16xf32>,
            tpu.vector_store %arg8[%parallel_loop3A_412], %parallel_loop3A_411 {add = true, strides = array<i32>} : memref<16640xf32, #tpu.memory_space<vmem>>, vector<16xf32>,
            %parallel_loop3A_414 = arith.constant 16 : i32
            %parallel_loop3A_415 = arith.muli %parallel_loop3A_182, %parallel_loop3A_414 : i32
            %parallel_loop3A_416 = arith.index_cast %parallel_loop3A_415 : i32 to index
            %parallel_loop3A_417 = tpu.vector_load %arg10[%parallel_loop3A_416] {strides = array<i32>} : memref<1040xf32, #tpu.memory_space<vmem>>, vector<16xf32>,
            tpu.vector_store %arg10[%parallel_loop3A_416], %parallel_loop3A_331 {add = true, strides = array<i32>} : memref<1040xf32, #tpu.memory_space<vmem>>, vector<16xf32>,
          } {sc.loop_unroll_factor = 2 : i64, sc.parallel_access}
        } else {
        }
      }
      %while3A_128 = arith.constant 1 : i32
      scf.for %while3A_136 = %while3A_126 to %while3A_122 step %while3A_128  : i32 {
        %mul3A_137 = arith.muli %while3A_136, %while3A : i32
        %add3A_138 = arith.addi %while3A_119, %mul3A_137 : i32
        %mul3A_139 = arith.constant 2 : i32
        %mul3A_140 = arith.muli %mul3A_139, %add3A_138 : i32
        %add3A_141 = arith.constant 0 : i32
        %add3A_142 = arith.addi %mul3A_140, %add3A_141 : i32
        %lt3A = arith.cmpi slt, %add3A_142, %select_n3A_82 : i32
        %convert_element_type3A_143 = arith.extui %lt3A : i1 to i32
        %cond3A_144 = arith.constant 0 : i32
        %cond3A_145 = arith.cmpi ne, %convert_element_type3A_143, %cond3A_144 : i32
        scf.if %cond3A_145 {
          %add3A_154 = arith.constant 1 : i32
          %add3A_155 = arith.addi %add3A_142, %add3A_154 : i32
          %lt3A_156 = arith.cmpi slt, %add3A_155, %select_n3A_82 : i32
          %convert_element_type3A_157 = arith.extui %lt3A_156 : i1 to i32
          %cond3A_158 = arith.constant 0 : i32
          %cond3A_159 = arith.cmpi ne, %convert_element_type3A_157, %cond3A_158 : i32
          scf.if %cond3A_159 {
            %add3A_168 = arith.constant 1 : i32
            %add3A_169 = arith.addi %add3A_142, %add3A_168 : i32
            %mul3A_170 = arith.constant 128 : i32
            %mul3A_171 = arith.muli %add3A_169, %mul3A_170 : i32
            %add3A_172 = arith.addi %mul3A_53, %mul3A_171 : i32
            "tpu.region"() ({
              %run_scoped3A = tpu.sem_alloc : memref<!tpu.dma_semaphore, #tpu.memory_space<semaphore_mem>>
              %dma_start3A_176 = arith.constant 0 : i32
              %dma_start3A_177 = tpu.memref_slice %arg12[%dma_start3A_176] : memref<144xi32, #tpu.memory_space<vmem>> -> memref<128xi32, #tpu.memory_space<vmem>>
              %dma_start3A_178 = tpu.memref_slice %arg3[%add3A_172] : memref<160128xi32, #tpu.memory_space<hbm>> -> memref<128xi32, #tpu.memory_space<hbm>>
              %dma_start3A_179 = arith.constant 0 : i32
              %dma_start3A_180 = tpu.memref_slice %arg12[%dma_start3A_179] : memref<144xi32, #tpu.memory_space<vmem>> -> memref<128xi32, #tpu.memory_space<vmem>>
              %dma_start3A_181 = tpu.memref_slice %arg3[%add3A_172] : memref<160128xi32, #tpu.memory_space<hbm>> -> memref<128xi32, #tpu.memory_space<hbm>>
              tpu.enqueue_dma source(%dma_start3A_181 : memref<128xi32, #tpu.memory_space<hbm>>) target(%dma_start3A_180 : memref<128xi32, #tpu.memory_space<vmem>>) target_semaphore(%run_scoped3A : memref<!tpu.dma_semaphore, #tpu.memory_space<semaphore_mem>>)
              %dma_wait3A_182 = arith.constant 0 : i32
              %dma_wait3A_183 = tpu.memref_slice %arg12[%dma_wait3A_182] : memref<144xi32, #tpu.memory_space<vmem>> -> memref<128xi32, #tpu.memory_space<vmem>>
              %dma_wait3A_184 = tpu.memref_slice %arg3[%add3A_172] : memref<160128xi32, #tpu.memory_space<hbm>> -> memref<128xi32, #tpu.memory_space<hbm>>
              %dma_wait3A_185 = arith.constant 0 : i32
              %dma_wait3A_186 = tpu.memref_slice %arg12[%dma_wait3A_185] : memref<144xi32, #tpu.memory_space<vmem>> -> memref<128xi32, #tpu.memory_space<vmem>>
              %dma_wait3A_187 = tpu.memref_slice %arg3[%add3A_172] : memref<160128xi32, #tpu.memory_space<hbm>> -> memref<128xi32, #tpu.memory_space<hbm>>
              tpu.wait_dma2 semaphore(%run_scoped3A : memref<!tpu.dma_semaphore, #tpu.memory_space<semaphore_mem>>) src(%dma_wait3A_187 : memref<128xi32, #tpu.memory_space<hbm>>) dst(%dma_wait3A_186 : memref<128xi32, #tpu.memory_space<vmem>>)
              tpu.yield
            }) : () -> ()
            "tpu.region"() ({
              %run_scoped3A = tpu.sem_alloc : memref<!tpu.dma_semaphore, #tpu.memory_space<semaphore_mem>>
              %dma_start3A_176 = tpu.memref_slice %arg4[%add3A_172] : memref<160128xi32, #tpu.memory_space<hbm>> -> memref<128xi32, #tpu.memory_space<hbm>>
              %dma_start3A_177 = tpu.memref_slice %arg4[%add3A_172] : memref<160128xi32, #tpu.memory_space<hbm>> -> memref<128xi32, #tpu.memory_space<hbm>>
              tpu.enqueue_dma source(%dma_start3A_177 : memref<128xi32, #tpu.memory_space<hbm>>) target(%arg14 : memref<128xi32, #tpu.memory_space<vmem>>) target_semaphore(%run_scoped3A : memref<!tpu.dma_semaphore, #tpu.memory_space<semaphore_mem>>)
              %dma_wait3A_178 = tpu.memref_slice %arg4[%add3A_172] : memref<160128xi32, #tpu.memory_space<hbm>> -> memref<128xi32, #tpu.memory_space<hbm>>
              %dma_wait3A_179 = tpu.memref_slice %arg4[%add3A_172] : memref<160128xi32, #tpu.memory_space<hbm>> -> memref<128xi32, #tpu.memory_space<hbm>>
              tpu.wait_dma2 semaphore(%run_scoped3A : memref<!tpu.dma_semaphore, #tpu.memory_space<semaphore_mem>>) src(%dma_wait3A_179 : memref<128xi32, #tpu.memory_space<hbm>>) dst(%arg14 : memref<128xi32, #tpu.memory_space<vmem>>)
              tpu.yield
            }) : () -> ()
            %dma_start3A_173 = arith.constant 0 : i32
            %dma_start3A_174 = arith.constant 0 : i32
            %dma_start3A_175 = tpu.memref_slice %arg2[%dma_start3A_173, %dma_start3A_174] : memref<10000x256xf32, #tpu.memory_space<hbm>> -> memref<10000x256xf32, #tpu.memory_space<hbm>>
            tpu.enqueue_indirect_dma source(%dma_start3A_175 : memref<10000x256xf32, #tpu.memory_space<hbm>>) target(%arg16 : memref<128x256xf32, #tpu.memory_space<vmem>>) offsets(%arg14 : memref<128xi32, #tpu.memory_space<vmem>>) semaphore(%arg20 : memref<!tpu.dma_semaphore, #tpu.memory_space<semaphore_mem>>)
          } else {
          }
          %dma_wait3A_160 = arith.constant 0 : i32
          %dma_wait3A_161 = arith.constant 0 : i32
          %dma_wait3A_162 = tpu.memref_slice %arg2[%dma_wait3A_160, %dma_wait3A_161] : memref<10000x256xf32, #tpu.memory_space<hbm>> -> memref<10000x256xf32, #tpu.memory_space<hbm>>
          tpu.wait_indirect_dma semaphore(%arg19 : memref<!tpu.dma_semaphore, #tpu.memory_space<semaphore_mem>>) src(%dma_wait3A_162 : memref<10000x256xf32, #tpu.memory_space<hbm>>) dst(%arg15 : memref<128x256xf32, #tpu.memory_space<vmem>>)
          %mul3A_163 = arith.constant 128 : i32
          %mul3A_164 = arith.muli %add3A_142, %mul3A_163 : i32
          %add3A_165 = arith.addi %mul3A_53, %mul3A_164 : i32
          %parallel_loop3A = arith.constant 0 : i32
          %parallel_loop3A_166 = arith.constant 128 : i32
          %parallel_loop3A_167 = arith.constant 1 : i32
          scf.for %parallel_loop3A_168 = %parallel_loop3A to %parallel_loop3A_166 step %parallel_loop3A_167  : i32 {
            %parallel_loop3A_169 = arith.addi %add3A_165, %parallel_loop3A_168 : i32
            %parallel_loop3A_170 = arith.index_cast %parallel_loop3A_168 : i32 to index
            %parallel_loop3A_171 = tpu.vector_load %arg11[%parallel_loop3A_170] {strides = array<i32>} : memref<144xi32, #tpu.memory_space<vmem>>, vector<16xi32>,
            %parallel_loop3A_172 = vector.extract_strided_slice %parallel_loop3A_171 {offsets = [0], sizes = [1], strides = [1]} : vector<16xi32> to vector<1xi32>
            %parallel_loop3A_173 = vector.extract %parallel_loop3A_172[0] : i32 from vector<1xi32>
            %parallel_loop3A_174 = arith.cmpi sge, %parallel_loop3A_169, %squeeze3A : i32
            %parallel_loop3A_175 = arith.cmpi slt, %parallel_loop3A_169, %squeeze3A_23 : i32
            %parallel_loop3A_176 = arith.andi %parallel_loop3A_174, %parallel_loop3A_175 : i1
            %parallel_loop3A_177 = arith.subi %parallel_loop3A_173, %min3A_16 : i32
            %parallel_loop3A_178 = arith.constant 0 : i32
            %parallel_loop3A_179 = arith.select %parallel_loop3A_176, %parallel_loop3A_177, %parallel_loop3A_178 : i32
            %parallel_loop3A_180 = arith.subi %parallel_loop3A_173, %mul3A_15 : i32
            %parallel_loop3A_181 = arith.constant 64 : i32
            %parallel_loop3A_182 = arith.select %parallel_loop3A_176, %parallel_loop3A_180, %parallel_loop3A_181 : i32
            %parallel_loop3A_183 = arith.constant 0.000000e+00 : f32
            %parallel_loop3A_184 = vector.broadcast %parallel_loop3A_183 : f32 to vector<16xf32>
            %parallel_loop3A_185 = arith.index_cast %parallel_loop3A_179 : i32 to index
            %parallel_loop3A_186 = arith.constant 0 : index
            %parallel_loop3A_187 = tpu.vector_load %arg9[%parallel_loop3A_185, %parallel_loop3A_186] {strides = array<i32>} : memref<64x256xf32, #tpu.memory_space<vmem>>, vector<16xf32>,
            %parallel_loop3A_188 = arith.index_cast %parallel_loop3A_168 : i32 to index
            %parallel_loop3A_189 = arith.constant 0 : index
            %parallel_loop3A_190 = tpu.vector_load %arg15[%parallel_loop3A_188, %parallel_loop3A_189] {strides = array<i32>} : memref<128x256xf32, #tpu.memory_space<vmem>>, vector<16xf32>,
            %parallel_loop3A_191 = arith.mulf %parallel_loop3A_187, %parallel_loop3A_190 : vector<16xf32>
            %parallel_loop3A_192 = arith.addf %parallel_loop3A_184, %parallel_loop3A_191 : vector<16xf32>
            %parallel_loop3A_193 = arith.index_cast %parallel_loop3A_179 : i32 to index
            %parallel_loop3A_194 = arith.constant 16 : index
            %parallel_loop3A_195 = tpu.vector_load %arg9[%parallel_loop3A_193, %parallel_loop3A_194] {strides = array<i32>} : memref<64x256xf32, #tpu.memory_space<vmem>>, vector<16xf32>,
            %parallel_loop3A_196 = arith.index_cast %parallel_loop3A_168 : i32 to index
            %parallel_loop3A_197 = arith.constant 16 : index
            %parallel_loop3A_198 = tpu.vector_load %arg15[%parallel_loop3A_196, %parallel_loop3A_197] {strides = array<i32>} : memref<128x256xf32, #tpu.memory_space<vmem>>, vector<16xf32>,
            %parallel_loop3A_199 = arith.mulf %parallel_loop3A_195, %parallel_loop3A_198 : vector<16xf32>
            %parallel_loop3A_200 = arith.addf %parallel_loop3A_184, %parallel_loop3A_199 : vector<16xf32>
            %parallel_loop3A_201 = arith.index_cast %parallel_loop3A_179 : i32 to index
            %parallel_loop3A_202 = arith.constant 32 : index
            %parallel_loop3A_203 = tpu.vector_load %arg9[%parallel_loop3A_201, %parallel_loop3A_202] {strides = array<i32>} : memref<64x256xf32, #tpu.memory_space<vmem>>, vector<16xf32>,
            %parallel_loop3A_204 = arith.index_cast %parallel_loop3A_168 : i32 to index
            %parallel_loop3A_205 = arith.constant 32 : index
            %parallel_loop3A_206 = tpu.vector_load %arg15[%parallel_loop3A_204, %parallel_loop3A_205] {strides = array<i32>} : memref<128x256xf32, #tpu.memory_space<vmem>>, vector<16xf32>,
            %parallel_loop3A_207 = arith.mulf %parallel_loop3A_203, %parallel_loop3A_206 : vector<16xf32>
            %parallel_loop3A_208 = arith.addf %parallel_loop3A_184, %parallel_loop3A_207 : vector<16xf32>
            %parallel_loop3A_209 = arith.index_cast %parallel_loop3A_179 : i32 to index
            %parallel_loop3A_210 = arith.constant 48 : index
            %parallel_loop3A_211 = tpu.vector_load %arg9[%parallel_loop3A_209, %parallel_loop3A_210] {strides = array<i32>} : memref<64x256xf32, #tpu.memory_space<vmem>>, vector<16xf32>,
            %parallel_loop3A_212 = arith.index_cast %parallel_loop3A_168 : i32 to index
            %parallel_loop3A_213 = arith.constant 48 : index
            %parallel_loop3A_214 = tpu.vector_load %arg15[%parallel_loop3A_212, %parallel_loop3A_213] {strides = array<i32>} : memref<128x256xf32, #tpu.memory_space<vmem>>, vector<16xf32>,
            %parallel_loop3A_215 = arith.mulf %parallel_loop3A_211, %parallel_loop3A_214 : vector<16xf32>
            %parallel_loop3A_216 = arith.addf %parallel_loop3A_184, %parallel_loop3A_215 : vector<16xf32>
            %parallel_loop3A_217 = arith.index_cast %parallel_loop3A_179 : i32 to index
            %parallel_loop3A_218 = arith.constant 64 : index
            %parallel_loop3A_219 = tpu.vector_load %arg9[%parallel_loop3A_217, %parallel_loop3A_218] {strides = array<i32>} : memref<64x256xf32, #tpu.memory_space<vmem>>, vector<16xf32>,
            %parallel_loop3A_220 = arith.index_cast %parallel_loop3A_168 : i32 to index
            %parallel_loop3A_221 = arith.constant 64 : index
            %parallel_loop3A_222 = tpu.vector_load %arg15[%parallel_loop3A_220, %parallel_loop3A_221] {strides = array<i32>} : memref<128x256xf32, #tpu.memory_space<vmem>>, vector<16xf32>,
            %parallel_loop3A_223 = arith.mulf %parallel_loop3A_219, %parallel_loop3A_222 : vector<16xf32>
            %parallel_loop3A_224 = arith.addf %parallel_loop3A_192, %parallel_loop3A_223 : vector<16xf32>
            %parallel_loop3A_225 = arith.index_cast %parallel_loop3A_179 : i32 to index
            %parallel_loop3A_226 = arith.constant 80 : index
            %parallel_loop3A_227 = tpu.vector_load %arg9[%parallel_loop3A_225, %parallel_loop3A_226] {strides = array<i32>} : memref<64x256xf32, #tpu.memory_space<vmem>>, vector<16xf32>,
            %parallel_loop3A_228 = arith.index_cast %parallel_loop3A_168 : i32 to index
            %parallel_loop3A_229 = arith.constant 80 : index
            %parallel_loop3A_230 = tpu.vector_load %arg15[%parallel_loop3A_228, %parallel_loop3A_229] {strides = array<i32>} : memref<128x256xf32, #tpu.memory_space<vmem>>, vector<16xf32>,
            %parallel_loop3A_231 = arith.mulf %parallel_loop3A_227, %parallel_loop3A_230 : vector<16xf32>
            %parallel_loop3A_232 = arith.addf %parallel_loop3A_200, %parallel_loop3A_231 : vector<16xf32>
            %parallel_loop3A_233 = arith.index_cast %parallel_loop3A_179 : i32 to index
            %parallel_loop3A_234 = arith.constant 96 : index
            %parallel_loop3A_235 = tpu.vector_load %arg9[%parallel_loop3A_233, %parallel_loop3A_234] {strides = array<i32>} : memref<64x256xf32, #tpu.memory_space<vmem>>, vector<16xf32>,
            %parallel_loop3A_236 = arith.index_cast %parallel_loop3A_168 : i32 to index
            %parallel_loop3A_237 = arith.constant 96 : index
            %parallel_loop3A_238 = tpu.vector_load %arg15[%parallel_loop3A_236, %parallel_loop3A_237] {strides = array<i32>} : memref<128x256xf32, #tpu.memory_space<vmem>>, vector<16xf32>,
            %parallel_loop3A_239 = arith.mulf %parallel_loop3A_235, %parallel_loop3A_238 : vector<16xf32>
            %parallel_loop3A_240 = arith.addf %parallel_loop3A_208, %parallel_loop3A_239 : vector<16xf32>
            %parallel_loop3A_241 = arith.index_cast %parallel_loop3A_179 : i32 to index
            %parallel_loop3A_242 = arith.constant 112 : index
            %parallel_loop3A_243 = tpu.vector_load %arg9[%parallel_loop3A_241, %parallel_loop3A_242] {strides = array<i32>} : memref<64x256xf32, #tpu.memory_space<vmem>>, vector<16xf32>,
            %parallel_loop3A_244 = arith.index_cast %parallel_loop3A_168 : i32 to index
            %parallel_loop3A_245 = arith.constant 112 : index
            %parallel_loop3A_246 = tpu.vector_load %arg15[%parallel_loop3A_244, %parallel_loop3A_245] {strides = array<i32>} : memref<128x256xf32, #tpu.memory_space<vmem>>, vector<16xf32>,
            %parallel_loop3A_247 = arith.mulf %parallel_loop3A_243, %parallel_loop3A_246 : vector<16xf32>
            %parallel_loop3A_248 = arith.addf %parallel_loop3A_216, %parallel_loop3A_247 : vector<16xf32>
            %parallel_loop3A_249 = arith.index_cast %parallel_loop3A_179 : i32 to index
            %parallel_loop3A_250 = arith.constant 128 : index
            %parallel_loop3A_251 = tpu.vector_load %arg9[%parallel_loop3A_249, %parallel_loop3A_250] {strides = array<i32>} : memref<64x256xf32, #tpu.memory_space<vmem>>, vector<16xf32>,
            %parallel_loop3A_252 = arith.index_cast %parallel_loop3A_168 : i32 to index
            %parallel_loop3A_253 = arith.constant 128 : index
            %parallel_loop3A_254 = tpu.vector_load %arg15[%parallel_loop3A_252, %parallel_loop3A_253] {strides = array<i32>} : memref<128x256xf32, #tpu.memory_space<vmem>>, vector<16xf32>,
            %parallel_loop3A_255 = arith.mulf %parallel_loop3A_251, %parallel_loop3A_254 : vector<16xf32>
            %parallel_loop3A_256 = arith.addf %parallel_loop3A_224, %parallel_loop3A_255 : vector<16xf32>
            %parallel_loop3A_257 = arith.index_cast %parallel_loop3A_179 : i32 to index
            %parallel_loop3A_258 = arith.constant 144 : index
            %parallel_loop3A_259 = tpu.vector_load %arg9[%parallel_loop3A_257, %parallel_loop3A_258] {strides = array<i32>} : memref<64x256xf32, #tpu.memory_space<vmem>>, vector<16xf32>,
            %parallel_loop3A_260 = arith.index_cast %parallel_loop3A_168 : i32 to index
            %parallel_loop3A_261 = arith.constant 144 : index
            %parallel_loop3A_262 = tpu.vector_load %arg15[%parallel_loop3A_260, %parallel_loop3A_261] {strides = array<i32>} : memref<128x256xf32, #tpu.memory_space<vmem>>, vector<16xf32>,
            %parallel_loop3A_263 = arith.mulf %parallel_loop3A_259, %parallel_loop3A_262 : vector<16xf32>
            %parallel_loop3A_264 = arith.addf %parallel_loop3A_232, %parallel_loop3A_263 : vector<16xf32>
            %parallel_loop3A_265 = arith.index_cast %parallel_loop3A_179 : i32 to index
            %parallel_loop3A_266 = arith.constant 160 : index
            %parallel_loop3A_267 = tpu.vector_load %arg9[%parallel_loop3A_265, %parallel_loop3A_266] {strides = array<i32>} : memref<64x256xf32, #tpu.memory_space<vmem>>, vector<16xf32>,
            %parallel_loop3A_268 = arith.index_cast %parallel_loop3A_168 : i32 to index
            %parallel_loop3A_269 = arith.constant 160 : index
            %parallel_loop3A_270 = tpu.vector_load %arg15[%parallel_loop3A_268, %parallel_loop3A_269] {strides = array<i32>} : memref<128x256xf32, #tpu.memory_space<vmem>>, vector<16xf32>,
            %parallel_loop3A_271 = arith.mulf %parallel_loop3A_267, %parallel_loop3A_270 : vector<16xf32>
            %parallel_loop3A_272 = arith.addf %parallel_loop3A_240, %parallel_loop3A_271 : vector<16xf32>
            %parallel_loop3A_273 = arith.index_cast %parallel_loop3A_179 : i32 to index
            %parallel_loop3A_274 = arith.constant 176 : index
            %parallel_loop3A_275 = tpu.vector_load %arg9[%parallel_loop3A_273, %parallel_loop3A_274] {strides = array<i32>} : memref<64x256xf32, #tpu.memory_space<vmem>>, vector<16xf32>,
            %parallel_loop3A_276 = arith.index_cast %parallel_loop3A_168 : i32 to index
            %parallel_loop3A_277 = arith.constant 176 : index
            %parallel_loop3A_278 = tpu.vector_load %arg15[%parallel_loop3A_276, %parallel_loop3A_277] {strides = array<i32>} : memref<128x256xf32, #tpu.memory_space<vmem>>, vector<16xf32>,
            %parallel_loop3A_279 = arith.mulf %parallel_loop3A_275, %parallel_loop3A_278 : vector<16xf32>
            %parallel_loop3A_280 = arith.addf %parallel_loop3A_248, %parallel_loop3A_279 : vector<16xf32>
            %parallel_loop3A_281 = arith.index_cast %parallel_loop3A_179 : i32 to index
            %parallel_loop3A_282 = arith.constant 192 : index
            %parallel_loop3A_283 = tpu.vector_load %arg9[%parallel_loop3A_281, %parallel_loop3A_282] {strides = array<i32>} : memref<64x256xf32, #tpu.memory_space<vmem>>, vector<16xf32>,
            %parallel_loop3A_284 = arith.index_cast %parallel_loop3A_168 : i32 to index
            %parallel_loop3A_285 = arith.constant 192 : index
            %parallel_loop3A_286 = tpu.vector_load %arg15[%parallel_loop3A_284, %parallel_loop3A_285] {strides = array<i32>} : memref<128x256xf32, #tpu.memory_space<vmem>>, vector<16xf32>,
            %parallel_loop3A_287 = arith.mulf %parallel_loop3A_283, %parallel_loop3A_286 : vector<16xf32>
            %parallel_loop3A_288 = arith.addf %parallel_loop3A_256, %parallel_loop3A_287 : vector<16xf32>
            %parallel_loop3A_289 = arith.index_cast %parallel_loop3A_179 : i32 to index
            %parallel_loop3A_290 = arith.constant 208 : index
            %parallel_loop3A_291 = tpu.vector_load %arg9[%parallel_loop3A_289, %parallel_loop3A_290] {strides = array<i32>} : memref<64x256xf32, #tpu.memory_space<vmem>>, vector<16xf32>,
            %parallel_loop3A_292 = arith.index_cast %parallel_loop3A_168 : i32 to index
            %parallel_loop3A_293 = arith.constant 208 : index
            %parallel_loop3A_294 = tpu.vector_load %arg15[%parallel_loop3A_292, %parallel_loop3A_293] {strides = array<i32>} : memref<128x256xf32, #tpu.memory_space<vmem>>, vector<16xf32>,
            %parallel_loop3A_295 = arith.mulf %parallel_loop3A_291, %parallel_loop3A_294 : vector<16xf32>
            %parallel_loop3A_296 = arith.addf %parallel_loop3A_264, %parallel_loop3A_295 : vector<16xf32>
            %parallel_loop3A_297 = arith.index_cast %parallel_loop3A_179 : i32 to index
            %parallel_loop3A_298 = arith.constant 224 : index
            %parallel_loop3A_299 = tpu.vector_load %arg9[%parallel_loop3A_297, %parallel_loop3A_298] {strides = array<i32>} : memref<64x256xf32, #tpu.memory_space<vmem>>, vector<16xf32>,
            %parallel_loop3A_300 = arith.index_cast %parallel_loop3A_168 : i32 to index
            %parallel_loop3A_301 = arith.constant 224 : index
            %parallel_loop3A_302 = tpu.vector_load %arg15[%parallel_loop3A_300, %parallel_loop3A_301] {strides = array<i32>} : memref<128x256xf32, #tpu.memory_space<vmem>>, vector<16xf32>,
            %parallel_loop3A_303 = arith.mulf %parallel_loop3A_299, %parallel_loop3A_302 : vector<16xf32>
            %parallel_loop3A_304 = arith.addf %parallel_loop3A_272, %parallel_loop3A_303 : vector<16xf32>
            %parallel_loop3A_305 = arith.index_cast %parallel_loop3A_179 : i32 to index
            %parallel_loop3A_306 = arith.constant 240 : index
            %parallel_loop3A_307 = tpu.vector_load %arg9[%parallel_loop3A_305, %parallel_loop3A_306] {strides = array<i32>} : memref<64x256xf32, #tpu.memory_space<vmem>>, vector<16xf32>,
            %parallel_loop3A_308 = arith.index_cast %parallel_loop3A_168 : i32 to index
            %parallel_loop3A_309 = arith.constant 240 : index
            %parallel_loop3A_310 = tpu.vector_load %arg15[%parallel_loop3A_308, %parallel_loop3A_309] {strides = array<i32>} : memref<128x256xf32, #tpu.memory_space<vmem>>, vector<16xf32>,
            %parallel_loop3A_311 = arith.mulf %parallel_loop3A_307, %parallel_loop3A_310 : vector<16xf32>
            %parallel_loop3A_312 = arith.addf %parallel_loop3A_280, %parallel_loop3A_311 : vector<16xf32>
            %parallel_loop3A_313 = arith.addf %parallel_loop3A_288, %parallel_loop3A_296 : vector<16xf32>
            %parallel_loop3A_314 = arith.addf %parallel_loop3A_304, %parallel_loop3A_312 : vector<16xf32>
            %parallel_loop3A_315 = arith.addf %parallel_loop3A_313, %parallel_loop3A_314 : vector<16xf32>
            %parallel_loop3A_316 = arith.constant true
            %parallel_loop3A_317 = vector.broadcast %parallel_loop3A_316 : i1 to vector<16xi1>
            %parallel_loop3A_318 = tpu.scan <sum>, %parallel_loop3A_315 masked %parallel_loop3A_317 : vector<16xf32>, vector<16xi1> -> vector<16xf32>
            %parallel_loop3A_319 = arith.constant 15 : i32
            %parallel_loop3A_320 = vector.broadcast %parallel_loop3A_319 : i32 to vector<16xi32>
            %parallel_loop3A_321 = arith.constant 0 : i32
            %parallel_loop3A_322 = vector.broadcast %parallel_loop3A_321 : i32 to vector<16xi32>
            %parallel_loop3A_323 = arith.cmpi slt, %parallel_loop3A_320, %parallel_loop3A_322 : vector<16xi32>
            %parallel_loop3A_324 = arith.constant 16 : i32
            %parallel_loop3A_325 = vector.broadcast %parallel_loop3A_324 : i32 to vector<16xi32>
            %parallel_loop3A_326 = arith.addi %parallel_loop3A_320, %parallel_loop3A_325 : vector<16xi32>
            %parallel_loop3A_327 = arith.select %parallel_loop3A_323, %parallel_loop3A_326, %parallel_loop3A_320 : vector<16xi1>, vector<16xi32>
            %parallel_loop3A_328 = vector.shape_cast %parallel_loop3A_327 : vector<16xi32> to vector<16x1xi32>
            %parallel_loop3A_329 = vector.shape_cast %parallel_loop3A_328 : vector<16x1xi32> to vector<16xi32>
            %parallel_loop3A_330 = tpu.dynamic_gather %parallel_loop3A_318[%parallel_loop3A_329] in [0] : vector<16xf32>, vector<16xi32> -> vector<16xf32>
            %parallel_loop3A_331 = math.exp %parallel_loop3A_330 : vector<16xf32>
            %parallel_loop3A_332 = arith.constant 256 : i32
            %parallel_loop3A_333 = arith.muli %parallel_loop3A_182, %parallel_loop3A_332 : i32
            %parallel_loop3A_334 = arith.constant 0 : i32
            %parallel_loop3A_335 = arith.addi %parallel_loop3A_333, %parallel_loop3A_334 : i32
            %parallel_loop3A_336 = arith.mulf %parallel_loop3A_331, %parallel_loop3A_190 : vector<16xf32>
            %parallel_loop3A_337 = arith.index_cast %parallel_loop3A_335 : i32 to index
            %parallel_loop3A_338 = tpu.vector_load %arg8[%parallel_loop3A_337] {strides = array<i32>} : memref<16640xf32, #tpu.memory_space<vmem>>, vector<16xf32>,
            tpu.vector_store %arg8[%parallel_loop3A_337], %parallel_loop3A_336 {add = true, strides = array<i32>} : memref<16640xf32, #tpu.memory_space<vmem>>, vector<16xf32>,
            %parallel_loop3A_339 = arith.constant 16 : i32
            %parallel_loop3A_340 = arith.addi %parallel_loop3A_333, %parallel_loop3A_339 : i32
            %parallel_loop3A_341 = arith.mulf %parallel_loop3A_331, %parallel_loop3A_198 : vector<16xf32>
            %parallel_loop3A_342 = arith.index_cast %parallel_loop3A_340 : i32 to index
            %parallel_loop3A_343 = tpu.vector_load %arg8[%parallel_loop3A_342] {strides = array<i32>} : memref<16640xf32, #tpu.memory_space<vmem>>, vector<16xf32>,
            tpu.vector_store %arg8[%parallel_loop3A_342], %parallel_loop3A_341 {add = true, strides = array<i32>} : memref<16640xf32, #tpu.memory_space<vmem>>, vector<16xf32>,
            %parallel_loop3A_344 = arith.constant 32 : i32
            %parallel_loop3A_345 = arith.addi %parallel_loop3A_333, %parallel_loop3A_344 : i32
            %parallel_loop3A_346 = arith.mulf %parallel_loop3A_331, %parallel_loop3A_206 : vector<16xf32>
            %parallel_loop3A_347 = arith.index_cast %parallel_loop3A_345 : i32 to index
            %parallel_loop3A_348 = tpu.vector_load %arg8[%parallel_loop3A_347] {strides = array<i32>} : memref<16640xf32, #tpu.memory_space<vmem>>, vector<16xf32>,
            tpu.vector_store %arg8[%parallel_loop3A_347], %parallel_loop3A_346 {add = true, strides = array<i32>} : memref<16640xf32, #tpu.memory_space<vmem>>, vector<16xf32>,
            %parallel_loop3A_349 = arith.constant 48 : i32
            %parallel_loop3A_350 = arith.addi %parallel_loop3A_333, %parallel_loop3A_349 : i32
            %parallel_loop3A_351 = arith.mulf %parallel_loop3A_331, %parallel_loop3A_214 : vector<16xf32>
            %parallel_loop3A_352 = arith.index_cast %parallel_loop3A_350 : i32 to index
            %parallel_loop3A_353 = tpu.vector_load %arg8[%parallel_loop3A_352] {strides = array<i32>} : memref<16640xf32, #tpu.memory_space<vmem>>, vector<16xf32>,
            tpu.vector_store %arg8[%parallel_loop3A_352], %parallel_loop3A_351 {add = true, strides = array<i32>} : memref<16640xf32, #tpu.memory_space<vmem>>, vector<16xf32>,
            %parallel_loop3A_354 = arith.constant 64 : i32
            %parallel_loop3A_355 = arith.addi %parallel_loop3A_333, %parallel_loop3A_354 : i32
            %parallel_loop3A_356 = arith.mulf %parallel_loop3A_331, %parallel_loop3A_222 : vector<16xf32>
            %parallel_loop3A_357 = arith.index_cast %parallel_loop3A_355 : i32 to index
            %parallel_loop3A_358 = tpu.vector_load %arg8[%parallel_loop3A_357] {strides = array<i32>} : memref<16640xf32, #tpu.memory_space<vmem>>, vector<16xf32>,
            tpu.vector_store %arg8[%parallel_loop3A_357], %parallel_loop3A_356 {add = true, strides = array<i32>} : memref<16640xf32, #tpu.memory_space<vmem>>, vector<16xf32>,
            %parallel_loop3A_359 = arith.constant 80 : i32
            %parallel_loop3A_360 = arith.addi %parallel_loop3A_333, %parallel_loop3A_359 : i32
            %parallel_loop3A_361 = arith.mulf %parallel_loop3A_331, %parallel_loop3A_230 : vector<16xf32>
            %parallel_loop3A_362 = arith.index_cast %parallel_loop3A_360 : i32 to index
            %parallel_loop3A_363 = tpu.vector_load %arg8[%parallel_loop3A_362] {strides = array<i32>} : memref<16640xf32, #tpu.memory_space<vmem>>, vector<16xf32>,
            tpu.vector_store %arg8[%parallel_loop3A_362], %parallel_loop3A_361 {add = true, strides = array<i32>} : memref<16640xf32, #tpu.memory_space<vmem>>, vector<16xf32>,
            %parallel_loop3A_364 = arith.constant 96 : i32
            %parallel_loop3A_365 = arith.addi %parallel_loop3A_333, %parallel_loop3A_364 : i32
            %parallel_loop3A_366 = arith.mulf %parallel_loop3A_331, %parallel_loop3A_238 : vector<16xf32>
            %parallel_loop3A_367 = arith.index_cast %parallel_loop3A_365 : i32 to index
            %parallel_loop3A_368 = tpu.vector_load %arg8[%parallel_loop3A_367] {strides = array<i32>} : memref<16640xf32, #tpu.memory_space<vmem>>, vector<16xf32>,
            tpu.vector_store %arg8[%parallel_loop3A_367], %parallel_loop3A_366 {add = true, strides = array<i32>} : memref<16640xf32, #tpu.memory_space<vmem>>, vector<16xf32>,
            %parallel_loop3A_369 = arith.constant 112 : i32
            %parallel_loop3A_370 = arith.addi %parallel_loop3A_333, %parallel_loop3A_369 : i32
            %parallel_loop3A_371 = arith.mulf %parallel_loop3A_331, %parallel_loop3A_246 : vector<16xf32>
            %parallel_loop3A_372 = arith.index_cast %parallel_loop3A_370 : i32 to index
            %parallel_loop3A_373 = tpu.vector_load %arg8[%parallel_loop3A_372] {strides = array<i32>} : memref<16640xf32, #tpu.memory_space<vmem>>, vector<16xf32>,
            tpu.vector_store %arg8[%parallel_loop3A_372], %parallel_loop3A_371 {add = true, strides = array<i32>} : memref<16640xf32, #tpu.memory_space<vmem>>, vector<16xf32>,
            %parallel_loop3A_374 = arith.constant 128 : i32
            %parallel_loop3A_375 = arith.addi %parallel_loop3A_333, %parallel_loop3A_374 : i32
            %parallel_loop3A_376 = arith.mulf %parallel_loop3A_331, %parallel_loop3A_254 : vector<16xf32>
            %parallel_loop3A_377 = arith.index_cast %parallel_loop3A_375 : i32 to index
            %parallel_loop3A_378 = tpu.vector_load %arg8[%parallel_loop3A_377] {strides = array<i32>} : memref<16640xf32, #tpu.memory_space<vmem>>, vector<16xf32>,
            tpu.vector_store %arg8[%parallel_loop3A_377], %parallel_loop3A_376 {add = true, strides = array<i32>} : memref<16640xf32, #tpu.memory_space<vmem>>, vector<16xf32>,
            %parallel_loop3A_379 = arith.constant 144 : i32
            %parallel_loop3A_380 = arith.addi %parallel_loop3A_333, %parallel_loop3A_379 : i32
            %parallel_loop3A_381 = arith.mulf %parallel_loop3A_331, %parallel_loop3A_262 : vector<16xf32>
            %parallel_loop3A_382 = arith.index_cast %parallel_loop3A_380 : i32 to index
            %parallel_loop3A_383 = tpu.vector_load %arg8[%parallel_loop3A_382] {strides = array<i32>} : memref<16640xf32, #tpu.memory_space<vmem>>, vector<16xf32>,
            tpu.vector_store %arg8[%parallel_loop3A_382], %parallel_loop3A_381 {add = true, strides = array<i32>} : memref<16640xf32, #tpu.memory_space<vmem>>, vector<16xf32>,
            %parallel_loop3A_384 = arith.constant 160 : i32
            %parallel_loop3A_385 = arith.addi %parallel_loop3A_333, %parallel_loop3A_384 : i32
            %parallel_loop3A_386 = arith.mulf %parallel_loop3A_331, %parallel_loop3A_270 : vector<16xf32>
            %parallel_loop3A_387 = arith.index_cast %parallel_loop3A_385 : i32 to index
            %parallel_loop3A_388 = tpu.vector_load %arg8[%parallel_loop3A_387] {strides = array<i32>} : memref<16640xf32, #tpu.memory_space<vmem>>, vector<16xf32>,
            tpu.vector_store %arg8[%parallel_loop3A_387], %parallel_loop3A_386 {add = true, strides = array<i32>} : memref<16640xf32, #tpu.memory_space<vmem>>, vector<16xf32>,
            %parallel_loop3A_389 = arith.constant 176 : i32
            %parallel_loop3A_390 = arith.addi %parallel_loop3A_333, %parallel_loop3A_389 : i32
            %parallel_loop3A_391 = arith.mulf %parallel_loop3A_331, %parallel_loop3A_278 : vector<16xf32>
            %parallel_loop3A_392 = arith.index_cast %parallel_loop3A_390 : i32 to index
            %parallel_loop3A_393 = tpu.vector_load %arg8[%parallel_loop3A_392] {strides = array<i32>} : memref<16640xf32, #tpu.memory_space<vmem>>, vector<16xf32>,
            tpu.vector_store %arg8[%parallel_loop3A_392], %parallel_loop3A_391 {add = true, strides = array<i32>} : memref<16640xf32, #tpu.memory_space<vmem>>, vector<16xf32>,
            %parallel_loop3A_394 = arith.constant 192 : i32
            %parallel_loop3A_395 = arith.addi %parallel_loop3A_333, %parallel_loop3A_394 : i32
            %parallel_loop3A_396 = arith.mulf %parallel_loop3A_331, %parallel_loop3A_286 : vector<16xf32>
            %parallel_loop3A_397 = arith.index_cast %parallel_loop3A_395 : i32 to index
            %parallel_loop3A_398 = tpu.vector_load %arg8[%parallel_loop3A_397] {strides = array<i32>} : memref<16640xf32, #tpu.memory_space<vmem>>, vector<16xf32>,
            tpu.vector_store %arg8[%parallel_loop3A_397], %parallel_loop3A_396 {add = true, strides = array<i32>} : memref<16640xf32, #tpu.memory_space<vmem>>, vector<16xf32>,
            %parallel_loop3A_399 = arith.constant 208 : i32
            %parallel_loop3A_400 = arith.addi %parallel_loop3A_333, %parallel_loop3A_399 : i32
            %parallel_loop3A_401 = arith.mulf %parallel_loop3A_331, %parallel_loop3A_294 : vector<16xf32>
            %parallel_loop3A_402 = arith.index_cast %parallel_loop3A_400 : i32 to index
            %parallel_loop3A_403 = tpu.vector_load %arg8[%parallel_loop3A_402] {strides = array<i32>} : memref<16640xf32, #tpu.memory_space<vmem>>, vector<16xf32>,
            tpu.vector_store %arg8[%parallel_loop3A_402], %parallel_loop3A_401 {add = true, strides = array<i32>} : memref<16640xf32, #tpu.memory_space<vmem>>, vector<16xf32>,
            %parallel_loop3A_404 = arith.constant 224 : i32
            %parallel_loop3A_405 = arith.addi %parallel_loop3A_333, %parallel_loop3A_404 : i32
            %parallel_loop3A_406 = arith.mulf %parallel_loop3A_331, %parallel_loop3A_302 : vector<16xf32>
            %parallel_loop3A_407 = arith.index_cast %parallel_loop3A_405 : i32 to index
            %parallel_loop3A_408 = tpu.vector_load %arg8[%parallel_loop3A_407] {strides = array<i32>} : memref<16640xf32, #tpu.memory_space<vmem>>, vector<16xf32>,
            tpu.vector_store %arg8[%parallel_loop3A_407], %parallel_loop3A_406 {add = true, strides = array<i32>} : memref<16640xf32, #tpu.memory_space<vmem>>, vector<16xf32>,
            %parallel_loop3A_409 = arith.constant 240 : i32
            %parallel_loop3A_410 = arith.addi %parallel_loop3A_333, %parallel_loop3A_409 : i32
            %parallel_loop3A_411 = arith.mulf %parallel_loop3A_331, %parallel_loop3A_310 : vector<16xf32>
            %parallel_loop3A_412 = arith.index_cast %parallel_loop3A_410 : i32 to index
            %parallel_loop3A_413 = tpu.vector_load %arg8[%parallel_loop3A_412] {strides = array<i32>} : memref<16640xf32, #tpu.memory_space<vmem>>, vector<16xf32>,
            tpu.vector_store %arg8[%parallel_loop3A_412], %parallel_loop3A_411 {add = true, strides = array<i32>} : memref<16640xf32, #tpu.memory_space<vmem>>, vector<16xf32>,
            %parallel_loop3A_414 = arith.constant 16 : i32
            %parallel_loop3A_415 = arith.muli %parallel_loop3A_182, %parallel_loop3A_414 : i32
            %parallel_loop3A_416 = arith.index_cast %parallel_loop3A_415 : i32 to index
            %parallel_loop3A_417 = tpu.vector_load %arg10[%parallel_loop3A_416] {strides = array<i32>} : memref<1040xf32, #tpu.memory_space<vmem>>, vector<16xf32>,
            tpu.vector_store %arg10[%parallel_loop3A_416], %parallel_loop3A_331 {add = true, strides = array<i32>} : memref<1040xf32, #tpu.memory_space<vmem>>, vector<16xf32>,
          } {sc.loop_unroll_factor = 2 : i64, sc.parallel_access}
        } else {
        }
        %mul3A_146 = arith.constant 2 : i32
        %mul3A_147 = arith.muli %mul3A_146, %add3A_138 : i32
        %add3A_148 = arith.constant 1 : i32
        %add3A_149 = arith.addi %mul3A_147, %add3A_148 : i32
        %lt3A_150 = arith.cmpi slt, %add3A_149, %select_n3A_82 : i32
        %convert_element_type3A_151 = arith.extui %lt3A_150 : i1 to i32
        %cond3A_152 = arith.constant 0 : i32
        %cond3A_153 = arith.cmpi ne, %convert_element_type3A_151, %cond3A_152 : i32
        scf.if %cond3A_153 {
          %add3A_154 = arith.constant 1 : i32
          %add3A_155 = arith.addi %add3A_149, %add3A_154 : i32
          %lt3A_156 = arith.cmpi slt, %add3A_155, %select_n3A_82 : i32
          %convert_element_type3A_157 = arith.extui %lt3A_156 : i1 to i32
          %cond3A_158 = arith.constant 0 : i32
          %cond3A_159 = arith.cmpi ne, %convert_element_type3A_157, %cond3A_158 : i32
          scf.if %cond3A_159 {
            %add3A_168 = arith.constant 1 : i32
            %add3A_169 = arith.addi %add3A_149, %add3A_168 : i32
            %mul3A_170 = arith.constant 128 : i32
            %mul3A_171 = arith.muli %add3A_169, %mul3A_170 : i32
            %add3A_172 = arith.addi %mul3A_53, %mul3A_171 : i32
            "tpu.region"() ({
              %run_scoped3A = tpu.sem_alloc : memref<!tpu.dma_semaphore, #tpu.memory_space<semaphore_mem>>
              %dma_start3A_176 = arith.constant 0 : i32
              %dma_start3A_177 = tpu.memref_slice %arg11[%dma_start3A_176] : memref<144xi32, #tpu.memory_space<vmem>> -> memref<128xi32, #tpu.memory_space<vmem>>
              %dma_start3A_178 = tpu.memref_slice %arg3[%add3A_172] : memref<160128xi32, #tpu.memory_space<hbm>> -> memref<128xi32, #tpu.memory_space<hbm>>
              %dma_start3A_179 = arith.constant 0 : i32
              %dma_start3A_180 = tpu.memref_slice %arg11[%dma_start3A_179] : memref<144xi32, #tpu.memory_space<vmem>> -> memref<128xi32, #tpu.memory_space<vmem>>
              %dma_start3A_181 = tpu.memref_slice %arg3[%add3A_172] : memref<160128xi32, #tpu.memory_space<hbm>> -> memref<128xi32, #tpu.memory_space<hbm>>
              tpu.enqueue_dma source(%dma_start3A_181 : memref<128xi32, #tpu.memory_space<hbm>>) target(%dma_start3A_180 : memref<128xi32, #tpu.memory_space<vmem>>) target_semaphore(%run_scoped3A : memref<!tpu.dma_semaphore, #tpu.memory_space<semaphore_mem>>)
              %dma_wait3A_182 = arith.constant 0 : i32
              %dma_wait3A_183 = tpu.memref_slice %arg11[%dma_wait3A_182] : memref<144xi32, #tpu.memory_space<vmem>> -> memref<128xi32, #tpu.memory_space<vmem>>
              %dma_wait3A_184 = tpu.memref_slice %arg3[%add3A_172] : memref<160128xi32, #tpu.memory_space<hbm>> -> memref<128xi32, #tpu.memory_space<hbm>>
              %dma_wait3A_185 = arith.constant 0 : i32
              %dma_wait3A_186 = tpu.memref_slice %arg11[%dma_wait3A_185] : memref<144xi32, #tpu.memory_space<vmem>> -> memref<128xi32, #tpu.memory_space<vmem>>
              %dma_wait3A_187 = tpu.memref_slice %arg3[%add3A_172] : memref<160128xi32, #tpu.memory_space<hbm>> -> memref<128xi32, #tpu.memory_space<hbm>>
              tpu.wait_dma2 semaphore(%run_scoped3A : memref<!tpu.dma_semaphore, #tpu.memory_space<semaphore_mem>>) src(%dma_wait3A_187 : memref<128xi32, #tpu.memory_space<hbm>>) dst(%dma_wait3A_186 : memref<128xi32, #tpu.memory_space<vmem>>)
              tpu.yield
            }) : () -> ()
            "tpu.region"() ({
              %run_scoped3A = tpu.sem_alloc : memref<!tpu.dma_semaphore, #tpu.memory_space<semaphore_mem>>
              %dma_start3A_176 = tpu.memref_slice %arg4[%add3A_172] : memref<160128xi32, #tpu.memory_space<hbm>> -> memref<128xi32, #tpu.memory_space<hbm>>
              %dma_start3A_177 = tpu.memref_slice %arg4[%add3A_172] : memref<160128xi32, #tpu.memory_space<hbm>> -> memref<128xi32, #tpu.memory_space<hbm>>
              tpu.enqueue_dma source(%dma_start3A_177 : memref<128xi32, #tpu.memory_space<hbm>>) target(%arg13 : memref<128xi32, #tpu.memory_space<vmem>>) target_semaphore(%run_scoped3A : memref<!tpu.dma_semaphore, #tpu.memory_space<semaphore_mem>>)
              %dma_wait3A_178 = tpu.memref_slice %arg4[%add3A_172] : memref<160128xi32, #tpu.memory_space<hbm>> -> memref<128xi32, #tpu.memory_space<hbm>>
              %dma_wait3A_179 = tpu.memref_slice %arg4[%add3A_172] : memref<160128xi32, #tpu.memory_space<hbm>> -> memref<128xi32, #tpu.memory_space<hbm>>
              tpu.wait_dma2 semaphore(%run_scoped3A : memref<!tpu.dma_semaphore, #tpu.memory_space<semaphore_mem>>) src(%dma_wait3A_179 : memref<128xi32, #tpu.memory_space<hbm>>) dst(%arg13 : memref<128xi32, #tpu.memory_space<vmem>>)
              tpu.yield
            }) : () -> ()
            %dma_start3A_173 = arith.constant 0 : i32
            %dma_start3A_174 = arith.constant 0 : i32
            %dma_start3A_175 = tpu.memref_slice %arg2[%dma_start3A_173, %dma_start3A_174] : memref<10000x256xf32, #tpu.memory_space<hbm>> -> memref<10000x256xf32, #tpu.memory_space<hbm>>
            tpu.enqueue_indirect_dma source(%dma_start3A_175 : memref<10000x256xf32, #tpu.memory_space<hbm>>) target(%arg15 : memref<128x256xf32, #tpu.memory_space<vmem>>) offsets(%arg13 : memref<128xi32, #tpu.memory_space<vmem>>) semaphore(%arg19 : memref<!tpu.dma_semaphore, #tpu.memory_space<semaphore_mem>>)
          } else {
          }
          %dma_wait3A_160 = arith.constant 0 : i32
          %dma_wait3A_161 = arith.constant 0 : i32
          %dma_wait3A_162 = tpu.memref_slice %arg2[%dma_wait3A_160, %dma_wait3A_161] : memref<10000x256xf32, #tpu.memory_space<hbm>> -> memref<10000x256xf32, #tpu.memory_space<hbm>>
          tpu.wait_indirect_dma semaphore(%arg20 : memref<!tpu.dma_semaphore, #tpu.memory_space<semaphore_mem>>) src(%dma_wait3A_162 : memref<10000x256xf32, #tpu.memory_space<hbm>>) dst(%arg16 : memref<128x256xf32, #tpu.memory_space<vmem>>)
          %mul3A_163 = arith.constant 128 : i32
          %mul3A_164 = arith.muli %add3A_149, %mul3A_163 : i32
          %add3A_165 = arith.addi %mul3A_53, %mul3A_164 : i32
          %parallel_loop3A = arith.constant 0 : i32
          %parallel_loop3A_166 = arith.constant 128 : i32
          %parallel_loop3A_167 = arith.constant 1 : i32
          scf.for %parallel_loop3A_168 = %parallel_loop3A to %parallel_loop3A_166 step %parallel_loop3A_167  : i32 {
            %parallel_loop3A_169 = arith.addi %add3A_165, %parallel_loop3A_168 : i32
            %parallel_loop3A_170 = arith.index_cast %parallel_loop3A_168 : i32 to index
            %parallel_loop3A_171 = tpu.vector_load %arg12[%parallel_loop3A_170] {strides = array<i32>} : memref<144xi32, #tpu.memory_space<vmem>>, vector<16xi32>,
            %parallel_loop3A_172 = vector.extract_strided_slice %parallel_loop3A_171 {offsets = [0], sizes = [1], strides = [1]} : vector<16xi32> to vector<1xi32>
            %parallel_loop3A_173 = vector.extract %parallel_loop3A_172[0] : i32 from vector<1xi32>
            %parallel_loop3A_174 = arith.cmpi sge, %parallel_loop3A_169, %squeeze3A : i32
            %parallel_loop3A_175 = arith.cmpi slt, %parallel_loop3A_169, %squeeze3A_23 : i32
            %parallel_loop3A_176 = arith.andi %parallel_loop3A_174, %parallel_loop3A_175 : i1
            %parallel_loop3A_177 = arith.subi %parallel_loop3A_173, %min3A_16 : i32
            %parallel_loop3A_178 = arith.constant 0 : i32
            %parallel_loop3A_179 = arith.select %parallel_loop3A_176, %parallel_loop3A_177, %parallel_loop3A_178 : i32
            %parallel_loop3A_180 = arith.subi %parallel_loop3A_173, %mul3A_15 : i32
            %parallel_loop3A_181 = arith.constant 64 : i32
            %parallel_loop3A_182 = arith.select %parallel_loop3A_176, %parallel_loop3A_180, %parallel_loop3A_181 : i32
            %parallel_loop3A_183 = arith.constant 0.000000e+00 : f32
            %parallel_loop3A_184 = vector.broadcast %parallel_loop3A_183 : f32 to vector<16xf32>
            %parallel_loop3A_185 = arith.index_cast %parallel_loop3A_179 : i32 to index
            %parallel_loop3A_186 = arith.constant 0 : index
            %parallel_loop3A_187 = tpu.vector_load %arg9[%parallel_loop3A_185, %parallel_loop3A_186] {strides = array<i32>} : memref<64x256xf32, #tpu.memory_space<vmem>>, vector<16xf32>,
            %parallel_loop3A_188 = arith.index_cast %parallel_loop3A_168 : i32 to index
            %parallel_loop3A_189 = arith.constant 0 : index
            %parallel_loop3A_190 = tpu.vector_load %arg16[%parallel_loop3A_188, %parallel_loop3A_189] {strides = array<i32>} : memref<128x256xf32, #tpu.memory_space<vmem>>, vector<16xf32>,
            %parallel_loop3A_191 = arith.mulf %parallel_loop3A_187, %parallel_loop3A_190 : vector<16xf32>
            %parallel_loop3A_192 = arith.addf %parallel_loop3A_184, %parallel_loop3A_191 : vector<16xf32>
            %parallel_loop3A_193 = arith.index_cast %parallel_loop3A_179 : i32 to index
            %parallel_loop3A_194 = arith.constant 16 : index
            %parallel_loop3A_195 = tpu.vector_load %arg9[%parallel_loop3A_193, %parallel_loop3A_194] {strides = array<i32>} : memref<64x256xf32, #tpu.memory_space<vmem>>, vector<16xf32>,
            %parallel_loop3A_196 = arith.index_cast %parallel_loop3A_168 : i32 to index
            %parallel_loop3A_197 = arith.constant 16 : index
            %parallel_loop3A_198 = tpu.vector_load %arg16[%parallel_loop3A_196, %parallel_loop3A_197] {strides = array<i32>} : memref<128x256xf32, #tpu.memory_space<vmem>>, vector<16xf32>,
            %parallel_loop3A_199 = arith.mulf %parallel_loop3A_195, %parallel_loop3A_198 : vector<16xf32>
            %parallel_loop3A_200 = arith.addf %parallel_loop3A_184, %parallel_loop3A_199 : vector<16xf32>
            %parallel_loop3A_201 = arith.index_cast %parallel_loop3A_179 : i32 to index
            %parallel_loop3A_202 = arith.constant 32 : index
            %parallel_loop3A_203 = tpu.vector_load %arg9[%parallel_loop3A_201, %parallel_loop3A_202] {strides = array<i32>} : memref<64x256xf32, #tpu.memory_space<vmem>>, vector<16xf32>,
            %parallel_loop3A_204 = arith.index_cast %parallel_loop3A_168 : i32 to index
            %parallel_loop3A_205 = arith.constant 32 : index
            %parallel_loop3A_206 = tpu.vector_load %arg16[%parallel_loop3A_204, %parallel_loop3A_205] {strides = array<i32>} : memref<128x256xf32, #tpu.memory_space<vmem>>, vector<16xf32>,
            %parallel_loop3A_207 = arith.mulf %parallel_loop3A_203, %parallel_loop3A_206 : vector<16xf32>
            %parallel_loop3A_208 = arith.addf %parallel_loop3A_184, %parallel_loop3A_207 : vector<16xf32>
            %parallel_loop3A_209 = arith.index_cast %parallel_loop3A_179 : i32 to index
            %parallel_loop3A_210 = arith.constant 48 : index
            %parallel_loop3A_211 = tpu.vector_load %arg9[%parallel_loop3A_209, %parallel_loop3A_210] {strides = array<i32>} : memref<64x256xf32, #tpu.memory_space<vmem>>, vector<16xf32>,
            %parallel_loop3A_212 = arith.index_cast %parallel_loop3A_168 : i32 to index
            %parallel_loop3A_213 = arith.constant 48 : index
            %parallel_loop3A_214 = tpu.vector_load %arg16[%parallel_loop3A_212, %parallel_loop3A_213] {strides = array<i32>} : memref<128x256xf32, #tpu.memory_space<vmem>>, vector<16xf32>,
            %parallel_loop3A_215 = arith.mulf %parallel_loop3A_211, %parallel_loop3A_214 : vector<16xf32>
            %parallel_loop3A_216 = arith.addf %parallel_loop3A_184, %parallel_loop3A_215 : vector<16xf32>
            %parallel_loop3A_217 = arith.index_cast %parallel_loop3A_179 : i32 to index
            %parallel_loop3A_218 = arith.constant 64 : index
            %parallel_loop3A_219 = tpu.vector_load %arg9[%parallel_loop3A_217, %parallel_loop3A_218] {strides = array<i32>} : memref<64x256xf32, #tpu.memory_space<vmem>>, vector<16xf32>,
            %parallel_loop3A_220 = arith.index_cast %parallel_loop3A_168 : i32 to index
            %parallel_loop3A_221 = arith.constant 64 : index
            %parallel_loop3A_222 = tpu.vector_load %arg16[%parallel_loop3A_220, %parallel_loop3A_221] {strides = array<i32>} : memref<128x256xf32, #tpu.memory_space<vmem>>, vector<16xf32>,
            %parallel_loop3A_223 = arith.mulf %parallel_loop3A_219, %parallel_loop3A_222 : vector<16xf32>
            %parallel_loop3A_224 = arith.addf %parallel_loop3A_192, %parallel_loop3A_223 : vector<16xf32>
            %parallel_loop3A_225 = arith.index_cast %parallel_loop3A_179 : i32 to index
            %parallel_loop3A_226 = arith.constant 80 : index
            %parallel_loop3A_227 = tpu.vector_load %arg9[%parallel_loop3A_225, %parallel_loop3A_226] {strides = array<i32>} : memref<64x256xf32, #tpu.memory_space<vmem>>, vector<16xf32>,
            %parallel_loop3A_228 = arith.index_cast %parallel_loop3A_168 : i32 to index
            %parallel_loop3A_229 = arith.constant 80 : index
            %parallel_loop3A_230 = tpu.vector_load %arg16[%parallel_loop3A_228, %parallel_loop3A_229] {strides = array<i32>} : memref<128x256xf32, #tpu.memory_space<vmem>>, vector<16xf32>,
            %parallel_loop3A_231 = arith.mulf %parallel_loop3A_227, %parallel_loop3A_230 : vector<16xf32>
            %parallel_loop3A_232 = arith.addf %parallel_loop3A_200, %parallel_loop3A_231 : vector<16xf32>
            %parallel_loop3A_233 = arith.index_cast %parallel_loop3A_179 : i32 to index
            %parallel_loop3A_234 = arith.constant 96 : index
            %parallel_loop3A_235 = tpu.vector_load %arg9[%parallel_loop3A_233, %parallel_loop3A_234] {strides = array<i32>} : memref<64x256xf32, #tpu.memory_space<vmem>>, vector<16xf32>,
            %parallel_loop3A_236 = arith.index_cast %parallel_loop3A_168 : i32 to index
            %parallel_loop3A_237 = arith.constant 96 : index
            %parallel_loop3A_238 = tpu.vector_load %arg16[%parallel_loop3A_236, %parallel_loop3A_237] {strides = array<i32>} : memref<128x256xf32, #tpu.memory_space<vmem>>, vector<16xf32>,
            %parallel_loop3A_239 = arith.mulf %parallel_loop3A_235, %parallel_loop3A_238 : vector<16xf32>
            %parallel_loop3A_240 = arith.addf %parallel_loop3A_208, %parallel_loop3A_239 : vector<16xf32>
            %parallel_loop3A_241 = arith.index_cast %parallel_loop3A_179 : i32 to index
            %parallel_loop3A_242 = arith.constant 112 : index
            %parallel_loop3A_243 = tpu.vector_load %arg9[%parallel_loop3A_241, %parallel_loop3A_242] {strides = array<i32>} : memref<64x256xf32, #tpu.memory_space<vmem>>, vector<16xf32>,
            %parallel_loop3A_244 = arith.index_cast %parallel_loop3A_168 : i32 to index
            %parallel_loop3A_245 = arith.constant 112 : index
            %parallel_loop3A_246 = tpu.vector_load %arg16[%parallel_loop3A_244, %parallel_loop3A_245] {strides = array<i32>} : memref<128x256xf32, #tpu.memory_space<vmem>>, vector<16xf32>,
            %parallel_loop3A_247 = arith.mulf %parallel_loop3A_243, %parallel_loop3A_246 : vector<16xf32>
            %parallel_loop3A_248 = arith.addf %parallel_loop3A_216, %parallel_loop3A_247 : vector<16xf32>
            %parallel_loop3A_249 = arith.index_cast %parallel_loop3A_179 : i32 to index
            %parallel_loop3A_250 = arith.constant 128 : index
            %parallel_loop3A_251 = tpu.vector_load %arg9[%parallel_loop3A_249, %parallel_loop3A_250] {strides = array<i32>} : memref<64x256xf32, #tpu.memory_space<vmem>>, vector<16xf32>,
            %parallel_loop3A_252 = arith.index_cast %parallel_loop3A_168 : i32 to index
            %parallel_loop3A_253 = arith.constant 128 : index
            %parallel_loop3A_254 = tpu.vector_load %arg16[%parallel_loop3A_252, %parallel_loop3A_253] {strides = array<i32>} : memref<128x256xf32, #tpu.memory_space<vmem>>, vector<16xf32>,
            %parallel_loop3A_255 = arith.mulf %parallel_loop3A_251, %parallel_loop3A_254 : vector<16xf32>
            %parallel_loop3A_256 = arith.addf %parallel_loop3A_224, %parallel_loop3A_255 : vector<16xf32>
            %parallel_loop3A_257 = arith.index_cast %parallel_loop3A_179 : i32 to index
            %parallel_loop3A_258 = arith.constant 144 : index
            %parallel_loop3A_259 = tpu.vector_load %arg9[%parallel_loop3A_257, %parallel_loop3A_258] {strides = array<i32>} : memref<64x256xf32, #tpu.memory_space<vmem>>, vector<16xf32>,
            %parallel_loop3A_260 = arith.index_cast %parallel_loop3A_168 : i32 to index
            %parallel_loop3A_261 = arith.constant 144 : index
            %parallel_loop3A_262 = tpu.vector_load %arg16[%parallel_loop3A_260, %parallel_loop3A_261] {strides = array<i32>} : memref<128x256xf32, #tpu.memory_space<vmem>>, vector<16xf32>,
            %parallel_loop3A_263 = arith.mulf %parallel_loop3A_259, %parallel_loop3A_262 : vector<16xf32>
            %parallel_loop3A_264 = arith.addf %parallel_loop3A_232, %parallel_loop3A_263 : vector<16xf32>
            %parallel_loop3A_265 = arith.index_cast %parallel_loop3A_179 : i32 to index
            %parallel_loop3A_266 = arith.constant 160 : index
            %parallel_loop3A_267 = tpu.vector_load %arg9[%parallel_loop3A_265, %parallel_loop3A_266] {strides = array<i32>} : memref<64x256xf32, #tpu.memory_space<vmem>>, vector<16xf32>,
            %parallel_loop3A_268 = arith.index_cast %parallel_loop3A_168 : i32 to index
            %parallel_loop3A_269 = arith.constant 160 : index
            %parallel_loop3A_270 = tpu.vector_load %arg16[%parallel_loop3A_268, %parallel_loop3A_269] {strides = array<i32>} : memref<128x256xf32, #tpu.memory_space<vmem>>, vector<16xf32>,
            %parallel_loop3A_271 = arith.mulf %parallel_loop3A_267, %parallel_loop3A_270 : vector<16xf32>
            %parallel_loop3A_272 = arith.addf %parallel_loop3A_240, %parallel_loop3A_271 : vector<16xf32>
            %parallel_loop3A_273 = arith.index_cast %parallel_loop3A_179 : i32 to index
            %parallel_loop3A_274 = arith.constant 176 : index
            %parallel_loop3A_275 = tpu.vector_load %arg9[%parallel_loop3A_273, %parallel_loop3A_274] {strides = array<i32>} : memref<64x256xf32, #tpu.memory_space<vmem>>, vector<16xf32>,
            %parallel_loop3A_276 = arith.index_cast %parallel_loop3A_168 : i32 to index
            %parallel_loop3A_277 = arith.constant 176 : index
            %parallel_loop3A_278 = tpu.vector_load %arg16[%parallel_loop3A_276, %parallel_loop3A_277] {strides = array<i32>} : memref<128x256xf32, #tpu.memory_space<vmem>>, vector<16xf32>,
            %parallel_loop3A_279 = arith.mulf %parallel_loop3A_275, %parallel_loop3A_278 : vector<16xf32>
            %parallel_loop3A_280 = arith.addf %parallel_loop3A_248, %parallel_loop3A_279 : vector<16xf32>
            %parallel_loop3A_281 = arith.index_cast %parallel_loop3A_179 : i32 to index
            %parallel_loop3A_282 = arith.constant 192 : index
            %parallel_loop3A_283 = tpu.vector_load %arg9[%parallel_loop3A_281, %parallel_loop3A_282] {strides = array<i32>} : memref<64x256xf32, #tpu.memory_space<vmem>>, vector<16xf32>,
            %parallel_loop3A_284 = arith.index_cast %parallel_loop3A_168 : i32 to index
            %parallel_loop3A_285 = arith.constant 192 : index
            %parallel_loop3A_286 = tpu.vector_load %arg16[%parallel_loop3A_284, %parallel_loop3A_285] {strides = array<i32>} : memref<128x256xf32, #tpu.memory_space<vmem>>, vector<16xf32>,
            %parallel_loop3A_287 = arith.mulf %parallel_loop3A_283, %parallel_loop3A_286 : vector<16xf32>
            %parallel_loop3A_288 = arith.addf %parallel_loop3A_256, %parallel_loop3A_287 : vector<16xf32>
            %parallel_loop3A_289 = arith.index_cast %parallel_loop3A_179 : i32 to index
            %parallel_loop3A_290 = arith.constant 208 : index
            %parallel_loop3A_291 = tpu.vector_load %arg9[%parallel_loop3A_289, %parallel_loop3A_290] {strides = array<i32>} : memref<64x256xf32, #tpu.memory_space<vmem>>, vector<16xf32>,
            %parallel_loop3A_292 = arith.index_cast %parallel_loop3A_168 : i32 to index
            %parallel_loop3A_293 = arith.constant 208 : index
            %parallel_loop3A_294 = tpu.vector_load %arg16[%parallel_loop3A_292, %parallel_loop3A_293] {strides = array<i32>} : memref<128x256xf32, #tpu.memory_space<vmem>>, vector<16xf32>,
            %parallel_loop3A_295 = arith.mulf %parallel_loop3A_291, %parallel_loop3A_294 : vector<16xf32>
            %parallel_loop3A_296 = arith.addf %parallel_loop3A_264, %parallel_loop3A_295 : vector<16xf32>
            %parallel_loop3A_297 = arith.index_cast %parallel_loop3A_179 : i32 to index
            %parallel_loop3A_298 = arith.constant 224 : index
            %parallel_loop3A_299 = tpu.vector_load %arg9[%parallel_loop3A_297, %parallel_loop3A_298] {strides = array<i32>} : memref<64x256xf32, #tpu.memory_space<vmem>>, vector<16xf32>,
            %parallel_loop3A_300 = arith.index_cast %parallel_loop3A_168 : i32 to index
            %parallel_loop3A_301 = arith.constant 224 : index
            %parallel_loop3A_302 = tpu.vector_load %arg16[%parallel_loop3A_300, %parallel_loop3A_301] {strides = array<i32>} : memref<128x256xf32, #tpu.memory_space<vmem>>, vector<16xf32>,
            %parallel_loop3A_303 = arith.mulf %parallel_loop3A_299, %parallel_loop3A_302 : vector<16xf32>
            %parallel_loop3A_304 = arith.addf %parallel_loop3A_272, %parallel_loop3A_303 : vector<16xf32>
            %parallel_loop3A_305 = arith.index_cast %parallel_loop3A_179 : i32 to index
            %parallel_loop3A_306 = arith.constant 240 : index
            %parallel_loop3A_307 = tpu.vector_load %arg9[%parallel_loop3A_305, %parallel_loop3A_306] {strides = array<i32>} : memref<64x256xf32, #tpu.memory_space<vmem>>, vector<16xf32>,
            %parallel_loop3A_308 = arith.index_cast %parallel_loop3A_168 : i32 to index
            %parallel_loop3A_309 = arith.constant 240 : index
            %parallel_loop3A_310 = tpu.vector_load %arg16[%parallel_loop3A_308, %parallel_loop3A_309] {strides = array<i32>} : memref<128x256xf32, #tpu.memory_space<vmem>>, vector<16xf32>,
            %parallel_loop3A_311 = arith.mulf %parallel_loop3A_307, %parallel_loop3A_310 : vector<16xf32>
            %parallel_loop3A_312 = arith.addf %parallel_loop3A_280, %parallel_loop3A_311 : vector<16xf32>
            %parallel_loop3A_313 = arith.addf %parallel_loop3A_288, %parallel_loop3A_296 : vector<16xf32>
            %parallel_loop3A_314 = arith.addf %parallel_loop3A_304, %parallel_loop3A_312 : vector<16xf32>
            %parallel_loop3A_315 = arith.addf %parallel_loop3A_313, %parallel_loop3A_314 : vector<16xf32>
            %parallel_loop3A_316 = arith.constant true
            %parallel_loop3A_317 = vector.broadcast %parallel_loop3A_316 : i1 to vector<16xi1>
            %parallel_loop3A_318 = tpu.scan <sum>, %parallel_loop3A_315 masked %parallel_loop3A_317 : vector<16xf32>, vector<16xi1> -> vector<16xf32>
            %parallel_loop3A_319 = arith.constant 15 : i32
            %parallel_loop3A_320 = vector.broadcast %parallel_loop3A_319 : i32 to vector<16xi32>
            %parallel_loop3A_321 = arith.constant 0 : i32
            %parallel_loop3A_322 = vector.broadcast %parallel_loop3A_321 : i32 to vector<16xi32>
            %parallel_loop3A_323 = arith.cmpi slt, %parallel_loop3A_320, %parallel_loop3A_322 : vector<16xi32>
            %parallel_loop3A_324 = arith.constant 16 : i32
            %parallel_loop3A_325 = vector.broadcast %parallel_loop3A_324 : i32 to vector<16xi32>
            %parallel_loop3A_326 = arith.addi %parallel_loop3A_320, %parallel_loop3A_325 : vector<16xi32>
            %parallel_loop3A_327 = arith.select %parallel_loop3A_323, %parallel_loop3A_326, %parallel_loop3A_320 : vector<16xi1>, vector<16xi32>
            %parallel_loop3A_328 = vector.shape_cast %parallel_loop3A_327 : vector<16xi32> to vector<16x1xi32>
            %parallel_loop3A_329 = vector.shape_cast %parallel_loop3A_328 : vector<16x1xi32> to vector<16xi32>
            %parallel_loop3A_330 = tpu.dynamic_gather %parallel_loop3A_318[%parallel_loop3A_329] in [0] : vector<16xf32>, vector<16xi32> -> vector<16xf32>
            %parallel_loop3A_331 = math.exp %parallel_loop3A_330 : vector<16xf32>
            %parallel_loop3A_332 = arith.constant 256 : i32
            %parallel_loop3A_333 = arith.muli %parallel_loop3A_182, %parallel_loop3A_332 : i32
            %parallel_loop3A_334 = arith.constant 0 : i32
            %parallel_loop3A_335 = arith.addi %parallel_loop3A_333, %parallel_loop3A_334 : i32
            %parallel_loop3A_336 = arith.mulf %parallel_loop3A_331, %parallel_loop3A_190 : vector<16xf32>
            %parallel_loop3A_337 = arith.index_cast %parallel_loop3A_335 : i32 to index
            %parallel_loop3A_338 = tpu.vector_load %arg8[%parallel_loop3A_337] {strides = array<i32>} : memref<16640xf32, #tpu.memory_space<vmem>>, vector<16xf32>,
            tpu.vector_store %arg8[%parallel_loop3A_337], %parallel_loop3A_336 {add = true, strides = array<i32>} : memref<16640xf32, #tpu.memory_space<vmem>>, vector<16xf32>,
            %parallel_loop3A_339 = arith.constant 16 : i32
            %parallel_loop3A_340 = arith.addi %parallel_loop3A_333, %parallel_loop3A_339 : i32
            %parallel_loop3A_341 = arith.mulf %parallel_loop3A_331, %parallel_loop3A_198 : vector<16xf32>
            %parallel_loop3A_342 = arith.index_cast %parallel_loop3A_340 : i32 to index
            %parallel_loop3A_343 = tpu.vector_load %arg8[%parallel_loop3A_342] {strides = array<i32>} : memref<16640xf32, #tpu.memory_space<vmem>>, vector<16xf32>,
            tpu.vector_store %arg8[%parallel_loop3A_342], %parallel_loop3A_341 {add = true, strides = array<i32>} : memref<16640xf32, #tpu.memory_space<vmem>>, vector<16xf32>,
            %parallel_loop3A_344 = arith.constant 32 : i32
            %parallel_loop3A_345 = arith.addi %parallel_loop3A_333, %parallel_loop3A_344 : i32
            %parallel_loop3A_346 = arith.mulf %parallel_loop3A_331, %parallel_loop3A_206 : vector<16xf32>
            %parallel_loop3A_347 = arith.index_cast %parallel_loop3A_345 : i32 to index
            %parallel_loop3A_348 = tpu.vector_load %arg8[%parallel_loop3A_347] {strides = array<i32>} : memref<16640xf32, #tpu.memory_space<vmem>>, vector<16xf32>,
            tpu.vector_store %arg8[%parallel_loop3A_347], %parallel_loop3A_346 {add = true, strides = array<i32>} : memref<16640xf32, #tpu.memory_space<vmem>>, vector<16xf32>,
            %parallel_loop3A_349 = arith.constant 48 : i32
            %parallel_loop3A_350 = arith.addi %parallel_loop3A_333, %parallel_loop3A_349 : i32
            %parallel_loop3A_351 = arith.mulf %parallel_loop3A_331, %parallel_loop3A_214 : vector<16xf32>
            %parallel_loop3A_352 = arith.index_cast %parallel_loop3A_350 : i32 to index
            %parallel_loop3A_353 = tpu.vector_load %arg8[%parallel_loop3A_352] {strides = array<i32>} : memref<16640xf32, #tpu.memory_space<vmem>>, vector<16xf32>,
            tpu.vector_store %arg8[%parallel_loop3A_352], %parallel_loop3A_351 {add = true, strides = array<i32>} : memref<16640xf32, #tpu.memory_space<vmem>>, vector<16xf32>,
            %parallel_loop3A_354 = arith.constant 64 : i32
            %parallel_loop3A_355 = arith.addi %parallel_loop3A_333, %parallel_loop3A_354 : i32
            %parallel_loop3A_356 = arith.mulf %parallel_loop3A_331, %parallel_loop3A_222 : vector<16xf32>
            %parallel_loop3A_357 = arith.index_cast %parallel_loop3A_355 : i32 to index
            %parallel_loop3A_358 = tpu.vector_load %arg8[%parallel_loop3A_357] {strides = array<i32>} : memref<16640xf32, #tpu.memory_space<vmem>>, vector<16xf32>,
            tpu.vector_store %arg8[%parallel_loop3A_357], %parallel_loop3A_356 {add = true, strides = array<i32>} : memref<16640xf32, #tpu.memory_space<vmem>>, vector<16xf32>,
            %parallel_loop3A_359 = arith.constant 80 : i32
            %parallel_loop3A_360 = arith.addi %parallel_loop3A_333, %parallel_loop3A_359 : i32
            %parallel_loop3A_361 = arith.mulf %parallel_loop3A_331, %parallel_loop3A_230 : vector<16xf32>
            %parallel_loop3A_362 = arith.index_cast %parallel_loop3A_360 : i32 to index
            %parallel_loop3A_363 = tpu.vector_load %arg8[%parallel_loop3A_362] {strides = array<i32>} : memref<16640xf32, #tpu.memory_space<vmem>>, vector<16xf32>,
            tpu.vector_store %arg8[%parallel_loop3A_362], %parallel_loop3A_361 {add = true, strides = array<i32>} : memref<16640xf32, #tpu.memory_space<vmem>>, vector<16xf32>,
            %parallel_loop3A_364 = arith.constant 96 : i32
            %parallel_loop3A_365 = arith.addi %parallel_loop3A_333, %parallel_loop3A_364 : i32
            %parallel_loop3A_366 = arith.mulf %parallel_loop3A_331, %parallel_loop3A_238 : vector<16xf32>
            %parallel_loop3A_367 = arith.index_cast %parallel_loop3A_365 : i32 to index
            %parallel_loop3A_368 = tpu.vector_load %arg8[%parallel_loop3A_367] {strides = array<i32>} : memref<16640xf32, #tpu.memory_space<vmem>>, vector<16xf32>,
            tpu.vector_store %arg8[%parallel_loop3A_367], %parallel_loop3A_366 {add = true, strides = array<i32>} : memref<16640xf32, #tpu.memory_space<vmem>>, vector<16xf32>,
            %parallel_loop3A_369 = arith.constant 112 : i32
            %parallel_loop3A_370 = arith.addi %parallel_loop3A_333, %parallel_loop3A_369 : i32
            %parallel_loop3A_371 = arith.mulf %parallel_loop3A_331, %parallel_loop3A_246 : vector<16xf32>
            %parallel_loop3A_372 = arith.index_cast %parallel_loop3A_370 : i32 to index
            %parallel_loop3A_373 = tpu.vector_load %arg8[%parallel_loop3A_372] {strides = array<i32>} : memref<16640xf32, #tpu.memory_space<vmem>>, vector<16xf32>,
            tpu.vector_store %arg8[%parallel_loop3A_372], %parallel_loop3A_371 {add = true, strides = array<i32>} : memref<16640xf32, #tpu.memory_space<vmem>>, vector<16xf32>,
            %parallel_loop3A_374 = arith.constant 128 : i32
            %parallel_loop3A_375 = arith.addi %parallel_loop3A_333, %parallel_loop3A_374 : i32
            %parallel_loop3A_376 = arith.mulf %parallel_loop3A_331, %parallel_loop3A_254 : vector<16xf32>
            %parallel_loop3A_377 = arith.index_cast %parallel_loop3A_375 : i32 to index
            %parallel_loop3A_378 = tpu.vector_load %arg8[%parallel_loop3A_377] {strides = array<i32>} : memref<16640xf32, #tpu.memory_space<vmem>>, vector<16xf32>,
            tpu.vector_store %arg8[%parallel_loop3A_377], %parallel_loop3A_376 {add = true, strides = array<i32>} : memref<16640xf32, #tpu.memory_space<vmem>>, vector<16xf32>,
            %parallel_loop3A_379 = arith.constant 144 : i32
            %parallel_loop3A_380 = arith.addi %parallel_loop3A_333, %parallel_loop3A_379 : i32
            %parallel_loop3A_381 = arith.mulf %parallel_loop3A_331, %parallel_loop3A_262 : vector<16xf32>
            %parallel_loop3A_382 = arith.index_cast %parallel_loop3A_380 : i32 to index
            %parallel_loop3A_383 = tpu.vector_load %arg8[%parallel_loop3A_382] {strides = array<i32>} : memref<16640xf32, #tpu.memory_space<vmem>>, vector<16xf32>,
            tpu.vector_store %arg8[%parallel_loop3A_382], %parallel_loop3A_381 {add = true, strides = array<i32>} : memref<16640xf32, #tpu.memory_space<vmem>>, vector<16xf32>,
            %parallel_loop3A_384 = arith.constant 160 : i32
            %parallel_loop3A_385 = arith.addi %parallel_loop3A_333, %parallel_loop3A_384 : i32
            %parallel_loop3A_386 = arith.mulf %parallel_loop3A_331, %parallel_loop3A_270 : vector<16xf32>
            %parallel_loop3A_387 = arith.index_cast %parallel_loop3A_385 : i32 to index
            %parallel_loop3A_388 = tpu.vector_load %arg8[%parallel_loop3A_387] {strides = array<i32>} : memref<16640xf32, #tpu.memory_space<vmem>>, vector<16xf32>,
            tpu.vector_store %arg8[%parallel_loop3A_387], %parallel_loop3A_386 {add = true, strides = array<i32>} : memref<16640xf32, #tpu.memory_space<vmem>>, vector<16xf32>,
            %parallel_loop3A_389 = arith.constant 176 : i32
            %parallel_loop3A_390 = arith.addi %parallel_loop3A_333, %parallel_loop3A_389 : i32
            %parallel_loop3A_391 = arith.mulf %parallel_loop3A_331, %parallel_loop3A_278 : vector<16xf32>
            %parallel_loop3A_392 = arith.index_cast %parallel_loop3A_390 : i32 to index
            %parallel_loop3A_393 = tpu.vector_load %arg8[%parallel_loop3A_392] {strides = array<i32>} : memref<16640xf32, #tpu.memory_space<vmem>>, vector<16xf32>,
            tpu.vector_store %arg8[%parallel_loop3A_392], %parallel_loop3A_391 {add = true, strides = array<i32>} : memref<16640xf32, #tpu.memory_space<vmem>>, vector<16xf32>,
            %parallel_loop3A_394 = arith.constant 192 : i32
            %parallel_loop3A_395 = arith.addi %parallel_loop3A_333, %parallel_loop3A_394 : i32
            %parallel_loop3A_396 = arith.mulf %parallel_loop3A_331, %parallel_loop3A_286 : vector<16xf32>
            %parallel_loop3A_397 = arith.index_cast %parallel_loop3A_395 : i32 to index
            %parallel_loop3A_398 = tpu.vector_load %arg8[%parallel_loop3A_397] {strides = array<i32>} : memref<16640xf32, #tpu.memory_space<vmem>>, vector<16xf32>,
            tpu.vector_store %arg8[%parallel_loop3A_397], %parallel_loop3A_396 {add = true, strides = array<i32>} : memref<16640xf32, #tpu.memory_space<vmem>>, vector<16xf32>,
            %parallel_loop3A_399 = arith.constant 208 : i32
            %parallel_loop3A_400 = arith.addi %parallel_loop3A_333, %parallel_loop3A_399 : i32
            %parallel_loop3A_401 = arith.mulf %parallel_loop3A_331, %parallel_loop3A_294 : vector<16xf32>
            %parallel_loop3A_402 = arith.index_cast %parallel_loop3A_400 : i32 to index
            %parallel_loop3A_403 = tpu.vector_load %arg8[%parallel_loop3A_402] {strides = array<i32>} : memref<16640xf32, #tpu.memory_space<vmem>>, vector<16xf32>,
            tpu.vector_store %arg8[%parallel_loop3A_402], %parallel_loop3A_401 {add = true, strides = array<i32>} : memref<16640xf32, #tpu.memory_space<vmem>>, vector<16xf32>,
            %parallel_loop3A_404 = arith.constant 224 : i32
            %parallel_loop3A_405 = arith.addi %parallel_loop3A_333, %parallel_loop3A_404 : i32
            %parallel_loop3A_406 = arith.mulf %parallel_loop3A_331, %parallel_loop3A_302 : vector<16xf32>
            %parallel_loop3A_407 = arith.index_cast %parallel_loop3A_405 : i32 to index
            %parallel_loop3A_408 = tpu.vector_load %arg8[%parallel_loop3A_407] {strides = array<i32>} : memref<16640xf32, #tpu.memory_space<vmem>>, vector<16xf32>,
            tpu.vector_store %arg8[%parallel_loop3A_407], %parallel_loop3A_406 {add = true, strides = array<i32>} : memref<16640xf32, #tpu.memory_space<vmem>>, vector<16xf32>,
            %parallel_loop3A_409 = arith.constant 240 : i32
            %parallel_loop3A_410 = arith.addi %parallel_loop3A_333, %parallel_loop3A_409 : i32
            %parallel_loop3A_411 = arith.mulf %parallel_loop3A_331, %parallel_loop3A_310 : vector<16xf32>
            %parallel_loop3A_412 = arith.index_cast %parallel_loop3A_410 : i32 to index
            %parallel_loop3A_413 = tpu.vector_load %arg8[%parallel_loop3A_412] {strides = array<i32>} : memref<16640xf32, #tpu.memory_space<vmem>>, vector<16xf32>,
            tpu.vector_store %arg8[%parallel_loop3A_412], %parallel_loop3A_411 {add = true, strides = array<i32>} : memref<16640xf32, #tpu.memory_space<vmem>>, vector<16xf32>,
            %parallel_loop3A_414 = arith.constant 16 : i32
            %parallel_loop3A_415 = arith.muli %parallel_loop3A_182, %parallel_loop3A_414 : i32
            %parallel_loop3A_416 = arith.index_cast %parallel_loop3A_415 : i32 to index
            %parallel_loop3A_417 = tpu.vector_load %arg10[%parallel_loop3A_416] {strides = array<i32>} : memref<1040xf32, #tpu.memory_space<vmem>>, vector<16xf32>,
            tpu.vector_store %arg10[%parallel_loop3A_416], %parallel_loop3A_331 {add = true, strides = array<i32>} : memref<1040xf32, #tpu.memory_space<vmem>>, vector<16xf32>,
          } {sc.loop_unroll_factor = 2 : i64, sc.parallel_access}
        } else {
        }
      }
      %scan3A_129 = arith.constant 0 : i32
      %scan3A_130 = arith.constant 64 : i32
      %scan3A_131 = arith.addi %scan3A_129, %scan3A_130 : i32
      %scan3A_132 = arith.constant 1 : i32
      scf.for %scan3A_136 = %scan3A_129 to %scan3A_131 step %scan3A_132  : i32 {
        %mul3A_137 = arith.constant 1 : i32
        %mul3A_138 = arith.muli %scan3A_136, %mul3A_137 : i32
        %add3A_139 = arith.constant 0 : i32
        %add3A_140 = arith.addi %add3A_139, %mul3A_138 : i32
        %mul3A_141 = arith.constant 16 : i32
        %mul3A_142 = arith.muli %add3A_140, %mul3A_141 : i32
        %get3A_143 = arith.index_cast %mul3A_142 : i32 to index
        %get3A_144 = tpu.vector_load %arg10[%get3A_143] {strides = array<i32>} : memref<1040xf32, #tpu.memory_space<vmem>>, vector<16xf32>,
        %gt3A_145 = arith.constant 0.000000e+00 : f32
        %gt3A_146 = vector.broadcast %gt3A_145 : f32 to vector<16xf32>
        %gt3A_147 = arith.cmpf ogt, %get3A_144, %gt3A_146 : vector<16xf32>
        %jit3A_148 = arith.constant 1.000000e+00 : f32
        %broadcast_in_dim3A_149 = vector.broadcast %jit3A_148 : f32 to vector<16xf32>
        %select_n3A_150 = arith.select %gt3A_147, %get3A_144, %broadcast_in_dim3A_149 : vector<16xi1>, vector<16xf32>
        %div3A_151 = arith.constant 1.000000e+00 : f32
        %div3A_152 = vector.broadcast %div3A_151 : f32 to vector<16xf32>
        %div3A_153 = arith.divf %div3A_152, %select_n3A_150 : vector<16xf32>
        %mul3A_154 = arith.constant 256 : i32
        %mul3A_155 = arith.muli %add3A_140, %mul3A_154 : i32
        %add3A_156 = arith.constant 0 : i32
        %add3A_157 = arith.addi %mul3A_155, %add3A_156 : i32
        %get3A_158 = arith.index_cast %add3A_157 : i32 to index
        %get3A_159 = tpu.vector_load %arg8[%get3A_158] {strides = array<i32>} : memref<16640xf32, #tpu.memory_space<vmem>>, vector<16xf32>,
        %mul3A_160 = arith.mulf %get3A_159, %div3A_153 : vector<16xf32>
        %swap3A = arith.index_cast %add3A_157 : i32 to index
        %swap3A_161 = tpu.vector_load %arg8[%swap3A] {strides = array<i32>} : memref<16640xf32, #tpu.memory_space<vmem>>, vector<16xf32>,
        tpu.vector_store %arg8[%swap3A], %mul3A_160 {strides = array<i32>} : memref<16640xf32, #tpu.memory_space<vmem>>, vector<16xf32>,
        %add3A_162 = arith.constant 16 : i32
        %add3A_163 = arith.addi %mul3A_155, %add3A_162 : i32
        %get3A_164 = arith.index_cast %add3A_163 : i32 to index
        %get3A_165 = tpu.vector_load %arg8[%get3A_164] {strides = array<i32>} : memref<16640xf32, #tpu.memory_space<vmem>>, vector<16xf32>,
        %mul3A_166 = arith.mulf %get3A_165, %div3A_153 : vector<16xf32>
        %swap3A_167 = arith.index_cast %add3A_163 : i32 to index
        %swap3A_168 = tpu.vector_load %arg8[%swap3A_167] {strides = array<i32>} : memref<16640xf32, #tpu.memory_space<vmem>>, vector<16xf32>,
        tpu.vector_store %arg8[%swap3A_167], %mul3A_166 {strides = array<i32>} : memref<16640xf32, #tpu.memory_space<vmem>>, vector<16xf32>,
        %add3A_169 = arith.constant 32 : i32
        %add3A_170 = arith.addi %mul3A_155, %add3A_169 : i32
        %get3A_171 = arith.index_cast %add3A_170 : i32 to index
        %get3A_172 = tpu.vector_load %arg8[%get3A_171] {strides = array<i32>} : memref<16640xf32, #tpu.memory_space<vmem>>, vector<16xf32>,
        %mul3A_173 = arith.mulf %get3A_172, %div3A_153 : vector<16xf32>
        %swap3A_174 = arith.index_cast %add3A_170 : i32 to index
        %swap3A_175 = tpu.vector_load %arg8[%swap3A_174] {strides = array<i32>} : memref<16640xf32, #tpu.memory_space<vmem>>, vector<16xf32>,
        tpu.vector_store %arg8[%swap3A_174], %mul3A_173 {strides = array<i32>} : memref<16640xf32, #tpu.memory_space<vmem>>, vector<16xf32>,
        %add3A_176 = arith.constant 48 : i32
        %add3A_177 = arith.addi %mul3A_155, %add3A_176 : i32
        %get3A_178 = arith.index_cast %add3A_177 : i32 to index
        %get3A_179 = tpu.vector_load %arg8[%get3A_178] {strides = array<i32>} : memref<16640xf32, #tpu.memory_space<vmem>>, vector<16xf32>,
        %mul3A_180 = arith.mulf %get3A_179, %div3A_153 : vector<16xf32>
        %swap3A_181 = arith.index_cast %add3A_177 : i32 to index
        %swap3A_182 = tpu.vector_load %arg8[%swap3A_181] {strides = array<i32>} : memref<16640xf32, #tpu.memory_space<vmem>>, vector<16xf32>,
        tpu.vector_store %arg8[%swap3A_181], %mul3A_180 {strides = array<i32>} : memref<16640xf32, #tpu.memory_space<vmem>>, vector<16xf32>,
        %add3A_183 = arith.constant 64 : i32
        %add3A_184 = arith.addi %mul3A_155, %add3A_183 : i32
        %get3A_185 = arith.index_cast %add3A_184 : i32 to index
        %get3A_186 = tpu.vector_load %arg8[%get3A_185] {strides = array<i32>} : memref<16640xf32, #tpu.memory_space<vmem>>, vector<16xf32>,
        %mul3A_187 = arith.mulf %get3A_186, %div3A_153 : vector<16xf32>
        %swap3A_188 = arith.index_cast %add3A_184 : i32 to index
        %swap3A_189 = tpu.vector_load %arg8[%swap3A_188] {strides = array<i32>} : memref<16640xf32, #tpu.memory_space<vmem>>, vector<16xf32>,
        tpu.vector_store %arg8[%swap3A_188], %mul3A_187 {strides = array<i32>} : memref<16640xf32, #tpu.memory_space<vmem>>, vector<16xf32>,
        %add3A_190 = arith.constant 80 : i32
        %add3A_191 = arith.addi %mul3A_155, %add3A_190 : i32
        %get3A_192 = arith.index_cast %add3A_191 : i32 to index
        %get3A_193 = tpu.vector_load %arg8[%get3A_192] {strides = array<i32>} : memref<16640xf32, #tpu.memory_space<vmem>>, vector<16xf32>,
        %mul3A_194 = arith.mulf %get3A_193, %div3A_153 : vector<16xf32>
        %swap3A_195 = arith.index_cast %add3A_191 : i32 to index
        %swap3A_196 = tpu.vector_load %arg8[%swap3A_195] {strides = array<i32>} : memref<16640xf32, #tpu.memory_space<vmem>>, vector<16xf32>,
        tpu.vector_store %arg8[%swap3A_195], %mul3A_194 {strides = array<i32>} : memref<16640xf32, #tpu.memory_space<vmem>>, vector<16xf32>,
        %add3A_197 = arith.constant 96 : i32
        %add3A_198 = arith.addi %mul3A_155, %add3A_197 : i32
        %get3A_199 = arith.index_cast %add3A_198 : i32 to index
        %get3A_200 = tpu.vector_load %arg8[%get3A_199] {strides = array<i32>} : memref<16640xf32, #tpu.memory_space<vmem>>, vector<16xf32>,
        %mul3A_201 = arith.mulf %get3A_200, %div3A_153 : vector<16xf32>
        %swap3A_202 = arith.index_cast %add3A_198 : i32 to index
        %swap3A_203 = tpu.vector_load %arg8[%swap3A_202] {strides = array<i32>} : memref<16640xf32, #tpu.memory_space<vmem>>, vector<16xf32>,
        tpu.vector_store %arg8[%swap3A_202], %mul3A_201 {strides = array<i32>} : memref<16640xf32, #tpu.memory_space<vmem>>, vector<16xf32>,
        %add3A_204 = arith.constant 112 : i32
        %add3A_205 = arith.addi %mul3A_155, %add3A_204 : i32
        %get3A_206 = arith.index_cast %add3A_205 : i32 to index
        %get3A_207 = tpu.vector_load %arg8[%get3A_206] {strides = array<i32>} : memref<16640xf32, #tpu.memory_space<vmem>>, vector<16xf32>,
        %mul3A_208 = arith.mulf %get3A_207, %div3A_153 : vector<16xf32>
        %swap3A_209 = arith.index_cast %add3A_205 : i32 to index
        %swap3A_210 = tpu.vector_load %arg8[%swap3A_209] {strides = array<i32>} : memref<16640xf32, #tpu.memory_space<vmem>>, vector<16xf32>,
        tpu.vector_store %arg8[%swap3A_209], %mul3A_208 {strides = array<i32>} : memref<16640xf32, #tpu.memory_space<vmem>>, vector<16xf32>,
        %add3A_211 = arith.constant 128 : i32
        %add3A_212 = arith.addi %mul3A_155, %add3A_211 : i32
        %get3A_213 = arith.index_cast %add3A_212 : i32 to index
        %get3A_214 = tpu.vector_load %arg8[%get3A_213] {strides = array<i32>} : memref<16640xf32, #tpu.memory_space<vmem>>, vector<16xf32>,
        %mul3A_215 = arith.mulf %get3A_214, %div3A_153 : vector<16xf32>
        %swap3A_216 = arith.index_cast %add3A_212 : i32 to index
        %swap3A_217 = tpu.vector_load %arg8[%swap3A_216] {strides = array<i32>} : memref<16640xf32, #tpu.memory_space<vmem>>, vector<16xf32>,
        tpu.vector_store %arg8[%swap3A_216], %mul3A_215 {strides = array<i32>} : memref<16640xf32, #tpu.memory_space<vmem>>, vector<16xf32>,
        %add3A_218 = arith.constant 144 : i32
        %add3A_219 = arith.addi %mul3A_155, %add3A_218 : i32
        %get3A_220 = arith.index_cast %add3A_219 : i32 to index
        %get3A_221 = tpu.vector_load %arg8[%get3A_220] {strides = array<i32>} : memref<16640xf32, #tpu.memory_space<vmem>>, vector<16xf32>,
        %mul3A_222 = arith.mulf %get3A_221, %div3A_153 : vector<16xf32>
        %swap3A_223 = arith.index_cast %add3A_219 : i32 to index
        %swap3A_224 = tpu.vector_load %arg8[%swap3A_223] {strides = array<i32>} : memref<16640xf32, #tpu.memory_space<vmem>>, vector<16xf32>,
        tpu.vector_store %arg8[%swap3A_223], %mul3A_222 {strides = array<i32>} : memref<16640xf32, #tpu.memory_space<vmem>>, vector<16xf32>,
        %add3A_225 = arith.constant 160 : i32
        %add3A_226 = arith.addi %mul3A_155, %add3A_225 : i32
        %get3A_227 = arith.index_cast %add3A_226 : i32 to index
        %get3A_228 = tpu.vector_load %arg8[%get3A_227] {strides = array<i32>} : memref<16640xf32, #tpu.memory_space<vmem>>, vector<16xf32>,
        %mul3A_229 = arith.mulf %get3A_228, %div3A_153 : vector<16xf32>
        %swap3A_230 = arith.index_cast %add3A_226 : i32 to index
        %swap3A_231 = tpu.vector_load %arg8[%swap3A_230] {strides = array<i32>} : memref<16640xf32, #tpu.memory_space<vmem>>, vector<16xf32>,
        tpu.vector_store %arg8[%swap3A_230], %mul3A_229 {strides = array<i32>} : memref<16640xf32, #tpu.memory_space<vmem>>, vector<16xf32>,
        %add3A_232 = arith.constant 176 : i32
        %add3A_233 = arith.addi %mul3A_155, %add3A_232 : i32
        %get3A_234 = arith.index_cast %add3A_233 : i32 to index
        %get3A_235 = tpu.vector_load %arg8[%get3A_234] {strides = array<i32>} : memref<16640xf32, #tpu.memory_space<vmem>>, vector<16xf32>,
        %mul3A_236 = arith.mulf %get3A_235, %div3A_153 : vector<16xf32>
        %swap3A_237 = arith.index_cast %add3A_233 : i32 to index
        %swap3A_238 = tpu.vector_load %arg8[%swap3A_237] {strides = array<i32>} : memref<16640xf32, #tpu.memory_space<vmem>>, vector<16xf32>,
        tpu.vector_store %arg8[%swap3A_237], %mul3A_236 {strides = array<i32>} : memref<16640xf32, #tpu.memory_space<vmem>>, vector<16xf32>,
        %add3A_239 = arith.constant 192 : i32
        %add3A_240 = arith.addi %mul3A_155, %add3A_239 : i32
        %get3A_241 = arith.index_cast %add3A_240 : i32 to index
        %get3A_242 = tpu.vector_load %arg8[%get3A_241] {strides = array<i32>} : memref<16640xf32, #tpu.memory_space<vmem>>, vector<16xf32>,
        %mul3A_243 = arith.mulf %get3A_242, %div3A_153 : vector<16xf32>
        %swap3A_244 = arith.index_cast %add3A_240 : i32 to index
        %swap3A_245 = tpu.vector_load %arg8[%swap3A_244] {strides = array<i32>} : memref<16640xf32, #tpu.memory_space<vmem>>, vector<16xf32>,
        tpu.vector_store %arg8[%swap3A_244], %mul3A_243 {strides = array<i32>} : memref<16640xf32, #tpu.memory_space<vmem>>, vector<16xf32>,
        %add3A_246 = arith.constant 208 : i32
        %add3A_247 = arith.addi %mul3A_155, %add3A_246 : i32
        %get3A_248 = arith.index_cast %add3A_247 : i32 to index
        %get3A_249 = tpu.vector_load %arg8[%get3A_248] {strides = array<i32>} : memref<16640xf32, #tpu.memory_space<vmem>>, vector<16xf32>,
        %mul3A_250 = arith.mulf %get3A_249, %div3A_153 : vector<16xf32>
        %swap3A_251 = arith.index_cast %add3A_247 : i32 to index
        %swap3A_252 = tpu.vector_load %arg8[%swap3A_251] {strides = array<i32>} : memref<16640xf32, #tpu.memory_space<vmem>>, vector<16xf32>,
        tpu.vector_store %arg8[%swap3A_251], %mul3A_250 {strides = array<i32>} : memref<16640xf32, #tpu.memory_space<vmem>>, vector<16xf32>,
        %add3A_253 = arith.constant 224 : i32
        %add3A_254 = arith.addi %mul3A_155, %add3A_253 : i32
        %get3A_255 = arith.index_cast %add3A_254 : i32 to index
        %get3A_256 = tpu.vector_load %arg8[%get3A_255] {strides = array<i32>} : memref<16640xf32, #tpu.memory_space<vmem>>, vector<16xf32>,
        %mul3A_257 = arith.mulf %get3A_256, %div3A_153 : vector<16xf32>
        %swap3A_258 = arith.index_cast %add3A_254 : i32 to index
        %swap3A_259 = tpu.vector_load %arg8[%swap3A_258] {strides = array<i32>} : memref<16640xf32, #tpu.memory_space<vmem>>, vector<16xf32>,
        tpu.vector_store %arg8[%swap3A_258], %mul3A_257 {strides = array<i32>} : memref<16640xf32, #tpu.memory_space<vmem>>, vector<16xf32>,
        %add3A_260 = arith.constant 240 : i32
        %add3A_261 = arith.addi %mul3A_155, %add3A_260 : i32
        %get3A_262 = arith.index_cast %add3A_261 : i32 to index
        %get3A_263 = tpu.vector_load %arg8[%get3A_262] {strides = array<i32>} : memref<16640xf32, #tpu.memory_space<vmem>>, vector<16xf32>,
        %mul3A_264 = arith.mulf %get3A_263, %div3A_153 : vector<16xf32>
        %swap3A_265 = arith.index_cast %add3A_261 : i32 to index
        %swap3A_266 = tpu.vector_load %arg8[%swap3A_265] {strides = array<i32>} : memref<16640xf32, #tpu.memory_space<vmem>>, vector<16xf32>,
        tpu.vector_store %arg8[%swap3A_265], %mul3A_264 {strides = array<i32>} : memref<16640xf32, #tpu.memory_space<vmem>>, vector<16xf32>,
      }
      %scan3A_133 = arith.constant 64 : i32
      %mul3A_134 = arith.constant 256 : i32
      %mul3A_135 = arith.muli %mul3A_15, %mul3A_134 : i32
      "tpu.region"() ({
        %run_scoped3A = tpu.sem_alloc : memref<!tpu.dma_semaphore, #tpu.memory_space<semaphore_mem>>
        %dma_start3A_136 = arith.constant 0 : i32
        %dma_start3A_137 = tpu.memref_slice %arg8[%dma_start3A_136] : memref<16640xf32, #tpu.memory_space<vmem>> -> memref<16384xf32, #tpu.memory_space<vmem>>
        %dma_start3A_138 = tpu.memref_slice %arg7[%mul3A_135] : memref<2621440xf32, #tpu.memory_space<hbm>> -> memref<16384xf32, #tpu.memory_space<hbm>>
        %dma_start3A_139 = tpu.memref_slice %arg7[%mul3A_135] : memref<2621440xf32, #tpu.memory_space<hbm>> -> memref<16384xf32, #tpu.memory_space<hbm>>
        %dma_start3A_140 = arith.constant 0 : i32
        %dma_start3A_141 = tpu.memref_slice %arg8[%dma_start3A_140] : memref<16640xf32, #tpu.memory_space<vmem>> -> memref<16384xf32, #tpu.memory_space<vmem>>
        tpu.enqueue_dma source(%dma_start3A_141 : memref<16384xf32, #tpu.memory_space<vmem>>) target(%dma_start3A_139 : memref<16384xf32, #tpu.memory_space<hbm>>) target_semaphore(%run_scoped3A : memref<!tpu.dma_semaphore, #tpu.memory_space<semaphore_mem>>)
        %dma_wait3A_142 = arith.constant 0 : i32
        %dma_wait3A_143 = tpu.memref_slice %arg8[%dma_wait3A_142] : memref<16640xf32, #tpu.memory_space<vmem>> -> memref<16384xf32, #tpu.memory_space<vmem>>
        %dma_wait3A_144 = tpu.memref_slice %arg7[%mul3A_135] : memref<2621440xf32, #tpu.memory_space<hbm>> -> memref<16384xf32, #tpu.memory_space<hbm>>
        %dma_wait3A_145 = tpu.memref_slice %arg7[%mul3A_135] : memref<2621440xf32, #tpu.memory_space<hbm>> -> memref<16384xf32, #tpu.memory_space<hbm>>
        %dma_wait3A_146 = arith.constant 0 : i32
        %dma_wait3A_147 = tpu.memref_slice %arg8[%dma_wait3A_146] : memref<16640xf32, #tpu.memory_space<vmem>> -> memref<16384xf32, #tpu.memory_space<vmem>>
        tpu.wait_dma2 semaphore(%run_scoped3A : memref<!tpu.dma_semaphore, #tpu.memory_space<semaphore_mem>>) src(%dma_wait3A_147 : memref<16384xf32, #tpu.memory_space<vmem>>) dst(%dma_wait3A_145 : memref<16384xf32, #tpu.memory_space<hbm>>)
        tpu.yield
      }) : () -> ()
    }
    %scan3A_5 = arith.constant 5 : i32
    return
  }
}

</mosaic_0001>

<sc_bundles>
// kernel: kernel.3.cloned.1.call-start
scs
__scs_entry_jumppad:
0x0: {  	(pc) =	sbr.rel $0x88, $3  }
0x1: {  	(tag) =	ssettag $0x0;
	lr =	simm.s32 $0x1  }
0x2: {  	[smem:$0x3F9E] =	sst lr;
	_ =	strace $0xD0000000  }
0x3: {  	_ = 	snop  }
0x4: {  	_ = 	snop  }
0x5: {  	_ = 	snop  }
0x6: {  	_ = 	snop  }
0x7: {  	_ = 	snop  }
__scs_overlays_trampoline_lowered:
0x8: {  	[smem:$0x3FAD] =	sst s0  }
0x9: {  	[smem:$0x3FAE] =	sst s1  }
0xa: {  	[smem:$0x3FAF] =	sst s2  }
0xb: {  	[smem:$0x3FB0] =	sst s3  }
0xc: {  	[smem:$0x3FB1] =	sst s4  }
0xd: {  	[smem:$0x3FB2] =	sst s5  }
0xe: {  	[smem:$0x3FB3] =	sst s6  }
0xf: {  	[smem:$0x3FB4] =	sst s7  }
0x10: {  	[smem:$0x3FB5] =	sst s8  }
0x11: {  	[smem:$0x3FB6] =	sst s9;
	s0 =	simm.s32 @!p0 $0x0  }
0x12: {  	s1 =	sld [smem:$0x3F9C];
	s0 =	simm.s32 @p0 $0x1  }
0x13: {  	[smem:$0x3FB7] =	sst s0;
	s0 =	simm.s32 @!p1 $0x0  }
0x14: {  	s2 =	sld [smem:$0x3F9B];
	s0 =	simm.s32 @p1 $0x1  }
0x15: {  	[smem:$0x3FB8] =	sst s0;
	s0 =	simm.s32 @!p2 $0x0  }
0x16: {  	s3 =	sld [smem:$0x3FDB];
	s0 =	simm.s32 @p2 $0x1  }
0x17: {  	s4 =	simm.s32 $0x1BF5;
	[smem:$0x3FBA] =	sst s0  }
0x18: {  	s0 =	sld [smem:$0x3F9D];
	_ =	swait.ge [sflag:s4], $0x0  }
0x19: {  	s7 =	sld [smem:$0x3F9E]  }
0x1a: {  	s8 =	sadd.s32 $0xFFFFE003, lr  }
0x1b: {  	s9 =	sadd.s32 $0xFFFFFEF7, lr;
	s5 =	simm.s32 $0xFFFFFFFF;
	p2 =	slt.u32 s8, $0xFFFFF086  }
0x1c: {  	p1 =	slt.u32 s9, $0xF7A;
	s5 =	simm.s32 @!p2 $0x0  }
0x1d: {  	s5 =	simm.s32 @p1 $0x1;
	p0 =	seq.s32 s7, s2  }
0x1e: {  	s7 =	smul.u32 @!p0 $0xF7A, s2;
	p2 =	seq.s32 @!p0 s5, $0x0  }
0x1f: {  	s9 =	smul.u32 $0xF7A, s1;
	s8 =	simm.s32 @!p0 $0x1BF5;
	p2 =	por !p2, p0  }
0x20: {  	[sflag:s8] =	ssyncset.s32 @!p0 $0xFFFFF086;
	s6 =	sadd.s32 @!p0 s3, s7;
	s7 =	simm.s32 @!p0 $0x108  }
0x21: {  	s3 =	sadd.s32 s3, s9;
	s6 =	sadd.s32 @!p0 $0x88, s6;
	s7 =	simm.s32 @p2 $0x1082  }
0x22: {  	[simem:s7], [sflag:s8] =	dma.local @!p0 [hbm:s6], $0xF7A  }
0x23: {  	s9 =	sor.u32 $0xD0000000, s2;
	s6 =	simm.s32 $0x108;
	_ =	swait.ge @!p0 [sflag:s8], $0x0  }
0x24: {  	s3 =	sadd.s32 $0x88, s3;
	s6 =	simm.s32 @!p1 $0x1082;
	[sflag:s4] =	ssyncset.s32 $0xFFFFF086  }
0x25: {  	[simem:s6], [sflag:s4] =	dma.local [hbm:s3], $0xF7A  }
0x26: {  	[smem:$0x3F9E] =	sst s1;
	(tag) =	ssettag s2;
	_ =	strace s9  }
0x27: {  	s1 =	sld [smem:$0x3FAE]  }
0x28: {  	s2 =	sld [smem:$0x3FAF]  }
0x29: {  	s4 =	sld [smem:$0x3FB1]  }
0x2a: {  	p0 =	seq.s32 s5, $0x0;
	s5 =	sld [smem:$0x3FB2]  }
0x2b: {  	s6 =	sld [smem:$0x3FB3]  }
0x2c: {  	s7 =	sld [smem:$0x3FB4]  }
0x2d: {  	s3 =	simm.s32 $0x108;
	s8 =	sld [smem:$0x3FB5]  }
0x2e: {  	s3 =	simm.s32 @!p0 $0x1082;
	s9 =	sld [smem:$0x3FB6]  }
0x2f: {  	lr =	sadd.s32 s0, s3;
	s0 =	sld [smem:$0x3FAD]  }
0x30: {  	s3 =	sld [smem:$0x3FB0]  }
0x31: {  	[smem:$0x3FB9] =	sst s10  }
0x32: {  	s10 =	sld [smem:$0x3FB7];
	_ =	sdelay $0x3  }
0x33: {  	p0 =	seq.s32 s10, $0x1;
	s10 =	sld [smem:$0x3FB9];
	_ =	sdelay $0x3  }
0x34: {  	[smem:$0x3FB9] =	sst s10  }
0x35: {  	s10 =	sld [smem:$0x3FB8];
	_ =	sdelay $0x3  }
0x36: {  	p1 =	seq.s32 s10, $0x1;
	s10 =	sld [smem:$0x3FB9];
	_ =	sdelay $0x3  }
0x37: {  	[smem:$0x3FB9] =	sst s10  }
0x38: {  	s10 =	sld [smem:$0x3FBA]  }
0x39: {  	_ = 	snop;
	(pc) =	sbr.ind lr, $3  }
0x3a: {  	_ = 	snop  }
0x3b: {  	_ = 	snop  }
0x3c: {  	p2 =	seq.s32 s10, $0x1;
	s10 =	sld [smem:$0x3FB9]  }
0x3d: {  	_ =	shalt  }
0x3e: {  	_ =	shalt  }
0x3f: {  	_ =	shalt  }
0x40: {  	_ =	shalt  }
0x41: {  	_ =	shalt  }
0x42: {  	_ =	shalt  }
0x43: {  	_ =	shalt  }
0x44: {  	_ =	shalt  }
0x45: {  	_ =	shalt  }
0x46: {  	_ =	shalt  }
0x47: {  	_ =	shalt  }
0x48: {  	_ =	shalt  }
0x49: {  	_ =	shalt  }
0x4a: {  	_ =	shalt  }
0x4b: {  	_ =	shalt  }
0x4c: {  	_ =	shalt  }
0x4d: {  	_ =	shalt  }
0x4e: {  	_ =	shalt  }
0x4f: {  	_ =	shalt  }
0x50: {  	_ =	shalt  }
0x51: {  	_ =	shalt  }
0x52: {  	_ =	shalt  }
0x53: {  	_ =	shalt  }
0x54: {  	_ =	shalt  }
0x55: {  	_ =	shalt  }
0x56: {  	_ =	shalt  }
0x57: {  	_ =	shalt  }
0x58: {  	_ =	shalt  }
0x59: {  	_ =	shalt  }
0x5a: {  	_ =	shalt  }
0x5b: {  	_ =	shalt  }
0x5c: {  	_ =	shalt  }
0x5d: {  	_ =	shalt  }
0x5e: {  	_ =	shalt  }
0x5f: {  	_ =	shalt  }
0x60: {  	_ =	shalt  }
0x61: {  	_ =	shalt  }
0x62: {  	_ =	shalt  }
0x63: {  	_ =	shalt  }
0x64: {  	_ =	shalt  }
0x65: {  	_ =	shalt  }
0x66: {  	_ =	shalt  }
0x67: {  	_ =	shalt  }
0x68: {  	_ =	shalt  }
0x69: {  	_ =	shalt  }
0x6a: {  	_ =	shalt  }
0x6b: {  	_ =	shalt  }
0x6c: {  	_ =	shalt  }
0x6d: {  	_ =	shalt  }
0x6e: {  	_ =	shalt  }
0x6f: {  	_ =	shalt  }
0x70: {  	_ =	shalt  }
0x71: {  	_ =	shalt  }
0x72: {  	_ =	shalt  }
0x73: {  	_ =	shalt  }
0x74: {  	_ =	shalt  }
0x75: {  	_ =	shalt  }
0x76: {  	_ =	shalt  }
0x77: {  	_ =	shalt  }
0x78: {  	_ =	shalt  }
0x79: {  	_ =	shalt  }
0x7a: {  	_ =	shalt  }
0x7b: {  	_ =	shalt  }
0x7c: {  	_ =	shalt  }
0x7d: {  	_ =	shalt  }
0x7e: {  	_ =	shalt  }
0x7f: {  	_ =	shalt  }
0x80: {  	_ =	shalt  }
0x81: {  	_ =	shalt  }
0x82: {  	_ =	shalt  }
0x83: {  	_ =	shalt  }
0x84: {  	_ =	shalt  }
0x85: {  	_ =	shalt  }
0x86: {  	_ =	shalt  }
0x87: {  	_ =	shalt  }
.Lfunc_end0:
.L_simem_size_0:
called_computation_lowered:
.L_overlay_start_0:
0x88: {  	s2 =	sld [smem:$0x3FD9]  }
0x89: {  	s3 =	sld [smem:$0x3FFE];
	_ =	sdelay $0x1  }
0x8a: {  	s1 =	srdreg.scid  }
0x8b: {  	s0 =	sand.u32 $0x1, s1  }
0x8c: {  	s17 =	sshll.u32 s0, $0xA;
	s2 =	sadd.s32 s3, s2  }
0x8d: {  	s2 =	sadd.s32 s2, s17  }
0x8e: {  	[smem:$0x3FC5] =	sst s2  }
0x8f: {  	_ = 	snop  }
0x90: {  	s2 =	sld [smem:$0x3FC9]  }
0x91: {  	s18 =	sld [smem:$0x3FC7]  }
0x92: {  	s4 =	sld [smem:$0x3FD0];
	(tm) =	ssettm $0x1  }
0x93: {  	s5 =	sld [smem:$0x3FFB];
	_ =	sdelay $0x3  }
0x94: {  	_ =	strace s5  }
0x95: {  	s5 =	sld [smem:$0x3FFC];
	_ =	sdelay $0x3  }
0x96: {  	_ =	strace s5  }
0x97: {  	s5 =	sld [smem:$0x3FFD];
	_ =	sdelay $0x3  }
0x98: {  	_ =	strace s5  }
0x99: {  	_ =	strace $0x8FFFFFFF  }
0x9a: {  	s19 =	sld [smem:$0x3FDB];
	_ =	sdelay $0x1  }
0x9b: {  	s6 =	simm.s32 $_scs_section_size  }
0x9c: {  	s7 =	simm.s32 $_size__tile_overlayer_lowered;
	s8 =	simm.s32 $_tile_overlayer_lowered  }
0x9d: {  	s22 =	simm.s32 $0x1BFF;
	s21 =	sshll.u32 s8, $0x1;
	s5 =	sadd.s32 s6, s19  }
0x9e: {  	s9 =	simm.s32 $0x0;
	s20 =	sshll.u32 s7, $0x1;
	s7 =	sadd.s32 s21, s5  }
0x9f: {  	[timem:s9], [sflag:s22] =	dma.local [hbm:s7], s20  }
0xa0: {  	_ =	swait.ge [sflag:s22], s20  }
0xa1: {  	s6 =	ssub.s32 $0x0, s20;
	[sflag:s22] =	ssyncset.done $0x0  }
0xa2: {  	[sflag:s22] =	ssyncadd.s32 s6;
	_ =	sdelay $0x1  }
0xa3: {  	s23 =	simm.s32 $0x1B8B  }
0xa4: {  	_ =	swait.ge [sflag:s23], $0x1  }
0xa5: {  	[sflag:s23] =	ssyncset.done $0x0  }
0xa6: {  	s25 =	simm.s32 $0x1B8E;
	s24 =	sld [smem:$0x3FFE];
	[sflag:s23] =	ssyncadd.s32 $0xFFFFFFFF  }
0xa7: {  	s26 =	simm.s32 $execute0_lowered;
	[smem:$0x3FD2] =	sst s25  }
0xa8: {  	s7 =	sshll.u32 s26, $0x1;
	_ =	strace $0x80000046;
	[dreg:$0x1] =	wrdreg $0xFFFFFFFF  }
0xa9: {  	s28 =	simm.s32 $_size_execute0_lowered;
	s5 =	sadd.s32 s5, s7;
	[dreg:$0x0] =	wrdreg $0x0  }
0xaa: {  	s7 =	sshll.u32 s28, $0x1;
	[dreg:$0x2] =	wrdreg s5  }
0xab: {  	[dreg:$0x3] =	wrdreg s7  }
0xac: {  	[dreg:$0x4] =	wrdreg $0xC0  }
0xad: {  	_ =	task [dreg:s9], $0x5FFFF  }
0xae: {  	[dreg:$0x1] =	wrdreg $0xFFFFFFFF  }
0xaf: {  	[dreg:$0x0] =	wrdreg $0x60  }
0xb0: {  	[dreg:$0x2] =	wrdreg s2  }
0xb1: {  	[dreg:$0x3] =	wrdreg s4  }
0xb2: {  	[dreg:$0x4] =	wrdreg s24  }
0xb3: {  	[dreg:$0x5] =	wrdreg s18  }
0xb4: {  	[dreg:$0x6] =	wrdreg $0x9  }
0xb5: {  	_ =	task.clear_ibuf [dreg:s9], $0x7FFFF;
	_ =	strace $0x90000046  }
0xb6: {  	s29 =	simm.s32 $0x9;
	_ =	strace $0x80000048  }
0xb7: {  	_ =	swait.ge [sflag:s29], $0x1  }
0xb8: {  	[sflag:s29] =	ssyncadd.s32 $0xFFFFFFFF  }
0xb9: {  	_ =	strace $0x90000048  }
0xba: {  	_ =	sfence  }
0xbb: {  	s30 =	sld [smem:$0x0];
	_ =	sdelay $0x2  }
0xbc: {  	s31 =	sshll.u32 s1, $0xD;
	s1 =	sshrl.u32 s1, $0x2  }
0xbd: {  	s3 =	sand.u32 $0x4000, s31;
	s1 =	sadd.s32 s1, s30  }
0xbe: {  	s0 =	sor.u32 s3, s0;
	s1 =	sshll.u32 s1, $0x11  }
0xbf: {  	s0 =	sor.u32 s1, s0  }
0xc0: {  	s0 =	sadd.s32 $0x8F2B, s0  }
0xc1: {  	[sflag:s0] =	ssyncadd.remote.s32 $0x1  }
0xc2: {  	_ =	sfence.sel $0xFFFF  }
0xc3: {  	[dreg:$0x0] =	wrdreg $0xFFFFFFFF;
	(pc) =	sbr.abs _section_cstart, $3  }
0xc4: {  	[dreg:$0x1] =	wrdreg $0xFFFFFFFF  }
0xc5: {  	_ =	task.clear_ibuf [dreg:s9], $0x2FFFF;
	_ =	strace $0x9FFFFFFF  }
0xc6: {  	(tm) =	ssettm $0x7FFFFFFF  }
0xc7: {  	_ =	shalt  }
tec
execute0_lowered:
.L_overlay_start_1:
0x0: {  	(tag) =	ssettag $0x1  }
0x1: {  	s0 =	rddreg [dreg:$0x2];
	s1 =	simm.s32 $0x0;
	s28 =	srdreg.scid  }
0x2: {  	s4 =	stileid.u32;
	[smem:$0x7FF] =	sst s1;
	s2 =	sadd.s32 $0x600, s0  }
0x3: {  	v3 =	vlaneseq.u32;
	s1 =	sand.u32 $0x1, s28;
	s3 =	sadd.s32 $0x5600, s0;
	s0 =	sadd.s32 $0x5800, s0  }
0x4: {  	v2 =	vshrl.u32 v3, $0x3;
	v1 =	vand.u32 $0x7, v3;
	_ =	strace $0x80000047;
	s29 =	ssub.s32 $0x2, s1;
	s1 =	sshll.u32 s1, $0x4  }
0x5: {  	[smem:$0x7F9] =	sst s2;
	[tilespmem:$0x1FFC0] =	vst v1;
	v1 =	vmul.u32 $0x8, v2;
	s30 =	sshrl.u32 s29, $0x1;
	s1 =	sor.u32 s4, s1  }
0x6: {  	[smem:$0x7FA] =	sst s3;
	s31 =	ssub.s32 s29, s30;
	s1 =	smul.u32 $0x5, s1  }
0x7: {  	[smem:$0x7FB] =	sst s0;
	[tilespmem:$0x1FFD0] =	vst v1;
	v1 =	vor.u32 $0x8, v3;
	s0 =	smax.u32 s31, $0x1  }
0x8: {  	[tilespmem:$0x1FFE0] =	vst v1;
	[smem:$0x7FC] =	sst s0;
	v1 =	vmov s1  }
0x9: {  	v0 =	vimm.f32 $0.0e+00;
	vm0 =	vmmov $0xffff;
	v4 =	vimm.s32 $0xF;
	[smem:$0x7FD] =	sst s1;
	s1 =	simm.s32 $0x0;
	[tilespmem:$0x1FFF0] =	vst v1  }
.LBB2_1:
0xa: {  	s0 =	sld [smem:$0x7FA]  }
0xb: {  	[smem:$0x7F8] =	sst s1  }
0xc: {  	s29 =	simm.s32 $0x0;
	s2 =	simm.s32 $0x18980;
	s30 =	simm.s32 $0x4  }
0xd: {  	[tilespmem:s2], [sflag:$0x4] =	stream.linear.gather [hbm4b:s0+s29], $0x100, $0x38;
	[tilespmem:$0x18A80] =	vst v63  }
0xe: {  	_ =	swait.ge [sflag:s30], $0x100  }
0xf: {  	[sflag:s30] =	ssyncset.done $0x0  }
0x10: {  	[sflag:s30] =	ssyncadd.s32 $0xFFFFFF00  }
0x11: {  	s3 =	simm.s32 $0x18880;
	s31 =	rddreg [dreg:$0x3]  }
0x12: {  	[tilespmem:s3], [sflag:$0x4] =	stream.linear.gather [hbm4b:s31+s29], $0x100, $0x38;
	[tilespmem:$0x18A80] =	vst v63  }
0x13: {  	_ =	swait.ge [sflag:s30], $0x100  }
0x14: {  	[sflag:s30] =	ssyncset.done $0x0  }
0x15: {  	s1 =	simm.s32 $0x0;
	[sflag:s30] =	ssyncadd.s32 $0xFFFFFF00  }
.LBB2_2:
0x16: {  	v1 =	vld [tilespmem:$0x1FFF0];
	_ =	sdelay $0x1  }
0x17: {  	s0 =	sld [smem:$0x7FD];
	_ =	sdelay $0x2  }
0x18: {  	s0 =	sadd.s32 s0, s1  }
0x19: {  	[smem:$0x7F7] =	sst s1;
	s31 =	sshll.u32 s0, $0x6  }
0x1a: {  	s26 =	rddreg [dreg:$0x0];
	s11 =	smin.u32 s31, $0x26D0  }
0x1b: {  	s2 =	simm.s32 $0x4100;
	s28 =	simm.s32 $0x3;
	s25 =	sshll.u32 s11, $0x5;
	v6 =	vld.idx.msk [tilespmem:v1+s1+$0x18980 ss:$0x1], $0xffff  }
0x1c: {  	[smem:$0x7F6] =	sst s0;
	s0 =	sadd.s32 s26, s25;
	v7 =	vld.idx.msk [tilespmem:v1+s1+$0x18981 ss:$0x1], $0xffff;
	s1 =	simm.s32 $0x0  }
0x1d: {  	[tilespmem:s2], [sflag:$0x3] =	stream.linear.gather [hbm4b:s0+s1], $0x4000, $0x38;
	[tilespmem:$0x18A80] =	vst v63  }
0x1e: {  	_ =	swait.ge [sflag:s28], $0x4000  }
0x1f: {  	[sflag:s28] =	ssyncset.done $0x0  }
0x20: {  	s29 =	sand.u32 $0x3800, s1;
	s30 =	sand.u32 $0x380, s1;
	[sflag:s28] =	ssyncadd.s32 $0xFFFFC000  }
0x21: {  	s0 =	sor.u32 s30, s29;
	v8 =	vld [tilespmem:$0x18880]  }
0x22: {  	v9 =	vld [tilespmem:s0+$0x4100];
	_ =	sdelay $0x4  }
0x23: {  	v8 =	vmul.f32 v8, v9;
	_ =	sdelay $0x1  }
0x24: {  	s2 =	simm.s32 $0x80;
	[tilespmem:s0+$0x4100] =	vst v8  }
0x25: {  	[tilespmem:s2+$0xFFFFFF80] =	vst v0  }
0x26: {  	v8 =	vld [tilespmem:s0+$0x4110]  }
0x27: {  	v9 =	vld [tilespmem:$0x18890];
	_ =	sdelay $0x4  }
0x28: {  	v8 =	vmul.f32 v9, v8;
	_ =	sdelay $0x1  }
0x29: {  	[tilespmem:s0+$0x4110] =	vst v8  }
0x2a: {  	[tilespmem:s2+$0xFFFFFF90] =	vst v0  }
0x2b: {  	v8 =	vld [tilespmem:s0+$0x4120]  }
0x2c: {  	v9 =	vld [tilespmem:$0x188A0];
	_ =	sdelay $0x4  }
0x2d: {  	v8 =	vmul.f32 v9, v8;
	_ =	sdelay $0x1  }
0x2e: {  	[tilespmem:s0+$0x4120] =	vst v8  }
0x2f: {  	[tilespmem:s2+$0xFFFFFFA0] =	vst v0  }
0x30: {  	v8 =	vld [tilespmem:s0+$0x4130]  }
0x31: {  	v9 =	vld [tilespmem:$0x188B0];
	_ =	sdelay $0x4  }
0x32: {  	v8 =	vmul.f32 v9, v8;
	_ =	sdelay $0x1  }
0x33: {  	[tilespmem:s0+$0x4130] =	vst v8  }
0x34: {  	[tilespmem:s2+$0xFFFFFFB0] =	vst v0  }
0x35: {  	v8 =	vld [tilespmem:s0+$0x4140]  }
0x36: {  	v9 =	vld [tilespmem:$0x188C0];
	_ =	sdelay $0x4  }
0x37: {  	v8 =	vmul.f32 v9, v8;
	_ =	sdelay $0x1  }
0x38: {  	[tilespmem:s0+$0x4140] =	vst v8  }
0x39: {  	[tilespmem:s2+$0xFFFFFFC0] =	vst v0  }
0x3a: {  	v8 =	vld [tilespmem:s0+$0x4150]  }
0x3b: {  	v9 =	vld [tilespmem:$0x188D0];
	_ =	sdelay $0x4  }
0x3c: {  	v8 =	vmul.f32 v9, v8;
	_ =	sdelay $0x1  }
0x3d: {  	[tilespmem:s0+$0x4150] =	vst v8  }
0x3e: {  	[tilespmem:s2+$0xFFFFFFD0] =	vst v0  }
0x3f: {  	v8 =	vld [tilespmem:s0+$0x4160]  }
0x40: {  	v9 =	vld [tilespmem:$0x188E0];
	_ =	sdelay $0x4  }
0x41: {  	v8 =	vmul.f32 v9, v8;
	_ =	sdelay $0x1  }
0x42: {  	[tilespmem:s0+$0x4160] =	vst v8  }
0x43: {  	[tilespmem:s2+$0xFFFFFFE0] =	vst v0  }
0x44: {  	v8 =	vld [tilespmem:s0+$0x4170]  }
0x45: {  	v9 =	vld [tilespmem:$0x188F0];
	_ =	sdelay $0x4  }
0x46: {  	v8 =	vmul.f32 v9, v8;
	_ =	sdelay $0x1  }
0x47: {  	[tilespmem:s0+$0x4170] =	vst v8  }
0x48: {  	[tilespmem:s2+$0xFFFFFFF0] =	vst v0  }
0x49: {  	v8 =	vld [tilespmem:s0+$0x4500]  }
0x4a: {  	v9 =	vld [tilespmem:$0x18900];
	_ =	sdelay $0x4  }
0x4b: {  	v8 =	vmul.f32 v9, v8;
	_ =	sdelay $0x1  }
0x4c: {  	[tilespmem:s0+$0x4500] =	vst v8  }
0x4d: {  	[tilespmem:s2+$0x0] =	vst v0  }
0x4e: {  	v8 =	vld [tilespmem:s0+$0x4510]  }
0x4f: {  	v9 =	vld [tilespmem:$0x18910];
	_ =	sdelay $0x4  }
0x50: {  	v8 =	vmul.f32 v9, v8;
	_ =	sdelay $0x1  }
0x51: {  	[tilespmem:s0+$0x4510] =	vst v8  }
0x52: {  	[tilespmem:s2+$0x10] =	vst v0  }
0x53: {  	v8 =	vld [tilespmem:s0+$0x4520]  }
0x54: {  	v9 =	vld [tilespmem:$0x18920];
	_ =	sdelay $0x4  }
0x55: {  	v8 =	vmul.f32 v9, v8;
	_ =	sdelay $0x1  }
0x56: {  	[tilespmem:s0+$0x4520] =	vst v8  }
0x57: {  	[tilespmem:s2+$0x20] =	vst v0  }
0x58: {  	v8 =	vld [tilespmem:s0+$0x4530]  }
0x59: {  	v9 =	vld [tilespmem:$0x18930];
	_ =	sdelay $0x4  }
0x5a: {  	v8 =	vmul.f32 v9, v8;
	_ =	sdelay $0x1  }
0x5b: {  	[tilespmem:s0+$0x4530] =	vst v8  }
0x5c: {  	[tilespmem:s2+$0x30] =	vst v0  }
0x5d: {  	v8 =	vld [tilespmem:s0+$0x4540]  }
0x5e: {  	v9 =	vld [tilespmem:$0x18940];
	_ =	sdelay $0x4  }
0x5f: {  	v8 =	vmul.f32 v9, v8;
	_ =	sdelay $0x1  }
0x60: {  	[tilespmem:s0+$0x4540] =	vst v8  }
0x61: {  	[tilespmem:s2+$0x40] =	vst v0  }
0x62: {  	v8 =	vld [tilespmem:s0+$0x4550]  }
0x63: {  	v9 =	vld [tilespmem:$0x18950];
	_ =	sdelay $0x4  }
0x64: {  	v8 =	vmul.f32 v9, v8;
	_ =	sdelay $0x1  }
0x65: {  	[tilespmem:s0+$0x4550] =	vst v8  }
0x66: {  	[tilespmem:s2+$0x50] =	vst v0  }
0x67: {  	s5 =	simm.s32 $0x8100;
	v8 =	vld [tilespmem:s0+$0x4560]  }
0x68: {  	s6 =	simm.s32 $0x100;
	s4 =	simm.s32 $0x80;
	s3 =	simm.s32 $0x8100;
	v9 =	vld [tilespmem:$0x18960]  }
.LBB2_3:
0x69: {  	_ =	sdelay $0x2  }
0x6a: {  	s5 =	sadd.s32 $0x10, s5;
	s1 =	sadd.s32 $0x80, s1;
	s2 =	sadd.s32 $0x100, s2  }
0x6b: {  	p0 =	sne.s32 s6, $0x3F00;
	s7 =	smov.u32 s6;
	s6 =	sadd.s32 $0x100, s6;
	v8 =	vmul.f32 v9, v8  }
0x6c: {  	_ = 	snop  }
0x6d: {  	[tilespmem:s0+$0x4560] =	vst v8  }
0x6e: {  	[tilespmem:s4+$0x60] =	vst v0  }
0x6f: {  	v8 =	vld [tilespmem:s0+$0x4570]  }
0x70: {  	v9 =	vld [tilespmem:$0x18970];
	_ =	sdelay $0x4  }
0x71: {  	v8 =	vmul.f32 v9, v8;
	_ =	sdelay $0x1  }
0x72: {  	[tilespmem:s0+$0x4570] =	vst v8  }
0x73: {  	[tilespmem:s4+$0x70] =	vst v0;
	s4 =	smov.u32 s2  }
0x74: {  	s0 =	sand.u32 $0x3800, s7;
	s7 =	sand.u32 $0x380, s1;
	[tilespmem:s3+$0x0] =	vst v0;
	s3 =	smov.u32 s5  }
0x75: {  	s0 =	sor.u32 s7, s0;
	v8 =	vld [tilespmem:$0x18880]  }
0x76: {  	v9 =	vld [tilespmem:s0+$0x4100];
	_ =	sdelay $0x4  }
0x77: {  	v8 =	vmul.f32 v8, v9;
	_ =	sdelay $0x1  }
0x78: {  	[tilespmem:s0+$0x4100] =	vst v8  }
0x79: {  	[tilespmem:s2+$0xFFFFFF80] =	vst v0  }
0x7a: {  	v8 =	vld [tilespmem:s0+$0x4110]  }
0x7b: {  	v9 =	vld [tilespmem:$0x18890];
	_ =	sdelay $0x4  }
0x7c: {  	v8 =	vmul.f32 v9, v8;
	_ =	sdelay $0x1  }
0x7d: {  	[tilespmem:s0+$0x4110] =	vst v8  }
0x7e: {  	[tilespmem:s2+$0xFFFFFF90] =	vst v0  }
0x7f: {  	v8 =	vld [tilespmem:s0+$0x4120]  }
0x80: {  	v9 =	vld [tilespmem:$0x188A0];
	_ =	sdelay $0x4  }
0x81: {  	v8 =	vmul.f32 v9, v8;
	_ =	sdelay $0x1  }
0x82: {  	[tilespmem:s0+$0x4120] =	vst v8  }
0x83: {  	[tilespmem:s2+$0xFFFFFFA0] =	vst v0  }
0x84: {  	v8 =	vld [tilespmem:s0+$0x4130]  }
0x85: {  	v9 =	vld [tilespmem:$0x188B0];
	_ =	sdelay $0x4  }
0x86: {  	v8 =	vmul.f32 v9, v8;
	_ =	sdelay $0x1  }
0x87: {  	[tilespmem:s0+$0x4130] =	vst v8  }
0x88: {  	[tilespmem:s2+$0xFFFFFFB0] =	vst v0  }
0x89: {  	v8 =	vld [tilespmem:s0+$0x4140]  }
0x8a: {  	v9 =	vld [tilespmem:$0x188C0];
	_ =	sdelay $0x4  }
0x8b: {  	v8 =	vmul.f32 v9, v8;
	_ =	sdelay $0x1  }
0x8c: {  	[tilespmem:s0+$0x4140] =	vst v8  }
0x8d: {  	[tilespmem:s2+$0xFFFFFFC0] =	vst v0  }
0x8e: {  	v8 =	vld [tilespmem:s0+$0x4150]  }
0x8f: {  	v9 =	vld [tilespmem:$0x188D0];
	_ =	sdelay $0x4  }
0x90: {  	v8 =	vmul.f32 v9, v8;
	_ =	sdelay $0x1  }
0x91: {  	[tilespmem:s0+$0x4150] =	vst v8  }
0x92: {  	[tilespmem:s2+$0xFFFFFFD0] =	vst v0  }
0x93: {  	v8 =	vld [tilespmem:s0+$0x4160]  }
0x94: {  	v9 =	vld [tilespmem:$0x188E0];
	_ =	sdelay $0x4  }
0x95: {  	v8 =	vmul.f32 v9, v8;
	_ =	sdelay $0x1  }
0x96: {  	[tilespmem:s0+$0x4160] =	vst v8  }
0x97: {  	[tilespmem:s2+$0xFFFFFFE0] =	vst v0  }
0x98: {  	v8 =	vld [tilespmem:s0+$0x4170]  }
0x99: {  	v9 =	vld [tilespmem:$0x188F0];
	_ =	sdelay $0x4  }
0x9a: {  	v8 =	vmul.f32 v9, v8;
	_ =	sdelay $0x1  }
0x9b: {  	[tilespmem:s0+$0x4170] =	vst v8  }
0x9c: {  	[tilespmem:s2+$0xFFFFFFF0] =	vst v0  }
0x9d: {  	v8 =	vld [tilespmem:s0+$0x4500]  }
0x9e: {  	v9 =	vld [tilespmem:$0x18900];
	_ =	sdelay $0x4  }
0x9f: {  	v8 =	vmul.f32 v9, v8;
	_ =	sdelay $0x1  }
0xa0: {  	[tilespmem:s0+$0x4500] =	vst v8  }
0xa1: {  	[tilespmem:s2+$0x0] =	vst v0  }
0xa2: {  	v8 =	vld [tilespmem:s0+$0x4510]  }
0xa3: {  	v9 =	vld [tilespmem:$0x18910];
	_ =	sdelay $0x4  }
0xa4: {  	v8 =	vmul.f32 v9, v8;
	_ =	sdelay $0x1  }
0xa5: {  	[tilespmem:s0+$0x4510] =	vst v8  }
0xa6: {  	[tilespmem:s2+$0x10] =	vst v0  }
0xa7: {  	v8 =	vld [tilespmem:s0+$0x4520]  }
0xa8: {  	v9 =	vld [tilespmem:$0x18920];
	_ =	sdelay $0x4  }
0xa9: {  	v8 =	vmul.f32 v9, v8;
	_ =	sdelay $0x1  }
0xaa: {  	[tilespmem:s0+$0x4520] =	vst v8  }
0xab: {  	[tilespmem:s2+$0x20] =	vst v0  }
0xac: {  	v8 =	vld [tilespmem:s0+$0x4530]  }
0xad: {  	v9 =	vld [tilespmem:$0x18930];
	_ =	sdelay $0x4  }
0xae: {  	v8 =	vmul.f32 v9, v8;
	_ =	sdelay $0x1  }
0xaf: {  	[tilespmem:s0+$0x4530] =	vst v8  }
0xb0: {  	[tilespmem:s2+$0x30] =	vst v0  }
0xb1: {  	v8 =	vld [tilespmem:s0+$0x4540]  }
0xb2: {  	v9 =	vld [tilespmem:$0x18940];
	_ =	sdelay $0x4  }
0xb3: {  	v8 =	vmul.f32 v9, v8;
	_ =	sdelay $0x1  }
0xb4: {  	[tilespmem:s0+$0x4540] =	vst v8  }
0xb5: {  	[tilespmem:s2+$0x40] =	vst v0  }
0xb6: {  	v8 =	vld [tilespmem:s0+$0x4550]  }
0xb7: {  	v9 =	vld [tilespmem:$0x18950];
	_ =	sdelay $0x4  }
0xb8: {  	v8 =	vmul.f32 v9, v8  }
.Ltmp0:
0xb9: {  	(pc) =	sbr.rel @p0 .LBB2_3-.Ltmp0, $4  }
0xba: {  	[tilespmem:s0+$0x4550] =	vst v8  }
0xbb: {  	[tilespmem:s2+$0x50] =	vst v0  }
0xbc: {  	v8 =	vld [tilespmem:s0+$0x4560]  }
0xbd: {  	v9 =	vld [tilespmem:$0x18960]  }
0xbe: {  	(v2sf) =	vpush v6, $0x0;
	_ =	sdelay $0x6  }
0xbf: {  	(v2sf) =	vpush v7, $0x0;
	_ =	sdelay $0x7  }
0xc0: {  	s14 =	spop (v2sf)  }
0xc1: {  	s1 =	sand.u32 $0xF, s14  }
0xc2: {  	s2 =	sshra.s32 s14, $0x1F;
	p0 =	slt.s32 s14, $0x1;
	p1 =	sne.s32 s1, $0x0  }
0xc3: {  	s26 =	sshrl.u32 s2, $0x1C;
	p0 =	por !p0, !p1  }
0xc4: {  	s2 =	simm.s32 $0x1;
	s1 =	sadd.s32 s26, s14;
	p0 =	por !p0, !p0  }
0xc5: {  	s1 =	sshra.s32 s1, $0x4;
	s2 =	simm.s32 @!p0 $0x0  }
0xc6: {  	s2 =	ssub.s32 s1, s2  }
0xc7: {  	v6 =	vmul.f32 v9, v8;
	s28 =	spop (v2sf);
	s6 =	sshll.u32 s2, $0x4  }
0xc8: {  	s2 =	ssub.s32 s28, s6  }
0xc9: {  	[tilespmem:s0+$0x4560] =	vst v6;
	s2 =	sadd.s32 $0x7F, s2  }
0xca: {  	[tilespmem:s4+$0x60] =	vst v0;
	s5 =	sand.u32 $0x7F, s2  }
0xcb: {  	v6 =	vld [tilespmem:s0+$0x4570];
	s29 =	sshra.s32 s2, $0x1F;
	p2 =	slt.s32 s2, $0x1;
	p6 =	sne.s32 s5, $0x0  }
0xcc: {  	v7 =	vld [tilespmem:$0x18970];
	s5 =	sshrl.u32 s29, $0x19;
	p1 =	por !p2, !p6  }
0xcd: {  	s2 =	sadd.s32 s5, s2;
	s5 =	simm.s32 $0x1;
	p1 =	por !p1, !p1  }
0xce: {  	s2 =	sshra.s32 s2, $0x7;
	s5 =	simm.s32 @!p1 $0x0  }
0xcf: {  	s30 =	ssub.s32 s2, s5  }
0xd0: {  	p1 =	slt.s32 s30, $0x1  }
.Ltmp1:
0xd1: {  	v6 =	vmul.f32 v7, v6;
	(pc) =	sbr.rel @p1 .LBB2_6-.Ltmp1, $4  }
0xd2: {  	_ = 	snop  }
0xd3: {  	[tilespmem:s0+$0x4570] =	vst v6  }
0xd4: {  	[tilespmem:s4+$0x70] =	vst v0  }
0xd5: {  	[tilespmem:s3+$0x0] =	vst v0;
	[smem:$0x7F5] =	sst s30  }
0xd6: {  	s0 =	sshrl.u32 s6, $0x3;
	s2 =	rddreg [dreg:$0x1];
	s3 =	simm.s32 $0x0  }
0xd7: {  	s4 =	simm.s32 $0x8580;
	s7 =	simm.s32 $0x4;
	s2 =	sadd.s32 s2, s0  }
0xd8: {  	[tilespmem:s4], [sflag:$0x4] =	stream.linear.gather [hbm4b:s2+s3], $0x80, $0x38;
	[tilespmem:$0x18A80] =	vst v63  }
0xd9: {  	_ =	swait.ge [sflag:s7], $0x80  }
0xda: {  	s8 =	sld [smem:$0x7F9];
	_ =	sdelay $0x1  }
0xdb: {  	[sflag:s7] =	ssyncset.done $0x0  }
0xdc: {  	s9 =	simm.s32 $0x8780;
	[sflag:s7] =	ssyncadd.s32 $0xFFFFFF80;
	s0 =	sadd.s32 s8, s0  }
0xdd: {  	[tilespmem:s9], [sflag:$0x4] =	stream.linear.gather [hbm4b:s0+s3], $0x80, $0x38;
	[tilespmem:$0x18A80] =	vst v63  }
0xde: {  	_ =	swait.ge [sflag:s7], $0x80  }
0xdf: {  	[sflag:s7] =	ssyncset.done $0x0  }
0xe0: {  	[sflag:s7] =	ssyncadd.s32 $0xFFFFFF80  }
0xe1: {  	v6 =	vld [tilespmem:$0x8780];
	_ =	sdelay $0x2  }
0xe2: {  	v1 =	vld [tilespmem:$0x1FFC0]  }
0xe3: {  	v2 =	vld [tilespmem:$0x1FFD0]  }
0xe4: {  	v3 =	vld [tilespmem:$0x1FFE0];
	v7 =	vshll.u32 v6, $0x1  }
0xe5: {  	v6 =	vand.u32 $0x7, v6;
	v7 =	vand.u32 $0xFFFFFFF0, v7  }
0xe6: {  	v6 =	vor.u32 v6, v7  }
0xe7: {  	v7 =	vperm.xlane v6, v1;
	_ =	sdelay $0x1  }
0xe8: {  	v6 =	vperm.xlane v6, v3;
	v7 =	vadd.s32 v2, v7;
	_ =	sdelay $0x1  }
0xe9: {  	v6 =	vadd.s32 v2, v6;
	_ =	sdelay $0x1  }
0xea: {  	s12 =	simm.s32 $0x8880;
	s10 =	rddreg [dreg:$0x0]  }
0xeb: {  	[tilespmem:s12], [sflag:$0x1] =	stream.indirect_vreg.gather [hbm4b:s10+s3], $0x80, v7, vm0, $0xb8;
	[tilespmem:$0x18A80] =	vst v63  }
0xec: {  	s13 =	simm.s32 $0x9080  }
0xed: {  	[tilespmem:s13], [sflag:$0x1] =	stream.indirect_vreg.gather [hbm4b:s10+s3], $0x80, v6, vm0, $0xb8;
	[tilespmem:$0x18A80] =	vst v63  }
0xee: {  	v6 =	vld [tilespmem:$0x8790];
	_ =	sdelay $0x4  }
0xef: {  	v7 =	vshll.u32 v6, $0x1  }
0xf0: {  	v6 =	vand.u32 $0x7, v6;
	v7 =	vand.u32 $0xFFFFFFF0, v7  }
0xf1: {  	v6 =	vor.u32 v6, v7  }
0xf2: {  	v7 =	vperm.xlane v6, v1;
	_ =	sdelay $0x1  }
0xf3: {  	v6 =	vperm.xlane v6, v3;
	v7 =	vadd.s32 v2, v7;
	_ =	sdelay $0x1  }
0xf4: {  	v6 =	vadd.s32 v2, v6;
	_ =	sdelay $0x1  }
0xf5: {  	s15 =	simm.s32 $0x9880  }
0xf6: {  	[tilespmem:s15], [sflag:$0x1] =	stream.indirect_vreg.gather [hbm4b:s10+s3], $0x80, v7, vm0, $0xb8;
	[tilespmem:$0x18A80] =	vst v63  }
0xf7: {  	s16 =	simm.s32 $0xA080  }
0xf8: {  	[tilespmem:s16], [sflag:$0x1] =	stream.indirect_vreg.gather [hbm4b:s10+s3], $0x80, v6, vm0, $0xb8;
	[tilespmem:$0x18A80] =	vst v63  }
0xf9: {  	v6 =	vld [tilespmem:$0x87A0];
	_ =	sdelay $0x4  }
0xfa: {  	v7 =	vshll.u32 v6, $0x1  }
0xfb: {  	v6 =	vand.u32 $0x7, v6;
	v7 =	vand.u32 $0xFFFFFFF0, v7  }
0xfc: {  	v6 =	vor.u32 v6, v7  }
0xfd: {  	v7 =	vperm.xlane v6, v1;
	_ =	sdelay $0x1  }
0xfe: {  	v6 =	vperm.xlane v6, v3;
	v7 =	vadd.s32 v2, v7;
	_ =	sdelay $0x1  }
0xff: {  	v6 =	vadd.s32 v2, v6;
	_ =	sdelay $0x1  }
0x100: {  	s17 =	simm.s32 $0xA880  }
0x101: {  	[tilespmem:s17], [sflag:$0x1] =	stream.indirect_vreg.gather [hbm4b:s10+s3], $0x80, v7, vm0, $0xb8;
	[tilespmem:$0x18A80] =	vst v63  }
0x102: {  	s18 =	simm.s32 $0xB080  }
0x103: {  	[tilespmem:s18], [sflag:$0x1] =	stream.indirect_vreg.gather [hbm4b:s10+s3], $0x80, v6, vm0, $0xb8;
	[tilespmem:$0x18A80] =	vst v63  }
0x104: {  	v6 =	vld [tilespmem:$0x87B0];
	_ =	sdelay $0x4  }
0x105: {  	v7 =	vshll.u32 v6, $0x1  }
0x106: {  	v6 =	vand.u32 $0x7, v6;
	v7 =	vand.u32 $0xFFFFFFF0, v7  }
0x107: {  	v6 =	vor.u32 v6, v7  }
0x108: {  	v7 =	vperm.xlane v6, v1;
	_ =	sdelay $0x1  }
0x109: {  	v6 =	vperm.xlane v6, v3;
	v7 =	vadd.s32 v2, v7;
	_ =	sdelay $0x1  }
0x10a: {  	v6 =	vadd.s32 v2, v6;
	_ =	sdelay $0x1  }
0x10b: {  	s19 =	simm.s32 $0xB880  }
0x10c: {  	[tilespmem:s19], [sflag:$0x1] =	stream.indirect_vreg.gather [hbm4b:s10+s3], $0x80, v7, vm0, $0xb8;
	[tilespmem:$0x18A80] =	vst v63  }
0x10d: {  	s20 =	simm.s32 $0xC080  }
0x10e: {  	[tilespmem:s20], [sflag:$0x1] =	stream.indirect_vreg.gather [hbm4b:s10+s3], $0x80, v6, vm0, $0xb8;
	[tilespmem:$0x18A80] =	vst v63  }
0x10f: {  	v6 =	vld [tilespmem:$0x87C0];
	_ =	sdelay $0x4  }
0x110: {  	v7 =	vshll.u32 v6, $0x1  }
0x111: {  	v6 =	vand.u32 $0x7, v6;
	v7 =	vand.u32 $0xFFFFFFF0, v7  }
0x112: {  	v6 =	vor.u32 v6, v7  }
0x113: {  	v7 =	vperm.xlane v6, v1;
	_ =	sdelay $0x1  }
0x114: {  	v6 =	vperm.xlane v6, v3;
	v7 =	vadd.s32 v2, v7;
	_ =	sdelay $0x1  }
0x115: {  	v6 =	vadd.s32 v2, v6;
	_ =	sdelay $0x1  }
0x116: {  	s21 =	simm.s32 $0xC880  }
0x117: {  	[tilespmem:s21], [sflag:$0x1] =	stream.indirect_vreg.gather [hbm4b:s10+s3], $0x80, v7, vm0, $0xb8;
	[tilespmem:$0x18A80] =	vst v63  }
0x118: {  	s22 =	simm.s32 $0xD080  }
0x119: {  	[tilespmem:s22], [sflag:$0x1] =	stream.indirect_vreg.gather [hbm4b:s10+s3], $0x80, v6, vm0, $0xb8;
	[tilespmem:$0x18A80] =	vst v63  }
0x11a: {  	v6 =	vld [tilespmem:$0x87D0];
	_ =	sdelay $0x4  }
0x11b: {  	v7 =	vshll.u32 v6, $0x1  }
0x11c: {  	v6 =	vand.u32 $0x7, v6;
	v7 =	vand.u32 $0xFFFFFFF0, v7  }
0x11d: {  	v6 =	vor.u32 v6, v7  }
0x11e: {  	v7 =	vperm.xlane v6, v1;
	_ =	sdelay $0x1  }
0x11f: {  	v6 =	vperm.xlane v6, v3;
	v7 =	vadd.s32 v2, v7;
	_ =	sdelay $0x1  }
0x120: {  	v6 =	vadd.s32 v2, v6;
	_ =	sdelay $0x1  }
0x121: {  	s23 =	simm.s32 $0xD880  }
0x122: {  	[tilespmem:s23], [sflag:$0x1] =	stream.indirect_vreg.gather [hbm4b:s10+s3], $0x80, v7, vm0, $0xb8;
	[tilespmem:$0x18A80] =	vst v63  }
0x123: {  	s24 =	simm.s32 $0xE080  }
0x124: {  	[tilespmem:s24], [sflag:$0x1] =	stream.indirect_vreg.gather [hbm4b:s10+s3], $0x80, v6, vm0, $0xb8;
	[tilespmem:$0x18A80] =	vst v63  }
0x125: {  	v6 =	vld [tilespmem:$0x87E0];
	_ =	sdelay $0x4  }
0x126: {  	v7 =	vshll.u32 v6, $0x1  }
0x127: {  	v6 =	vand.u32 $0x7, v6;
	v7 =	vand.u32 $0xFFFFFFF0, v7  }
0x128: {  	v6 =	vor.u32 v6, v7  }
0x129: {  	v7 =	vperm.xlane v6, v1;
	_ =	sdelay $0x1  }
0x12a: {  	v6 =	vperm.xlane v6, v3;
	v7 =	vadd.s32 v2, v7;
	_ =	sdelay $0x1  }
0x12b: {  	v6 =	vadd.s32 v2, v6;
	_ =	sdelay $0x1  }
0x12c: {  	s25 =	simm.s32 $0xE880  }
0x12d: {  	[tilespmem:s25], [sflag:$0x1] =	stream.indirect_vreg.gather [hbm4b:s10+s3], $0x80, v7, vm0, $0xb8;
	[tilespmem:$0x18A80] =	vst v63  }
0x12e: {  	s26 =	simm.s32 $0xF080  }
0x12f: {  	[tilespmem:s26], [sflag:$0x1] =	stream.indirect_vreg.gather [hbm4b:s10+s3], $0x80, v6, vm0, $0xb8;
	[tilespmem:$0x18A80] =	vst v63  }
0x130: {  	v6 =	vld [tilespmem:$0x87F0];
	_ =	sdelay $0x4  }
0x131: {  	v7 =	vshll.u32 v6, $0x1  }
0x132: {  	v6 =	vand.u32 $0x7, v6;
	v7 =	vand.u32 $0xFFFFFFF0, v7  }
0x133: {  	v6 =	vor.u32 v6, v7  }
0x134: {  	v7 =	vperm.xlane v6, v1;
	_ =	sdelay $0x1  }
0x135: {  	v6 =	vperm.xlane v6, v3;
	v7 =	vadd.s32 v2, v7;
	_ =	sdelay $0x1  }
0x136: {  	v6 =	vadd.s32 v2, v6;
	_ =	sdelay $0x1  }
0x137: {  	s29 =	simm.s32 $0xF880  }
0x138: {  	[tilespmem:s29], [sflag:$0x1] =	stream.indirect_vreg.gather [hbm4b:s10+s3], $0x80, v7, vm0, $0xb8;
	[tilespmem:$0x18A80] =	vst v63  }
0x139: {  	s30 =	simm.s32 $0x10080  }
0x13a: {  	[tilespmem:s30], [sflag:$0x1] =	stream.indirect_vreg.gather [hbm4b:s10+s3], $0x80, v6, vm0, $0xb8;
	[tilespmem:$0x18A80] =	vst v63  }
.LBB2_6:
0x13b: {  	s3 =	sld [smem:$0x7F5];
	_ =	sdelay $0x2  }
0x13c: {  	s0 =	sadd.s32 $0x1, s3  }
0x13d: {  	s2 =	sand.u32 $0x1, s0  }
0x13e: {  	p1 =	slt.s32 s3, $0x0;
	p2 =	seq.s32 s2, $0x1  }
0x13f: {  	s30 =	sshrl.u32 s0, $0x1F;
	p1 =	por !p1, !p2  }
0x140: {  	s0 =	sadd.s32 s30, s0;
	s2 =	simm.s32 $0x1;
	p1 =	por !p1, !p1  }
0x141: {  	s0 =	sshra.s32 s0, $0x1;
	s2 =	simm.s32 @!p1 $0x0  }
0x142: {  	s0 =	ssub.s32 s0, s2  }
0x143: {  	p1 =	slt.s32 s0, $0x1  }
.Ltmp2:
0x144: {  	_ = 	snop;
	(pc) =	sbr.rel @p1 .LBB2_21-.Ltmp2, $2  }
0x145: {  	_ =	sdelay $0x2  }
0x146: {  	[smem:$0x7F4] =	sst s0  }
.Ltmp3:
0x147: {  	[dreg:$0x5] =	wrdreg s11;
	(pc) =	sbr.rel .LBB2_8-.Ltmp3, $4  }
0x148: {  	s0 =	simm.s32 $0xFFFFFFFF;
	[dreg:$0x6] =	wrdreg s14  }
0x149: {  	s1 =	sshll.u32 s1, $0x4;
	[dreg:$0x7] =	wrdreg s28;
	s0 =	simm.s32 @!p0 $0x0  }
0x14a: {  	s2 =	simm.s32 $0x0;
	[smem:$0x7F3] =	sst s6;
	s0 =	sshll.u32 s0, $0x4  }
0x14b: {  	s15 =	smov.u32 s6;
	[dreg:$0x15] =	wrdreg s31;
	s26 =	sadd.s32 s0, s1  }
.LBB2_19:
0x14c: {  	(erf) = vpow2.f32 v27;
	[tilespmem:s25+$0x0] =	vst.add.f32.msk $0xffff, v21  }
0x14d: {  	[tilespmem:s29+$0x0] =	vst.add.f32.msk $0xffff, v26  }
0x14e: {  	[tilespmem:s30+$0x0] =	vst.add.f32.msk $0xffff, v23  }
0x14f: {  	s0 =	rddreg [dreg:$0xa]  }
0x150: {  	[tilespmem:s0+$0x0] =	vst.add.f32.msk $0xffff, v24  }
0x151: {  	s0 =	rddreg [dreg:$0xd]  }
0x152: {  	[tilespmem:s0+$0x0] =	vst.add.f32.msk $0xffff, v20  }
0x153: {  	s0 =	rddreg [dreg:$0xe]  }
0x154: {  	[tilespmem:s0+$0x0] =	vst.add.f32.msk $0xffff, v22  }
0x155: {  	v1 =	vpop (erf);
	s0 =	rddreg [dreg:$0x10]  }
0x156: {  	[tilespmem:s0+$0x0] =	vst.add.f32.msk $0xffff, v19;
	v2 =	vmul.f32 v1, v7  }
0x157: {  	[tilespmem:s15+$0x8100] =	vst.add.f32.msk $0xffff, v6  }
0x158: {  	v3 =	vmul.f32 v1, v8;
	[tilespmem:s2+$0x0] =	vst.add.f32.msk $0xffff, v2  }
0x159: {  	s0 =	rddreg [dreg:$0x14]  }
0x15a: {  	v5 =	vmul.f32 v1, v9;
	[tilespmem:s0+$0x0] =	vst.add.f32.msk $0xffff, v3  }
0x15b: {  	s0 =	rddreg [dreg:$0x12]  }
0x15c: {  	v2 =	vmul.f32 v1, v10;
	[tilespmem:s0+$0x0] =	vst.add.f32.msk $0xffff, v5  }
0x15d: {  	v3 =	vmul.f32 v1, v11;
	s0 =	rddreg [dreg:$0x16]  }
0x15e: {  	v5 =	vmul.f32 v1, v14;
	[tilespmem:s0+$0x0] =	vst.add.f32.msk $0xffff, v2  }
0x15f: {  	v2 =	vmul.f32 v1, v12;
	[tilespmem:s16+$0x0] =	vst.add.f32.msk $0xffff, v3  }
0x160: {  	v3 =	vmul.f32 v1, v13;
	[tilespmem:s8+$0x0] =	vst.add.f32.msk $0xffff, v5  }
0x161: {  	v5 =	vmul.f32 v1, v15;
	[tilespmem:s19+$0x0] =	vst.add.f32.msk $0xffff, v2  }
0x162: {  	v2 =	vmul.f32 v1, v17;
	[tilespmem:s22+$0x0] =	vst.add.f32.msk $0xffff, v3  }
0x163: {  	v3 =	vmul.f32 v1, v16;
	[tilespmem:s12+$0x0] =	vst.add.f32.msk $0xffff, v5  }
0x164: {  	v5 =	vmul.f32 v1, v18;
	[tilespmem:s7+$0x0] =	vst.add.f32.msk $0xffff, v2  }
0x165: {  	v2 =	vmul.f32 v1, v28;
	[tilespmem:s17+$0x0] =	vst.add.f32.msk $0xffff, v3  }
0x166: {  	v3 =	vmul.f32 v1, v29;
	[tilespmem:s13+$0x0] =	vst.add.f32.msk $0xffff, v5  }
0x167: {  	v5 =	vmul.f32 v1, v30;
	[tilespmem:s20+$0x0] =	vst.add.f32.msk $0xffff, v2  }
0x168: {  	v2 =	vmul.f32 v1, v31;
	[tilespmem:s21+$0x0] =	vst.add.f32.msk $0xffff, v3  }
0x169: {  	[tilespmem:s31+$0x0] =	vst.add.f32.msk $0xffff, v5  }
0x16a: {  	[tilespmem:s4+$0x0] =	vst.add.f32.msk $0xffff, v2  }
0x16b: {  	[tilespmem:s1+$0x8100] =	vst.add.f32.msk $0xffff, v1  }
0x16c: {  	s31 =	rddreg [dreg:$0x15]  }
0x16d: {  	s6 =	sld [smem:$0x7F3]  }
0x16e: {  	s2 =	sld [smem:$0x7F2]  }
0x16f: {  	s15 =	sld [smem:$0x7ED]  }
.LBB2_20:
0x170: {  	s0 =	sld [smem:$0x7F4];
	_ =	sdelay $0x1  }
0x171: {  	s2 =	sadd.s32 $0x1, s2  }
0x172: {  	p0 =	sne.s32 s2, s0  }
.Ltmp4:
0x173: {  	_ = 	snop;
	(pc) =	sbr.rel @!p0 .LBB2_21-.Ltmp4, $2  }
0x174: {  	_ =	sdelay $0x2  }
0x175: {  	s26 =	sadd.s32 $0x100, s26;
	s15 =	sadd.s32 $0x100, s15  }
.LBB2_8:
0x176: {  	s1 =	sld [smem:$0x7F5];
	_ =	sdelay $0x1  }
0x177: {  	s3 =	sshll.u32 s2, $0x1  }
0x178: {  	p1 =	sge.s32 s3, s1  }
.Ltmp5:
0x179: {  	_ = 	snop;
	(pc) =	sbr.rel @p1 .LBB2_14-.Ltmp5, $3  }
0x17a: {  	_ =	sdelay $0x1  }
0x17b: {  	s0 =	sshllo.u32 s2, $0x1  }
0x17c: {  	[smem:$0x7F2] =	sst s2;
	p0 =	sge.s32 s0, s1  }
.Ltmp6:
0x17d: {  	(pc) =	sbr.rel @p0 .LBB2_11-.Ltmp6, $3  }
0x17e: {  	_ =	sdelay $0x1  }
0x17f: {  	[smem:$0x7F0] =	sst s3  }
0x180: {  	[smem:$0x7F1] =	sst s26  }
0x181: {  	s0 =	sshll.u32 s0, $0x7  }
0x182: {  	s0 =	sadd.s32 s6, s0  }
0x183: {  	s1 =	rddreg [dreg:$0x1];
	s2 =	simm.s32 $0x0;
	s0 =	sshrl.u32 s0, $0x3  }
0x184: {  	s3 =	simm.s32 $0x8680;
	s6 =	simm.s32 $0x4;
	s1 =	sadd.s32 s1, s0  }
0x185: {  	[tilespmem:s3], [sflag:$0x4] =	stream.linear.gather [hbm4b:s1+s2], $0x80, $0x38;
	[tilespmem:$0x18A80] =	vst v63  }
0x186: {  	_ =	swait.ge [sflag:s6], $0x80  }
0x187: {  	s7 =	sld [smem:$0x7F9];
	_ =	sdelay $0x1  }
0x188: {  	[sflag:s6] =	ssyncset.done $0x0  }
0x189: {  	s8 =	simm.s32 $0x8800;
	[sflag:s6] =	ssyncadd.s32 $0xFFFFFF80;
	s0 =	sadd.s32 s7, s0  }
0x18a: {  	[tilespmem:s8], [sflag:$0x4] =	stream.linear.gather [hbm4b:s0+s2], $0x80, $0x38;
	[tilespmem:$0x18A80] =	vst v63  }
0x18b: {  	_ =	swait.ge [sflag:s6], $0x80  }
0x18c: {  	[sflag:s6] =	ssyncset.done $0x0  }
0x18d: {  	[sflag:s6] =	ssyncadd.s32 $0xFFFFFF80  }
0x18e: {  	v6 =	vld [tilespmem:$0x8800];
	_ =	sdelay $0x2  }
0x18f: {  	v1 =	vld [tilespmem:$0x1FFC0]  }
0x190: {  	v2 =	vld [tilespmem:$0x1FFD0]  }
0x191: {  	v3 =	vld [tilespmem:$0x1FFE0];
	v7 =	vshll.u32 v6, $0x1  }
0x192: {  	v6 =	vand.u32 $0x7, v6;
	v7 =	vand.u32 $0xFFFFFFF0, v7  }
0x193: {  	v6 =	vor.u32 v6, v7  }
0x194: {  	v7 =	vperm.xlane v6, v1;
	_ =	sdelay $0x1  }
0x195: {  	v6 =	vperm.xlane v6, v3;
	v7 =	vadd.s32 v2, v7;
	_ =	sdelay $0x1  }
0x196: {  	v6 =	vadd.s32 v2, v6;
	_ =	sdelay $0x1  }
0x197: {  	s10 =	simm.s32 $0x10880;
	s9 =	rddreg [dreg:$0x0]  }
0x198: {  	[tilespmem:s10], [sflag:$0x2] =	stream.indirect_vreg.gather [hbm4b:s9+s2], $0x80, v7, vm0, $0xb8;
	[tilespmem:$0x18A80] =	vst v63  }
0x199: {  	s12 =	simm.s32 $0x11080  }
0x19a: {  	[tilespmem:s12], [sflag:$0x2] =	stream.indirect_vreg.gather [hbm4b:s9+s2], $0x80, v6, vm0, $0xb8;
	[tilespmem:$0x18A80] =	vst v63  }
0x19b: {  	v6 =	vld [tilespmem:$0x8810];
	_ =	sdelay $0x4  }
0x19c: {  	v7 =	vshll.u32 v6, $0x1  }
0x19d: {  	v6 =	vand.u32 $0x7, v6;
	v7 =	vand.u32 $0xFFFFFFF0, v7  }
0x19e: {  	v6 =	vor.u32 v6, v7  }
0x19f: {  	v7 =	vperm.xlane v6, v1;
	_ =	sdelay $0x1  }
0x1a0: {  	v6 =	vperm.xlane v6, v3;
	v7 =	vadd.s32 v2, v7;
	_ =	sdelay $0x1  }
0x1a1: {  	v6 =	vadd.s32 v2, v6;
	_ =	sdelay $0x1  }
0x1a2: {  	s13 =	simm.s32 $0x11880  }
0x1a3: {  	[tilespmem:s13], [sflag:$0x2] =	stream.indirect_vreg.gather [hbm4b:s9+s2], $0x80, v7, vm0, $0xb8;
	[tilespmem:$0x18A80] =	vst v63  }
0x1a4: {  	s16 =	simm.s32 $0x12080  }
0x1a5: {  	[tilespmem:s16], [sflag:$0x2] =	stream.indirect_vreg.gather [hbm4b:s9+s2], $0x80, v6, vm0, $0xb8;
	[tilespmem:$0x18A80] =	vst v63  }
0x1a6: {  	v6 =	vld [tilespmem:$0x8820];
	_ =	sdelay $0x4  }
0x1a7: {  	v7 =	vshll.u32 v6, $0x1  }
0x1a8: {  	v6 =	vand.u32 $0x7, v6;
	v7 =	vand.u32 $0xFFFFFFF0, v7  }
0x1a9: {  	v6 =	vor.u32 v6, v7  }
0x1aa: {  	v7 =	vperm.xlane v6, v1;
	_ =	sdelay $0x1  }
0x1ab: {  	v6 =	vperm.xlane v6, v3;
	v7 =	vadd.s32 v2, v7;
	_ =	sdelay $0x1  }
0x1ac: {  	v6 =	vadd.s32 v2, v6;
	_ =	sdelay $0x1  }
0x1ad: {  	s17 =	simm.s32 $0x12880  }
0x1ae: {  	[tilespmem:s17], [sflag:$0x2] =	stream.indirect_vreg.gather [hbm4b:s9+s2], $0x80, v7, vm0, $0xb8;
	[tilespmem:$0x18A80] =	vst v63  }
0x1af: {  	s18 =	simm.s32 $0x13080  }
0x1b0: {  	[tilespmem:s18], [sflag:$0x2] =	stream.indirect_vreg.gather [hbm4b:s9+s2], $0x80, v6, vm0, $0xb8;
	[tilespmem:$0x18A80] =	vst v63  }
0x1b1: {  	v6 =	vld [tilespmem:$0x8830];
	_ =	sdelay $0x4  }
0x1b2: {  	v7 =	vshll.u32 v6, $0x1  }
0x1b3: {  	v6 =	vand.u32 $0x7, v6;
	v7 =	vand.u32 $0xFFFFFFF0, v7  }
0x1b4: {  	v6 =	vor.u32 v6, v7  }
0x1b5: {  	v7 =	vperm.xlane v6, v1;
	_ =	sdelay $0x1  }
0x1b6: {  	v6 =	vperm.xlane v6, v3;
	v7 =	vadd.s32 v2, v7;
	_ =	sdelay $0x1  }
0x1b7: {  	v6 =	vadd.s32 v2, v6;
	_ =	sdelay $0x1  }
0x1b8: {  	s19 =	simm.s32 $0x13880  }
0x1b9: {  	[tilespmem:s19], [sflag:$0x2] =	stream.indirect_vreg.gather [hbm4b:s9+s2], $0x80, v7, vm0, $0xb8;
	[tilespmem:$0x18A80] =	vst v63  }
0x1ba: {  	s20 =	simm.s32 $0x14080  }
0x1bb: {  	[tilespmem:s20], [sflag:$0x2] =	stream.indirect_vreg.gather [hbm4b:s9+s2], $0x80, v6, vm0, $0xb8;
	[tilespmem:$0x18A80] =	vst v63  }
0x1bc: {  	v6 =	vld [tilespmem:$0x8840];
	_ =	sdelay $0x4  }
0x1bd: {  	v7 =	vshll.u32 v6, $0x1  }
0x1be: {  	v6 =	vand.u32 $0x7, v6;
	v7 =	vand.u32 $0xFFFFFFF0, v7  }
0x1bf: {  	v6 =	vor.u32 v6, v7  }
0x1c0: {  	v7 =	vperm.xlane v6, v1;
	_ =	sdelay $0x1  }
0x1c1: {  	v6 =	vperm.xlane v6, v3;
	v7 =	vadd.s32 v2, v7;
	_ =	sdelay $0x1  }
0x1c2: {  	v6 =	vadd.s32 v2, v6;
	_ =	sdelay $0x1  }
0x1c3: {  	s21 =	simm.s32 $0x14880  }
0x1c4: {  	[tilespmem:s21], [sflag:$0x2] =	stream.indirect_vreg.gather [hbm4b:s9+s2], $0x80, v7, vm0, $0xb8;
	[tilespmem:$0x18A80] =	vst v63  }
0x1c5: {  	s22 =	simm.s32 $0x15080  }
0x1c6: {  	[tilespmem:s22], [sflag:$0x2] =	stream.indirect_vreg.gather [hbm4b:s9+s2], $0x80, v6, vm0, $0xb8;
	[tilespmem:$0x18A80] =	vst v63  }
0x1c7: {  	v6 =	vld [tilespmem:$0x8850];
	_ =	sdelay $0x4  }
0x1c8: {  	v7 =	vshll.u32 v6, $0x1  }
0x1c9: {  	v6 =	vand.u32 $0x7, v6;
	v7 =	vand.u32 $0xFFFFFFF0, v7  }
0x1ca: {  	v6 =	vor.u32 v6, v7  }
0x1cb: {  	v7 =	vperm.xlane v6, v1;
	_ =	sdelay $0x1  }
0x1cc: {  	v6 =	vperm.xlane v6, v3;
	v7 =	vadd.s32 v2, v7;
	_ =	sdelay $0x1  }
0x1cd: {  	v6 =	vadd.s32 v2, v6;
	_ =	sdelay $0x1  }
0x1ce: {  	s23 =	simm.s32 $0x15880  }
0x1cf: {  	[tilespmem:s23], [sflag:$0x2] =	stream.indirect_vreg.gather [hbm4b:s9+s2], $0x80, v7, vm0, $0xb8;
	[tilespmem:$0x18A80] =	vst v63  }
0x1d0: {  	s24 =	simm.s32 $0x16080  }
0x1d1: {  	[tilespmem:s24], [sflag:$0x2] =	stream.indirect_vreg.gather [hbm4b:s9+s2], $0x80, v6, vm0, $0xb8;
	[tilespmem:$0x18A80] =	vst v63  }
0x1d2: {  	v6 =	vld [tilespmem:$0x8860];
	_ =	sdelay $0x4  }
0x1d3: {  	v7 =	vshll.u32 v6, $0x1  }
0x1d4: {  	v6 =	vand.u32 $0x7, v6;
	v7 =	vand.u32 $0xFFFFFFF0, v7  }
0x1d5: {  	v6 =	vor.u32 v6, v7  }
0x1d6: {  	v7 =	vperm.xlane v6, v1;
	_ =	sdelay $0x1  }
0x1d7: {  	v6 =	vperm.xlane v6, v3;
	v7 =	vadd.s32 v2, v7;
	_ =	sdelay $0x1  }
0x1d8: {  	v6 =	vadd.s32 v2, v6;
	_ =	sdelay $0x1  }
0x1d9: {  	s25 =	simm.s32 $0x16880  }
0x1da: {  	[tilespmem:s25], [sflag:$0x2] =	stream.indirect_vreg.gather [hbm4b:s9+s2], $0x80, v7, vm0, $0xb8;
	[tilespmem:$0x18A80] =	vst v63  }
0x1db: {  	s26 =	simm.s32 $0x17080  }
0x1dc: {  	[tilespmem:s26], [sflag:$0x2] =	stream.indirect_vreg.gather [hbm4b:s9+s2], $0x80, v6, vm0, $0xb8;
	[tilespmem:$0x18A80] =	vst v63  }
0x1dd: {  	v6 =	vld [tilespmem:$0x8870];
	_ =	sdelay $0x4  }
0x1de: {  	v7 =	vshll.u32 v6, $0x1  }
0x1df: {  	v6 =	vand.u32 $0x7, v6;
	v7 =	vand.u32 $0xFFFFFFF0, v7  }
0x1e0: {  	v6 =	vor.u32 v6, v7  }
0x1e1: {  	v7 =	vperm.xlane v6, v1;
	_ =	sdelay $0x1  }
0x1e2: {  	v6 =	vperm.xlane v6, v3;
	v7 =	vadd.s32 v2, v7;
	_ =	sdelay $0x1  }
0x1e3: {  	v6 =	vadd.s32 v2, v6;
	_ =	sdelay $0x1  }
0x1e4: {  	s29 =	simm.s32 $0x17880  }
0x1e5: {  	[tilespmem:s29], [sflag:$0x2] =	stream.indirect_vreg.gather [hbm4b:s9+s2], $0x80, v7, vm0, $0xb8;
	[tilespmem:$0x18A80] =	vst v63  }
0x1e6: {  	s30 =	simm.s32 $0x18080  }
0x1e7: {  	[tilespmem:s30], [sflag:$0x2] =	stream.indirect_vreg.gather [hbm4b:s9+s2], $0x80, v6, vm0, $0xb8;
	[tilespmem:$0x18A80] =	vst v63  }
.LBB2_11:
0x1e8: {  	s0 =	simm.s32 $0x1  }
0x1e9: {  	_ =	swait.ge [sflag:s0], $0x8000  }
0x1ea: {  	[sflag:s0] =	ssyncset.done $0x0  }
0x1eb: {  	s23 =	simm.s32 $0x8581;
	[sflag:s0] =	ssyncadd.s32 $0xFFFF8000  }
0x1ec: {  	v6 =	vld [tilespmem:s23+$0x0];
	_ =	sdelay $0x4  }
0x1ed: {  	(v2sf) =	vpush v6, $0x0  }
0x1ee: {  	s1 =	simm.s32 $0x0  }
0x1ef: {  	s3 =	simm.s32 $0x80;
	s1 =	sand.u32 $0x7800, s1  }
0x1f0: {  	s24 =	sand.u32 $0x380, s3;
	s2 =	sadd.s32 $0x8880, s1  }
0x1f1: {  	s25 =	sadd.s32 s24, s2;
	v18 =	vld [tilespmem:s23+$0xFFFFFFFF]  }
0x1f2: {  	v9 =	vld [tilespmem:s25+$0x440]  }
0x1f3: {  	v8 =	vld [tilespmem:s25+$0x450]  }
0x1f4: {  	v7 =	vld [tilespmem:s25+$0x460]  }
0x1f5: {  	v13 =	vld [tilespmem:s25+$0x400]  }
0x1f6: {  	v12 =	vld [tilespmem:s25+$0x410]  }
0x1f7: {  	v11 =	vld [tilespmem:s25+$0x420]  }
0x1f8: {  	v10 =	vld [tilespmem:s25+$0x430]  }
0x1f9: {  	s26 =	sadd.s32 $0xFFFFFFFE, s15;
	v15 =	vld [tilespmem:s25+$0x40]  }
0x1fa: {  	s6 =	sadd.s32 $0x3, s26;
	v16 =	vld [tilespmem:s25+$0x50]  }
0x1fb: {  	p1 =	sge.s32 s6, s14;
	p2 =	slt.s32 s6, s28;
	v14 =	vld [tilespmem:s25+$0x60]  }
0x1fc: {  	p1 =	por !p1, !p2;
	v17 =	vld [tilespmem:s25+$0x70];
	s7 =	spop (v2sf)  }
0x1fd: {  	p2 =	por !p1, !p1;
	v19 =	vld [tilespmem:s25+$0x0];
	s4 =	ssub.s32 s7, s11  }
0x1fe: {  	v32 =	vld [tilespmem:s25+$0x10];
	s4 =	simm.s32 @!p2 $0x0  }
0x1ff: {  	v34 =	vld [tilespmem:s25+$0x20];
	s5 =	sshll.u32 s4, $0x8;
	s4 =	sshll.u32 s4, $0x7  }
0x200: {  	v36 =	vld [tilespmem:s25+$0x30];
	(v2sf) =	vpush v18, $0x0;
	s5 =	sand.u32 $0xFFFFF800, s5;
	s4 =	sand.u32 $0x380, s4  }
0x201: {  	v6 =	vld [tilespmem:s25+$0x470];
	s4 =	sor.u32 s4, s5  }
0x202: {  	v20 =	vld [tilespmem:s4+$0x4540]  }
0x203: {  	v21 =	vld [tilespmem:s4+$0x4550]  }
0x204: {  	v18 =	vld [tilespmem:s4+$0x4500]  }
0x205: {  	v22 =	vld [tilespmem:s4+$0x4510]  }
0x206: {  	v23 =	vld [tilespmem:s4+$0x4140]  }
0x207: {  	v24 =	vld [tilespmem:s4+$0x4150]  }
0x208: {  	v25 =	vld [tilespmem:s4+$0x4100]  }
0x209: {  	v26 =	vld [tilespmem:s4+$0x4110]  }
0x20a: {  	v27 =	vld [tilespmem:s4+$0x4120]  }
0x20b: {  	v28 =	vld [tilespmem:s4+$0x4130]  }
0x20c: {  	v29 =	vld [tilespmem:s4+$0x4160];
	v20 =	vmul.f32 v9, v20;
	v21 =	vmul.f32 v8, v21  }
0x20d: {  	s8 =	sadd.s32 $0x2, s26;
	v30 =	vld [tilespmem:s4+$0x4170];
	v18 =	vmul.f32 v13, v18;
	v22 =	vmul.f32 v12, v22  }
0x20e: {  	p6 =	sge.s32 s8, s14;
	p3 =	slt.s32 s8, s28;
	v31 =	vld [tilespmem:s4+$0x4520];
	v23 =	vmul.f32 v15, v23;
	v24 =	vmul.f32 v16, v24  }
0x20f: {  	p1 =	por !p6, !p3;
	v33 =	vld [tilespmem:s4+$0x4530];
	v25 =	vmul.f32 v19, v25;
	v26 =	vmul.f32 v32, v26;
	s0 =	spop (v2sf)  }
0x210: {  	p1 =	por !p1, !p1;
	v35 =	vld [tilespmem:s4+$0x4560];
	v27 =	vmul.f32 v34, v27;
	v28 =	vmul.f32 v36, v28;
	s3 =	ssub.s32 s0, s11  }
0x211: {  	v37 =	vld [tilespmem:s4+$0x4570];
	v29 =	vmul.f32 v14, v29;
	v25 =	vadd.f32 $0.0e+00, v25;
	v26 =	vadd.f32 $0.0e+00, v26;
	s3 =	simm.s32 @!p1 $0x0  }
0x212: {  	v30 =	vmul.f32 v17, v30;
	v27 =	vadd.f32 $0.0e+00, v27;
	v28 =	vadd.f32 $0.0e+00, v28;
	s9 =	sshll.u32 s3, $0x8;
	s3 =	sshll.u32 s3, $0x7  }
0x213: {  	v23 =	vadd.f32 v23, v25;
	v24 =	vadd.f32 v24, v26;
	v25 =	vmul.f32 v11, v31;
	s4 =	sand.u32 $0xFFFFF800, s9;
	s3 =	sand.u32 $0x380, s3  }
0x214: {  	v26 =	vadd.f32 v29, v27;
	v27 =	vadd.f32 v30, v28;
	v28 =	vmul.f32 v10, v33;
	s3 =	sor.u32 s3, s4  }
0x215: {  	v18 =	vadd.f32 v18, v23;
	v22 =	vadd.f32 v22, v24;
	v23 =	vmul.f32 v7, v35;
	v47 =	vld [tilespmem:s3+$0x4100]  }
0x216: {  	v24 =	vadd.f32 v25, v26;
	v25 =	vadd.f32 v28, v27;
	v26 =	vmul.f32 v6, v37;
	v48 =	vld [tilespmem:s3+$0x4110]  }
0x217: {  	v18 =	vadd.f32 v20, v18;
	v20 =	vadd.f32 v21, v22;
	v49 =	vld [tilespmem:s3+$0x4120]  }
0x218: {  	v21 =	vadd.f32 v23, v24;
	v22 =	vadd.f32 v26, v25;
	v60 =	vld [tilespmem:s3+$0x4130]  }
0x219: {  	v61 =	vld [tilespmem:s3+$0x4140]  }
0x21a: {  	v18 =	vadd.f32 v20, v18;
	v20 =	vadd.f32 v22, v21;
	v50 =	vld [tilespmem:s3+$0x4150]  }
0x21b: {  	v51 =	vld [tilespmem:s3+$0x4160]  }
0x21c: {  	v52 =	vld [tilespmem:s3+$0x4170];
	v20 =	vadd.f32 v20, v18  }
0x21d: {  	v58 =	vld [tilespmem:s3+$0x4500]  }
0x21e: {  	v59 =	vld [tilespmem:s3+$0x4510];
	(xrf2) =	vadd.scan.msk.f32 $0xffff, v20  }
0x21f: {  	v55 =	vld [tilespmem:s3+$0x4520]  }
0x220: {  	v30 =	vld [tilespmem:s3+$0x4530]  }
0x221: {  	v56 =	vld [tilespmem:s3+$0x4540]  }
0x222: {  	s10 =	simm.s32 $0x0;
	v57 =	vld [tilespmem:s3+$0x4550]  }
0x223: {  	s4 =	sand.u32 $0x300, s10;
	v53 =	vld [tilespmem:s3+$0x4560]  }
0x224: {  	s2 =	sor.u32 s4, s2;
	v54 =	vld [tilespmem:s3+$0x4570]  }
0x225: {  	v28 =	vld [tilespmem:s2+$0x10]  }
0x226: {  	v29 =	vld [tilespmem:s2+$0x20]  }
0x227: {  	v31 =	vld [tilespmem:s2+$0x30]  }
0x228: {  	v37 =	vld [tilespmem:s2+$0x40];
	v20, _, _ =	vpop (xrf2)  }
0x229: {  	v35 =	vld [tilespmem:s2+$0x50];
	v20 =	vperm.xlane v20, v4  }
0x22a: {  	v33 =	vld [tilespmem:s2+$0x60]  }
0x22b: {  	v21 =	vld [tilespmem:s2+$0x70];
	v20 =	vmul.f32 $1.442695020e+00, v20  }
0x22c: {  	v26 =	vld [tilespmem:s2+$0x400]  }
0x22d: {  	v2 =	vld [tilespmem:s2+$0x450];
	(erf) = vpow2.f32 v20  }
0x22e: {  	v27 =	vld [tilespmem:s2+$0x410]  }
0x22f: {  	v23 =	vld [tilespmem:s2+$0x420]  }
0x230: {  	v25 =	vld [tilespmem:s2+$0x430]  }
0x231: {  	v24 =	vld [tilespmem:s2+$0x440]  }
0x232: {  	v18 =	vld [tilespmem:s2+$0x0];
	[tilespmem:$0x1FFA0] =	vst v2  }
0x233: {  	v1 =	vld [tilespmem:s2+$0x470];
	_ =	sdelay $0x1  }
0x234: {  	s1 =	ssub.s32 s7, s31  }
0x235: {  	s1 =	simm.s32 @!p2 $0x40;
	v38 =	vpop (erf)  }
0x236: {  	s12 =	sshll.u32 s1, $0xA;
	v39 =	vmul.f32 v38, v19  }
0x237: {  	s13 =	sshra.s32 s12, $0x2;
	v22 =	vld [tilespmem:s2+$0x460];
	[tilespmem:$0x1FFB0] =	vst v1;
	v32 =	vmul.f32 v38, v32  }
0x238: {  	s3 =	sor.u32 $0x10, s13;
	v34 =	vmul.f32 v38, v34;
	[tilespmem:s13+$0x0] =	vst.add.f32.msk $0xffff, v39  }
0x239: {  	s16 =	sor.u32 $0x20, s13;
	v46 =	vmul.f32 v38, v36;
	[tilespmem:s3+$0x0] =	vst.add.f32.msk $0xffff, v32  }
0x23a: {  	s17 =	sor.u32 $0x30, s13;
	v15 =	vmul.f32 v38, v15;
	[tilespmem:s16+$0x0] =	vst.add.f32.msk $0xffff, v34  }
0x23b: {  	s18 =	sor.u32 $0x40, s13;
	v16 =	vmul.f32 v38, v16;
	[tilespmem:s17+$0x0] =	vst.add.f32.msk $0xffff, v46  }
0x23c: {  	s19 =	sor.u32 $0x50, s13;
	v14 =	vmul.f32 v38, v14;
	[tilespmem:s18+$0x0] =	vst.add.f32.msk $0xffff, v15  }
0x23d: {  	s20 =	sor.u32 $0x60, s13;
	v15 =	vmul.f32 v38, v17;
	[tilespmem:s19+$0x0] =	vst.add.f32.msk $0xffff, v16  }
0x23e: {  	s21 =	sor.u32 $0x70, s13;
	v13 =	vmul.f32 v38, v13;
	[tilespmem:s20+$0x0] =	vst.add.f32.msk $0xffff, v14  }
0x23f: {  	s22 =	sor.u32 $0x80, s13;
	[tilespmem:s21+$0x0] =	vst.add.f32.msk $0xffff, v15  }
0x240: {  	s23 =	simm.s32 $0x8583;
	v12 =	vmul.f32 v38, v12;
	[tilespmem:s22+$0x0] =	vst.add.f32.msk $0xffff, v13  }
0x241: {  	s25 =	sor.u32 $0x90, s13;
	v11 =	vmul.f32 v38, v11;
	v13 =	vld [tilespmem:s23+$0x0]  }
0x242: {  	s24 =	simm.s32 $0x200;
	s26 =	sor.u32 $0xA0, s13;
	s5 =	sor.u32 $0xB0, s13;
	v10 =	vmul.f32 v38, v10;
	[tilespmem:s25+$0x0] =	vst.add.f32.msk $0xffff, v12  }
0x243: {  	s6 =	sor.u32 $0xC0, s13;
	s9 =	sand.u32 $0x7800, s24;
	v9 =	vmul.f32 v38, v9;
	s25 =	simm.s32 $0x180;
	[tilespmem:s26+$0x0] =	vst.add.f32.msk $0xffff, v11  }
0x244: {  	s7 =	sor.u32 $0xD0, s13;
	s10 =	sadd.s32 $0x8880, s9;
	s12 =	sand.u32 $0x380, s25;
	[tilespmem:s5+$0x0] =	vst.add.f32.msk $0xffff, v10  }
0x245: {  	s8 =	sor.u32 $0xE0, s13;
	s2 =	sor.u32 $0xF0, s13;
	s13 =	sadd.s32 s12, s10;
	[tilespmem:s6+$0x0] =	vst.add.f32.msk $0xffff, v9  }
0x246: {  	v36 =	vld [tilespmem:s13+$0x450];
	(v2sf) =	vpush v13, $0x0  }
0x247: {  	v34 =	vld [tilespmem:s13+$0x460]  }
0x248: {  	v32 =	vld [tilespmem:s13+$0x470]  }
0x249: {  	v42 =	vld [tilespmem:s13+$0x400]  }
0x24a: {  	v41 =	vld [tilespmem:s13+$0x410]  }
0x24b: {  	v40 =	vld [tilespmem:s13+$0x420]  }
0x24c: {  	v8 =	vmul.f32 v38, v8;
	v39 =	vld [tilespmem:s13+$0x430]  }
0x24d: {  	v7 =	vmul.f32 v38, v7;
	v46 =	vld [tilespmem:s13+$0x40]  }
0x24e: {  	v6 =	vmul.f32 v38, v6;
	[tilespmem:s7+$0x0] =	vst.add.f32.msk $0xffff, v8  }
0x24f: {  	[tilespmem:s8+$0x0] =	vst.add.f32.msk $0xffff, v7  }
0x250: {  	[tilespmem:s2+$0x0] =	vst.add.f32.msk $0xffff, v6  }
0x251: {  	v6 =	vld [tilespmem:s23+$0xFFFFFFFF]  }
0x252: {  	s16 =	sadd.s32 $0x0, s15;
	v45 =	vld [tilespmem:s13+$0x50]  }
0x253: {  	s17 =	sadd.s32 $0x3, s16;
	v43 =	vld [tilespmem:s13+$0x60]  }
0x254: {  	p4 =	sge.s32 s17, s14;
	p5 =	slt.s32 s17, s28;
	v44 =	vld [tilespmem:s13+$0x70]  }
0x255: {  	p2 =	por !p4, !p5;
	v11 =	vmul.f32 v35, v50;
	v50 =	vld [tilespmem:s13+$0x30];
	s18 =	spop (v2sf)  }
0x256: {  	s1 =	sshll.u32 s1, $0x6;
	p2 =	por !p2, !p2;
	v8 =	vmul.f32 v29, v49;
	v49 =	vld [tilespmem:s13+$0x20];
	(v2sf) =	vpush v6, $0x0;
	v6 =	vmul.f32 v18, v47;
	s4 =	ssub.s32 s18, s11  }
0x257: {  	s1 =	sshra.s32 s1, $0x2;
	v7 =	vmul.f32 v28, v48;
	v48 =	vld [tilespmem:s13+$0x0];
	s4 =	simm.s32 @!p2 $0x0  }
0x258: {  	v16 =	vmul.f32 v2, v57;
	v10 =	vmul.f32 v37, v61;
	[tilespmem:s1+$0x8100] =	vst.add.f32.msk $0xffff, v38;
	v6 =	vadd.f32 $0.0e+00, v6;
	s6 =	sshll.u32 s4, $0x8;
	s4 =	sshll.u32 s4, $0x7  }
0x259: {  	v12 =	vmul.f32 v21, v52;
	v9 =	vmul.f32 v31, v60;
	v38 =	vld [tilespmem:s13+$0x440];
	v7 =	vadd.f32 $0.0e+00, v7;
	s6 =	sand.u32 $0xFFFFF800, s6;
	s4 =	sand.u32 $0x380, s4  }
0x25a: {  	v8 =	vadd.f32 $0.0e+00, v8;
	v47 =	vld [tilespmem:s13+$0x10];
	v6 =	vadd.f32 v10, v6;
	v10 =	vmul.f32 v33, v51;
	s4 =	sor.u32 s4, s6  }
0x25b: {  	v9 =	vadd.f32 $0.0e+00, v9;
	v7 =	vadd.f32 v11, v7;
	v11 =	vmul.f32 v26, v58;
	v13 =	vld [tilespmem:s4+$0x4540]  }
0x25c: {  	v14 =	vmul.f32 v27, v59;
	v15 =	vld [tilespmem:s4+$0x4550];
	v8 =	vadd.f32 v10, v8;
	v10 =	vmul.f32 v23, v55  }
0x25d: {  	v9 =	vadd.f32 v12, v9;
	v12 =	vld [tilespmem:s4+$0x4500];
	v6 =	vadd.f32 v11, v6;
	v11 =	vmul.f32 v25, v30  }
0x25e: {  	v7 =	vadd.f32 v14, v7;
	v14 =	vld [tilespmem:s4+$0x4510];
	v8 =	vadd.f32 v10, v8;
	v10 =	vmul.f32 v24, v56  }
0x25f: {  	v17 =	vld [tilespmem:s4+$0x4140];
	v30 =	vmul.f32 v1, v54;
	v9 =	vadd.f32 v11, v9;
	v11 =	vmul.f32 v22, v53  }
0x260: {  	v7 =	vadd.f32 v16, v7;
	v16 =	vld [tilespmem:s4+$0x4120];
	v6 =	vadd.f32 v10, v6  }
0x261: {  	v10 =	vld [tilespmem:s4+$0x4100];
	v8 =	vadd.f32 v11, v8;
	v9 =	vadd.f32 v30, v9  }
0x262: {  	v11 =	vld [tilespmem:s4+$0x4110]  }
0x263: {  	s2 =	sadd.s32 $0x2, s16;
	v6 =	vadd.f32 v7, v6;
	v7 =	vadd.f32 v9, v8;
	v8 =	vld [tilespmem:s4+$0x4130]  }
0x264: {  	p6 =	sge.s32 s2, s14;
	p4 =	slt.s32 s2, s28;
	v9 =	vld [tilespmem:s4+$0x4160]  }
0x265: {  	p3 =	por !p6, !p4;
	v61 =	vld [tilespmem:s4+$0x4150];
	v13 =	vmul.f32 v38, v13;
	s2 =	spop (v2sf)  }
0x266: {  	p3 =	por !p3, !p3;
	v15 =	vmul.f32 v36, v15;
	v12 =	vmul.f32 v42, v12;
	v6 =	vadd.f32 v7, v6;
	v7 =	vld [tilespmem:s4+$0x4170];
	s5 =	ssub.s32 s2, s11  }
0x267: {  	v62 =	vld [tilespmem:s4+$0x4520];
	v17 =	vmul.f32 v46, v17;
	v16 =	vmul.f32 v49, v16;
	s5 =	simm.s32 @!p3 $0x0  }
0x268: {  	(xrf2) =	vadd.scan.msk.f32 $0xffff, v6;
	v6 =	vmul.f32 v48, v10;
	v10 =	vmul.f32 v47, v11;
	v11 =	vld [tilespmem:s4+$0x4530];
	s19 =	sshll.u32 s5, $0x8;
	s5 =	sshll.u32 s5, $0x7  }
0x269: {  	v57 =	vld [tilespmem:s4+$0x4570];
	v16 =	vadd.f32 $0.0e+00, v16;
	v8 =	vmul.f32 v50, v8;
	v9 =	vmul.f32 v43, v9;
	s6 =	sand.u32 $0xFFFFF800, s19;
	s5 =	sand.u32 $0x380, s5  }
0x26a: {  	v63 =	vld [tilespmem:s4+$0x4560];
	v30 =	vmul.f32 v45, v61;
	v6 =	vadd.f32 $0.0e+00, v6;
	v10 =	vadd.f32 $0.0e+00, v10;
	s5 =	sor.u32 s5, s6  }
0x26b: {  	v8 =	vadd.f32 $0.0e+00, v8;
	v7 =	vmul.f32 v44, v7;
	v9 =	vadd.f32 v9, v16;
	v54 =	vld [tilespmem:s5+$0x4100]  }
0x26c: {  	s20 =	simm.s32 $0x100;
	v14 =	vmul.f32 v41, v14;
	v6 =	vadd.f32 v17, v6;
	v10 =	vadd.f32 v30, v10;
	v55 =	vld [tilespmem:s5+$0x4110]  }
0x26d: {  	s4 =	sand.u32 $0x300, s20;
	v17 =	vmul.f32 v40, v62;
	v30 =	vld [tilespmem:s5+$0x4120];
	v8 =	vadd.f32 v7, v8;
	v11 =	vmul.f32 v39, v11  }
0x26e: {  	s4 =	sor.u32 s4, s10;
	v16 =	vmul.f32 v32, v57;
	v51 =	vld [tilespmem:s5+$0x4130];
	v6 =	vadd.f32 v12, v6;
	v10 =	vadd.f32 v14, v10  }
0x26f: {  	v7 =	vld [tilespmem:s4+$0x0];
	v12 =	vmul.f32 v34, v63;
	v14 =	vadd.f32 v17, v9;
	v11 =	vadd.f32 v11, v8  }
0x270: {  	v52 =	vld [tilespmem:s5+$0x4140];
	v6 =	vadd.f32 v13, v6;
	v13 =	vadd.f32 v15, v10  }
0x271: {  	v53 =	vld [tilespmem:s5+$0x4150];
	v12 =	vadd.f32 v12, v14;
	v11 =	vadd.f32 v16, v11  }
0x272: {  	v56 =	vld [tilespmem:s5+$0x4160]  }
0x273: {  	v57 =	vld [tilespmem:s5+$0x4170];
	v6 =	vadd.f32 v13, v6;
	v11 =	vadd.f32 v11, v12  }
0x274: {  	v58 =	vld [tilespmem:s5+$0x4500];
	v14, _, _ =	vpop (xrf2)  }
0x275: {  	v59 =	vld [tilespmem:s5+$0x4510];
	v14 =	vperm.xlane v14, v4;
	v6 =	vadd.f32 v11, v6  }
0x276: {  	v60 =	vld [tilespmem:s5+$0x4520]  }
0x277: {  	v61 =	vld [tilespmem:s5+$0x4530];
	v12 =	vmul.f32 $1.442695020e+00, v14;
	(xrf2) =	vadd.scan.msk.f32 $0xffff, v6  }
0x278: {  	v20 =	vld [tilespmem:s5+$0x4540]  }
0x279: {  	v3 =	vld [tilespmem:s5+$0x4570];
	(erf) = vpow2.f32 v12  }
0x27a: {  	v9 =	vld [tilespmem:s4+$0x20]  }
0x27b: {  	v17 =	vld [tilespmem:s4+$0x410]  }
0x27c: {  	v8 =	vld [tilespmem:s4+$0x10]  }
0x27d: {  	v10 =	vld [tilespmem:s4+$0x30]  }
0x27e: {  	v15 =	vld [tilespmem:s4+$0x400]  }
0x27f: {  	v16 =	vld [tilespmem:s4+$0x420]  }
0x280: {  	v13 =	vld [tilespmem:s4+$0x70]  }
0x281: {  	v30 =	vmul.f32 v9, v30;
	v11 =	vld [tilespmem:s4+$0x40];
	v62, _, _ =	vpop (xrf2)  }
0x282: {  	v14 =	vld [tilespmem:s4+$0x50];
	v6 =	vpop (erf);
	v62 =	vperm.xlane v62, v4  }
0x283: {  	v55 =	vmul.f32 v8, v55;
	v1 =	vadd.f32 $0.0e+00, v30;
	v30 =	vld [tilespmem:s4+$0x460];
	v63 =	vmul.f32 v6, v18  }
0x284: {  	v12 =	vld [tilespmem:s4+$0x60];
	v19 =	vmul.f32 v6, v29;
	v29 =	vmul.f32 $1.442695020e+00, v62  }
0x285: {  	v18 =	vld [tilespmem:s4+$0x430];
	v5 =	vmul.f32 v6, v28;
	v28 =	vmul.f32 v7, v54  }
0x286: {  	v51 =	vmul.f32 v10, v51;
	v54 =	vld [tilespmem:s5+$0x4550];
	(erf) = vpow2.f32 v29  }
0x287: {  	s6 =	ssub.s32 s0, s31;
	v55 =	vadd.f32 $0.0e+00, v55;
	v53 =	vmul.f32 v14, v53;
	v2 =	vadd.f32 $0.0e+00, v28;
	v28 =	vld [tilespmem:s4+$0x440]  }
0x288: {  	s6 =	simm.s32 @!p1 $0x40;
	v58 =	vmul.f32 v15, v58;
	v51 =	vadd.f32 $0.0e+00, v51;
	v52 =	vmul.f32 v11, v52;
	v62 =	vld [tilespmem:s5+$0x4560]  }
0x289: {  	s21 =	sshll.u32 s6, $0xA;
	v53 =	vadd.f32 v53, v55;
	v55 =	vmul.f32 v13, v57;
	v57 =	vmul.f32 v17, v59;
	v29 =	vld [tilespmem:s4+$0x450]  }
0x28a: {  	s3 =	sshra.s32 s21, $0x2;
	v2 =	vadd.f32 v52, v2;
	v52 =	vmul.f32 v12, v56;
	v56 =	vmul.f32 v6, v31;
	v31 =	vld [tilespmem:s4+$0x470]  }
0x28b: {  	s0 =	sor.u32 $0x10, s3;
	v51 =	vadd.f32 v55, v51;
	v37 =	vmul.f32 v6, v37;
	v33 =	vmul.f32 v6, v33;
	[tilespmem:s3+$0x0] =	vst.add.f32.msk $0xffff, v63  }
0x28c: {  	s22 =	sor.u32 $0x20, s3;
	[tilespmem:s0+$0x0] =	vst.add.f32.msk $0xffff, v5;
	v1 =	vadd.f32 v52, v1;
	v2 =	vadd.f32 v58, v2;
	v58 =	vmul.f32 v16, v60  }
0x28d: {  	s23 =	sor.u32 $0x30, s3;
	v59 =	vadd.f32 v57, v53;
	v5 =	vmul.f32 v6, v35;
	[tilespmem:s22+$0x0] =	vst.add.f32.msk $0xffff, v19;
	v60 =	vmul.f32 v18, v61  }
0x28e: {  	s26 =	sor.u32 $0x40, s3;
	s0 =	ssub.s32 s18, s31;
	[tilespmem:s23+$0x0] =	vst.add.f32.msk $0xffff, v56;
	v19 =	vmul.f32 v28, v20;
	v1 =	vadd.f32 v58, v1;
	v20 =	vmul.f32 v29, v54  }
0x28f: {  	s0 =	simm.s32 @!p2 $0x40;
	s4 =	sor.u32 $0x50, s3;
	[tilespmem:s26+$0x0] =	vst.add.f32.msk $0xffff, v37;
	v61 =	vadd.f32 v60, v51;
	v62 =	vmul.f32 v30, v62;
	v3 =	vmul.f32 v31, v3;
	v63 =	vpop (erf)  }
0x290: {  	s7 =	sor.u32 $0x60, s3;
	s8 =	sshll.u32 s0, $0xA;
	[tilespmem:s4+$0x0] =	vst.add.f32.msk $0xffff, v5;
	v2 =	vadd.f32 v19, v2;
	v19 =	vadd.f32 v20, v59;
	v20 =	vmul.f32 v63, v48  }
0x291: {  	s5 =	sshra.s32 s8, $0x2;
	[tilespmem:s7+$0x0] =	vst.add.f32.msk $0xffff, v33;
	v1 =	vadd.f32 v62, v1;
	v3 =	vadd.f32 v3, v61;
	v5 =	vmul.f32 v63, v47  }
0x292: {  	s9 =	sor.u32 $0x10, s5;
	[tilespmem:s5+$0x0] =	vst.add.f32.msk $0xffff, v20;
	v20 =	vmul.f32 v63, v49  }
0x293: {  	s10 =	sor.u32 $0x20, s5;
	v1 =	vadd.f32 v3, v1;
	v2 =	vadd.f32 v19, v2;
	v3 =	vmul.f32 v63, v50;
	[tilespmem:s9+$0x0] =	vst.add.f32.msk $0xffff, v5  }
0x294: {  	s13 =	sor.u32 $0x30, s5;
	v5 =	vmul.f32 v63, v46;
	[tilespmem:s10+$0x0] =	vst.add.f32.msk $0xffff, v20  }
0x295: {  	s16 =	sor.u32 $0x40, s5;
	v1 =	vadd.f32 v1, v2;
	v2 =	vmul.f32 v63, v45;
	[tilespmem:s13+$0x0] =	vst.add.f32.msk $0xffff, v3  }
0x296: {  	s17 =	sor.u32 $0x50, s5;
	[tilespmem:s16+$0x0] =	vst.add.f32.msk $0xffff, v5  }
0x297: {  	s19 =	sor.u32 $0xB0, s3;
	[tilespmem:s17+$0x0] =	vst.add.f32.msk $0xffff, v2  }
0x298: {  	s20 =	sor.u32 $0xC0, s3;
	v3 =	vmul.f32 v63, v43;
	[dreg:$0x8] =	wrdreg s19  }
0x299: {  	s18 =	sor.u32 $0x60, s5;
	[dreg:$0x9] =	wrdreg s20  }
0x29a: {  	s22 =	sor.u32 $0xD0, s3;
	[tilespmem:s18+$0x0] =	vst.add.f32.msk $0xffff, v3  }
0x29b: {  	s29 =	sor.u32 $0x90, s3;
	s23 =	sor.u32 $0xE0, s3;
	v2 =	vmul.f32 v63, v44;
	[dreg:$0xb] =	wrdreg s22  }
0x29c: {  	s30 =	sor.u32 $0xA0, s3;
	s21 =	sor.u32 $0x70, s5;
	[dreg:$0xc] =	wrdreg s23  }
0x29d: {  	s4 =	sor.u32 $0x80, s3;
	(xrf2) =	vadd.scan.msk.f32 $0xffff, v1;
	v1 =	vmul.f32 v63, v42;
	s10 =	sor.u32 $0x70, s3;
	s3 =	sor.u32 $0xF0, s3;
	[tilespmem:s21+$0x0] =	vst.add.f32.msk $0xffff, v2  }
0x29e: {  	s2 =	ssub.s32 s2, s31;
	s7 =	sor.u32 $0x80, s5;
	v2 =	vmul.f32 v63, v41;
	[dreg:$0xf] =	wrdreg s3  }
0x29f: {  	s2 =	simm.s32 @!p3 $0x40;
	s12 =	sshll.u32 s6, $0x6;
	s8 =	sor.u32 $0x90, s5;
	[tilespmem:s7+$0x0] =	vst.add.f32.msk $0xffff, v1;
	v1 =	vmul.f32 v63, v40  }
0x2a0: {  	s26 =	sshra.s32 s12, $0x2;
	s12 =	sor.u32 $0xA0, s5;
	s13 =	sshll.u32 s2, $0xA;
	[tilespmem:s8+$0x0] =	vst.add.f32.msk $0xffff, v2;
	v2 =	vmul.f32 v63, v39  }
0x2a1: {  	s16 =	sor.u32 $0xB0, s5;
	s18 =	sshra.s32 s13, $0x2;
	[tilespmem:s12+$0x0] =	vst.add.f32.msk $0xffff, v1  }
0x2a2: {  	s19 =	sor.u32 $0x10, s18;
	[tilespmem:s16+$0x0] =	vst.add.f32.msk $0xffff, v2  }
0x2a3: {  	s20 =	sor.u32 $0x20, s18;
	v1 =	vmul.f32 v63, v38;
	[dreg:$0x13] =	wrdreg s19  }
0x2a4: {  	s17 =	sor.u32 $0xC0, s5;
	v2 =	vmul.f32 v63, v36;
	[dreg:$0x11] =	wrdreg s20  }
0x2a5: {  	s21 =	sor.u32 $0xD0, s5;
	[tilespmem:s17+$0x0] =	vst.add.f32.msk $0xffff, v1;
	v1 =	vmul.f32 v63, v34  }
0x2a6: {  	s22 =	sor.u32 $0xE0, s5;
	[tilespmem:s21+$0x0] =	vst.add.f32.msk $0xffff, v2;
	v2 =	vmul.f32 v63, v32  }
0x2a7: {  	s0 =	sshll.u32 s0, $0x6;
	s23 =	sor.u32 $0xF0, s5;
	[tilespmem:s22+$0x0] =	vst.add.f32.msk $0xffff, v1  }
0x2a8: {  	s0 =	sshra.s32 s0, $0x2;
	[tilespmem:s23+$0x0] =	vst.add.f32.msk $0xffff, v2  }
0x2a9: {  	[tilespmem:s0+$0x8100] =	vst.add.f32.msk $0xffff, v63  }
0x2aa: {  	v2 =	vld [tilespmem:$0x1FFA0]  }
0x2ab: {  	v3 =	vmul.f32 v6, v21  }
0x2ac: {  	v5 =	vmul.f32 v6, v26  }
0x2ad: {  	[tilespmem:s10+$0x0] =	vst.add.f32.msk $0xffff, v3  }
0x2ae: {  	s2 =	sshll.u32 s2, $0x6;
	[tilespmem:s4+$0x0] =	vst.add.f32.msk $0xffff, v5  }
0x2af: {  	s9 =	simm.s32 $0x2;
	s1 =	sshra.s32 s2, $0x2;
	v20 =	vmul.f32 v6, v2;
	v2 =	vld [tilespmem:$0x1FFB0]  }
0x2b0: {  	s2 =	sor.u32 $0x40, s18;
	s13 =	sor.u32 $0x90, s18;
	s6 =	smov.u32 s18  }
0x2b1: {  	v24 =	vmul.f32 v6, v24;
	v22 =	vmul.f32 v6, v22;
	s7 =	sor.u32 $0xB0, s18;
	s8 =	sor.u32 $0x50, s18;
	s12 =	sor.u32 $0x80, s18;
	v1, _, _ =	vpop (xrf2)  }
0x2b2: {  	v26 =	vmul.f32 v6, v23;
	s16 =	sor.u32 $0x30, s18;
	s19 =	sor.u32 $0x60, s18;
	s20 =	sor.u32 $0xC0, s18;
	v1 =	vperm.xlane v1, v4  }
0x2b3: {  	v23 =	vmul.f32 v6, v25;
	v21 =	vmul.f32 v6, v27;
	s17 =	sor.u32 $0xA0, s18;
	s21 =	sor.u32 $0xD0, s18;
	s22 =	sor.u32 $0x70, s18  }
0x2b4: {  	s23 =	sor.u32 $0xE0, s18;
	s4 =	sor.u32 $0xF0, s18;
	s18 =	simm.s32 $0x8585;
	v27 =	vmul.f32 $1.442695020e+00, v1;
	v19 =	vmul.f32 v6, v2  }
.LBB2_12:
0x2b5: {  	[dreg:$0x1b] =	wrdreg s2;
	v1 =	vld [tilespmem:s18+$0x0]  }
0x2b6: {  	v2 =	vld [tilespmem:s18+$0xFFFFFFFF];
	s2 =	rddreg [dreg:$0x8]  }
0x2b7: {  	[tilespmem:s29+$0x0] =	vst.add.f32.msk $0xffff, v21;
	s0 =	smov.u32 s13;
	s13 =	smov.u32 s17;
	s5 =	rddreg [dreg:$0x9]  }
0x2b8: {  	s3 =	smov.u32 s7;
	s7 =	smov.u32 s20;
	s10 =	rddreg [dreg:$0xb];
	[tilespmem:s30+$0x0] =	vst.add.f32.msk $0xffff, v26  }
0x2b9: {  	s24 =	sadd.s32 $0x200, s24;
	s25 =	sadd.s32 $0x100, s25;
	s20 =	rddreg [dreg:$0xc];
	[tilespmem:s2+$0x0] =	vst.add.f32.msk $0xffff, v23  }
0x2ba: {  	[dreg:$0x18] =	wrdreg s13;
	s13 =	smov.u32 s21;
	s17 =	sand.u32 $0x7800, s24;
	[tilespmem:s5+$0x0] =	vst.add.f32.msk $0xffff, v24;
	(v2sf) =	vpush v1, $0x0  }
0x2bb: {  	s21 =	smov.u32 s23;
	s23 =	sand.u32 $0x380, s25;
	s5 =	sadd.s32 $0x8880, s17;
	[tilespmem:s10+$0x0] =	vst.add.f32.msk $0xffff, v20  }
0x2bc: {  	[dreg:$0x17] =	wrdreg s0;
	s0 =	sadd.s32 s23, s5;
	[tilespmem:s20+$0x0] =	vst.add.f32.msk $0xffff, v22  }
0x2bd: {  	v32 =	vld [tilespmem:s0+$0x440]  }
0x2be: {  	v33 =	vld [tilespmem:s0+$0x450];
	(v2sf) =	vpush v2, $0x0  }
0x2bf: {  	v34 =	vld [tilespmem:s0+$0x460]  }
0x2c0: {  	v35 =	vld [tilespmem:s0+$0x470]  }
0x2c1: {  	v36 =	vld [tilespmem:s0+$0x400]  }
0x2c2: {  	v37 =	vld [tilespmem:s0+$0x410]  }
0x2c3: {  	v38 =	vld [tilespmem:s0+$0x420]  }
0x2c4: {  	v39 =	vld [tilespmem:s0+$0x430]  }
0x2c5: {  	[dreg:$0x8] =	wrdreg s3;
	v42 =	vld [tilespmem:s0+$0x40]  }
0x2c6: {  	[dreg:$0x9] =	wrdreg s7;
	s17 =	sadd.s32 s9, s15;
	v43 =	vld [tilespmem:s0+$0x50]  }
0x2c7: {  	s3 =	sadd.s32 $0xFFFFFF80, s25;
	s10 =	smov.u32 s1;
	s1 =	sadd.s32 $0x3, s17;
	v44 =	vld [tilespmem:s0+$0x60]  }
0x2c8: {  	s7 =	rddreg [dreg:$0xf];
	p2 =	sge.s32 s1, s14;
	p3 =	slt.s32 s1, s28;
	v45 =	vld [tilespmem:s0+$0x70]  }
0x2c9: {  	(erf) = vpow2.f32 v27;
	[smem:$0x7EE] =	sst s10;
	v54 =	vld [tilespmem:s0+$0x0];
	p2 =	por !p2, !p3;
	s10 =	spop (v2sf)  }
0x2ca: {  	[dreg:$0xb] =	wrdreg s13;
	v53 =	vld [tilespmem:s0+$0x10];
	p2 =	por !p2, !p2;
	s1 =	ssub.s32 s10, s11  }
0x2cb: {  	[dreg:$0xc] =	wrdreg s21;
	s3 =	sand.u32 $0x300, s3;
	[tilespmem:s7+$0x0] =	vst.add.f32.msk $0xffff, v19;
	s1 =	simm.s32 @!p2 $0x0  }
0x2cc: {  	[tilespmem:s26+$0x8100] =	vst.add.f32.msk $0xffff, v6;
	s26 =	sor.u32 s3, s5;
	s23 =	sshll.u32 s1, $0x8;
	s1 =	sshll.u32 s1, $0x7  }
0x2cd: {  	v52 =	vld [tilespmem:s0+$0x20];
	s21 =	spop (v2sf);
	s5 =	sand.u32 $0xFFFFF800, s23;
	s1 =	sand.u32 $0x380, s1  }
0x2ce: {  	s13 =	smov.u32 s4;
	v51 =	vld [tilespmem:s0+$0x30];
	s4 =	ssub.s32 s21, s11;
	s11 =	sor.u32 s1, s5  }
0x2cf: {  	v1 =	vld [tilespmem:s11+$0x4540]  }
0x2d0: {  	v2 =	vld [tilespmem:s11+$0x4550]  }
0x2d1: {  	v3 =	vld [tilespmem:s11+$0x4500]  }
0x2d2: {  	v6 =	vpop (erf);
	v5 =	vld [tilespmem:s11+$0x4510]  }
0x2d3: {  	v50 =	vmul.f32 v6, v7;
	v7 =	vld [tilespmem:s11+$0x4140]  }
0x2d4: {  	v49 =	vmul.f32 v6, v8;
	v8 =	vld [tilespmem:s11+$0x4150]  }
0x2d5: {  	v48 =	vmul.f32 v6, v9;
	v47 =	vmul.f32 v6, v10;
	v9 =	vld [tilespmem:s11+$0x4100]  }
0x2d6: {  	v46 =	vmul.f32 v6, v11;
	v41 =	vmul.f32 v6, v14;
	v10 =	vld [tilespmem:s11+$0x4110]  }
0x2d7: {  	s20 =	sadd.s32 $0x2, s17;
	v40 =	vmul.f32 v6, v12;
	v27 =	vmul.f32 v6, v13;
	v11 =	vld [tilespmem:s11+$0x4120]  }
0x2d8: {  	p1 =	sge.s32 s20, s14;
	p4 =	slt.s32 s20, s28;
	v25 =	vmul.f32 v6, v15;
	v21 =	vmul.f32 v6, v17;
	v12 =	vld [tilespmem:s11+$0x4130]  }
0x2d9: {  	p1 =	por !p1, !p4;
	v26 =	vmul.f32 v6, v16;
	v23 =	vmul.f32 v6, v18;
	v13 =	vld [tilespmem:s11+$0x4160]  }
0x2da: {  	p3 =	por !p1, !p1;
	v24 =	vmul.f32 v6, v28;
	v20 =	vmul.f32 v6, v29;
	v14 =	vld [tilespmem:s11+$0x4170]  }
0x2db: {  	v22 =	vmul.f32 v6, v30;
	v19 =	vmul.f32 v6, v31;
	s4 =	simm.s32 @!p3 $0x0;
	v15 =	vld [tilespmem:s11+$0x4520]  }
0x2dc: {  	s2 =	sshll.u32 s4, $0x8;
	s14 =	sshll.u32 s4, $0x7;
	v16 =	vld [tilespmem:s11+$0x4530];
	v1 =	vmul.f32 v32, v1;
	v2 =	vmul.f32 v33, v2  }
0x2dd: {  	[dreg:$0xf] =	wrdreg s13;
	s13 =	sand.u32 $0xFFFFF800, s2;
	s1 =	sand.u32 $0x380, s14;
	v17 =	vld [tilespmem:s11+$0x4560];
	v3 =	vmul.f32 v36, v3;
	v5 =	vmul.f32 v37, v5  }
0x2de: {  	s3 =	sor.u32 s1, s13;
	v18 =	vld [tilespmem:s11+$0x4570];
	v7 =	vmul.f32 v42, v7;
	v8 =	vmul.f32 v43, v8  }
0x2df: {  	v28 =	vld [tilespmem:s3+$0x4100];
	v9 =	vmul.f32 v54, v9;
	v10 =	vmul.f32 v53, v10  }
0x2e0: {  	v29 =	vld [tilespmem:s3+$0x4110];
	v11 =	vmul.f32 v52, v11;
	v12 =	vmul.f32 v51, v12  }
0x2e1: {  	v30 =	vld [tilespmem:s3+$0x4520];
	v13 =	vmul.f32 v44, v13;
	v9 =	vadd.f32 $0.0e+00, v9;
	v10 =	vadd.f32 $0.0e+00, v10  }
0x2e2: {  	v31 =	vld [tilespmem:s3+$0x4530];
	v14 =	vmul.f32 v45, v14;
	v11 =	vadd.f32 $0.0e+00, v11;
	v12 =	vadd.f32 $0.0e+00, v12  }
0x2e3: {  	v7 =	vadd.f32 v7, v9;
	v8 =	vadd.f32 v8, v10;
	v9 =	vmul.f32 v38, v15;
	v15 =	vld [tilespmem:s3+$0x4120]  }
0x2e4: {  	v10 =	vadd.f32 v13, v11;
	v11 =	vadd.f32 v14, v12;
	v12 =	vmul.f32 v39, v16;
	v13 =	vld [tilespmem:s3+$0x4130]  }
0x2e5: {  	v14 =	vmul.f32 v34, v17;
	v16 =	vld [tilespmem:s3+$0x4140];
	v3 =	vadd.f32 v3, v7;
	v5 =	vadd.f32 v5, v8  }
0x2e6: {  	v7 =	vld [tilespmem:s26+$0x0];
	v10 =	vadd.f32 v9, v10;
	v11 =	vadd.f32 v12, v11;
	v12 =	vmul.f32 v35, v18  }
0x2e7: {  	v8 =	vld [tilespmem:s26+$0x10];
	v1 =	vadd.f32 v1, v3;
	v2 =	vadd.f32 v2, v5  }
0x2e8: {  	v9 =	vld [tilespmem:s26+$0x20];
	v3 =	vadd.f32 v14, v10;
	v5 =	vadd.f32 v12, v11  }
0x2e9: {  	v10 =	vld [tilespmem:s26+$0x30]  }
0x2ea: {  	v17 =	vld [tilespmem:s3+$0x4160];
	v1 =	vadd.f32 v2, v1;
	v2 =	vadd.f32 v5, v3  }
0x2eb: {  	v14 =	vld [tilespmem:s26+$0x50];
	v3 =	vmul.f32 v7, v28  }
0x2ec: {  	v5 =	vld [tilespmem:s3+$0x4150];
	v11 =	vmul.f32 v8, v29;
	v1 =	vadd.f32 v2, v1  }
0x2ed: {  	v2 =	vadd.f32 $0.0e+00, v3;
	v3 =	vmul.f32 v9, v15;
	v15 =	vld [tilespmem:s3+$0x4170]  }
0x2ee: {  	v18 =	vadd.f32 $0.0e+00, v11;
	v12 =	vmul.f32 v10, v13;
	v11 =	vld [tilespmem:s26+$0x40];
	(xrf2) =	vadd.scan.msk.f32 $0xffff, v1  }
0x2ef: {  	v13 =	vld [tilespmem:s26+$0x70]  }
0x2f0: {  	v1 =	vadd.f32 $0.0e+00, v3;
	v3 =	vadd.f32 $0.0e+00, v12;
	v12 =	vld [tilespmem:s26+$0x60]  }
0x2f1: {  	v56 =	vld [tilespmem:s3+$0x4540]  }
0x2f2: {  	v28 =	vld [tilespmem:s3+$0x4500];
	v5 =	vmul.f32 v14, v5  }
0x2f3: {  	v29 =	vld [tilespmem:s3+$0x4510];
	v16 =	vmul.f32 v11, v16  }
0x2f4: {  	v5 =	vadd.f32 v5, v18;
	v18 =	vmul.f32 v13, v15;
	v15 =	vld [tilespmem:s26+$0x400]  }
0x2f5: {  	v2 =	vadd.f32 v16, v2;
	v16 =	vmul.f32 v12, v17;
	v17 =	vld [tilespmem:s26+$0x410]  }
0x2f6: {  	v3 =	vadd.f32 v18, v3;
	v18 =	vld [tilespmem:s26+$0x430]  }
0x2f7: {  	v1 =	vadd.f32 v16, v1;
	v16 =	vld [tilespmem:s26+$0x420]  }
0x2f8: {  	v57 =	vld [tilespmem:s3+$0x4550];
	v55, _, _ =	vpop (xrf2)  }
0x2f9: {  	v58 =	vld [tilespmem:s3+$0x4560];
	v28 =	vmul.f32 v15, v28;
	v55 =	vperm.xlane v55, v4  }
0x2fa: {  	s4 =	ssub.s32 s21, s31;
	v59 =	vld [tilespmem:s3+$0x4570];
	v29 =	vmul.f32 v17, v29  }
0x2fb: {  	s4 =	simm.s32 @!p3 $0x40;
	v2 =	vadd.f32 v28, v2;
	v31 =	vmul.f32 v18, v31;
	v28 =	vld [tilespmem:s26+$0x440];
	v55 =	vmul.f32 $1.442695020e+00, v55  }
0x2fc: {  	s17 =	sshll.u32 s4, $0xA;
	s20 =	sshll.u32 s4, $0x6;
	v30 =	vmul.f32 v16, v30;
	v5 =	vadd.f32 v29, v5;
	v29 =	vld [tilespmem:s26+$0x450]  }
0x2fd: {  	s0 =	sshra.s32 s17, $0x2;
	s1 =	sshra.s32 s20, $0x2;
	v3 =	vadd.f32 v31, v3;
	v31 =	vld [tilespmem:s26+$0x470];
	(erf) = vpow2.f32 v55  }
0x2fe: {  	s5 =	sor.u32 $0x10, s0;
	s2 =	sor.u32 $0x20, s0;
	s30 =	sor.u32 $0x30, s0;
	v1 =	vadd.f32 v30, v1;
	v30 =	vld [tilespmem:s26+$0x460]  }
0x2ff: {  	s29 =	sor.u32 $0x40, s0;
	s21 =	sor.u32 $0x70, s0;
	s3 =	rddreg [dreg:$0x13];
	[tilespmem:s6+$0x0] =	vst.add.f32.msk $0xffff, v50  }
0x300: {  	s28 =	sor.u32 $0x50, s0;
	[smem:$0x7EF] =	sst s21;
	[tilespmem:s3+$0x0] =	vst.add.f32.msk $0xffff, v49;
	s3 =	smov.u32 s5  }
0x301: {  	s14 =	sor.u32 $0x60, s0;
	s23 =	sor.u32 $0x80, s0;
	[dreg:$0x13] =	wrdreg s3  }
0x302: {  	s13 =	sor.u32 $0x90, s0;
	s17 =	sor.u32 $0xA0, s0;
	s3 =	rddreg [dreg:$0x11]  }
0x303: {  	s7 =	sor.u32 $0xB0, s0;
	s20 =	sor.u32 $0xC0, s0;
	[dreg:$0x1e] =	wrdreg s23;
	[tilespmem:s3+$0x0] =	vst.add.f32.msk $0xffff, v48  }
0x304: {  	s4 =	sor.u32 $0xF0, s0;
	s21 =	sor.u32 $0xD0, s0;
	v63 =	vmul.f32 v28, v56;
	v57 =	vmul.f32 v29, v57;
	s3 =	rddreg [dreg:$0x1b];
	[tilespmem:s16+$0x0] =	vst.add.f32.msk $0xffff, v47  }
0x305: {  	s23 =	sor.u32 $0xE0, s0;
	s6 =	smov.u32 s0;
	s0 =	ssub.s32 s10, s31;
	v60 =	vmul.f32 v31, v59;
	v58 =	vmul.f32 v30, v58;
	[tilespmem:s3+$0x0] =	vst.add.f32.msk $0xffff, v46  }
0x306: {  	s5 =	smov.u32 s2;
	s0 =	simm.s32 @!p2 $0x40;
	v2 =	vadd.f32 v63, v2;
	v5 =	vadd.f32 v57, v5;
	[tilespmem:s8+$0x0] =	vst.add.f32.msk $0xffff, v41;
	v61 =	vpop (erf)  }
0x307: {  	[dreg:$0x11] =	wrdreg s5;
	s5 =	sshll.u32 s0, $0xA;
	v3 =	vadd.f32 v60, v3;
	v1 =	vadd.f32 v58, v1;
	[tilespmem:s19+$0x0] =	vst.add.f32.msk $0xffff, v40;
	v62 =	vmul.f32 v61, v54  }
0x308: {  	s3 =	sshra.s32 s5, $0x2;
	v2 =	vadd.f32 v5, v2;
	[tilespmem:s22+$0x0] =	vst.add.f32.msk $0xffff, v27;
	v5 =	vmul.f32 v61, v53  }
0x309: {  	s10 =	sor.u32 $0x10, s3;
	v1 =	vadd.f32 v3, v1;
	v63 =	vmul.f32 v61, v52;
	[tilespmem:s3+$0x0] =	vst.add.f32.msk $0xffff, v62  }
0x30a: {  	v3 =	vmul.f32 v61, v51;
	[tilespmem:s10+$0x0] =	vst.add.f32.msk $0xffff, v5;
	s10 =	sor.u32 $0x20, s3  }
0x30b: {  	v1 =	vadd.f32 v1, v2;
	v5 =	vmul.f32 v61, v42;
	[tilespmem:s10+$0x0] =	vst.add.f32.msk $0xffff, v63;
	s10 =	sor.u32 $0x30, s3  }
0x30c: {  	v2 =	vmul.f32 v61, v43;
	[tilespmem:s10+$0x0] =	vst.add.f32.msk $0xffff, v3;
	s10 =	sor.u32 $0x40, s3  }
0x30d: {  	(xrf2) =	vadd.scan.msk.f32 $0xffff, v1;
	v3 =	vmul.f32 v61, v44;
	[tilespmem:s10+$0x0] =	vst.add.f32.msk $0xffff, v5;
	s10 =	sor.u32 $0x50, s3  }
0x30e: {  	[tilespmem:s10+$0x0] =	vst.add.f32.msk $0xffff, v2;
	s10 =	sor.u32 $0x60, s3;
	v2 =	vmul.f32 v61, v45  }
0x30f: {  	v1 =	vmul.f32 v61, v36;
	[tilespmem:s10+$0x0] =	vst.add.f32.msk $0xffff, v3;
	s10 =	sor.u32 $0x70, s3  }
0x310: {  	[tilespmem:s10+$0x0] =	vst.add.f32.msk $0xffff, v2;
	s10 =	sor.u32 $0x80, s3;
	v2 =	vmul.f32 v61, v37  }
0x311: {  	[tilespmem:s10+$0x0] =	vst.add.f32.msk $0xffff, v1;
	s10 =	sor.u32 $0x90, s3;
	v1 =	vmul.f32 v61, v38  }
0x312: {  	s9 =	sadd.s32 $0x2, s9;
	[tilespmem:s10+$0x0] =	vst.add.f32.msk $0xffff, v2;
	s10 =	sor.u32 $0xA0, s3  }
0x313: {  	s18 =	sadd.s32 $0x2, s18;
	p1 =	slt.u32 s9, $0x7E;
	s11 =	rddreg [dreg:$0x5];
	v2 =	vmul.f32 v61, v39;
	[tilespmem:s10+$0x0] =	vst.add.f32.msk $0xffff, v1;
	v1 =	vmul.f32 v61, v32  }
0x314: {  	s26 =	sld [smem:$0x7EE];
	s2 =	smov.u32 s29;
	[tilespmem:s12+$0x0] =	vst.add.f32.msk $0xffff, v25;
	s10 =	sor.u32 $0xB0, s3  }
0x315: {  	s29 =	rddreg [dreg:$0x17];
	s16 =	smov.u32 s30;
	[tilespmem:s10+$0x0] =	vst.add.f32.msk $0xffff, v2;
	s10 =	sor.u32 $0xC0, s3;
	v2 =	vmul.f32 v61, v33  }
.Ltmp7:
0x316: {  	s30 =	rddreg [dreg:$0x18];
	v3 =	vmul.f32 v61, v34;
	[tilespmem:s10+$0x0] =	vst.add.f32.msk $0xffff, v1;
	s10 =	sor.u32 $0xD0, s3;
	(pc) =	sbr.rel @p1 .LBB2_12-.Ltmp7, $4  }
0x317: {  	s0 =	sshll.u32 s0, $0x6;
	s5 =	sld [smem:$0x7EF];
	[tilespmem:s10+$0x0] =	vst.add.f32.msk $0xffff, v2;
	s10 =	sor.u32 $0xE0, s3;
	v2 =	vmul.f32 v61, v35;
	v1, _, _ =	vpop (xrf2)  }
0x318: {  	s8 =	smov.u32 s28;
	s28 =	rddreg [dreg:$0x7];
	s3 =	sor.u32 $0xF0, s3;
	[tilespmem:s10+$0x0] =	vst.add.f32.msk $0xffff, v3;
	v1 =	vperm.xlane v1, v4  }
0x319: {  	s0 =	sshra.s32 s0, $0x2;
	s19 =	smov.u32 s14;
	s10 =	rddreg [dreg:$0x1e];
	[tilespmem:s3+$0x0] =	vst.add.f32.msk $0xffff, v2  }
0x31a: {  	s14 =	rddreg [dreg:$0x6];
	s22 =	smov.u32 s5;
	s12 =	smov.u32 s10;
	[tilespmem:s0+$0x8100] =	vst.add.f32.msk $0xffff, v61;
	v27 =	vmul.f32 $1.442695020e+00, v1  }
0x31b: {  	[tilespmem:s29+$0x0] =	vst.add.f32.msk $0xffff, v21  }
0x31c: {  	(erf) = vpow2.f32 v27;
	[tilespmem:s30+$0x0] =	vst.add.f32.msk $0xffff, v26  }
0x31d: {  	s0 =	rddreg [dreg:$0x8]  }
0x31e: {  	[tilespmem:s0+$0x0] =	vst.add.f32.msk $0xffff, v23  }
0x31f: {  	s0 =	rddreg [dreg:$0x9]  }
0x320: {  	[tilespmem:s0+$0x0] =	vst.add.f32.msk $0xffff, v24  }
0x321: {  	s0 =	rddreg [dreg:$0xb]  }
0x322: {  	[tilespmem:s0+$0x0] =	vst.add.f32.msk $0xffff, v20  }
0x323: {  	s0 =	rddreg [dreg:$0xc]  }
0x324: {  	[tilespmem:s0+$0x0] =	vst.add.f32.msk $0xffff, v22  }
0x325: {  	v1 =	vpop (erf);
	s0 =	rddreg [dreg:$0xf]  }
0x326: {  	[tilespmem:s0+$0x0] =	vst.add.f32.msk $0xffff, v19;
	v2 =	vmul.f32 v1, v7  }
0x327: {  	[tilespmem:s26+$0x8100] =	vst.add.f32.msk $0xffff, v6  }
0x328: {  	v3 =	vmul.f32 v1, v8;
	[tilespmem:s6+$0x0] =	vst.add.f32.msk $0xffff, v2  }
0x329: {  	s0 =	rddreg [dreg:$0x13]  }
0x32a: {  	v5 =	vmul.f32 v1, v9;
	[tilespmem:s0+$0x0] =	vst.add.f32.msk $0xffff, v3  }
0x32b: {  	v2 =	vmul.f32 v1, v10;
	s0 =	rddreg [dreg:$0x11]  }
0x32c: {  	v3 =	vmul.f32 v1, v11;
	[tilespmem:s0+$0x0] =	vst.add.f32.msk $0xffff, v5  }
0x32d: {  	v5 =	vmul.f32 v1, v14;
	[tilespmem:s16+$0x0] =	vst.add.f32.msk $0xffff, v2  }
0x32e: {  	v2 =	vmul.f32 v1, v12;
	[tilespmem:s2+$0x0] =	vst.add.f32.msk $0xffff, v3  }
0x32f: {  	v3 =	vmul.f32 v1, v13;
	[tilespmem:s8+$0x0] =	vst.add.f32.msk $0xffff, v5  }
0x330: {  	v5 =	vmul.f32 v1, v15;
	[tilespmem:s19+$0x0] =	vst.add.f32.msk $0xffff, v2  }
0x331: {  	v2 =	vmul.f32 v1, v17;
	[tilespmem:s22+$0x0] =	vst.add.f32.msk $0xffff, v3  }
0x332: {  	v3 =	vmul.f32 v1, v16;
	[tilespmem:s12+$0x0] =	vst.add.f32.msk $0xffff, v5  }
0x333: {  	v5 =	vmul.f32 v1, v18;
	[tilespmem:s13+$0x0] =	vst.add.f32.msk $0xffff, v2  }
0x334: {  	v2 =	vmul.f32 v1, v28;
	[tilespmem:s17+$0x0] =	vst.add.f32.msk $0xffff, v3  }
0x335: {  	v3 =	vmul.f32 v1, v29;
	[tilespmem:s7+$0x0] =	vst.add.f32.msk $0xffff, v5  }
0x336: {  	v5 =	vmul.f32 v1, v30;
	[tilespmem:s20+$0x0] =	vst.add.f32.msk $0xffff, v2  }
0x337: {  	v2 =	vmul.f32 v1, v31;
	[tilespmem:s21+$0x0] =	vst.add.f32.msk $0xffff, v3  }
0x338: {  	[tilespmem:s23+$0x0] =	vst.add.f32.msk $0xffff, v5  }
0x339: {  	[tilespmem:s4+$0x0] =	vst.add.f32.msk $0xffff, v2  }
0x33a: {  	[tilespmem:s1+$0x8100] =	vst.add.f32.msk $0xffff, v1  }
0x33b: {  	s6 =	sld [smem:$0x7F3]  }
0x33c: {  	s26 =	sld [smem:$0x7F1]  }
0x33d: {  	s2 =	sld [smem:$0x7F2]  }
0x33e: {  	s3 =	sld [smem:$0x7F0]  }
.LBB2_14:
.Ltmp8:
0x33f: {  	(pc) =	sbr.rel @p0 .LBB2_20-.Ltmp8, $1  }
0x340: {  	_ =	sdelay $0x3  }
0x341: {  	s1 =	sld [smem:$0x7F5];
	_ =	sdelay $0x1  }
0x342: {  	s0 =	sadd.s32 $0x2, s3  }
0x343: {  	p0 =	sge.s32 s0, s1  }
.Ltmp9:
0x344: {  	_ = 	snop;
	(pc) =	sbr.rel @p0 .LBB2_17-.Ltmp9, $2  }
0x345: {  	_ =	sdelay $0x2  }
0x346: {  	[smem:$0x7ED] =	sst s15  }
0x347: {  	s0 =	sshll.u32 s0, $0x7  }
0x348: {  	s0 =	sadd.s32 s6, s0  }
0x349: {  	s1 =	rddreg [dreg:$0x1];
	s2 =	simm.s32 $0x0;
	s0 =	sshrl.u32 s0, $0x3  }
0x34a: {  	s3 =	simm.s32 $0x8580;
	s6 =	simm.s32 $0x4;
	s1 =	sadd.s32 s1, s0  }
0x34b: {  	[tilespmem:s3], [sflag:$0x4] =	stream.linear.gather [hbm4b:s1+s2], $0x80, $0x38;
	[tilespmem:$0x18A80] =	vst v63  }
0x34c: {  	_ =	swait.ge [sflag:s6], $0x80  }
0x34d: {  	s7 =	sld [smem:$0x7F9];
	_ =	sdelay $0x1  }
0x34e: {  	[sflag:s6] =	ssyncset.done $0x0  }
0x34f: {  	s8 =	simm.s32 $0x8780;
	[sflag:s6] =	ssyncadd.s32 $0xFFFFFF80;
	s0 =	sadd.s32 s7, s0  }
0x350: {  	[tilespmem:s8], [sflag:$0x4] =	stream.linear.gather [hbm4b:s0+s2], $0x80, $0x38;
	[tilespmem:$0x18A80] =	vst v63  }
0x351: {  	_ =	swait.ge [sflag:s6], $0x80  }
0x352: {  	[sflag:s6] =	ssyncset.done $0x0  }
0x353: {  	[sflag:s6] =	ssyncadd.s32 $0xFFFFFF80  }
0x354: {  	v1 =	vld [tilespmem:$0x8780];
	_ =	sdelay $0x2  }
0x355: {  	v3 =	vld [tilespmem:$0x1FFC0]  }
0x356: {  	v5 =	vld [tilespmem:$0x1FFD0]  }
0x357: {  	v6 =	vld [tilespmem:$0x1FFE0];
	v2 =	vshll.u32 v1, $0x1  }
0x358: {  	v1 =	vand.u32 $0x7, v1;
	v2 =	vand.u32 $0xFFFFFFF0, v2  }
0x359: {  	v1 =	vor.u32 v1, v2  }
0x35a: {  	v2 =	vperm.xlane v1, v3;
	_ =	sdelay $0x1  }
0x35b: {  	v1 =	vperm.xlane v1, v6;
	v2 =	vadd.s32 v5, v2;
	_ =	sdelay $0x1  }
0x35c: {  	v1 =	vadd.s32 v5, v1;
	_ =	sdelay $0x1  }
0x35d: {  	s10 =	simm.s32 $0x8880;
	s9 =	rddreg [dreg:$0x0]  }
0x35e: {  	[tilespmem:s10], [sflag:$0x1] =	stream.indirect_vreg.gather [hbm4b:s9+s2], $0x80, v2, vm0, $0xb8;
	[tilespmem:$0x18A80] =	vst v63  }
0x35f: {  	s12 =	simm.s32 $0x9080  }
0x360: {  	[tilespmem:s12], [sflag:$0x1] =	stream.indirect_vreg.gather [hbm4b:s9+s2], $0x80, v1, vm0, $0xb8;
	[tilespmem:$0x18A80] =	vst v63  }
0x361: {  	v1 =	vld [tilespmem:$0x8790];
	_ =	sdelay $0x4  }
0x362: {  	v2 =	vshll.u32 v1, $0x1  }
0x363: {  	v1 =	vand.u32 $0x7, v1;
	v2 =	vand.u32 $0xFFFFFFF0, v2  }
0x364: {  	v1 =	vor.u32 v1, v2  }
0x365: {  	v2 =	vperm.xlane v1, v3;
	_ =	sdelay $0x1  }
0x366: {  	v1 =	vperm.xlane v1, v6;
	v2 =	vadd.s32 v5, v2;
	_ =	sdelay $0x1  }
0x367: {  	v1 =	vadd.s32 v5, v1;
	_ =	sdelay $0x1  }
0x368: {  	s13 =	simm.s32 $0x9880  }
0x369: {  	[tilespmem:s13], [sflag:$0x1] =	stream.indirect_vreg.gather [hbm4b:s9+s2], $0x80, v2, vm0, $0xb8;
	[tilespmem:$0x18A80] =	vst v63  }
0x36a: {  	s15 =	simm.s32 $0xA080  }
0x36b: {  	[tilespmem:s15], [sflag:$0x1] =	stream.indirect_vreg.gather [hbm4b:s9+s2], $0x80, v1, vm0, $0xb8;
	[tilespmem:$0x18A80] =	vst v63  }
0x36c: {  	v1 =	vld [tilespmem:$0x87A0];
	_ =	sdelay $0x4  }
0x36d: {  	v2 =	vshll.u32 v1, $0x1  }
0x36e: {  	v1 =	vand.u32 $0x7, v1;
	v2 =	vand.u32 $0xFFFFFFF0, v2  }
0x36f: {  	v1 =	vor.u32 v1, v2  }
0x370: {  	v2 =	vperm.xlane v1, v3;
	_ =	sdelay $0x1  }
0x371: {  	v1 =	vperm.xlane v1, v6;
	v2 =	vadd.s32 v5, v2;
	_ =	sdelay $0x1  }
0x372: {  	v1 =	vadd.s32 v5, v1;
	_ =	sdelay $0x1  }
0x373: {  	s16 =	simm.s32 $0xA880  }
0x374: {  	[tilespmem:s16], [sflag:$0x1] =	stream.indirect_vreg.gather [hbm4b:s9+s2], $0x80, v2, vm0, $0xb8;
	[tilespmem:$0x18A80] =	vst v63  }
0x375: {  	s17 =	simm.s32 $0xB080  }
0x376: {  	[tilespmem:s17], [sflag:$0x1] =	stream.indirect_vreg.gather [hbm4b:s9+s2], $0x80, v1, vm0, $0xb8;
	[tilespmem:$0x18A80] =	vst v63  }
0x377: {  	v1 =	vld [tilespmem:$0x87B0];
	_ =	sdelay $0x4  }
0x378: {  	v2 =	vshll.u32 v1, $0x1  }
0x379: {  	v1 =	vand.u32 $0x7, v1;
	v2 =	vand.u32 $0xFFFFFFF0, v2  }
0x37a: {  	v1 =	vor.u32 v1, v2  }
0x37b: {  	v2 =	vperm.xlane v1, v3;
	_ =	sdelay $0x1  }
0x37c: {  	v1 =	vperm.xlane v1, v6;
	v2 =	vadd.s32 v5, v2;
	_ =	sdelay $0x1  }
0x37d: {  	v1 =	vadd.s32 v5, v1;
	_ =	sdelay $0x1  }
0x37e: {  	s18 =	simm.s32 $0xB880  }
0x37f: {  	[tilespmem:s18], [sflag:$0x1] =	stream.indirect_vreg.gather [hbm4b:s9+s2], $0x80, v2, vm0, $0xb8;
	[tilespmem:$0x18A80] =	vst v63  }
0x380: {  	s19 =	simm.s32 $0xC080  }
0x381: {  	[tilespmem:s19], [sflag:$0x1] =	stream.indirect_vreg.gather [hbm4b:s9+s2], $0x80, v1, vm0, $0xb8;
	[tilespmem:$0x18A80] =	vst v63  }
0x382: {  	v1 =	vld [tilespmem:$0x87C0];
	_ =	sdelay $0x4  }
0x383: {  	v2 =	vshll.u32 v1, $0x1  }
0x384: {  	v1 =	vand.u32 $0x7, v1;
	v2 =	vand.u32 $0xFFFFFFF0, v2  }
0x385: {  	v1 =	vor.u32 v1, v2  }
0x386: {  	v2 =	vperm.xlane v1, v3;
	_ =	sdelay $0x1  }
0x387: {  	v1 =	vperm.xlane v1, v6;
	v2 =	vadd.s32 v5, v2;
	_ =	sdelay $0x1  }
0x388: {  	v1 =	vadd.s32 v5, v1;
	_ =	sdelay $0x1  }
0x389: {  	s20 =	simm.s32 $0xC880  }
0x38a: {  	[tilespmem:s20], [sflag:$0x1] =	stream.indirect_vreg.gather [hbm4b:s9+s2], $0x80, v2, vm0, $0xb8;
	[tilespmem:$0x18A80] =	vst v63  }
0x38b: {  	s21 =	simm.s32 $0xD080  }
0x38c: {  	[tilespmem:s21], [sflag:$0x1] =	stream.indirect_vreg.gather [hbm4b:s9+s2], $0x80, v1, vm0, $0xb8;
	[tilespmem:$0x18A80] =	vst v63  }
0x38d: {  	v1 =	vld [tilespmem:$0x87D0];
	_ =	sdelay $0x4  }
0x38e: {  	v2 =	vshll.u32 v1, $0x1  }
0x38f: {  	v1 =	vand.u32 $0x7, v1;
	v2 =	vand.u32 $0xFFFFFFF0, v2  }
0x390: {  	v1 =	vor.u32 v1, v2  }
0x391: {  	v2 =	vperm.xlane v1, v3;
	_ =	sdelay $0x1  }
0x392: {  	v1 =	vperm.xlane v1, v6;
	v2 =	vadd.s32 v5, v2;
	_ =	sdelay $0x1  }
0x393: {  	v1 =	vadd.s32 v5, v1;
	_ =	sdelay $0x1  }
0x394: {  	s22 =	simm.s32 $0xD880  }
0x395: {  	[tilespmem:s22], [sflag:$0x1] =	stream.indirect_vreg.gather [hbm4b:s9+s2], $0x80, v2, vm0, $0xb8;
	[tilespmem:$0x18A80] =	vst v63  }
0x396: {  	s23 =	simm.s32 $0xE080  }
0x397: {  	[tilespmem:s23], [sflag:$0x1] =	stream.indirect_vreg.gather [hbm4b:s9+s2], $0x80, v1, vm0, $0xb8;
	[tilespmem:$0x18A80] =	vst v63  }
0x398: {  	v1 =	vld [tilespmem:$0x87E0];
	_ =	sdelay $0x4  }
0x399: {  	v2 =	vshll.u32 v1, $0x1  }
0x39a: {  	v1 =	vand.u32 $0x7, v1;
	v2 =	vand.u32 $0xFFFFFFF0, v2  }
0x39b: {  	v1 =	vor.u32 v1, v2  }
0x39c: {  	v2 =	vperm.xlane v1, v3;
	_ =	sdelay $0x1  }
0x39d: {  	v1 =	vperm.xlane v1, v6;
	v2 =	vadd.s32 v5, v2;
	_ =	sdelay $0x1  }
0x39e: {  	v1 =	vadd.s32 v5, v1;
	_ =	sdelay $0x1  }
0x39f: {  	s24 =	simm.s32 $0xE880  }
0x3a0: {  	[tilespmem:s24], [sflag:$0x1] =	stream.indirect_vreg.gather [hbm4b:s9+s2], $0x80, v2, vm0, $0xb8;
	[tilespmem:$0x18A80] =	vst v63  }
0x3a1: {  	s25 =	simm.s32 $0xF080  }
0x3a2: {  	[tilespmem:s25], [sflag:$0x1] =	stream.indirect_vreg.gather [hbm4b:s9+s2], $0x80, v1, vm0, $0xb8;
	[tilespmem:$0x18A80] =	vst v63  }
0x3a3: {  	v1 =	vld [tilespmem:$0x87F0];
	_ =	sdelay $0x4  }
0x3a4: {  	v2 =	vshll.u32 v1, $0x1  }
0x3a5: {  	v1 =	vand.u32 $0x7, v1;
	v2 =	vand.u32 $0xFFFFFFF0, v2  }
0x3a6: {  	v1 =	vor.u32 v1, v2  }
0x3a7: {  	v2 =	vperm.xlane v1, v3;
	_ =	sdelay $0x1  }
0x3a8: {  	v1 =	vperm.xlane v1, v6;
	v2 =	vadd.s32 v5, v2;
	_ =	sdelay $0x1  }
0x3a9: {  	v1 =	vadd.s32 v5, v1;
	_ =	sdelay $0x1  }
0x3aa: {  	s29 =	simm.s32 $0xF880  }
0x3ab: {  	[tilespmem:s29], [sflag:$0x1] =	stream.indirect_vreg.gather [hbm4b:s9+s2], $0x80, v2, vm0, $0xb8;
	[tilespmem:$0x18A80] =	vst v63  }
0x3ac: {  	s30 =	simm.s32 $0x10080  }
0x3ad: {  	[tilespmem:s30], [sflag:$0x1] =	stream.indirect_vreg.gather [hbm4b:s9+s2], $0x80, v1, vm0, $0xb8;
	[tilespmem:$0x18A80] =	vst v63  }
.LBB2_17:
0x3ae: {  	s0 =	simm.s32 $0x2  }
0x3af: {  	_ =	swait.ge [sflag:s0], $0x8000  }
0x3b0: {  	[sflag:s0] =	ssyncset.done $0x0  }
0x3b1: {  	s22 =	simm.s32 $0x8681;
	[sflag:s0] =	ssyncadd.s32 $0xFFFF8000  }
0x3b2: {  	v1 =	vld [tilespmem:s22+$0x0];
	_ =	sdelay $0x4  }
0x3b3: {  	s1 =	simm.s32 $0x0;
	(v2sf) =	vpush v1, $0x0  }
0x3b4: {  	s3 =	simm.s32 $0x80;
	s1 =	sand.u32 $0x7800, s1  }
0x3b5: {  	s23 =	sand.u32 $0x380, s3;
	s2 =	sadd.s32 $0x10880, s1  }
0x3b6: {  	s24 =	sadd.s32 s23, s2  }
0x3b7: {  	v9 =	vld [tilespmem:s24+$0x440]  }
0x3b8: {  	v8 =	vld [tilespmem:s24+$0x450]  }
0x3b9: {  	v7 =	vld [tilespmem:s24+$0x460]  }
0x3ba: {  	v6 =	vld [tilespmem:s24+$0x470]  }
0x3bb: {  	v13 =	vld [tilespmem:s24+$0x400]  }
0x3bc: {  	v12 =	vld [tilespmem:s24+$0x410]  }
0x3bd: {  	v11 =	vld [tilespmem:s24+$0x420]  }
0x3be: {  	v10 =	vld [tilespmem:s24+$0x430]  }
0x3bf: {  	s25 =	sadd.s32 $0xFFFFFFFE, s26;
	v15 =	vld [tilespmem:s24+$0x40]  }
0x3c0: {  	s5 =	sadd.s32 $0x83, s25;
	v16 =	vld [tilespmem:s24+$0x50]  }
0x3c1: {  	p0 =	sge.s32 s5, s14;
	p1 =	slt.s32 s5, s28;
	v14 =	vld [tilespmem:s24+$0x60]  }
0x3c2: {  	p0 =	por !p0, !p1;
	v17 =	vld [tilespmem:s24+$0x70];
	s6 =	spop (v2sf)  }
0x3c3: {  	p1 =	por !p0, !p0;
	v2 =	vld [tilespmem:s24+$0x0];
	s4 =	ssub.s32 s6, s11  }
0x3c4: {  	v3 =	vld [tilespmem:s24+$0x10];
	s4 =	simm.s32 @!p1 $0x0  }
0x3c5: {  	v1 =	vld [tilespmem:s22+$0xFFFFFFFF];
	s5 =	sshll.u32 s4, $0x8;
	s4 =	sshll.u32 s4, $0x7  }
0x3c6: {  	v5 =	vld [tilespmem:s24+$0x20];
	s5 =	sand.u32 $0xFFFFF800, s5;
	s4 =	sand.u32 $0x380, s4  }
0x3c7: {  	v32 =	vld [tilespmem:s24+$0x30];
	s4 =	sor.u32 s4, s5  }
0x3c8: {  	v18 =	vld [tilespmem:s4+$0x4540]  }
0x3c9: {  	v19 =	vld [tilespmem:s4+$0x4550]  }
0x3ca: {  	(v2sf) =	vpush v1, $0x0;
	v1 =	vld [tilespmem:s4+$0x4500]  }
0x3cb: {  	v20 =	vld [tilespmem:s4+$0x4510]  }
0x3cc: {  	v21 =	vld [tilespmem:s4+$0x4140]  }
0x3cd: {  	v22 =	vld [tilespmem:s4+$0x4150]  }
0x3ce: {  	v23 =	vld [tilespmem:s4+$0x4100]  }
0x3cf: {  	v24 =	vld [tilespmem:s4+$0x4110]  }
0x3d0: {  	v25 =	vld [tilespmem:s4+$0x4120]  }
0x3d1: {  	v26 =	vld [tilespmem:s4+$0x4130]  }
0x3d2: {  	v27 =	vld [tilespmem:s4+$0x4160];
	v18 =	vmul.f32 v9, v18;
	v19 =	vmul.f32 v8, v19  }
0x3d3: {  	v28 =	vld [tilespmem:s4+$0x4170];
	v1 =	vmul.f32 v13, v1;
	v20 =	vmul.f32 v12, v20  }
0x3d4: {  	v29 =	vld [tilespmem:s4+$0x4520];
	v21 =	vmul.f32 v15, v21;
	v22 =	vmul.f32 v16, v22  }
0x3d5: {  	v30 =	vld [tilespmem:s4+$0x4530];
	v23 =	vmul.f32 v2, v23;
	v24 =	vmul.f32 v3, v24  }
0x3d6: {  	v31 =	vld [tilespmem:s4+$0x4560];
	v25 =	vmul.f32 v5, v25;
	v26 =	vmul.f32 v32, v26  }
0x3d7: {  	s7 =	sadd.s32 $0x82, s25;
	v33 =	vld [tilespmem:s4+$0x4570];
	v27 =	vmul.f32 v14, v27;
	v23 =	vadd.f32 $0.0e+00, v23;
	v24 =	vadd.f32 $0.0e+00, v24  }
0x3d8: {  	p3 =	sge.s32 s7, s14;
	p2 =	slt.s32 s7, s28;
	v28 =	vmul.f32 v17, v28;
	v25 =	vadd.f32 $0.0e+00, v25;
	v26 =	vadd.f32 $0.0e+00, v26  }
0x3d9: {  	p0 =	por !p3, !p2;
	s0 =	spop (v2sf);
	v21 =	vadd.f32 v21, v23;
	v22 =	vadd.f32 v22, v24;
	v23 =	vmul.f32 v11, v29  }
0x3da: {  	p0 =	por !p0, !p0;
	v24 =	vadd.f32 v27, v25;
	v25 =	vadd.f32 v28, v26;
	v26 =	vmul.f32 v10, v30;
	s3 =	ssub.s32 s0, s11  }
0x3db: {  	s3 =	simm.s32 @!p0 $0x0;
	v1 =	vadd.f32 v1, v21;
	v20 =	vadd.f32 v20, v22;
	v21 =	vmul.f32 v7, v31  }
0x3dc: {  	v22 =	vadd.f32 v23, v24;
	v23 =	vadd.f32 v26, v25;
	v24 =	vmul.f32 v6, v33;
	s8 =	sshll.u32 s3, $0x8;
	s3 =	sshll.u32 s3, $0x7  }
0x3dd: {  	s4 =	sand.u32 $0xFFFFF800, s8;
	s3 =	sand.u32 $0x380, s3;
	v1 =	vadd.f32 v18, v1;
	v18 =	vadd.f32 v19, v20  }
0x3de: {  	v19 =	vadd.f32 v21, v22;
	v20 =	vadd.f32 v24, v23;
	s3 =	sor.u32 s3, s4  }
0x3df: {  	v47 =	vld [tilespmem:s3+$0x4100]  }
0x3e0: {  	v48 =	vld [tilespmem:s3+$0x4110];
	v1 =	vadd.f32 v18, v1;
	v18 =	vadd.f32 v20, v19  }
0x3e1: {  	v49 =	vld [tilespmem:s3+$0x4120]  }
0x3e2: {  	v60 =	vld [tilespmem:s3+$0x4130];
	v1 =	vadd.f32 v18, v1  }
0x3e3: {  	v50 =	vld [tilespmem:s3+$0x4150]  }
0x3e4: {  	v51 =	vld [tilespmem:s3+$0x4160];
	(xrf2) =	vadd.scan.msk.f32 $0xffff, v1  }
0x3e5: {  	v52 =	vld [tilespmem:s3+$0x4170]  }
0x3e6: {  	v58 =	vld [tilespmem:s3+$0x4500]  }
0x3e7: {  	v59 =	vld [tilespmem:s3+$0x4510]  }
0x3e8: {  	v55 =	vld [tilespmem:s3+$0x4520]  }
0x3e9: {  	v30 =	vld [tilespmem:s3+$0x4530]  }
0x3ea: {  	v56 =	vld [tilespmem:s3+$0x4540]  }
0x3eb: {  	s9 =	simm.s32 $0x0;
	v57 =	vld [tilespmem:s3+$0x4550]  }
0x3ec: {  	s4 =	sand.u32 $0x300, s9;
	v53 =	vld [tilespmem:s3+$0x4560]  }
0x3ed: {  	s2 =	sor.u32 s4, s2;
	v54 =	vld [tilespmem:s3+$0x4570]  }
0x3ee: {  	v28 =	vld [tilespmem:s2+$0x10];
	v19, _, _ =	vpop (xrf2)  }
0x3ef: {  	v29 =	vld [tilespmem:s2+$0x20];
	v19 =	vperm.xlane v19, v4  }
0x3f0: {  	v31 =	vld [tilespmem:s2+$0x30]  }
0x3f1: {  	v37 =	vld [tilespmem:s2+$0x40];
	v19 =	vmul.f32 $1.442695020e+00, v19  }
0x3f2: {  	v35 =	vld [tilespmem:s2+$0x50]  }
0x3f3: {  	v33 =	vld [tilespmem:s2+$0x60];
	(erf) = vpow2.f32 v19  }
0x3f4: {  	v21 =	vld [tilespmem:s2+$0x70]  }
0x3f5: {  	v26 =	vld [tilespmem:s2+$0x400]  }
0x3f6: {  	v27 =	vld [tilespmem:s2+$0x410]  }
0x3f7: {  	v23 =	vld [tilespmem:s2+$0x420]  }
0x3f8: {  	v25 =	vld [tilespmem:s2+$0x430]  }
0x3f9: {  	v19 =	vld [tilespmem:s2+$0x470]  }
0x3fa: {  	v24 =	vld [tilespmem:s2+$0x440]  }
0x3fb: {  	s1 =	ssub.s32 s6, s31;
	v20 =	vld [tilespmem:s2+$0x450]  }
0x3fc: {  	s1 =	simm.s32 @!p1 $0x40;
	v22 =	vld [tilespmem:s2+$0x460];
	v34 =	vpop (erf)  }
0x3fd: {  	s10 =	sshll.u32 s1, $0xA;
	v18 =	vld [tilespmem:s2+$0x0];
	v2 =	vmul.f32 v34, v2  }
0x3fe: {  	s12 =	sshra.s32 s10, $0x2;
	v1 =	vld [tilespmem:s3+$0x4140];
	[tilespmem:$0x1FF90] =	vst v19  }
0x3ff: {  	s21 =	simm.s32 $0x8683;
	v3 =	vmul.f32 v34, v3;
	[tilespmem:s12+$0x0] =	vst.add.f32.msk $0xffff, v2  }
0x400: {  	s3 =	sor.u32 $0x10, s12;
	v2 =	vmul.f32 v34, v5;
	v5 =	vld [tilespmem:s21+$0x0]  }
0x401: {  	s13 =	sor.u32 $0x20, s12;
	[tilespmem:s3+$0x0] =	vst.add.f32.msk $0xffff, v3;
	v3 =	vmul.f32 v34, v32  }
0x402: {  	s15 =	sor.u32 $0x30, s12;
	[tilespmem:s13+$0x0] =	vst.add.f32.msk $0xffff, v2;
	v2 =	vmul.f32 v34, v15  }
0x403: {  	s16 =	sor.u32 $0x40, s12;
	[tilespmem:s15+$0x0] =	vst.add.f32.msk $0xffff, v3;
	v3 =	vmul.f32 v34, v16  }
0x404: {  	s17 =	sor.u32 $0x50, s12;
	[tilespmem:s16+$0x0] =	vst.add.f32.msk $0xffff, v2;
	v2 =	vmul.f32 v34, v14  }
0x405: {  	s18 =	sor.u32 $0x60, s12;
	[tilespmem:s17+$0x0] =	vst.add.f32.msk $0xffff, v3;
	v3 =	vmul.f32 v34, v17  }
0x406: {  	s19 =	sor.u32 $0x70, s12;
	[tilespmem:s18+$0x0] =	vst.add.f32.msk $0xffff, v2;
	v2 =	vmul.f32 v34, v13  }
0x407: {  	s20 =	sor.u32 $0x80, s12;
	[tilespmem:s19+$0x0] =	vst.add.f32.msk $0xffff, v3;
	v3 =	vmul.f32 v34, v12  }
0x408: {  	s22 =	sor.u32 $0x90, s12;
	[tilespmem:s20+$0x0] =	vst.add.f32.msk $0xffff, v2;
	v2 =	vmul.f32 v34, v11  }
0x409: {  	s23 =	sor.u32 $0xA0, s12;
	[tilespmem:s22+$0x0] =	vst.add.f32.msk $0xffff, v3;
	v3 =	vmul.f32 v34, v10  }
0x40a: {  	s24 =	sor.u32 $0xB0, s12;
	[tilespmem:s23+$0x0] =	vst.add.f32.msk $0xffff, v2;
	v2 =	vmul.f32 v34, v9  }
0x40b: {  	s25 =	sor.u32 $0xC0, s12;
	[tilespmem:s24+$0x0] =	vst.add.f32.msk $0xffff, v3;
	v3 =	vmul.f32 v34, v8  }
0x40c: {  	s5 =	sor.u32 $0xD0, s12;
	(v2sf) =	vpush v5, $0x0;
	s23 =	simm.s32 $0x200;
	[tilespmem:s25+$0x0] =	vst.add.f32.msk $0xffff, v2;
	v2 =	vmul.f32 v34, v7  }
0x40d: {  	s6 =	sor.u32 $0xE0, s12;
	s7 =	sand.u32 $0x7800, s23;
	s24 =	simm.s32 $0x180;
	[tilespmem:s5+$0x0] =	vst.add.f32.msk $0xffff, v3  }
0x40e: {  	s8 =	sadd.s32 $0x10880, s7;
	s9 =	sand.u32 $0x380, s24;
	[tilespmem:s6+$0x0] =	vst.add.f32.msk $0xffff, v2  }
0x40f: {  	s10 =	sadd.s32 s9, s8;
	v2 =	vld [tilespmem:s21+$0xFFFFFFFF]  }
0x410: {  	v38 =	vld [tilespmem:s10+$0x440]  }
0x411: {  	v36 =	vld [tilespmem:s10+$0x450]  }
0x412: {  	v42 =	vld [tilespmem:s10+$0x400]  }
0x413: {  	v41 =	vld [tilespmem:s10+$0x410]  }
0x414: {  	v40 =	vld [tilespmem:s10+$0x420]  }
0x415: {  	v39 =	vld [tilespmem:s10+$0x430]  }
0x416: {  	v46 =	vld [tilespmem:s10+$0x40]  }
0x417: {  	v45 =	vld [tilespmem:s10+$0x50]  }
0x418: {  	s2 =	sor.u32 $0xF0, s12;
	s12 =	sadd.s32 $0x0, s26;
	v43 =	vld [tilespmem:s10+$0x60]  }
0x419: {  	s13 =	sadd.s32 $0x83, s12;
	v44 =	vld [tilespmem:s10+$0x70]  }
0x41a: {  	p4 =	sge.s32 s13, s14;
	p5 =	slt.s32 s13, s28;
	v5 =	vmul.f32 v29, v49;
	v3 =	vmul.f32 v34, v6;
	v49 =	vld [tilespmem:s10+$0x20]  }
0x41b: {  	p1 =	por !p4, !p5;
	v7 =	vmul.f32 v35, v50;
	v50 =	vld [tilespmem:s10+$0x30];
	s15 =	spop (v2sf)  }
0x41c: {  	s1 =	sshll.u32 s1, $0x6;
	p1 =	por !p1, !p1;
	[tilespmem:s2+$0x0] =	vst.add.f32.msk $0xffff, v3;
	s4 =	ssub.s32 s15, s11  }
0x41d: {  	s1 =	sshra.s32 s1, $0x2;
	v3 =	vmul.f32 v28, v48;
	v48 =	vld [tilespmem:s10+$0x0];
	(v2sf) =	vpush v2, $0x0;
	v2 =	vmul.f32 v18, v47;
	s4 =	simm.s32 @!p1 $0x0  }
0x41e: {  	[tilespmem:s1+$0x8100] =	vst.add.f32.msk $0xffff, v34;
	s6 =	sshll.u32 s4, $0x8;
	s4 =	sshll.u32 s4, $0x7  }
0x41f: {  	v1 =	vmul.f32 v37, v1;
	v6 =	vmul.f32 v31, v60;
	v34 =	vld [tilespmem:s10+$0x460];
	v2 =	vadd.f32 $0.0e+00, v2;
	s6 =	sand.u32 $0xFFFFF800, s6;
	s4 =	sand.u32 $0x380, s4  }
0x420: {  	v5 =	vadd.f32 $0.0e+00, v5;
	v8 =	vmul.f32 v21, v52;
	v3 =	vadd.f32 $0.0e+00, v3;
	v47 =	vld [tilespmem:s10+$0x10];
	s4 =	sor.u32 s4, s6  }
0x421: {  	v6 =	vadd.f32 $0.0e+00, v6;
	v1 =	vadd.f32 v1, v2;
	v2 =	vmul.f32 v33, v51;
	v9 =	vld [tilespmem:s4+$0x4540]  }
0x422: {  	v10 =	vmul.f32 v27, v59;
	v3 =	vadd.f32 v7, v3;
	v11 =	vld [tilespmem:s4+$0x4550]  }
0x423: {  	v7 =	vmul.f32 v26, v58;
	v2 =	vadd.f32 v2, v5;
	v5 =	vadd.f32 v8, v6;
	v8 =	vld [tilespmem:s4+$0x4500]  }
0x424: {  	v3 =	vadd.f32 v10, v3;
	v6 =	vmul.f32 v23, v55;
	v10 =	vld [tilespmem:s4+$0x4510]  }
0x425: {  	v12 =	vmul.f32 v20, v57;
	v1 =	vadd.f32 v7, v1;
	v7 =	vmul.f32 v25, v30;
	v13 =	vld [tilespmem:s4+$0x4140]  }
0x426: {  	v14 =	vmul.f32 v19, v54;
	v15 =	vld [tilespmem:s4+$0x4150];
	v2 =	vadd.f32 v6, v2;
	v6 =	vmul.f32 v24, v56  }
0x427: {  	v3 =	vadd.f32 v12, v3;
	v12 =	vld [tilespmem:s4+$0x4120];
	v5 =	vadd.f32 v7, v5;
	v7 =	vmul.f32 v22, v53  }
0x428: {  	v1 =	vadd.f32 v6, v1;
	v6 =	vld [tilespmem:s4+$0x4100]  }
0x429: {  	v2 =	vadd.f32 v7, v2;
	v5 =	vadd.f32 v14, v5;
	v7 =	vld [tilespmem:s4+$0x4110]  }
0x42a: {  	v1 =	vadd.f32 v3, v1;
	v3 =	vld [tilespmem:s4+$0x4130]  }
0x42b: {  	v2 =	vadd.f32 v5, v2;
	v5 =	vld [tilespmem:s4+$0x4160]  }
0x42c: {  	v16 =	vld [tilespmem:s4+$0x4560];
	v9 =	vmul.f32 v38, v9  }
0x42d: {  	s2 =	sadd.s32 $0x82, s12;
	v11 =	vmul.f32 v36, v11;
	v8 =	vmul.f32 v42, v8;
	v1 =	vadd.f32 v2, v1;
	v2 =	vld [tilespmem:s4+$0x4170]  }
0x42e: {  	p6 =	sge.s32 s2, s14;
	p3 =	slt.s32 s2, s28;
	v14 =	vmul.f32 v45, v15;
	v15 =	vld [tilespmem:s4+$0x4520];
	v12 =	vmul.f32 v49, v12  }
0x42f: {  	s17 =	simm.s32 $0x100;
	p2 =	por !p6, !p3;
	s2 =	spop (v2sf);
	(xrf2) =	vadd.scan.msk.f32 $0xffff, v1;
	v1 =	vmul.f32 v48, v6;
	v6 =	vmul.f32 v47, v7;
	v7 =	vld [tilespmem:s4+$0x4530]  }
0x430: {  	p2 =	por !p2, !p2;
	v17 =	vld [tilespmem:s4+$0x4570];
	v12 =	vadd.f32 $0.0e+00, v12;
	s5 =	ssub.s32 s2, s11;
	s4 =	sand.u32 $0x300, s17;
	v3 =	vmul.f32 v50, v3;
	v5 =	vmul.f32 v43, v5  }
0x431: {  	v32 =	vld [tilespmem:s10+$0x470];
	v13 =	vmul.f32 v46, v13;
	s5 =	simm.s32 @!p2 $0x0;
	s4 =	sor.u32 s4, s8;
	v1 =	vadd.f32 $0.0e+00, v1;
	v6 =	vadd.f32 $0.0e+00, v6  }
0x432: {  	s16 =	sshll.u32 s5, $0x8;
	s5 =	sshll.u32 s5, $0x7;
	v3 =	vadd.f32 $0.0e+00, v3;
	v2 =	vmul.f32 v44, v2;
	v5 =	vadd.f32 v5, v12;
	v12 =	vld [tilespmem:s4+$0x60]  }
0x433: {  	v10 =	vmul.f32 v41, v10;
	s6 =	sand.u32 $0xFFFFF800, s16;
	s5 =	sand.u32 $0x380, s5;
	v1 =	vadd.f32 v13, v1;
	v6 =	vadd.f32 v14, v6;
	v14 =	vld [tilespmem:s4+$0x50]  }
0x434: {  	s5 =	sor.u32 s5, s6;
	v13 =	vmul.f32 v40, v15;
	v15 =	vld [tilespmem:s4+$0x400];
	v2 =	vadd.f32 v2, v3;
	v3 =	vmul.f32 v39, v7  }
0x435: {  	v30 =	vld [tilespmem:s5+$0x4100];
	v1 =	vadd.f32 v8, v1;
	v6 =	vadd.f32 v10, v6;
	v10 =	vmul.f32 v34, v16  }
0x436: {  	v51 =	vld [tilespmem:s5+$0x4110];
	v5 =	vadd.f32 v13, v5;
	v2 =	vadd.f32 v3, v2;
	v3 =	vmul.f32 v32, v17  }
0x437: {  	v52 =	vld [tilespmem:s5+$0x4120];
	v1 =	vadd.f32 v9, v1;
	v6 =	vadd.f32 v11, v6  }
0x438: {  	v53 =	vld [tilespmem:s5+$0x4130];
	v5 =	vadd.f32 v10, v5;
	v2 =	vadd.f32 v3, v2  }
0x439: {  	v7 =	vld [tilespmem:s4+$0x0]  }
0x43a: {  	v54 =	vld [tilespmem:s5+$0x4140];
	v1 =	vadd.f32 v6, v1;
	v2 =	vadd.f32 v2, v5  }
0x43b: {  	v55 =	vld [tilespmem:s5+$0x4160];
	v3, _, _ =	vpop (xrf2)  }
0x43c: {  	v19 =	vld [tilespmem:s5+$0x4510];
	v3 =	vperm.xlane v3, v4;
	v1 =	vadd.f32 v2, v1  }
0x43d: {  	v56 =	vld [tilespmem:s5+$0x4520]  }
0x43e: {  	v57 =	vld [tilespmem:s5+$0x4530];
	v3 =	vmul.f32 $1.442695020e+00, v3;
	(xrf2) =	vadd.scan.msk.f32 $0xffff, v1  }
0x43f: {  	v62 =	vld [tilespmem:s5+$0x4540]  }
0x440: {  	v8 =	vld [tilespmem:s4+$0x10];
	(erf) = vpow2.f32 v3  }
0x441: {  	v13 =	vld [tilespmem:s4+$0x70]  }
0x442: {  	v16 =	vld [tilespmem:s4+$0x420]  }
0x443: {  	v17 =	vld [tilespmem:s4+$0x410]  }
0x444: {  	v10 =	vld [tilespmem:s4+$0x30]  }
0x445: {  	v9 =	vld [tilespmem:s4+$0x20]  }
0x446: {  	v11 =	vld [tilespmem:s4+$0x40]  }
0x447: {  	v5 =	vld [tilespmem:s5+$0x4150]  }
0x448: {  	v55 =	vmul.f32 v12, v55;
	v56 =	vmul.f32 v16, v56;
	v2 =	vld [tilespmem:s5+$0x4170];
	v63, _, _ =	vpop (xrf2)  }
0x449: {  	v53 =	vmul.f32 v10, v53;
	v1 =	vld [tilespmem:s5+$0x4500];
	v6 =	vpop (erf);
	v58 =	vperm.xlane v63, v4  }
0x44a: {  	v3 =	vld [tilespmem:s5+$0x4570];
	v59 =	vmul.f32 v6, v18;
	v60 =	vmul.f32 v6, v28  }
0x44b: {  	v18 =	vld [tilespmem:s4+$0x430];
	v61 =	vmul.f32 v6, v29;
	v29 =	vmul.f32 $1.442695020e+00, v58  }
0x44c: {  	v28 =	vmul.f32 v7, v30;
	v63 =	vld [tilespmem:s5+$0x4550];
	v30 =	vmul.f32 v8, v51  }
0x44d: {  	v51 =	vmul.f32 v9, v52;
	v52 =	vld [tilespmem:s5+$0x4560];
	(erf) = vpow2.f32 v29  }
0x44e: {  	s6 =	ssub.s32 s0, s31;
	v5 =	vmul.f32 v14, v5;
	v58 =	vadd.f32 $0.0e+00, v28;
	v30 =	vadd.f32 $0.0e+00, v30;
	v28 =	vld [tilespmem:s4+$0x440]  }
0x44f: {  	s6 =	simm.s32 @!p0 $0x40;
	v19 =	vmul.f32 v17, v19;
	v54 =	vmul.f32 v11, v54;
	v29 =	vld [tilespmem:s4+$0x450]  }
0x450: {  	s18 =	sshll.u32 s6, $0xA;
	v53 =	vadd.f32 $0.0e+00, v53;
	v2 =	vmul.f32 v13, v2;
	v5 =	vadd.f32 v5, v30;
	v30 =	vld [tilespmem:s4+$0x460]  }
0x451: {  	s3 =	sshra.s32 s18, $0x2;
	v51 =	vadd.f32 $0.0e+00, v51;
	v54 =	vadd.f32 v54, v58;
	v58 =	vmul.f32 v6, v31;
	v31 =	vld [tilespmem:s4+$0x470]  }
0x452: {  	s0 =	sor.u32 $0x10, s3;
	v1 =	vmul.f32 v15, v1;
	v2 =	vadd.f32 v2, v53;
	v37 =	vmul.f32 v6, v37;
	[tilespmem:s3+$0x0] =	vst.add.f32.msk $0xffff, v59  }
0x453: {  	s19 =	sor.u32 $0x20, s3;
	v35 =	vmul.f32 v6, v35;
	[tilespmem:s0+$0x0] =	vst.add.f32.msk $0xffff, v60;
	v51 =	vadd.f32 v55, v51;
	v57 =	vmul.f32 v18, v57  }
0x454: {  	s20 =	sor.u32 $0x30, s3;
	[tilespmem:s19+$0x0] =	vst.add.f32.msk $0xffff, v61;
	v1 =	vadd.f32 v1, v54;
	v5 =	vadd.f32 v19, v5;
	v19 =	vmul.f32 v6, v33  }
0x455: {  	s21 =	sor.u32 $0x40, s3;
	s0 =	ssub.s32 s15, s31;
	v51 =	vadd.f32 v56, v51;
	[tilespmem:s20+$0x0] =	vst.add.f32.msk $0xffff, v58;
	v59 =	vmul.f32 v28, v62;
	v60 =	vmul.f32 v29, v63  }
0x456: {  	s22 =	sor.u32 $0x50, s3;
	s0 =	simm.s32 @!p1 $0x40;
	v2 =	vadd.f32 v57, v2;
	[tilespmem:s21+$0x0] =	vst.add.f32.msk $0xffff, v37;
	v61 =	vmul.f32 v30, v52;
	v3 =	vmul.f32 v31, v3;
	v62 =	vpop (erf)  }
0x457: {  	s25 =	sor.u32 $0x60, s3;
	s7 =	sshll.u32 s0, $0xA;
	[tilespmem:s22+$0x0] =	vst.add.f32.msk $0xffff, v35;
	v1 =	vadd.f32 v59, v1;
	v5 =	vadd.f32 v60, v5;
	v63 =	vmul.f32 v62, v48  }
0x458: {  	s5 =	sshra.s32 s7, $0x2;
	[tilespmem:s25+$0x0] =	vst.add.f32.msk $0xffff, v19;
	v33 =	vadd.f32 v61, v51;
	v2 =	vadd.f32 v3, v2;
	v3 =	vmul.f32 v62, v47  }
0x459: {  	s8 =	sor.u32 $0x10, s5;
	v19 =	vmul.f32 v62, v49;
	[tilespmem:s5+$0x0] =	vst.add.f32.msk $0xffff, v63  }
0x45a: {  	s9 =	sor.u32 $0x20, s5;
	v1 =	vadd.f32 v5, v1;
	v2 =	vadd.f32 v2, v33;
	[tilespmem:s8+$0x0] =	vst.add.f32.msk $0xffff, v3;
	v3 =	vmul.f32 v62, v50  }
0x45b: {  	s12 =	sor.u32 $0x30, s5;
	v5 =	vmul.f32 v62, v46;
	[tilespmem:s9+$0x0] =	vst.add.f32.msk $0xffff, v19  }
0x45c: {  	s13 =	sor.u32 $0x40, s5;
	v1 =	vadd.f32 v2, v1;
	v2 =	vmul.f32 v62, v45;
	[tilespmem:s12+$0x0] =	vst.add.f32.msk $0xffff, v3  }
0x45d: {  	s16 =	sor.u32 $0x50, s5;
	[tilespmem:s13+$0x0] =	vst.add.f32.msk $0xffff, v5  }
0x45e: {  	s18 =	sor.u32 $0xC0, s3;
	v3 =	vmul.f32 v62, v43;
	[tilespmem:s16+$0x0] =	vst.add.f32.msk $0xffff, v2  }
0x45f: {  	s10 =	sshll.u32 s6, $0x6;
	s17 =	sor.u32 $0x60, s5;
	[dreg:$0xa] =	wrdreg s18  }
0x460: {  	s29 =	sor.u32 $0xA0, s3;
	s30 =	sor.u32 $0xB0, s3;
	s20 =	sor.u32 $0xD0, s3;
	[tilespmem:s17+$0x0] =	vst.add.f32.msk $0xffff, v3  }
0x461: {  	s15 =	sshra.s32 s10, $0x2;
	s21 =	sor.u32 $0xE0, s3;
	v2 =	vmul.f32 v62, v44;
	[dreg:$0xd] =	wrdreg s20  }
0x462: {  	s10 =	sor.u32 $0x70, s3;
	s19 =	sor.u32 $0x70, s5;
	[dreg:$0xe] =	wrdreg s21  }
0x463: {  	s4 =	sor.u32 $0x80, s3;
	s25 =	sor.u32 $0x90, s3;
	s3 =	sor.u32 $0xF0, s3;
	(xrf2) =	vadd.scan.msk.f32 $0xffff, v1;
	v1 =	vmul.f32 v62, v42;
	[tilespmem:s19+$0x0] =	vst.add.f32.msk $0xffff, v2  }
0x464: {  	s2 =	ssub.s32 s2, s31;
	s22 =	sor.u32 $0x80, s5;
	v2 =	vmul.f32 v62, v41;
	[dreg:$0x10] =	wrdreg s3  }
0x465: {  	s2 =	simm.s32 @!p2 $0x40;
	s3 =	sor.u32 $0x90, s5;
	[tilespmem:s22+$0x0] =	vst.add.f32.msk $0xffff, v1;
	v1 =	vmul.f32 v62, v40  }
0x466: {  	s7 =	sshll.u32 s2, $0xA;
	s6 =	sor.u32 $0xA0, s5;
	[tilespmem:s3+$0x0] =	vst.add.f32.msk $0xffff, v2;
	v2 =	vmul.f32 v62, v39  }
0x467: {  	s8 =	sor.u32 $0xB0, s5;
	s18 =	sshra.s32 s7, $0x2;
	[tilespmem:s6+$0x0] =	vst.add.f32.msk $0xffff, v1  }
0x468: {  	s13 =	sor.u32 $0x10, s18;
	[tilespmem:s8+$0x0] =	vst.add.f32.msk $0xffff, v2  }
0x469: {  	s16 =	sor.u32 $0x20, s18;
	v1 =	vmul.f32 v62, v38;
	[dreg:$0x14] =	wrdreg s13  }
0x46a: {  	s12 =	sor.u32 $0xC0, s5;
	[dreg:$0x12] =	wrdreg s16  }
0x46b: {  	s19 =	sor.u32 $0x30, s18;
	v2 =	vmul.f32 v62, v36;
	[tilespmem:s12+$0x0] =	vst.add.f32.msk $0xffff, v1  }
0x46c: {  	s17 =	sor.u32 $0xD0, s5;
	v3 =	vmul.f32 v6, v21;
	[dreg:$0x16] =	wrdreg s19  }
0x46d: {  	v1 =	vmul.f32 v62, v34;
	[tilespmem:s17+$0x0] =	vst.add.f32.msk $0xffff, v2  }
0x46e: {  	v5 =	vmul.f32 v6, v26;
	s20 =	sor.u32 $0xE0, s5;
	[tilespmem:s10+$0x0] =	vst.add.f32.msk $0xffff, v3  }
0x46f: {  	v2 =	vmul.f32 v62, v32;
	[tilespmem:s20+$0x0] =	vst.add.f32.msk $0xffff, v1  }
0x470: {  	s0 =	sshll.u32 s0, $0x6;
	s21 =	sor.u32 $0xF0, s5;
	[tilespmem:s4+$0x0] =	vst.add.f32.msk $0xffff, v5  }
0x471: {  	s0 =	sshra.s32 s0, $0x2;
	[tilespmem:s21+$0x0] =	vst.add.f32.msk $0xffff, v2  }
0x472: {  	s2 =	sshll.u32 s2, $0x6;
	[tilespmem:s0+$0x8100] =	vst.add.f32.msk $0xffff, v62  }
0x473: {  	s1 =	sshra.s32 s2, $0x2;
	v2 =	vld [tilespmem:$0x1FF90]  }
0x474: {  	v24 =	vmul.f32 v6, v24;
	s9 =	simm.s32 $0x2;
	s7 =	sor.u32 $0x90, s18;
	s31 =	sor.u32 $0xE0, s18  }
0x475: {  	v20 =	vmul.f32 v6, v20;
	v22 =	vmul.f32 v6, v22;
	s2 =	smov.u32 s18;
	s22 =	sor.u32 $0x70, s18;
	s8 =	sor.u32 $0x50, s18;
	v1, _, _ =	vpop (xrf2)  }
0x476: {  	v26 =	vmul.f32 v6, v23;
	s16 =	sor.u32 $0x40, s18;
	s13 =	sor.u32 $0xB0, s18;
	s12 =	sor.u32 $0x80, s18;
	v1 =	vperm.xlane v1, v4  }
0x477: {  	v23 =	vmul.f32 v6, v25;
	v21 =	vmul.f32 v6, v27;
	s19 =	sor.u32 $0x60, s18;
	s17 =	sor.u32 $0xA0, s18;
	s20 =	sor.u32 $0xC0, s18  }
0x478: {  	s4 =	sor.u32 $0xF0, s18;
	s21 =	sor.u32 $0xD0, s18;
	s18 =	simm.s32 $0x8685;
	v27 =	vmul.f32 $1.442695020e+00, v1;
	v19 =	vmul.f32 v6, v2  }
.LBB2_18:
0x479: {  	v1 =	vld [tilespmem:s18+$0x0]  }
0x47a: {  	v2 =	vld [tilespmem:s18+$0xFFFFFFFF]  }
0x47b: {  	[tilespmem:s25+$0x0] =	vst.add.f32.msk $0xffff, v21;
	s0 =	smov.u32 s7;
	s3 =	smov.u32 s17  }
0x47c: {  	s5 =	smov.u32 s13;
	s6 =	rddreg [dreg:$0xa];
	s23 =	sadd.s32 $0x200, s23;
	[tilespmem:s29+$0x0] =	vst.add.f32.msk $0xffff, v26  }
0x47d: {  	s10 =	rddreg [dreg:$0xd];
	s24 =	sadd.s32 $0x100, s24;
	s17 =	sand.u32 $0x7800, s23;
	[tilespmem:s30+$0x0] =	vst.add.f32.msk $0xffff, v23  }
0x47e: {  	[dreg:$0x1a] =	wrdreg s5;
	s25 =	sand.u32 $0x380, s24;
	s5 =	sadd.s32 $0x10880, s17;
	[tilespmem:s6+$0x0] =	vst.add.f32.msk $0xffff, v24;
	(v2sf) =	vpush v1, $0x0  }
0x47f: {  	[dreg:$0x1c] =	wrdreg s0;
	s0 =	sadd.s32 s25, s5;
	[tilespmem:s10+$0x0] =	vst.add.f32.msk $0xffff, v20  }
0x480: {  	v32 =	vld [tilespmem:s0+$0x440]  }
0x481: {  	v33 =	vld [tilespmem:s0+$0x450]  }
0x482: {  	v34 =	vld [tilespmem:s0+$0x460];
	(v2sf) =	vpush v2, $0x0  }
0x483: {  	v35 =	vld [tilespmem:s0+$0x470]  }
0x484: {  	v36 =	vld [tilespmem:s0+$0x400]  }
0x485: {  	v37 =	vld [tilespmem:s0+$0x410]  }
0x486: {  	[dreg:$0x19] =	wrdreg s3;
	v38 =	vld [tilespmem:s0+$0x420]  }
0x487: {  	s3 =	rddreg [dreg:$0xe];
	v39 =	vld [tilespmem:s0+$0x430]  }
0x488: {  	s6 =	rddreg [dreg:$0x10];
	[tilespmem:s3+$0x0] =	vst.add.f32.msk $0xffff, v22  }
0x489: {  	[tilespmem:s6+$0x0] =	vst.add.f32.msk $0xffff, v19  }
0x48a: {  	s7 =	smov.u32 s20;
	s13 =	smov.u32 s21;
	[tilespmem:s15+$0x8100] =	vst.add.f32.msk $0xffff, v6;
	s15 =	sadd.s32 s9, s26  }
0x48b: {  	s20 =	smov.u32 s31;
	s10 =	smov.u32 s1;
	v42 =	vld [tilespmem:s0+$0x40];
	s1 =	sadd.s32 $0x83, s15  }
0x48c: {  	[dreg:$0xd] =	wrdreg s13;
	v43 =	vld [tilespmem:s0+$0x50];
	p1 =	sge.s32 s1, s14;
	p2 =	slt.s32 s1, s28  }
0x48d: {  	(erf) = vpow2.f32 v27;
	v44 =	vld [tilespmem:s0+$0x60];
	[dreg:$0x1d] =	wrdreg s10;
	p1 =	por !p1, !p2;
	s10 =	spop (v2sf)  }
0x48e: {  	s21 =	sadd.s32 $0xFFFFFF80, s24;
	v45 =	vld [tilespmem:s0+$0x70];
	p1 =	por !p1, !p1;
	s1 =	ssub.s32 s10, s11  }
0x48f: {  	[dreg:$0xe] =	wrdreg s20;
	v54 =	vld [tilespmem:s0+$0x0];
	s3 =	sand.u32 $0x300, s21;
	s1 =	simm.s32 @!p1 $0x0  }
0x490: {  	v53 =	vld [tilespmem:s0+$0x10];
	s25 =	sor.u32 s3, s5;
	s21 =	sshll.u32 s1, $0x8;
	s1 =	sshll.u32 s1, $0x7  }
0x491: {  	v52 =	vld [tilespmem:s0+$0x20];
	s20 =	spop (v2sf);
	s5 =	sand.u32 $0xFFFFF800, s21;
	s1 =	sand.u32 $0x380, s1  }
0x492: {  	s13 =	smov.u32 s4;
	v51 =	vld [tilespmem:s0+$0x30];
	s4 =	ssub.s32 s20, s11;
	s11 =	sor.u32 s1, s5  }
0x493: {  	v1 =	vld [tilespmem:s11+$0x4540]  }
0x494: {  	v2 =	vld [tilespmem:s11+$0x4550]  }
0x495: {  	v3 =	vld [tilespmem:s11+$0x4500]  }
0x496: {  	v6 =	vpop (erf);
	v5 =	vld [tilespmem:s11+$0x4510]  }
0x497: {  	v50 =	vmul.f32 v6, v7;
	v7 =	vld [tilespmem:s11+$0x4140]  }
0x498: {  	v49 =	vmul.f32 v6, v8;
	v8 =	vld [tilespmem:s11+$0x4150]  }
0x499: {  	v48 =	vmul.f32 v6, v9;
	v47 =	vmul.f32 v6, v10;
	v9 =	vld [tilespmem:s11+$0x4100]  }
0x49a: {  	v46 =	vmul.f32 v6, v11;
	v41 =	vmul.f32 v6, v14;
	v10 =	vld [tilespmem:s11+$0x4110]  }
0x49b: {  	s17 =	sadd.s32 $0x82, s15;
	v40 =	vmul.f32 v6, v12;
	v27 =	vmul.f32 v6, v13;
	v11 =	vld [tilespmem:s11+$0x4120]  }
0x49c: {  	p0 =	sge.s32 s17, s14;
	p3 =	slt.s32 s17, s28;
	v25 =	vmul.f32 v6, v15;
	v21 =	vmul.f32 v6, v17;
	v12 =	vld [tilespmem:s11+$0x4130]  }
0x49d: {  	v26 =	vmul.f32 v6, v16;
	v23 =	vmul.f32 v6, v18;
	p0 =	por !p0, !p3;
	v13 =	vld [tilespmem:s11+$0x4160]  }
0x49e: {  	v24 =	vmul.f32 v6, v28;
	v20 =	vmul.f32 v6, v29;
	p2 =	por !p0, !p0;
	v14 =	vld [tilespmem:s11+$0x4170]  }
0x49f: {  	v22 =	vmul.f32 v6, v30;
	v19 =	vmul.f32 v6, v31;
	s4 =	simm.s32 @!p2 $0x0;
	v15 =	vld [tilespmem:s11+$0x4520]  }
0x4a0: {  	s6 =	sshll.u32 s4, $0x8;
	s14 =	sshll.u32 s4, $0x7;
	v16 =	vld [tilespmem:s11+$0x4530];
	v1 =	vmul.f32 v32, v1;
	v2 =	vmul.f32 v33, v2  }
0x4a1: {  	[dreg:$0x10] =	wrdreg s13;
	s13 =	sand.u32 $0xFFFFF800, s6;
	s1 =	sand.u32 $0x380, s14;
	v17 =	vld [tilespmem:s11+$0x4560];
	v3 =	vmul.f32 v36, v3;
	v5 =	vmul.f32 v37, v5  }
0x4a2: {  	s3 =	sor.u32 s1, s13;
	v18 =	vld [tilespmem:s11+$0x4570];
	v7 =	vmul.f32 v42, v7;
	v8 =	vmul.f32 v43, v8  }
0x4a3: {  	v28 =	vld [tilespmem:s3+$0x4100];
	v9 =	vmul.f32 v54, v9;
	v10 =	vmul.f32 v53, v10  }
0x4a4: {  	v29 =	vld [tilespmem:s3+$0x4110];
	v11 =	vmul.f32 v52, v11;
	v12 =	vmul.f32 v51, v12  }
0x4a5: {  	v30 =	vld [tilespmem:s3+$0x4520];
	v13 =	vmul.f32 v44, v13;
	v9 =	vadd.f32 $0.0e+00, v9;
	v10 =	vadd.f32 $0.0e+00, v10  }
0x4a6: {  	v31 =	vld [tilespmem:s3+$0x4530];
	v14 =	vmul.f32 v45, v14;
	v11 =	vadd.f32 $0.0e+00, v11;
	v12 =	vadd.f32 $0.0e+00, v12  }
0x4a7: {  	v7 =	vadd.f32 v7, v9;
	v8 =	vadd.f32 v8, v10;
	v9 =	vmul.f32 v38, v15;
	v15 =	vld [tilespmem:s3+$0x4120]  }
0x4a8: {  	v10 =	vadd.f32 v13, v11;
	v11 =	vadd.f32 v14, v12;
	v12 =	vmul.f32 v39, v16;
	v13 =	vld [tilespmem:s3+$0x4130]  }
0x4a9: {  	v14 =	vmul.f32 v34, v17;
	v16 =	vld [tilespmem:s3+$0x4140];
	v3 =	vadd.f32 v3, v7;
	v5 =	vadd.f32 v5, v8  }
0x4aa: {  	v7 =	vld [tilespmem:s25+$0x0];
	v10 =	vadd.f32 v9, v10;
	v11 =	vadd.f32 v12, v11;
	v12 =	vmul.f32 v35, v18  }
0x4ab: {  	v8 =	vld [tilespmem:s25+$0x10];
	v1 =	vadd.f32 v1, v3;
	v2 =	vadd.f32 v2, v5  }
0x4ac: {  	v9 =	vld [tilespmem:s25+$0x20];
	v3 =	vadd.f32 v14, v10;
	v5 =	vadd.f32 v12, v11  }
0x4ad: {  	v10 =	vld [tilespmem:s25+$0x30]  }
0x4ae: {  	v17 =	vld [tilespmem:s3+$0x4160];
	v1 =	vadd.f32 v2, v1;
	v2 =	vadd.f32 v5, v3  }
0x4af: {  	v14 =	vld [tilespmem:s25+$0x50];
	v3 =	vmul.f32 v7, v28  }
0x4b0: {  	v5 =	vld [tilespmem:s3+$0x4150];
	v11 =	vmul.f32 v8, v29;
	v1 =	vadd.f32 v2, v1  }
0x4b1: {  	v2 =	vadd.f32 $0.0e+00, v3;
	v3 =	vmul.f32 v9, v15;
	v15 =	vld [tilespmem:s3+$0x4170]  }
0x4b2: {  	v18 =	vadd.f32 $0.0e+00, v11;
	v12 =	vmul.f32 v10, v13;
	v11 =	vld [tilespmem:s25+$0x40];
	(xrf2) =	vadd.scan.msk.f32 $0xffff, v1  }
0x4b3: {  	v13 =	vld [tilespmem:s25+$0x70]  }
0x4b4: {  	v1 =	vadd.f32 $0.0e+00, v3;
	v3 =	vadd.f32 $0.0e+00, v12;
	v12 =	vld [tilespmem:s25+$0x60]  }
0x4b5: {  	v56 =	vld [tilespmem:s3+$0x4540]  }
0x4b6: {  	v28 =	vld [tilespmem:s3+$0x4500];
	v5 =	vmul.f32 v14, v5  }
0x4b7: {  	v29 =	vld [tilespmem:s3+$0x4510];
	v16 =	vmul.f32 v11, v16  }
0x4b8: {  	v5 =	vadd.f32 v5, v18;
	v18 =	vmul.f32 v13, v15;
	v15 =	vld [tilespmem:s25+$0x400]  }
0x4b9: {  	v2 =	vadd.f32 v16, v2;
	v16 =	vmul.f32 v12, v17;
	v17 =	vld [tilespmem:s25+$0x410]  }
0x4ba: {  	v3 =	vadd.f32 v18, v3;
	v18 =	vld [tilespmem:s25+$0x430]  }
0x4bb: {  	s6 =	rddreg [dreg:$0x15];
	v1 =	vadd.f32 v16, v1;
	v16 =	vld [tilespmem:s25+$0x420]  }
0x4bc: {  	s4 =	ssub.s32 s20, s6;
	v57 =	vld [tilespmem:s3+$0x4550];
	v55, _, _ =	vpop (xrf2)  }
0x4bd: {  	s4 =	simm.s32 @!p2 $0x40;
	v58 =	vld [tilespmem:s3+$0x4560];
	v28 =	vmul.f32 v15, v28;
	v55 =	vperm.xlane v55, v4  }
0x4be: {  	v59 =	vld [tilespmem:s3+$0x4570];
	s15 =	sshll.u32 s4, $0xA;
	s17 =	sshll.u32 s4, $0x6;
	v29 =	vmul.f32 v17, v29  }
0x4bf: {  	[dreg:$0xa] =	wrdreg s7;
	s0 =	sshra.s32 s15, $0x2;
	s1 =	sshra.s32 s17, $0x2;
	v2 =	vadd.f32 v28, v2;
	v31 =	vmul.f32 v18, v31;
	v28 =	vld [tilespmem:s25+$0x440];
	v55 =	vmul.f32 $1.442695020e+00, v55  }
0x4c0: {  	s5 =	sor.u32 $0x10, s0;
	s30 =	sor.u32 $0x20, s0;
	s29 =	sor.u32 $0x30, s0;
	v30 =	vmul.f32 v16, v30;
	v5 =	vadd.f32 v29, v5;
	v29 =	vld [tilespmem:s25+$0x450]  }
0x4c1: {  	s28 =	sor.u32 $0x40, s0;
	s15 =	sor.u32 $0x50, s0;
	s20 =	sor.u32 $0x70, s0;
	v3 =	vadd.f32 v31, v3;
	v31 =	vld [tilespmem:s25+$0x470];
	(erf) = vpow2.f32 v55  }
0x4c2: {  	s14 =	sor.u32 $0x60, s0;
	s21 =	sor.u32 $0x80, s0;
	[smem:$0x7EC] =	sst s20;
	v1 =	vadd.f32 v30, v1;
	v30 =	vld [tilespmem:s25+$0x460]  }
0x4c3: {  	s7 =	sor.u32 $0x90, s0;
	s17 =	sor.u32 $0xA0, s0;
	s3 =	rddreg [dreg:$0x14];
	[tilespmem:s2+$0x0] =	vst.add.f32.msk $0xffff, v50  }
0x4c4: {  	s13 =	sor.u32 $0xB0, s0;
	[dreg:$0x1f] =	wrdreg s21;
	[tilespmem:s3+$0x0] =	vst.add.f32.msk $0xffff, v49;
	s3 =	smov.u32 s5  }
0x4c5: {  	s31 =	sor.u32 $0xE0, s0;
	s4 =	sor.u32 $0xF0, s0;
	[dreg:$0x14] =	wrdreg s3  }
0x4c6: {  	s20 =	sor.u32 $0xC0, s0;
	s21 =	sor.u32 $0xD0, s0;
	s3 =	rddreg [dreg:$0x12]  }
0x4c7: {  	s2 =	smov.u32 s0;
	s0 =	ssub.s32 s10, s6;
	s6 =	rddreg [dreg:$0x16];
	[tilespmem:s3+$0x0] =	vst.add.f32.msk $0xffff, v48  }
0x4c8: {  	v63 =	vmul.f32 v28, v56;
	v57 =	vmul.f32 v29, v57;
	[tilespmem:s6+$0x0] =	vst.add.f32.msk $0xffff, v47  }
0x4c9: {  	v60 =	vmul.f32 v31, v59;
	v58 =	vmul.f32 v30, v58;
	[tilespmem:s16+$0x0] =	vst.add.f32.msk $0xffff, v46  }
0x4ca: {  	s5 =	smov.u32 s30;
	s0 =	simm.s32 @!p1 $0x40;
	v2 =	vadd.f32 v63, v2;
	v5 =	vadd.f32 v57, v5;
	[tilespmem:s8+$0x0] =	vst.add.f32.msk $0xffff, v41;
	v61 =	vpop (erf)  }
0x4cb: {  	[dreg:$0x12] =	wrdreg s5;
	s5 =	sshll.u32 s0, $0xA;
	v3 =	vadd.f32 v60, v3;
	v1 =	vadd.f32 v58, v1;
	[tilespmem:s19+$0x0] =	vst.add.f32.msk $0xffff, v40;
	v62 =	vmul.f32 v61, v54  }
0x4cc: {  	s3 =	sshra.s32 s5, $0x2;
	v2 =	vadd.f32 v5, v2;
	[tilespmem:s22+$0x0] =	vst.add.f32.msk $0xffff, v27;
	v5 =	vmul.f32 v61, v53  }
0x4cd: {  	s10 =	smov.u32 s29;
	s6 =	sor.u32 $0x10, s3;
	v1 =	vadd.f32 v3, v1;
	v63 =	vmul.f32 v61, v52;
	[tilespmem:s3+$0x0] =	vst.add.f32.msk $0xffff, v62  }
0x4ce: {  	[dreg:$0x16] =	wrdreg s10;
	s10 =	sor.u32 $0x20, s3;
	v3 =	vmul.f32 v61, v51;
	[tilespmem:s6+$0x0] =	vst.add.f32.msk $0xffff, v5  }
0x4cf: {  	v1 =	vadd.f32 v1, v2;
	s6 =	sor.u32 $0x30, s3;
	v5 =	vmul.f32 v61, v42;
	[tilespmem:s10+$0x0] =	vst.add.f32.msk $0xffff, v63  }
0x4d0: {  	v2 =	vmul.f32 v61, v43;
	s10 =	sor.u32 $0x40, s3;
	[tilespmem:s6+$0x0] =	vst.add.f32.msk $0xffff, v3  }
0x4d1: {  	(xrf2) =	vadd.scan.msk.f32 $0xffff, v1;
	s6 =	sor.u32 $0x50, s3;
	v3 =	vmul.f32 v61, v44;
	[tilespmem:s10+$0x0] =	vst.add.f32.msk $0xffff, v5  }
0x4d2: {  	s10 =	sor.u32 $0x60, s3;
	[tilespmem:s6+$0x0] =	vst.add.f32.msk $0xffff, v2;
	v2 =	vmul.f32 v61, v45  }
0x4d3: {  	v1 =	vmul.f32 v61, v36;
	s6 =	sor.u32 $0x70, s3;
	[tilespmem:s10+$0x0] =	vst.add.f32.msk $0xffff, v3  }
0x4d4: {  	s10 =	sor.u32 $0x80, s3;
	[tilespmem:s6+$0x0] =	vst.add.f32.msk $0xffff, v2;
	v2 =	vmul.f32 v61, v37  }
0x4d5: {  	s6 =	sor.u32 $0x90, s3;
	[tilespmem:s10+$0x0] =	vst.add.f32.msk $0xffff, v1;
	v1 =	vmul.f32 v61, v38  }
0x4d6: {  	s11 =	rddreg [dreg:$0x5];
	s10 =	sor.u32 $0xA0, s3;
	[tilespmem:s6+$0x0] =	vst.add.f32.msk $0xffff, v2  }
0x4d7: {  	s18 =	sadd.s32 $0x2, s18;
	s9 =	sadd.s32 $0x2, s9;
	s25 =	rddreg [dreg:$0x1c];
	v2 =	vmul.f32 v61, v39;
	[tilespmem:s10+$0x0] =	vst.add.f32.msk $0xffff, v1;
	v1 =	vmul.f32 v61, v32  }
0x4d8: {  	p0 =	slt.u32 s9, $0x7E;
	s29 =	rddreg [dreg:$0x19];
	[tilespmem:s12+$0x0] =	vst.add.f32.msk $0xffff, v25;
	s6 =	sor.u32 $0xB0, s3  }
0x4d9: {  	s30 =	rddreg [dreg:$0x1a];
	s16 =	smov.u32 s28;
	s10 =	sor.u32 $0xC0, s3;
	[tilespmem:s6+$0x0] =	vst.add.f32.msk $0xffff, v2;
	v2 =	vmul.f32 v61, v33  }
.Ltmp10:
0x4da: {  	s28 =	rddreg [dreg:$0x7];
	v3 =	vmul.f32 v61, v34;
	s6 =	sor.u32 $0xD0, s3;
	[tilespmem:s10+$0x0] =	vst.add.f32.msk $0xffff, v1;
	(pc) =	sbr.rel @p0 .LBB2_18-.Ltmp10, $4  }
0x4db: {  	s0 =	sshll.u32 s0, $0x6;
	s10 =	sor.u32 $0xE0, s3;
	[tilespmem:s6+$0x0] =	vst.add.f32.msk $0xffff, v2;
	v2 =	vmul.f32 v61, v35;
	s6 =	sld [smem:$0x7EC];
	v1, _, _ =	vpop (xrf2)  }
0x4dc: {  	s8 =	smov.u32 s15;
	s15 =	rddreg [dreg:$0x1d];
	s3 =	sor.u32 $0xF0, s3;
	[tilespmem:s10+$0x0] =	vst.add.f32.msk $0xffff, v3;
	v1 =	vperm.xlane v1, v4  }
0x4dd: {  	s0 =	sshra.s32 s0, $0x2;
	s19 =	smov.u32 s14;
	s10 =	rddreg [dreg:$0x1f];
	[tilespmem:s3+$0x0] =	vst.add.f32.msk $0xffff, v2  }
0x4de: {  	s14 =	rddreg [dreg:$0x6];
	s12 =	smov.u32 s10;
	[tilespmem:s0+$0x8100] =	vst.add.f32.msk $0xffff, v61;
	s22 =	smov.u32 s6;
	v27 =	vmul.f32 $1.442695020e+00, v1  }
.Ltmp11:
0x4df: {  	_ = 	snop;
	(pc) =	sbr.rel .LBB2_19-.Ltmp11, $1  }
0x4e0: {  	_ =	sdelay $0x3  }
.LBB2_21:
0x4e1: {  	s0 =	simm.s32 $0x0  }
0x4e2: {  	v1 =	vld [tilespmem:s0+$0x8100];
	_ =	sdelay $0x4  }
0x4e3: {  	vm1 =	vgt.f32 v1, $0.0e+00  }
0x4e4: {  	v1 =	vnsel vm1, $0x3F800000, v1  }
0x4e5: {  	(erf) = vrcp.f32 v1;
	_ =	sdelay $0x3  }
0x4e6: {  	s0 =	simm.s32 $0x80  }
0x4e7: {  	v1 =	vld [tilespmem:s0+$0xFFFFFF80]  }
0x4e8: {  	v2 =	vld [tilespmem:s0+$0xFFFFFF90]  }
0x4e9: {  	v3 =	vld [tilespmem:s0+$0xFFFFFFA0]  }
0x4ea: {  	v5 =	vld [tilespmem:s0+$0xFFFFFFB0]  }
0x4eb: {  	v6 =	vld [tilespmem:s0+$0xFFFFFFC0];
	v7 =	vpop (erf)  }
0x4ec: {  	v8 =	vld [tilespmem:s0+$0xFFFFFFD0];
	v1 =	vmul.f32 v7, v1  }
0x4ed: {  	v9 =	vld [tilespmem:s0+$0xFFFFFFE0];
	v2 =	vmul.f32 v7, v2  }
0x4ee: {  	v10 =	vld [tilespmem:s0+$0xFFFFFFF0];
	v3 =	vmul.f32 v3, v7;
	[tilespmem:s0+$0xFFFFFF80] =	vst v1  }
0x4ef: {  	v5 =	vmul.f32 v5, v7;
	v1 =	vld [tilespmem:s0+$0x0];
	[tilespmem:s0+$0xFFFFFF90] =	vst v2  }
0x4f0: {  	v6 =	vmul.f32 v6, v7;
	v2 =	vld [tilespmem:s0+$0x10];
	[tilespmem:s0+$0xFFFFFFA0] =	vst v3  }
0x4f1: {  	v8 =	vmul.f32 v8, v7;
	v3 =	vld [tilespmem:s0+$0x20];
	[tilespmem:s0+$0xFFFFFFB0] =	vst v5  }
0x4f2: {  	v9 =	vmul.f32 v9, v7;
	v5 =	vld [tilespmem:s0+$0x30];
	[tilespmem:s0+$0xFFFFFFC0] =	vst v6  }
0x4f3: {  	v10 =	vmul.f32 v10, v7;
	v6 =	vld [tilespmem:s0+$0x40];
	[tilespmem:s0+$0xFFFFFFD0] =	vst v8  }
0x4f4: {  	v61 =	vld [tilespmem:s0+$0x50];
	[tilespmem:s0+$0xFFFFFFE0] =	vst v9;
	v1 =	vmul.f32 v1, v7  }
0x4f5: {  	v62 =	vld [tilespmem:s0+$0x60];
	[tilespmem:s0+$0xFFFFFFF0] =	vst v10;
	v2 =	vmul.f32 v2, v7  }
0x4f6: {  	v63 =	vld [tilespmem:s0+$0x70];
	v3 =	vmul.f32 v3, v7;
	[tilespmem:s0+$0x0] =	vst v1  }
0x4f7: {  	v1 =	vmul.f32 v5, v7;
	[tilespmem:s0+$0x10] =	vst v2  }
0x4f8: {  	v2 =	vmul.f32 v6, v7;
	[tilespmem:s0+$0x20] =	vst v3  }
0x4f9: {  	v3 =	vmul.f32 v61, v7;
	[tilespmem:s0+$0x30] =	vst v1  }
0x4fa: {  	v1 =	vmul.f32 v62, v7;
	[tilespmem:s0+$0x40] =	vst v2  }
0x4fb: {  	v2 =	vmul.f32 v63, v7;
	[tilespmem:s0+$0x50] =	vst v3  }
0x4fc: {  	[tilespmem:s0+$0x60] =	vst v1  }
0x4fd: {  	s2 =	simm.s32 $0x10;
	s1 =	simm.s32 $0x80;
	[tilespmem:s0+$0x70] =	vst v2  }
.LBB2_22:
0x4fe: {  	p0 =	sne.s32 s1, $0xFC0;
	v1 =	vld [tilespmem:s2+$0x8100];
	_ =	sdelay $0x2  }
0x4ff: {  	s0 =	sadd.s32 $0x100, s0  }
0x500: {  	v2 =	vld [tilespmem:s0+$0xFFFFFFF0]  }
0x501: {  	vm1 =	vgt.f32 v1, $0.0e+00;
	v3 =	vld [tilespmem:s0+$0x70]  }
0x502: {  	v1 =	vnsel vm1, $0x3F800000, v1;
	v5 =	vld [tilespmem:s0+$0x50]  }
0x503: {  	v6 =	vld [tilespmem:s0+$0x30];
	(erf) = vrcp.f32 v1  }
0x504: {  	v1 =	vld [tilespmem:s0+$0x10]  }
0x505: {  	v7 =	vld [tilespmem:s0+$0xFFFFFFD0]  }
0x506: {  	v8 =	vld [tilespmem:s0+$0xFFFFFFB0]  }
0x507: {  	v9 =	vld [tilespmem:s0+$0xFFFFFF90]  }
0x508: {  	v10 =	vld [tilespmem:s0+$0xFFFFFF80]  }
0x509: {  	v11 =	vld [tilespmem:s0+$0xFFFFFFA0]  }
0x50a: {  	v12 =	vld [tilespmem:s0+$0xFFFFFFC0]  }
0x50b: {  	v13 =	vld [tilespmem:s0+$0xFFFFFFE0]  }
0x50c: {  	v14 =	vld [tilespmem:s0+$0x0];
	v15 =	vpop (erf)  }
0x50d: {  	v10 =	vmul.f32 v15, v10;
	v9 =	vmul.f32 v15, v9;
	v16 =	vld [tilespmem:s0+$0x20]  }
0x50e: {  	v8 =	vmul.f32 v8, v15;
	v11 =	vmul.f32 v11, v15;
	v17 =	vld [tilespmem:s0+$0x40]  }
0x50f: {  	v7 =	vmul.f32 v7, v15;
	[tilespmem:s0+$0xFFFFFF80] =	vst v10;
	v10 =	vmul.f32 v12, v15;
	v12 =	vld [tilespmem:s0+$0x60]  }
0x510: {  	v2 =	vmul.f32 v2, v15;
	[tilespmem:s0+$0xFFFFFF90] =	vst v9;
	v9 =	vmul.f32 v13, v15  }
0x511: {  	v1 =	vmul.f32 v1, v15;
	[tilespmem:s0+$0xFFFFFFA0] =	vst v11;
	v11 =	vmul.f32 v14, v15  }
0x512: {  	v6 =	vmul.f32 v6, v15;
	[tilespmem:s0+$0xFFFFFFB0] =	vst v8;
	v8 =	vmul.f32 v16, v15  }
0x513: {  	v5 =	vmul.f32 v5, v15;
	[tilespmem:s0+$0xFFFFFFC0] =	vst v10;
	v10 =	vmul.f32 v17, v15  }
0x514: {  	v3 =	vmul.f32 v3, v15;
	[tilespmem:s0+$0xFFFFFFD0] =	vst v7;
	v7 =	vmul.f32 v12, v15  }
0x515: {  	[tilespmem:s0+$0xFFFFFFE0] =	vst v9  }
0x516: {  	[tilespmem:s0+$0xFFFFFFF0] =	vst v2  }
0x517: {  	[tilespmem:s0+$0x0] =	vst v11  }
0x518: {  	[tilespmem:s0+$0x10] =	vst v1  }
0x519: {  	[tilespmem:s0+$0x20] =	vst v8  }
.Ltmp12:
0x51a: {  	[tilespmem:s0+$0x30] =	vst v6;
	(pc) =	sbr.rel @p0 .LBB2_22-.Ltmp12, $4  }
0x51b: {  	[tilespmem:s0+$0x40] =	vst v10  }
0x51c: {  	[tilespmem:s0+$0x50] =	vst v5  }
0x51d: {  	[tilespmem:s0+$0x60] =	vst v7  }
0x51e: {  	s2 =	sshra.s32 s1, $0x2;
	s1 =	sadd.s32 $0x40, s1;
	[tilespmem:s0+$0x70] =	vst v3  }
0x51f: {  	v1 =	vld [tilespmem:s2+$0x8100];
	_ =	sdelay $0x4  }
0x520: {  	vm1 =	vgt.f32 v1, $0.0e+00  }
0x521: {  	v1 =	vnsel vm1, $0x3F800000, v1  }
0x522: {  	(erf) = vrcp.f32 v1;
	_ =	sdelay $0x3  }
0x523: {  	s0 =	sadd.s32 $0x100, s0  }
0x524: {  	v1 =	vld [tilespmem:s0+$0xFFFFFF80]  }
0x525: {  	v2 =	vld [tilespmem:s0+$0xFFFFFF90]  }
0x526: {  	v3 =	vld [tilespmem:s0+$0xFFFFFFA0]  }
0x527: {  	v5 =	vld [tilespmem:s0+$0xFFFFFFB0]  }
0x528: {  	v6 =	vld [tilespmem:s0+$0xFFFFFFC0];
	v7 =	vpop (erf)  }
0x529: {  	v8 =	vld [tilespmem:s0+$0xFFFFFFD0];
	v1 =	vmul.f32 v7, v1  }
0x52a: {  	v9 =	vld [tilespmem:s0+$0xFFFFFFE0];
	v2 =	vmul.f32 v7, v2  }
0x52b: {  	v10 =	vld [tilespmem:s0+$0xFFFFFFF0];
	v3 =	vmul.f32 v3, v7;
	[tilespmem:s0+$0xFFFFFF80] =	vst v1  }
0x52c: {  	v5 =	vmul.f32 v5, v7;
	v1 =	vld [tilespmem:s0+$0x0];
	[tilespmem:s0+$0xFFFFFF90] =	vst v2  }
0x52d: {  	v6 =	vmul.f32 v6, v7;
	v2 =	vld [tilespmem:s0+$0x10];
	[tilespmem:s0+$0xFFFFFFA0] =	vst v3  }
0x52e: {  	v8 =	vmul.f32 v8, v7;
	v3 =	vld [tilespmem:s0+$0x20];
	[tilespmem:s0+$0xFFFFFFB0] =	vst v5  }
0x52f: {  	v9 =	vmul.f32 v9, v7;
	v5 =	vld [tilespmem:s0+$0x30];
	[tilespmem:s0+$0xFFFFFFC0] =	vst v6  }
0x530: {  	v10 =	vmul.f32 v10, v7;
	v6 =	vld [tilespmem:s0+$0x40];
	[tilespmem:s0+$0xFFFFFFD0] =	vst v8  }
0x531: {  	v61 =	vld [tilespmem:s0+$0x50];
	[tilespmem:s0+$0xFFFFFFE0] =	vst v9;
	v1 =	vmul.f32 v1, v7  }
0x532: {  	v62 =	vld [tilespmem:s0+$0x60];
	[tilespmem:s0+$0xFFFFFFF0] =	vst v10;
	v2 =	vmul.f32 v2, v7  }
0x533: {  	v63 =	vld [tilespmem:s0+$0x70];
	v3 =	vmul.f32 v3, v7;
	[tilespmem:s0+$0x0] =	vst v1  }
0x534: {  	v1 =	vmul.f32 v5, v7;
	[tilespmem:s0+$0x10] =	vst v2  }
0x535: {  	v2 =	vmul.f32 v6, v7;
	[tilespmem:s0+$0x20] =	vst v3  }
0x536: {  	s1 =	sld [smem:$0x7F6];
	v3 =	vmul.f32 v61, v7;
	[tilespmem:s0+$0x30] =	vst v1  }
0x537: {  	s28 =	sld [smem:$0x7FB];
	v1 =	vmul.f32 v62, v7;
	[tilespmem:s0+$0x40] =	vst v2  }
0x538: {  	v2 =	vmul.f32 v63, v7;
	[tilespmem:s0+$0x50] =	vst v3  }
0x539: {  	s1 =	sshll.u32 s1, $0xB;
	[tilespmem:s0+$0x60] =	vst v1  }
0x53a: {  	s29 =	simm.s32 $0x0;
	s30 =	simm.s32 $0x4;
	[tilespmem:s0+$0x70] =	vst v2;
	s0 =	sadd.s32 s28, s1  }
0x53b: {  	[hbm4b:s0+s29] =	stream.linear.scatter [tilespmem:s29], [sflag:$0x4], $0x4000, $0x38;
	[tilespmem:$0x18A80] =	vst v63  }
0x53c: {  	_ =	swait.ge [sflag:s30], $0x4000  }
0x53d: {  	s31 =	sld [smem:$0x7F7];
	_ =	sdelay $0x2  }
0x53e: {  	s1 =	sadd.s32 $0x1, s31  }
0x53f: {  	p0 =	sne.s32 s1, $0x5  }
.Ltmp13:
0x540: {  	_ = 	snop;
	(pc) =	sbr.rel @p0 .LBB2_2-.Ltmp13, $3  }
0x541: {  	_ =	sdelay $0x1  }
0x542: {  	[sflag:s30] =	ssyncset.done $0x0  }
0x543: {  	[sflag:s30] =	ssyncadd.s32 $0xFFFFC000  }
0x544: {  	s1 =	sld [smem:$0x7F8]  }
0x545: {  	s0 =	sld [smem:$0x7FC];
	_ =	sdelay $0x1  }
0x546: {  	s1 =	sadd.s32 $0x1, s1  }
0x547: {  	p0 =	sne.s32 s1, s0  }
.Ltmp14:
0x548: {  	_ = 	snop;
	(pc) =	sbr.rel @p0 .LBB2_1-.Ltmp14, $1  }
0x549: {  	_ =	sdelay $0x3  }
0x54a: {  	_ =	sfence.sel $0x180000  }
0x54b: {  	[bflag:$0x0] =	sbarrier.arrive $0xFFFF  }
0x54c: {  	_ =	strace $0x90000047  }
0x54d: {  	s0 =	stileid.u32;
	[bflag:$0x2] =	sbarrier.arrive $0xFFFF  }
0x54e: {  	p0 =	sne.s32 s0, $0x0;
	s0 =	rddreg [dreg:$0x4]  }
0x54f: {  	s0 =	sadd.s32 @!p0 $0x100000, s0  }
0x550: {  	[sflag:s0] =	ssyncadd.tile.s32 @!p0 $0x1;
	_ =	shalt  }
.Lfunc_end2:
_tile_overlayer_lowered:
.L_overlay_start_2:
0x551: {  	(tag) =	ssettag $0x2  }
0x552: {  	s0 =	rddreg [dreg:$0x0];
	s2 =	stileid.u32  }
0x553: {  	s1 =	rddreg [dreg:$0x1];
	p0 =	sne.s32 s2, $0x0  }
0x554: {  	s3 =	rddreg [dreg:$0x2];
	[bflag:$0x3] =	sbarrier.arrive $0xFFFF;
	s2 =	simm.s32 @!p0 $0x1C04  }
0x555: {  	[timem:s3], [sflag:s2] =	dma.local @!p0 [hbm:s0], s1  }
0x556: {  	s0 =	simm.s32 @!p0 $0x4  }
0x557: {  	_ =	swait.ge @!p0 [sflag:s0], s1  }
0x558: {  	s1 =	ssub.s32 @!p0 $0x0, s1;
	[sflag:s0] =	ssyncset.done @!p0 $0x0  }
0x559: {  	[sflag:s0] =	ssyncadd.s32 @!p0 s1  }
0x55a: {  	[bflag:$0x3] =	sbarrier.arrive $0xFFFF  }
0x55b: {  	_ =	shalt  }

</sc_bundles>
